<compile_context>
chip_gen: v7x
topology: tpu7x:2x2x1
jax: 0.10.2.dev20260603
libtpu: 0.0.44.dev20260713+nightly
codegen_flags: <defaults>
</compile_context>

<pallas_src>
import jax
import jax.numpy as jnp
from jax import lax
from jax.experimental import pallas as pl
from jax.experimental.pallas import tpu as pltpu
from jax.experimental.pallas import tpu_sc as plsc

N = 10000
E = 320000
D = 128
H = 128

NC = 2
NS = 16
NW = NC * NS

K = 128
C0 = 143
C1 = 15
EW0 = C0 * K
EW1 = C1 * K
E_PAD = NS * (EW0 + EW1)
RPS = 640
NP = NS * RPS


def _sc_aggregate(with_deg: bool):
    agg_t = jax.ShapeDtypeStruct((NC, NP, D), jnp.float32)
    if with_deg:
        out_type = [agg_t, jax.ShapeDtypeStruct((NC * NP,), jnp.float32)]
    else:
        out_type = agg_t

    scratch = [
        pltpu.VMEM_SHARED((NP, D), jnp.float32),
        pltpu.VMEM_SHARED((NP,), jnp.float32),
        pltpu.VMEM((2, K), jnp.int32),
        pltpu.VMEM((2, K), jnp.int32),
        pltpu.VMEM((K, D), jnp.float32),
        pltpu.VMEM((K, D), jnp.float32),
        pltpu.VMEM((K,), jnp.float32),
        pltpu.VMEM((RPS,), jnp.float32),
    ] + [pltpu.SemaphoreType.DMA] * 6

    def body(srcf, dstf, p, *rest):
        if with_deg:
            agg_out, deg_out = rest[0], rest[1]
            rest = rest[2:]
        else:
            agg_out, deg_out = rest[0], None
            rest = rest[1:]
        acc_sh, deg_sh, srcb, dstb = rest[0], rest[1], rest[2], rest[3]
        rows = rest[4:6]
        ones_v, deg_v = rest[6], rest[7]
        semr = rest[8:10]
        semis = rest[10:12]
        semid = rest[12:14]

        cid = lax.axis_index("c")
        sid = lax.axis_index("s")
        r0 = sid * RPS
        is0 = cid == 0
        base = jnp.where(is0, sid * EW0, NS * EW0 + sid * EW1)
        T = jnp.where(is0, (C0 - 3) // 2, (C1 - 3) // 2)

        def issue_idx(j, slot):
            off = base + j * K
            pltpu.async_copy(srcf.at[pl.ds(off, K)], srcb.at[slot],
                             semis[slot])
            pltpu.async_copy(dstf.at[pl.ds(off, K)], dstb.at[slot],
                             semid[slot])

        def wait_src(slot):
            pltpu.make_async_copy(
                srcf.at[pl.ds(base, K)], srcb.at[slot], semis[slot]).wait()

        def wait_dst(slot):
            pltpu.make_async_copy(
                dstf.at[pl.ds(base, K)], dstb.at[slot], semid[slot]).wait()

        def gather(slot):
            pltpu.async_copy(p.at[srcb.at[slot]], rows[slot], semr[slot])

        def wait_rows(slot):
            pltpu.make_async_copy(
                p.at[srcb.at[slot]], rows[slot], semr[slot]).wait()

        def scatter(slot):
            pltpu.sync_copy(rows[slot], acc_sh.at[dstb.at[slot]], add=True)
            if with_deg:
                pltpu.sync_copy(ones_v, deg_sh.at[dstb.at[slot]], add=True)

        def _work():
            def zrow(i, carry):
                for c in range(D // 16):
                    rows[0][i, pl.ds(c * 16, 16)] = jnp.zeros(
                        (16,), jnp.float32)
                return carry
            lax.fori_loop(0, K, zrow, 0)
            for t in range(RPS // K):
                pltpu.sync_copy(rows[0], acc_sh.at[pl.ds(r0 + t * K, K)])
            if with_deg:
                def zstep(i, carry):
                    deg_v[pl.ds(i * 16, 16)] = jnp.zeros((16,), jnp.float32)
                    return carry
                lax.fori_loop(0, RPS // 16, zstep, 0)
                pltpu.sync_copy(deg_v, deg_sh.at[pl.ds(r0, RPS)])
                for i in range(K // 16):
                    ones_v[pl.ds(i * 16, 16)] = jnp.ones((16,), jnp.float32)
            plsc.subcore_barrier()

            def half(jc, cur, nxt, issue, gather_next):
                if gather_next:
                    wait_src(nxt)
                    gather(nxt)
                wait_rows(cur)
                wait_dst(cur)
                scatter(cur)
                if issue:
                    issue_idx(jc + 2, cur)

            issue_idx(0, 0)
            issue_idx(1, 1)
            wait_src(0)
            gather(0)

            def step(i, carry):
                j = 2 * i
                half(j, 0, 1, True, True)
                half(j + 1, 1, 0, True, True)
                return carry

            lax.fori_loop(0, T, step, 0)
            half(2 * T, 0, 1, True, True)
            half(2 * T + 1, 1, 0, False, True)
            half(2 * T + 2, 0, 1, False, False)
            plsc.subcore_barrier()

            wfull = RPS // K
            pltpu.sync_copy(acc_sh.at[pl.ds(r0, K)], rows[0])
            pltpu.async_copy(rows[0], agg_out.at[cid, pl.ds(r0, K)], semr[0])
            for t in range(1, wfull):
                cur = rows[t % 2]
                pltpu.sync_copy(acc_sh.at[pl.ds(r0 + t * K, K)], cur)
                pltpu.async_copy(cur, agg_out.at[cid, pl.ds(r0 + t * K, K)],
                                 semr[t % 2])
                prev = rows[(t - 1) % 2]
                pltpu.make_async_copy(prev, agg_out.at[cid, pl.ds(r0, K)],
                                      semr[(t - 1) % 2]).wait()
            pltpu.make_async_copy(
                rows[(wfull - 1) % 2], agg_out.at[cid, pl.ds(r0, K)],
                semr[(wfull - 1) % 2]).wait()
            if with_deg:
                pltpu.sync_copy(deg_sh.at[pl.ds(r0, RPS)], deg_v)
                pltpu.sync_copy(deg_v,
                                deg_out.at[pl.ds(cid * NP + r0, RPS)])

        _work()

    return pl.kernel(
        body,
        out_type=out_type,
        mesh=plsc.VectorSubcoreMesh(core_axis_name="c", subcore_axis_name="s"),
        scratch_types=scratch,
    )


_sc_agg_deg = _sc_aggregate(with_deg=True)
_sc_agg = _sc_aggregate(with_deg=False)



BN = 1000
GRID = (N // BN,)


def _tc1_body(x_ref, w_ref, b_ref, s_ref, p_ref):
    y = jnp.dot(x_ref[...], w_ref[...], preferred_element_type=jnp.float32)
    s_ref[...] = y[:, :H] + b_ref[...]
    p_ref[...] = y[:, H:]


def _tc2_body(s0_ref, a0_ref, a1_ref, d0_ref, d1_ref, w_ref, b_ref,
              s_ref, p_ref):
    deg = jnp.squeeze(d0_ref[...] + d1_ref[...], axis=0)
    inv = 1.0 / jnp.maximum(deg, 1.0)
    agg = jnp.squeeze(a0_ref[...] + a1_ref[...], axis=0)
    h = jnp.maximum(s0_ref[...] + agg * inv, 0.0)
    y = jnp.dot(h, w_ref[...], preferred_element_type=jnp.float32)
    s_ref[...] = y[:, :H] + b_ref[...]
    p_ref[...] = y[:, H:]


def _tc3_body(s1_ref, a0_ref, a1_ref, d0_ref, d1_ref, o_ref):
    deg = jnp.squeeze(d0_ref[...] + d1_ref[...], axis=0)
    inv = 1.0 / jnp.maximum(deg, 1.0)
    agg = jnp.squeeze(a0_ref[...] + a1_ref[...], axis=0)
    o_ref[...] = s1_ref[...] + agg * inv


def _row_spec():
    return pl.BlockSpec((BN, D), lambda i: (i, 0))


def _w_spec():
    return pl.BlockSpec((D, 2 * H), lambda i: (0, 0))


def _b_spec():
    return pl.BlockSpec((1, H), lambda i: (0, 0))


def _agg_spec(c):
    return pl.BlockSpec((1, BN, H), lambda i, c=c: (c, i, 0))


def _deg_spec(c):
    return pl.BlockSpec((1, BN, 1), lambda i, c=c: (c, i, 0))


_tc1 = pl.pallas_call(
    _tc1_body,
    grid=GRID,
    in_specs=[_row_spec(), _w_spec(), _b_spec()],
    out_specs=[_row_spec(), _row_spec()],
    out_shape=[jax.ShapeDtypeStruct((N, H), jnp.float32)] * 2,
)

_tc2 = pl.pallas_call(
    _tc2_body,
    grid=GRID,
    in_specs=[_row_spec(), _agg_spec(0), _agg_spec(1), _deg_spec(0),
              _deg_spec(1), _w_spec(), _b_spec()],
    out_specs=[_row_spec(), _row_spec()],
    out_shape=[jax.ShapeDtypeStruct((N, H), jnp.float32)] * 2,
)

_tc3 = pl.pallas_call(
    _tc3_body,
    grid=GRID,
    in_specs=[_row_spec(), _agg_spec(0), _agg_spec(1), _deg_spec(0),
              _deg_spec(1)],
    out_specs=_row_spec(),
    out_shape=jax.ShapeDtypeStruct((N, H), jnp.float32),
)


def kernel(x, edge_index, W_self0, W_neigh0, b0, W_self1, W_neigh1, b1):
    pad = E_PAD - E
    src3 = jnp.concatenate([edge_index[0], jnp.zeros((pad,), jnp.int32)])
    dst3 = jnp.concatenate([edge_index[1], jnp.full((pad,), N, jnp.int32)])
    w0 = jnp.concatenate([W_self0, W_neigh0], axis=1)
    w1 = jnp.concatenate([W_self1, W_neigh1], axis=1)

    s0, p0 = _tc1(x, w0, b0.reshape(1, H))
    agg0, deg0 = _sc_agg_deg(src3, dst3, p0)
    deg3 = deg0.reshape(NC, NP, 1)
    s1, p1 = _tc2(s0, agg0, agg0, deg3, deg3, w1, b1.reshape(1, H))
    agg1 = _sc_agg(src3, dst3, p1)
    out = _tc3(s1, agg1, agg1, deg3, deg3)
    return out

# --- scband reference (transcript-rebuilt; emitter-appended) ---
"""Pipeline reference for scband-sage-5789615915310 (READ-ONLY COPY).

The authoritative reference and input builder live on the scoring server;
editing this copy changes nothing except your own understanding.
"""

import jax, jax.numpy as jnp
import numpy as np

N = 10000
E = 320000
D = 128
H = 128


def setup_inputs(seed: int = 0) -> dict:
    key = jax.random.key(seed)
    ks = jax.random.split(key, 10)
    x = jax.random.normal(ks[0], (N, D), dtype=jnp.float32)
    edge_index = jax.random.randint(ks[1], (2, E), 0, N, dtype=jnp.int32)
    s0 = 1.0 / np.sqrt(D)
    s1 = 1.0 / np.sqrt(H)
    W_self0 = jax.random.uniform(ks[2], (D, H), jnp.float32, -s0, s0)
    W_neigh0 = jax.random.uniform(ks[3], (D, H), jnp.float32, -s0, s0)
    b0 = jnp.zeros((H,), jnp.float32)
    W_self1 = jax.random.uniform(ks[4], (H, H), jnp.float32, -s1, s1)
    W_neigh1 = jax.random.uniform(ks[5], (H, H), jnp.float32, -s1, s1)
    b1 = jnp.zeros((H,), jnp.float32)
    return {"x": x, "edge_index": edge_index, "W_self0": W_self0, "W_neigh0": W_neigh0, "b0": b0, "W_self1": W_self1, "W_neigh1": W_neigh1, "b1": b1}


def _sage_layer(h, edge_index, W_self, W_neigh, b):
    # DGL SAGEConv with 'mean' aggregator: fc_self(h_dst) + fc_neigh(mean_{src in N(dst)} h_src)
    src = edge_index[0]
    dst = edge_index[1]
    n = h.shape[0]
    msgs = jnp.take(h, src, axis=0)
    agg = jnp.zeros((n, h.shape[1]), h.dtype).at[dst].add(msgs)
    deg = jnp.zeros((n,), h.dtype).at[dst].add(1.0)
    h_neigh = agg / jnp.clip(deg, 1.0, None)[:, None]
    return h @ W_self + h_neigh @ W_neigh + b


def reference(x, edge_index, W_self0, W_neigh0, b0, W_self1, W_neigh1, b1):
    # layer 0 + activation (dropout=0.0 -> identity)
    h = _sage_layer(x, edge_index, W_self0, W_neigh0, b0)
    h = jax.nn.relu(h)
    # layer 1 (last layer: no activation/dropout)
    h = _sage_layer(h, edge_index, W_self1, W_neigh1, b1)
    return h

if __name__ == "__main__":
    import jax
    _d = setup_inputs()
    print(jax.jit(kernel)(*tuple(_d.values())))

</pallas_src>

<mosaic_0001>
#map = affine_map<(d0, d1) -> (0)>
#map1 = affine_map<(d0, d1) -> (0, 0)>
#map2 = affine_map<(d0, d1) -> (0, 0, 0)>
module attributes {stable_mosaic.version = 14 : i64} {
  func.func @body(%arg0: i32, %arg1: i32, %arg2: memref<323584xi32, #tpu.memory_space<hbm>>, %arg3: memref<323584xi32, #tpu.memory_space<hbm>>, %arg4: memref<10000x128xf32, #tpu.memory_space<hbm>>, %arg5: memref<2x10240x128xf32, #tpu.memory_space<hbm>>, %arg6: memref<20480xf32, #tpu.memory_space<hbm>>, %arg7: memref<10240x128xf32, #tpu.memory_space<vmem_shared>>, %arg8: memref<10240xf32, #tpu.memory_space<vmem_shared>>, %arg9: memref<2x128xi32, #tpu.memory_space<vmem>>, %arg10: memref<2x128xi32, #tpu.memory_space<vmem>>, %arg11: memref<128x128xf32, #tpu.memory_space<vmem>>, %arg12: memref<128x128xf32, #tpu.memory_space<vmem>>, %arg13: memref<128xf32, #tpu.memory_space<vmem>>, %arg14: memref<640xf32, #tpu.memory_space<vmem>>, %arg15: memref<!tpu.dma_semaphore, #tpu.memory_space<semaphore_mem>>, %arg16: memref<!tpu.dma_semaphore, #tpu.memory_space<semaphore_mem>>, %arg17: memref<!tpu.dma_semaphore, #tpu.memory_space<semaphore_mem>>, %arg18: memref<!tpu.dma_semaphore, #tpu.memory_space<semaphore_mem>>, %arg19: memref<!tpu.dma_semaphore, #tpu.memory_space<semaphore_mem>>, %arg20: memref<!tpu.dma_semaphore, #tpu.memory_space<semaphore_mem>>) attributes {dimension_semantics = [#tpu.dimension_semantics<core_parallel>, #tpu.dimension_semantics<subcore_parallel>], iteration_bounds = array<i64: 2, 16>, scalar_prefetch = 0 : i64, scratch_operands = 14 : i64, tpu.core_type = #tpu.core_type<sc_vector_subcore>, window_params = [{transform_indices = #map}, {transform_indices = #map}, {transform_indices = #map1}, {transform_indices = #map2}, {transform_indices = #map}]} {
    %mul3A = arith.constant 640 : i32
    %mul3A_0 = arith.muli %arg1, %mul3A : i32
    %eq3A = arith.constant 0 : i32
    %eq3A_1 = arith.cmpi eq, %arg0, %eq3A : i32
    %mul3A_2 = arith.constant 18304 : i32
    %mul3A_3 = arith.muli %arg1, %mul3A_2 : i32
    %mul3A_4 = arith.constant 1920 : i32
    %mul3A_5 = arith.muli %arg1, %mul3A_4 : i32
    %add3A = arith.constant 292864 : i32
    %add3A_6 = arith.addi %add3A, %mul3A_5 : i32
    %select_n3A = arith.select %eq3A_1, %mul3A_3, %add3A_6 : i32
    %jit3A = arith.constant 70 : i32
    %jit3A_7 = arith.constant 6 : i32
    %select_n3A_8 = arith.select %eq3A_1, %jit3A, %jit3A_7 : i32
    %scan3A = arith.constant 0 : i32
    %scan3A_9 = arith.constant 0 : i32
    %scan3A_10 = arith.constant 128 : i32
    %scan3A_11 = arith.addi %scan3A_9, %scan3A_10 : i32
    %scan3A_12 = arith.constant 1 : i32
    scf.for %scan3A_337 = %scan3A_9 to %scan3A_11 step %scan3A_12  : i32 {
      %broadcast_in_dim3A_338 = arith.constant 0.000000e+00 : f32
      %broadcast_in_dim3A_339 = vector.broadcast %broadcast_in_dim3A_338 : f32 to vector<16xf32>
      %swap3A_340 = arith.index_cast %scan3A_337 : i32 to index
      %swap3A_341 = arith.constant 0 : index
      %swap3A_342 = tpu.vector_load %arg11[%swap3A_340, %swap3A_341] {strides = array<i32>} : memref<128x128xf32, #tpu.memory_space<vmem>>, vector<1x16xf32>,
      %swap3A_343 = vector.shape_cast %swap3A_342 : vector<1x16xf32> to vector<16xf32>
      %swap3A_344 = vector.shape_cast %broadcast_in_dim3A_339 : vector<16xf32> to vector<1x16xf32>
      tpu.vector_store %arg11[%swap3A_340, %swap3A_341], %swap3A_344 {strides = array<i32>} : memref<128x128xf32, #tpu.memory_space<vmem>>, vector<1x16xf32>,
      %broadcast_in_dim3A_345 = arith.constant 0.000000e+00 : f32
      %broadcast_in_dim3A_346 = vector.broadcast %broadcast_in_dim3A_345 : f32 to vector<16xf32>
      %swap3A_347 = arith.index_cast %scan3A_337 : i32 to index
      %swap3A_348 = arith.constant 16 : index
      %swap3A_349 = tpu.vector_load %arg11[%swap3A_347, %swap3A_348] {strides = array<i32>} : memref<128x128xf32, #tpu.memory_space<vmem>>, vector<1x16xf32>,
      %swap3A_350 = vector.shape_cast %swap3A_349 : vector<1x16xf32> to vector<16xf32>
      %swap3A_351 = vector.shape_cast %broadcast_in_dim3A_346 : vector<16xf32> to vector<1x16xf32>
      tpu.vector_store %arg11[%swap3A_347, %swap3A_348], %swap3A_351 {strides = array<i32>} : memref<128x128xf32, #tpu.memory_space<vmem>>, vector<1x16xf32>,
      %broadcast_in_dim3A_352 = arith.constant 0.000000e+00 : f32
      %broadcast_in_dim3A_353 = vector.broadcast %broadcast_in_dim3A_352 : f32 to vector<16xf32>
      %swap3A_354 = arith.index_cast %scan3A_337 : i32 to index
      %swap3A_355 = arith.constant 32 : index
      %swap3A_356 = tpu.vector_load %arg11[%swap3A_354, %swap3A_355] {strides = array<i32>} : memref<128x128xf32, #tpu.memory_space<vmem>>, vector<1x16xf32>,
      %swap3A_357 = vector.shape_cast %swap3A_356 : vector<1x16xf32> to vector<16xf32>
      %swap3A_358 = vector.shape_cast %broadcast_in_dim3A_353 : vector<16xf32> to vector<1x16xf32>
      tpu.vector_store %arg11[%swap3A_354, %swap3A_355], %swap3A_358 {strides = array<i32>} : memref<128x128xf32, #tpu.memory_space<vmem>>, vector<1x16xf32>,
      %broadcast_in_dim3A_359 = arith.constant 0.000000e+00 : f32
      %broadcast_in_dim3A_360 = vector.broadcast %broadcast_in_dim3A_359 : f32 to vector<16xf32>
      %swap3A_361 = arith.index_cast %scan3A_337 : i32 to index
      %swap3A_362 = arith.constant 48 : index
      %swap3A_363 = tpu.vector_load %arg11[%swap3A_361, %swap3A_362] {strides = array<i32>} : memref<128x128xf32, #tpu.memory_space<vmem>>, vector<1x16xf32>,
      %swap3A_364 = vector.shape_cast %swap3A_363 : vector<1x16xf32> to vector<16xf32>
      %swap3A_365 = vector.shape_cast %broadcast_in_dim3A_360 : vector<16xf32> to vector<1x16xf32>
      tpu.vector_store %arg11[%swap3A_361, %swap3A_362], %swap3A_365 {strides = array<i32>} : memref<128x128xf32, #tpu.memory_space<vmem>>, vector<1x16xf32>,
      %broadcast_in_dim3A_366 = arith.constant 0.000000e+00 : f32
      %broadcast_in_dim3A_367 = vector.broadcast %broadcast_in_dim3A_366 : f32 to vector<16xf32>
      %swap3A_368 = arith.index_cast %scan3A_337 : i32 to index
      %swap3A_369 = arith.constant 64 : index
      %swap3A_370 = tpu.vector_load %arg11[%swap3A_368, %swap3A_369] {strides = array<i32>} : memref<128x128xf32, #tpu.memory_space<vmem>>, vector<1x16xf32>,
      %swap3A_371 = vector.shape_cast %swap3A_370 : vector<1x16xf32> to vector<16xf32>
      %swap3A_372 = vector.shape_cast %broadcast_in_dim3A_367 : vector<16xf32> to vector<1x16xf32>
      tpu.vector_store %arg11[%swap3A_368, %swap3A_369], %swap3A_372 {strides = array<i32>} : memref<128x128xf32, #tpu.memory_space<vmem>>, vector<1x16xf32>,
      %broadcast_in_dim3A_373 = arith.constant 0.000000e+00 : f32
      %broadcast_in_dim3A_374 = vector.broadcast %broadcast_in_dim3A_373 : f32 to vector<16xf32>
      %swap3A_375 = arith.index_cast %scan3A_337 : i32 to index
      %swap3A_376 = arith.constant 80 : index
      %swap3A_377 = tpu.vector_load %arg11[%swap3A_375, %swap3A_376] {strides = array<i32>} : memref<128x128xf32, #tpu.memory_space<vmem>>, vector<1x16xf32>,
      %swap3A_378 = vector.shape_cast %swap3A_377 : vector<1x16xf32> to vector<16xf32>
      %swap3A_379 = vector.shape_cast %broadcast_in_dim3A_374 : vector<16xf32> to vector<1x16xf32>
      tpu.vector_store %arg11[%swap3A_375, %swap3A_376], %swap3A_379 {strides = array<i32>} : memref<128x128xf32, #tpu.memory_space<vmem>>, vector<1x16xf32>,
      %broadcast_in_dim3A_380 = arith.constant 0.000000e+00 : f32
      %broadcast_in_dim3A_381 = vector.broadcast %broadcast_in_dim3A_380 : f32 to vector<16xf32>
      %swap3A_382 = arith.index_cast %scan3A_337 : i32 to index
      %swap3A_383 = arith.constant 96 : index
      %swap3A_384 = tpu.vector_load %arg11[%swap3A_382, %swap3A_383] {strides = array<i32>} : memref<128x128xf32, #tpu.memory_space<vmem>>, vector<1x16xf32>,
      %swap3A_385 = vector.shape_cast %swap3A_384 : vector<1x16xf32> to vector<16xf32>
      %swap3A_386 = vector.shape_cast %broadcast_in_dim3A_381 : vector<16xf32> to vector<1x16xf32>
      tpu.vector_store %arg11[%swap3A_382, %swap3A_383], %swap3A_386 {strides = array<i32>} : memref<128x128xf32, #tpu.memory_space<vmem>>, vector<1x16xf32>,
      %broadcast_in_dim3A_387 = arith.constant 0.000000e+00 : f32
      %broadcast_in_dim3A_388 = vector.broadcast %broadcast_in_dim3A_387 : f32 to vector<16xf32>
      %swap3A_389 = arith.index_cast %scan3A_337 : i32 to index
      %swap3A_390 = arith.constant 112 : index
      %swap3A_391 = tpu.vector_load %arg11[%swap3A_389, %swap3A_390] {strides = array<i32>} : memref<128x128xf32, #tpu.memory_space<vmem>>, vector<1x16xf32>,
      %swap3A_392 = vector.shape_cast %swap3A_391 : vector<1x16xf32> to vector<16xf32>
      %swap3A_393 = vector.shape_cast %broadcast_in_dim3A_388 : vector<16xf32> to vector<1x16xf32>
      tpu.vector_store %arg11[%swap3A_389, %swap3A_390], %swap3A_393 {strides = array<i32>} : memref<128x128xf32, #tpu.memory_space<vmem>>, vector<1x16xf32>,
    }
    %scan3A_13 = arith.constant 128 : i32
    %add3A_14 = arith.constant 0 : i32
    %add3A_15 = arith.addi %mul3A_0, %add3A_14 : i32
    "tpu.region"() ({
      %run_scoped3A_337 = tpu.sem_alloc : memref<!tpu.dma_semaphore, #tpu.memory_space<semaphore_mem>>
      %dma_start3A_338 = arith.constant 0 : i32
      %dma_start3A_339 = tpu.memref_slice %arg7[%add3A_15, %dma_start3A_338] : memref<10240x128xf32, #tpu.memory_space<vmem_shared>> -> memref<128x128xf32, #tpu.memory_space<vmem_shared>>
      %dma_start3A_340 = arith.constant 0 : i32
      %dma_start3A_341 = tpu.memref_slice %arg7[%add3A_15, %dma_start3A_340] : memref<10240x128xf32, #tpu.memory_space<vmem_shared>> -> memref<128x128xf32, #tpu.memory_space<vmem_shared>>
      tpu.enqueue_dma source(%arg11 : memref<128x128xf32, #tpu.memory_space<vmem>>) target(%dma_start3A_341 : memref<128x128xf32, #tpu.memory_space<vmem_shared>>) target_semaphore(%run_scoped3A_337 : memref<!tpu.dma_semaphore, #tpu.memory_space<semaphore_mem>>)
      %dma_wait3A_342 = arith.constant 0 : i32
      %dma_wait3A_343 = tpu.memref_slice %arg7[%add3A_15, %dma_wait3A_342] : memref<10240x128xf32, #tpu.memory_space<vmem_shared>> -> memref<128x128xf32, #tpu.memory_space<vmem_shared>>
      %dma_wait3A_344 = arith.constant 0 : i32
      %dma_wait3A_345 = tpu.memref_slice %arg7[%add3A_15, %dma_wait3A_344] : memref<10240x128xf32, #tpu.memory_space<vmem_shared>> -> memref<128x128xf32, #tpu.memory_space<vmem_shared>>
      tpu.wait_dma2 semaphore(%run_scoped3A_337 : memref<!tpu.dma_semaphore, #tpu.memory_space<semaphore_mem>>) src(%arg11 : memref<128x128xf32, #tpu.memory_space<vmem>>) dst(%dma_wait3A_345 : memref<128x128xf32, #tpu.memory_space<vmem_shared>>)
      tpu.yield
    }) : () -> ()
    %add3A_16 = arith.constant 128 : i32
    %add3A_17 = arith.addi %mul3A_0, %add3A_16 : i32
    "tpu.region"() ({
      %run_scoped3A_337 = tpu.sem_alloc : memref<!tpu.dma_semaphore, #tpu.memory_space<semaphore_mem>>
      %dma_start3A_338 = arith.constant 0 : i32
      %dma_start3A_339 = tpu.memref_slice %arg7[%add3A_17, %dma_start3A_338] : memref<10240x128xf32, #tpu.memory_space<vmem_shared>> -> memref<128x128xf32, #tpu.memory_space<vmem_shared>>
      %dma_start3A_340 = arith.constant 0 : i32
      %dma_start3A_341 = tpu.memref_slice %arg7[%add3A_17, %dma_start3A_340] : memref<10240x128xf32, #tpu.memory_space<vmem_shared>> -> memref<128x128xf32, #tpu.memory_space<vmem_shared>>
      tpu.enqueue_dma source(%arg11 : memref<128x128xf32, #tpu.memory_space<vmem>>) target(%dma_start3A_341 : memref<128x128xf32, #tpu.memory_space<vmem_shared>>) target_semaphore(%run_scoped3A_337 : memref<!tpu.dma_semaphore, #tpu.memory_space<semaphore_mem>>)
      %dma_wait3A_342 = arith.constant 0 : i32
      %dma_wait3A_343 = tpu.memref_slice %arg7[%add3A_17, %dma_wait3A_342] : memref<10240x128xf32, #tpu.memory_space<vmem_shared>> -> memref<128x128xf32, #tpu.memory_space<vmem_shared>>
      %dma_wait3A_344 = arith.constant 0 : i32
      %dma_wait3A_345 = tpu.memref_slice %arg7[%add3A_17, %dma_wait3A_344] : memref<10240x128xf32, #tpu.memory_space<vmem_shared>> -> memref<128x128xf32, #tpu.memory_space<vmem_shared>>
      tpu.wait_dma2 semaphore(%run_scoped3A_337 : memref<!tpu.dma_semaphore, #tpu.memory_space<semaphore_mem>>) src(%arg11 : memref<128x128xf32, #tpu.memory_space<vmem>>) dst(%dma_wait3A_345 : memref<128x128xf32, #tpu.memory_space<vmem_shared>>)
      tpu.yield
    }) : () -> ()
    %add3A_18 = arith.constant 256 : i32
    %add3A_19 = arith.addi %mul3A_0, %add3A_18 : i32
    "tpu.region"() ({
      %run_scoped3A_337 = tpu.sem_alloc : memref<!tpu.dma_semaphore, #tpu.memory_space<semaphore_mem>>
      %dma_start3A_338 = arith.constant 0 : i32
      %dma_start3A_339 = tpu.memref_slice %arg7[%add3A_19, %dma_start3A_338] : memref<10240x128xf32, #tpu.memory_space<vmem_shared>> -> memref<128x128xf32, #tpu.memory_space<vmem_shared>>
      %dma_start3A_340 = arith.constant 0 : i32
      %dma_start3A_341 = tpu.memref_slice %arg7[%add3A_19, %dma_start3A_340] : memref<10240x128xf32, #tpu.memory_space<vmem_shared>> -> memref<128x128xf32, #tpu.memory_space<vmem_shared>>
      tpu.enqueue_dma source(%arg11 : memref<128x128xf32, #tpu.memory_space<vmem>>) target(%dma_start3A_341 : memref<128x128xf32, #tpu.memory_space<vmem_shared>>) target_semaphore(%run_scoped3A_337 : memref<!tpu.dma_semaphore, #tpu.memory_space<semaphore_mem>>)
      %dma_wait3A_342 = arith.constant 0 : i32
      %dma_wait3A_343 = tpu.memref_slice %arg7[%add3A_19, %dma_wait3A_342] : memref<10240x128xf32, #tpu.memory_space<vmem_shared>> -> memref<128x128xf32, #tpu.memory_space<vmem_shared>>
      %dma_wait3A_344 = arith.constant 0 : i32
      %dma_wait3A_345 = tpu.memref_slice %arg7[%add3A_19, %dma_wait3A_344] : memref<10240x128xf32, #tpu.memory_space<vmem_shared>> -> memref<128x128xf32, #tpu.memory_space<vmem_shared>>
      tpu.wait_dma2 semaphore(%run_scoped3A_337 : memref<!tpu.dma_semaphore, #tpu.memory_space<semaphore_mem>>) src(%arg11 : memref<128x128xf32, #tpu.memory_space<vmem>>) dst(%dma_wait3A_345 : memref<128x128xf32, #tpu.memory_space<vmem_shared>>)
      tpu.yield
    }) : () -> ()
    %add3A_20 = arith.constant 384 : i32
    %add3A_21 = arith.addi %mul3A_0, %add3A_20 : i32
    "tpu.region"() ({
      %run_scoped3A_337 = tpu.sem_alloc : memref<!tpu.dma_semaphore, #tpu.memory_space<semaphore_mem>>
      %dma_start3A_338 = arith.constant 0 : i32
      %dma_start3A_339 = tpu.memref_slice %arg7[%add3A_21, %dma_start3A_338] : memref<10240x128xf32, #tpu.memory_space<vmem_shared>> -> memref<128x128xf32, #tpu.memory_space<vmem_shared>>
      %dma_start3A_340 = arith.constant 0 : i32
      %dma_start3A_341 = tpu.memref_slice %arg7[%add3A_21, %dma_start3A_340] : memref<10240x128xf32, #tpu.memory_space<vmem_shared>> -> memref<128x128xf32, #tpu.memory_space<vmem_shared>>
      tpu.enqueue_dma source(%arg11 : memref<128x128xf32, #tpu.memory_space<vmem>>) target(%dma_start3A_341 : memref<128x128xf32, #tpu.memory_space<vmem_shared>>) target_semaphore(%run_scoped3A_337 : memref<!tpu.dma_semaphore, #tpu.memory_space<semaphore_mem>>)
      %dma_wait3A_342 = arith.constant 0 : i32
      %dma_wait3A_343 = tpu.memref_slice %arg7[%add3A_21, %dma_wait3A_342] : memref<10240x128xf32, #tpu.memory_space<vmem_shared>> -> memref<128x128xf32, #tpu.memory_space<vmem_shared>>
      %dma_wait3A_344 = arith.constant 0 : i32
      %dma_wait3A_345 = tpu.memref_slice %arg7[%add3A_21, %dma_wait3A_344] : memref<10240x128xf32, #tpu.memory_space<vmem_shared>> -> memref<128x128xf32, #tpu.memory_space<vmem_shared>>
      tpu.wait_dma2 semaphore(%run_scoped3A_337 : memref<!tpu.dma_semaphore, #tpu.memory_space<semaphore_mem>>) src(%arg11 : memref<128x128xf32, #tpu.memory_space<vmem>>) dst(%dma_wait3A_345 : memref<128x128xf32, #tpu.memory_space<vmem_shared>>)
      tpu.yield
    }) : () -> ()
    %add3A_22 = arith.constant 512 : i32
    %add3A_23 = arith.addi %mul3A_0, %add3A_22 : i32
    "tpu.region"() ({
      %run_scoped3A_337 = tpu.sem_alloc : memref<!tpu.dma_semaphore, #tpu.memory_space<semaphore_mem>>
      %dma_start3A_338 = arith.constant 0 : i32
      %dma_start3A_339 = tpu.memref_slice %arg7[%add3A_23, %dma_start3A_338] : memref<10240x128xf32, #tpu.memory_space<vmem_shared>> -> memref<128x128xf32, #tpu.memory_space<vmem_shared>>
      %dma_start3A_340 = arith.constant 0 : i32
      %dma_start3A_341 = tpu.memref_slice %arg7[%add3A_23, %dma_start3A_340] : memref<10240x128xf32, #tpu.memory_space<vmem_shared>> -> memref<128x128xf32, #tpu.memory_space<vmem_shared>>
      tpu.enqueue_dma source(%arg11 : memref<128x128xf32, #tpu.memory_space<vmem>>) target(%dma_start3A_341 : memref<128x128xf32, #tpu.memory_space<vmem_shared>>) target_semaphore(%run_scoped3A_337 : memref<!tpu.dma_semaphore, #tpu.memory_space<semaphore_mem>>)
      %dma_wait3A_342 = arith.constant 0 : i32
      %dma_wait3A_343 = tpu.memref_slice %arg7[%add3A_23, %dma_wait3A_342] : memref<10240x128xf32, #tpu.memory_space<vmem_shared>> -> memref<128x128xf32, #tpu.memory_space<vmem_shared>>
      %dma_wait3A_344 = arith.constant 0 : i32
      %dma_wait3A_345 = tpu.memref_slice %arg7[%add3A_23, %dma_wait3A_344] : memref<10240x128xf32, #tpu.memory_space<vmem_shared>> -> memref<128x128xf32, #tpu.memory_space<vmem_shared>>
      tpu.wait_dma2 semaphore(%run_scoped3A_337 : memref<!tpu.dma_semaphore, #tpu.memory_space<semaphore_mem>>) src(%arg11 : memref<128x128xf32, #tpu.memory_space<vmem>>) dst(%dma_wait3A_345 : memref<128x128xf32, #tpu.memory_space<vmem_shared>>)
      tpu.yield
    }) : () -> ()
    %scan3A_24 = arith.constant 0 : i32
    %scan3A_25 = arith.constant 0 : i32
    %scan3A_26 = arith.constant 40 : i32
    %scan3A_27 = arith.addi %scan3A_25, %scan3A_26 : i32
    %scan3A_28 = arith.constant 1 : i32
    scf.for %scan3A_337 = %scan3A_25 to %scan3A_27 step %scan3A_28  : i32 {
      %broadcast_in_dim3A_338 = arith.constant 0.000000e+00 : f32
      %broadcast_in_dim3A_339 = vector.broadcast %broadcast_in_dim3A_338 : f32 to vector<16xf32>
      %mul3A_340 = arith.constant 16 : i32
      %mul3A_341 = arith.muli %scan3A_337, %mul3A_340 : i32
      %swap3A_342 = arith.index_cast %mul3A_341 : i32 to index
      %swap3A_343 = tpu.vector_load %arg14[%swap3A_342] {strides = array<i32>} : memref<640xf32, #tpu.memory_space<vmem>>, vector<16xf32>,
      %swap3A_344 = vector.shape_cast %swap3A_343 : vector<16xf32> to vector<16xf32>
      %swap3A_345 = vector.shape_cast %broadcast_in_dim3A_339 : vector<16xf32> to vector<16xf32>
      tpu.vector_store %arg14[%swap3A_342], %swap3A_345 {strides = array<i32>} : memref<640xf32, #tpu.memory_space<vmem>>, vector<16xf32>,
    }
    %scan3A_29 = arith.constant 40 : i32
    "tpu.region"() ({
      %run_scoped3A_337 = tpu.sem_alloc : memref<!tpu.dma_semaphore, #tpu.memory_space<semaphore_mem>>
      %dma_start3A_338 = tpu.memref_slice %arg8[%mul3A_0] : memref<10240xf32, #tpu.memory_space<vmem_shared>> -> memref<640xf32, #tpu.memory_space<vmem_shared>>
      %dma_start3A_339 = tpu.memref_slice %arg8[%mul3A_0] : memref<10240xf32, #tpu.memory_space<vmem_shared>> -> memref<640xf32, #tpu.memory_space<vmem_shared>>
      tpu.enqueue_dma source(%arg14 : memref<640xf32, #tpu.memory_space<vmem>>) target(%dma_start3A_339 : memref<640xf32, #tpu.memory_space<vmem_shared>>) target_semaphore(%run_scoped3A_337 : memref<!tpu.dma_semaphore, #tpu.memory_space<semaphore_mem>>)
      %dma_wait3A_340 = tpu.memref_slice %arg8[%mul3A_0] : memref<10240xf32, #tpu.memory_space<vmem_shared>> -> memref<640xf32, #tpu.memory_space<vmem_shared>>
      %dma_wait3A_341 = tpu.memref_slice %arg8[%mul3A_0] : memref<10240xf32, #tpu.memory_space<vmem_shared>> -> memref<640xf32, #tpu.memory_space<vmem_shared>>
      tpu.wait_dma2 semaphore(%run_scoped3A_337 : memref<!tpu.dma_semaphore, #tpu.memory_space<semaphore_mem>>) src(%arg14 : memref<640xf32, #tpu.memory_space<vmem>>) dst(%dma_wait3A_341 : memref<640xf32, #tpu.memory_space<vmem_shared>>)
      tpu.yield
    }) : () -> ()
    %broadcast_in_dim3A = arith.constant 1.000000e+00 : f32
    %broadcast_in_dim3A_30 = vector.broadcast %broadcast_in_dim3A : f32 to vector<16xf32>
    %swap3A = arith.constant 0 : index
    %swap3A_31 = tpu.vector_load %arg13[%swap3A] {strides = array<i32>} : memref<128xf32, #tpu.memory_space<vmem>>, vector<16xf32>,
    %swap3A_32 = vector.shape_cast %swap3A_31 : vector<16xf32> to vector<16xf32>
    %swap3A_33 = vector.shape_cast %broadcast_in_dim3A_30 : vector<16xf32> to vector<16xf32>
    tpu.vector_store %arg13[%swap3A], %swap3A_33 {strides = array<i32>} : memref<128xf32, #tpu.memory_space<vmem>>, vector<16xf32>,
    %broadcast_in_dim3A_34 = arith.constant 1.000000e+00 : f32
    %broadcast_in_dim3A_35 = vector.broadcast %broadcast_in_dim3A_34 : f32 to vector<16xf32>
    %swap3A_36 = arith.constant 16 : index
    %swap3A_37 = tpu.vector_load %arg13[%swap3A_36] {strides = array<i32>} : memref<128xf32, #tpu.memory_space<vmem>>, vector<16xf32>,
    %swap3A_38 = vector.shape_cast %swap3A_37 : vector<16xf32> to vector<16xf32>
    %swap3A_39 = vector.shape_cast %broadcast_in_dim3A_35 : vector<16xf32> to vector<16xf32>
    tpu.vector_store %arg13[%swap3A_36], %swap3A_39 {strides = array<i32>} : memref<128xf32, #tpu.memory_space<vmem>>, vector<16xf32>,
    %broadcast_in_dim3A_40 = arith.constant 1.000000e+00 : f32
    %broadcast_in_dim3A_41 = vector.broadcast %broadcast_in_dim3A_40 : f32 to vector<16xf32>
    %swap3A_42 = arith.constant 32 : index
    %swap3A_43 = tpu.vector_load %arg13[%swap3A_42] {strides = array<i32>} : memref<128xf32, #tpu.memory_space<vmem>>, vector<16xf32>,
    %swap3A_44 = vector.shape_cast %swap3A_43 : vector<16xf32> to vector<16xf32>
    %swap3A_45 = vector.shape_cast %broadcast_in_dim3A_41 : vector<16xf32> to vector<16xf32>
    tpu.vector_store %arg13[%swap3A_42], %swap3A_45 {strides = array<i32>} : memref<128xf32, #tpu.memory_space<vmem>>, vector<16xf32>,
    %broadcast_in_dim3A_46 = arith.constant 1.000000e+00 : f32
    %broadcast_in_dim3A_47 = vector.broadcast %broadcast_in_dim3A_46 : f32 to vector<16xf32>
    %swap3A_48 = arith.constant 48 : index
    %swap3A_49 = tpu.vector_load %arg13[%swap3A_48] {strides = array<i32>} : memref<128xf32, #tpu.memory_space<vmem>>, vector<16xf32>,
    %swap3A_50 = vector.shape_cast %swap3A_49 : vector<16xf32> to vector<16xf32>
    %swap3A_51 = vector.shape_cast %broadcast_in_dim3A_47 : vector<16xf32> to vector<16xf32>
    tpu.vector_store %arg13[%swap3A_48], %swap3A_51 {strides = array<i32>} : memref<128xf32, #tpu.memory_space<vmem>>, vector<16xf32>,
    %broadcast_in_dim3A_52 = arith.constant 1.000000e+00 : f32
    %broadcast_in_dim3A_53 = vector.broadcast %broadcast_in_dim3A_52 : f32 to vector<16xf32>
    %swap3A_54 = arith.constant 64 : index
    %swap3A_55 = tpu.vector_load %arg13[%swap3A_54] {strides = array<i32>} : memref<128xf32, #tpu.memory_space<vmem>>, vector<16xf32>,
    %swap3A_56 = vector.shape_cast %swap3A_55 : vector<16xf32> to vector<16xf32>
    %swap3A_57 = vector.shape_cast %broadcast_in_dim3A_53 : vector<16xf32> to vector<16xf32>
    tpu.vector_store %arg13[%swap3A_54], %swap3A_57 {strides = array<i32>} : memref<128xf32, #tpu.memory_space<vmem>>, vector<16xf32>,
    %broadcast_in_dim3A_58 = arith.constant 1.000000e+00 : f32
    %broadcast_in_dim3A_59 = vector.broadcast %broadcast_in_dim3A_58 : f32 to vector<16xf32>
    %swap3A_60 = arith.constant 80 : index
    %swap3A_61 = tpu.vector_load %arg13[%swap3A_60] {strides = array<i32>} : memref<128xf32, #tpu.memory_space<vmem>>, vector<16xf32>,
    %swap3A_62 = vector.shape_cast %swap3A_61 : vector<16xf32> to vector<16xf32>
    %swap3A_63 = vector.shape_cast %broadcast_in_dim3A_59 : vector<16xf32> to vector<16xf32>
    tpu.vector_store %arg13[%swap3A_60], %swap3A_63 {strides = array<i32>} : memref<128xf32, #tpu.memory_space<vmem>>, vector<16xf32>,
    %broadcast_in_dim3A_64 = arith.constant 1.000000e+00 : f32
    %broadcast_in_dim3A_65 = vector.broadcast %broadcast_in_dim3A_64 : f32 to vector<16xf32>
    %swap3A_66 = arith.constant 96 : index
    %swap3A_67 = tpu.vector_load %arg13[%swap3A_66] {strides = array<i32>} : memref<128xf32, #tpu.memory_space<vmem>>, vector<16xf32>,
    %swap3A_68 = vector.shape_cast %swap3A_67 : vector<16xf32> to vector<16xf32>
    %swap3A_69 = vector.shape_cast %broadcast_in_dim3A_65 : vector<16xf32> to vector<16xf32>
    tpu.vector_store %arg13[%swap3A_66], %swap3A_69 {strides = array<i32>} : memref<128xf32, #tpu.memory_space<vmem>>, vector<16xf32>,
    %broadcast_in_dim3A_70 = arith.constant 1.000000e+00 : f32
    %broadcast_in_dim3A_71 = vector.broadcast %broadcast_in_dim3A_70 : f32 to vector<16xf32>
    %swap3A_72 = arith.constant 112 : index
    %swap3A_73 = tpu.vector_load %arg13[%swap3A_72] {strides = array<i32>} : memref<128xf32, #tpu.memory_space<vmem>>, vector<16xf32>,
    %swap3A_74 = vector.shape_cast %swap3A_73 : vector<16xf32> to vector<16xf32>
    %swap3A_75 = vector.shape_cast %broadcast_in_dim3A_71 : vector<16xf32> to vector<16xf32>
    tpu.vector_store %arg13[%swap3A_72], %swap3A_75 {strides = array<i32>} : memref<128xf32, #tpu.memory_space<vmem>>, vector<16xf32>,
    %barrier3A = arith.constant 0 : index
    tpu.barrier barrier_id(%barrier3A)
    %add3A_76 = arith.constant 0 : i32
    %add3A_77 = arith.addi %select_n3A, %add3A_76 : i32
    %dma_start3A = arith.constant 0 : i32
    %dma_start3A_78 = arith.constant 0 : i32
    %dma_start3A_79 = tpu.memref_slice %arg9[%dma_start3A, %dma_start3A_78] : memref<2x128xi32, #tpu.memory_space<vmem>> -> memref<1x128xi32, #tpu.memory_space<vmem>>
    %dma_start3A_80 = tpu.memref_squeeze %dma_start3A_79 : memref<1x128xi32, #tpu.memory_space<vmem>> -> memref<128xi32, #tpu.memory_space<vmem>>
    %dma_start3A_81 = tpu.memref_slice %arg2[%add3A_77] : memref<323584xi32, #tpu.memory_space<hbm>> -> memref<128xi32, #tpu.memory_space<hbm>>
    %dma_start3A_82 = arith.constant 0 : i32
    %dma_start3A_83 = tpu.memref_slice %arg9[%dma_start3A, %dma_start3A_82] : memref<2x128xi32, #tpu.memory_space<vmem>> -> memref<1x128xi32, #tpu.memory_space<vmem>>
    %dma_start3A_84 = tpu.memref_squeeze %dma_start3A_83 : memref<1x128xi32, #tpu.memory_space<vmem>> -> memref<128xi32, #tpu.memory_space<vmem>>
    %dma_start3A_85 = tpu.memref_slice %arg2[%add3A_77] : memref<323584xi32, #tpu.memory_space<hbm>> -> memref<128xi32, #tpu.memory_space<hbm>>
    tpu.enqueue_dma source(%dma_start3A_85 : memref<128xi32, #tpu.memory_space<hbm>>) target(%dma_start3A_84 : memref<128xi32, #tpu.memory_space<vmem>>) target_semaphore(%arg17 : memref<!tpu.dma_semaphore, #tpu.memory_space<semaphore_mem>>)
    %dma_start3A_86 = arith.constant 0 : i32
    %dma_start3A_87 = arith.constant 0 : i32
    %dma_start3A_88 = tpu.memref_slice %arg10[%dma_start3A_86, %dma_start3A_87] : memref<2x128xi32, #tpu.memory_space<vmem>> -> memref<1x128xi32, #tpu.memory_space<vmem>>
    %dma_start3A_89 = tpu.memref_squeeze %dma_start3A_88 : memref<1x128xi32, #tpu.memory_space<vmem>> -> memref<128xi32, #tpu.memory_space<vmem>>
    %dma_start3A_90 = tpu.memref_slice %arg3[%add3A_77] : memref<323584xi32, #tpu.memory_space<hbm>> -> memref<128xi32, #tpu.memory_space<hbm>>
    %dma_start3A_91 = arith.constant 0 : i32
    %dma_start3A_92 = tpu.memref_slice %arg10[%dma_start3A_86, %dma_start3A_91] : memref<2x128xi32, #tpu.memory_space<vmem>> -> memref<1x128xi32, #tpu.memory_space<vmem>>
    %dma_start3A_93 = tpu.memref_squeeze %dma_start3A_92 : memref<1x128xi32, #tpu.memory_space<vmem>> -> memref<128xi32, #tpu.memory_space<vmem>>
    %dma_start3A_94 = tpu.memref_slice %arg3[%add3A_77] : memref<323584xi32, #tpu.memory_space<hbm>> -> memref<128xi32, #tpu.memory_space<hbm>>
    tpu.enqueue_dma source(%dma_start3A_94 : memref<128xi32, #tpu.memory_space<hbm>>) target(%dma_start3A_93 : memref<128xi32, #tpu.memory_space<vmem>>) target_semaphore(%arg19 : memref<!tpu.dma_semaphore, #tpu.memory_space<semaphore_mem>>)
    %add3A_95 = arith.constant 128 : i32
    %add3A_96 = arith.addi %select_n3A, %add3A_95 : i32
    %dma_start3A_97 = arith.constant 1 : i32
    %dma_start3A_98 = arith.constant 0 : i32
    %dma_start3A_99 = tpu.memref_slice %arg9[%dma_start3A_97, %dma_start3A_98] : memref<2x128xi32, #tpu.memory_space<vmem>> -> memref<1x128xi32, #tpu.memory_space<vmem>>
    %dma_start3A_100 = tpu.memref_squeeze %dma_start3A_99 : memref<1x128xi32, #tpu.memory_space<vmem>> -> memref<128xi32, #tpu.memory_space<vmem>>
    %dma_start3A_101 = tpu.memref_slice %arg2[%add3A_96] : memref<323584xi32, #tpu.memory_space<hbm>> -> memref<128xi32, #tpu.memory_space<hbm>>
    %dma_start3A_102 = arith.constant 0 : i32
    %dma_start3A_103 = tpu.memref_slice %arg9[%dma_start3A_97, %dma_start3A_102] : memref<2x128xi32, #tpu.memory_space<vmem>> -> memref<1x128xi32, #tpu.memory_space<vmem>>
    %dma_start3A_104 = tpu.memref_squeeze %dma_start3A_103 : memref<1x128xi32, #tpu.memory_space<vmem>> -> memref<128xi32, #tpu.memory_space<vmem>>
    %dma_start3A_105 = tpu.memref_slice %arg2[%add3A_96] : memref<323584xi32, #tpu.memory_space<hbm>> -> memref<128xi32, #tpu.memory_space<hbm>>
    tpu.enqueue_dma source(%dma_start3A_105 : memref<128xi32, #tpu.memory_space<hbm>>) target(%dma_start3A_104 : memref<128xi32, #tpu.memory_space<vmem>>) target_semaphore(%arg18 : memref<!tpu.dma_semaphore, #tpu.memory_space<semaphore_mem>>)
    %dma_start3A_106 = arith.constant 1 : i32
    %dma_start3A_107 = arith.constant 0 : i32
    %dma_start3A_108 = tpu.memref_slice %arg10[%dma_start3A_106, %dma_start3A_107] : memref<2x128xi32, #tpu.memory_space<vmem>> -> memref<1x128xi32, #tpu.memory_space<vmem>>
    %dma_start3A_109 = tpu.memref_squeeze %dma_start3A_108 : memref<1x128xi32, #tpu.memory_space<vmem>> -> memref<128xi32, #tpu.memory_space<vmem>>
    %dma_start3A_110 = tpu.memref_slice %arg3[%add3A_96] : memref<323584xi32, #tpu.memory_space<hbm>> -> memref<128xi32, #tpu.memory_space<hbm>>
    %dma_start3A_111 = arith.constant 0 : i32
    %dma_start3A_112 = tpu.memref_slice %arg10[%dma_start3A_106, %dma_start3A_111] : memref<2x128xi32, #tpu.memory_space<vmem>> -> memref<1x128xi32, #tpu.memory_space<vmem>>
    %dma_start3A_113 = tpu.memref_squeeze %dma_start3A_112 : memref<1x128xi32, #tpu.memory_space<vmem>> -> memref<128xi32, #tpu.memory_space<vmem>>
    %dma_start3A_114 = tpu.memref_slice %arg3[%add3A_96] : memref<323584xi32, #tpu.memory_space<hbm>> -> memref<128xi32, #tpu.memory_space<hbm>>
    tpu.enqueue_dma source(%dma_start3A_114 : memref<128xi32, #tpu.memory_space<hbm>>) target(%dma_start3A_113 : memref<128xi32, #tpu.memory_space<vmem>>) target_semaphore(%arg20 : memref<!tpu.dma_semaphore, #tpu.memory_space<semaphore_mem>>)
    %dma_wait3A = arith.constant 0 : i32
    %dma_wait3A_115 = arith.constant 0 : i32
    %dma_wait3A_116 = tpu.memref_slice %arg9[%dma_wait3A, %dma_wait3A_115] : memref<2x128xi32, #tpu.memory_space<vmem>> -> memref<1x128xi32, #tpu.memory_space<vmem>>
    %dma_wait3A_117 = tpu.memref_squeeze %dma_wait3A_116 : memref<1x128xi32, #tpu.memory_space<vmem>> -> memref<128xi32, #tpu.memory_space<vmem>>
    %dma_wait3A_118 = tpu.memref_slice %arg2[%select_n3A] : memref<323584xi32, #tpu.memory_space<hbm>> -> memref<128xi32, #tpu.memory_space<hbm>>
    %dma_wait3A_119 = arith.constant 0 : i32
    %dma_wait3A_120 = tpu.memref_slice %arg9[%dma_wait3A, %dma_wait3A_119] : memref<2x128xi32, #tpu.memory_space<vmem>> -> memref<1x128xi32, #tpu.memory_space<vmem>>
    %dma_wait3A_121 = tpu.memref_squeeze %dma_wait3A_120 : memref<1x128xi32, #tpu.memory_space<vmem>> -> memref<128xi32, #tpu.memory_space<vmem>>
    %dma_wait3A_122 = tpu.memref_slice %arg2[%select_n3A] : memref<323584xi32, #tpu.memory_space<hbm>> -> memref<128xi32, #tpu.memory_space<hbm>>
    tpu.wait_dma2 semaphore(%arg17 : memref<!tpu.dma_semaphore, #tpu.memory_space<semaphore_mem>>) src(%dma_wait3A_122 : memref<128xi32, #tpu.memory_space<hbm>>) dst(%dma_wait3A_121 : memref<128xi32, #tpu.memory_space<vmem>>)
    %dma_start3A_123 = arith.constant 0 : i32
    %dma_start3A_124 = arith.constant 0 : i32
    %dma_start3A_125 = tpu.memref_slice %arg9[%dma_start3A_123, %dma_start3A_124] : memref<2x128xi32, #tpu.memory_space<vmem>> -> memref<1x128xi32, #tpu.memory_space<vmem>>
    %dma_start3A_126 = tpu.memref_squeeze %dma_start3A_125 : memref<1x128xi32, #tpu.memory_space<vmem>> -> memref<128xi32, #tpu.memory_space<vmem>>
    %dma_start3A_127 = arith.constant 0 : i32
    %dma_start3A_128 = arith.constant 0 : i32
    %dma_start3A_129 = tpu.memref_slice %arg4[%dma_start3A_127, %dma_start3A_128] : memref<10000x128xf32, #tpu.memory_space<hbm>> -> memref<10000x128xf32, #tpu.memory_space<hbm>>
    tpu.enqueue_indirect_dma source(%dma_start3A_129 : memref<10000x128xf32, #tpu.memory_space<hbm>>) target(%arg11 : memref<128x128xf32, #tpu.memory_space<vmem>>) offsets(%dma_start3A_126 : memref<128xi32, #tpu.memory_space<vmem>>) semaphore(%arg15 : memref<!tpu.dma_semaphore, #tpu.memory_space<semaphore_mem>>)
    %while3A = arith.constant 0 : i32
    %while3A_130 = arith.constant 0 : i32
    %while3A_131 = arith.subi %select_n3A_8, %while3A_130 : i32
    %while3A_132 = arith.addi %while3A_130, %while3A_131 : i32
    %while3A_133 = arith.constant 1 : i32
    %while3A_134 = arith.divsi %while3A_131, %while3A_133 : i32
    %while3A_135 = arith.muli %while3A_134, %while3A_133 : i32
    %while3A_136 = arith.addi %while3A_130, %while3A_135 : i32
    %while3A_137 = arith.constant 1 : i32
    scf.for %while3A_337 = %while3A_130 to %while3A_136 step %while3A_137  : i32 {
      %mul3A_338 = arith.constant 2 : i32
      %mul3A_339 = arith.muli %mul3A_338, %while3A_337 : i32
      %dma_wait3A_340 = arith.constant 1 : i32
      %dma_wait3A_341 = arith.constant 0 : i32
      %dma_wait3A_342 = tpu.memref_slice %arg9[%dma_wait3A_340, %dma_wait3A_341] : memref<2x128xi32, #tpu.memory_space<vmem>> -> memref<1x128xi32, #tpu.memory_space<vmem>>
      %dma_wait3A_343 = tpu.memref_squeeze %dma_wait3A_342 : memref<1x128xi32, #tpu.memory_space<vmem>> -> memref<128xi32, #tpu.memory_space<vmem>>
      %dma_wait3A_344 = tpu.memref_slice %arg2[%select_n3A] : memref<323584xi32, #tpu.memory_space<hbm>> -> memref<128xi32, #tpu.memory_space<hbm>>
      %dma_wait3A_345 = arith.constant 0 : i32
      %dma_wait3A_346 = tpu.memref_slice %arg9[%dma_wait3A_340, %dma_wait3A_345] : memref<2x128xi32, #tpu.memory_space<vmem>> -> memref<1x128xi32, #tpu.memory_space<vmem>>
      %dma_wait3A_347 = tpu.memref_squeeze %dma_wait3A_346 : memref<1x128xi32, #tpu.memory_space<vmem>> -> memref<128xi32, #tpu.memory_space<vmem>>
      %dma_wait3A_348 = tpu.memref_slice %arg2[%select_n3A] : memref<323584xi32, #tpu.memory_space<hbm>> -> memref<128xi32, #tpu.memory_space<hbm>>
      tpu.wait_dma2 semaphore(%arg18 : memref<!tpu.dma_semaphore, #tpu.memory_space<semaphore_mem>>) src(%dma_wait3A_348 : memref<128xi32, #tpu.memory_space<hbm>>) dst(%dma_wait3A_347 : memref<128xi32, #tpu.memory_space<vmem>>)
      %dma_start3A_349 = arith.constant 1 : i32
      %dma_start3A_350 = arith.constant 0 : i32
      %dma_start3A_351 = tpu.memref_slice %arg9[%dma_start3A_349, %dma_start3A_350] : memref<2x128xi32, #tpu.memory_space<vmem>> -> memref<1x128xi32, #tpu.memory_space<vmem>>
      %dma_start3A_352 = tpu.memref_squeeze %dma_start3A_351 : memref<1x128xi32, #tpu.memory_space<vmem>> -> memref<128xi32, #tpu.memory_space<vmem>>
      %dma_start3A_353 = arith.constant 0 : i32
      %dma_start3A_354 = arith.constant 0 : i32
      %dma_start3A_355 = tpu.memref_slice %arg4[%dma_start3A_353, %dma_start3A_354] : memref<10000x128xf32, #tpu.memory_space<hbm>> -> memref<10000x128xf32, #tpu.memory_space<hbm>>
      tpu.enqueue_indirect_dma source(%dma_start3A_355 : memref<10000x128xf32, #tpu.memory_space<hbm>>) target(%arg12 : memref<128x128xf32, #tpu.memory_space<vmem>>) offsets(%dma_start3A_352 : memref<128xi32, #tpu.memory_space<vmem>>) semaphore(%arg16 : memref<!tpu.dma_semaphore, #tpu.memory_space<semaphore_mem>>)
      %dma_wait3A_356 = arith.constant 0 : i32
      %dma_wait3A_357 = arith.constant 0 : i32
      %dma_wait3A_358 = tpu.memref_slice %arg9[%dma_wait3A_356, %dma_wait3A_357] : memref<2x128xi32, #tpu.memory_space<vmem>> -> memref<1x128xi32, #tpu.memory_space<vmem>>
      %dma_wait3A_359 = tpu.memref_squeeze %dma_wait3A_358 : memref<1x128xi32, #tpu.memory_space<vmem>> -> memref<128xi32, #tpu.memory_space<vmem>>
      %dma_wait3A_360 = arith.constant 0 : i32
      %dma_wait3A_361 = arith.constant 0 : i32
      %dma_wait3A_362 = tpu.memref_slice %arg4[%dma_wait3A_360, %dma_wait3A_361] : memref<10000x128xf32, #tpu.memory_space<hbm>> -> memref<10000x128xf32, #tpu.memory_space<hbm>>
      tpu.wait_indirect_dma semaphore(%arg15 : memref<!tpu.dma_semaphore, #tpu.memory_space<semaphore_mem>>) src(%dma_wait3A_362 : memref<10000x128xf32, #tpu.memory_space<hbm>>) dst(%arg11 : memref<128x128xf32, #tpu.memory_space<vmem>>)
      %dma_wait3A_363 = arith.constant 0 : i32
      %dma_wait3A_364 = arith.constant 0 : i32
      %dma_wait3A_365 = tpu.memref_slice %arg10[%dma_wait3A_363, %dma_wait3A_364] : memref<2x128xi32, #tpu.memory_space<vmem>> -> memref<1x128xi32, #tpu.memory_space<vmem>>
      %dma_wait3A_366 = tpu.memref_squeeze %dma_wait3A_365 : memref<1x128xi32, #tpu.memory_space<vmem>> -> memref<128xi32, #tpu.memory_space<vmem>>
      %dma_wait3A_367 = tpu.memref_slice %arg3[%select_n3A] : memref<323584xi32, #tpu.memory_space<hbm>> -> memref<128xi32, #tpu.memory_space<hbm>>
      %dma_wait3A_368 = arith.constant 0 : i32
      %dma_wait3A_369 = tpu.memref_slice %arg10[%dma_wait3A_363, %dma_wait3A_368] : memref<2x128xi32, #tpu.memory_space<vmem>> -> memref<1x128xi32, #tpu.memory_space<vmem>>
      %dma_wait3A_370 = tpu.memref_squeeze %dma_wait3A_369 : memref<1x128xi32, #tpu.memory_space<vmem>> -> memref<128xi32, #tpu.memory_space<vmem>>
      %dma_wait3A_371 = tpu.memref_slice %arg3[%select_n3A] : memref<323584xi32, #tpu.memory_space<hbm>> -> memref<128xi32, #tpu.memory_space<hbm>>
      tpu.wait_dma2 semaphore(%arg19 : memref<!tpu.dma_semaphore, #tpu.memory_space<semaphore_mem>>) src(%dma_wait3A_371 : memref<128xi32, #tpu.memory_space<hbm>>) dst(%dma_wait3A_370 : memref<128xi32, #tpu.memory_space<vmem>>)
      %run_scoped3A_372 = arith.constant 0 : i32
      "tpu.region"() ({
        %run_scoped3A_456 = tpu.sem_alloc : memref<!tpu.dma_semaphore, #tpu.memory_space<semaphore_mem>>
        %dma_start3A_457 = arith.constant 0 : i32
        %dma_start3A_458 = tpu.memref_slice %arg10[%run_scoped3A_372, %dma_start3A_457] : memref<2x128xi32, #tpu.memory_space<vmem>> -> memref<1x128xi32, #tpu.memory_space<vmem>>
        %dma_start3A_459 = tpu.memref_squeeze %dma_start3A_458 : memref<1x128xi32, #tpu.memory_space<vmem>> -> memref<128xi32, #tpu.memory_space<vmem>>
        %dma_start3A_460 = arith.constant 0 : i32
        %dma_start3A_461 = arith.constant 0 : i32
        %dma_start3A_462 = tpu.memref_slice %arg7[%dma_start3A_460, %dma_start3A_461] : memref<10240x128xf32, #tpu.memory_space<vmem_shared>> -> memref<10240x128xf32, #tpu.memory_space<vmem_shared>>
        tpu.enqueue_indirect_dma source(%arg11 : memref<128x128xf32, #tpu.memory_space<vmem>>) target(%dma_start3A_462 : memref<10240x128xf32, #tpu.memory_space<vmem_shared>>) offsets(%dma_start3A_459 : memref<128xi32, #tpu.memory_space<vmem>>) semaphore(%run_scoped3A_456 : memref<!tpu.dma_semaphore, #tpu.memory_space<semaphore_mem>>) {add = true}
        %dma_wait3A_463 = arith.constant 0 : i32
        %dma_wait3A_464 = tpu.memref_slice %arg10[%run_scoped3A_372, %dma_wait3A_463] : memref<2x128xi32, #tpu.memory_space<vmem>> -> memref<1x128xi32, #tpu.memory_space<vmem>>
        %dma_wait3A_465 = tpu.memref_squeeze %dma_wait3A_464 : memref<1x128xi32, #tpu.memory_space<vmem>> -> memref<128xi32, #tpu.memory_space<vmem>>
        %dma_wait3A_466 = arith.constant 0 : i32
        %dma_wait3A_467 = arith.constant 0 : i32
        %dma_wait3A_468 = tpu.memref_slice %arg7[%dma_wait3A_466, %dma_wait3A_467] : memref<10240x128xf32, #tpu.memory_space<vmem_shared>> -> memref<10240x128xf32, #tpu.memory_space<vmem_shared>>
        tpu.wait_indirect_dma semaphore(%run_scoped3A_456 : memref<!tpu.dma_semaphore, #tpu.memory_space<semaphore_mem>>) src(%arg11 : memref<128x128xf32, #tpu.memory_space<vmem>>) dst(%dma_wait3A_468 : memref<10240x128xf32, #tpu.memory_space<vmem_shared>>)
        tpu.yield
      }) : () -> ()
      %run_scoped3A_373 = arith.constant 0 : i32
      "tpu.region"() ({
        %run_scoped3A_456 = tpu.sem_alloc : memref<!tpu.dma_semaphore, #tpu.memory_space<semaphore_mem>>
        %dma_start3A_457 = arith.constant 0 : i32
        %dma_start3A_458 = tpu.memref_slice %arg10[%run_scoped3A_373, %dma_start3A_457] : memref<2x128xi32, #tpu.memory_space<vmem>> -> memref<1x128xi32, #tpu.memory_space<vmem>>
        %dma_start3A_459 = tpu.memref_squeeze %dma_start3A_458 : memref<1x128xi32, #tpu.memory_space<vmem>> -> memref<128xi32, #tpu.memory_space<vmem>>
        %dma_start3A_460 = arith.constant 0 : i32
        %dma_start3A_461 = tpu.memref_slice %arg8[%dma_start3A_460] : memref<10240xf32, #tpu.memory_space<vmem_shared>> -> memref<10240xf32, #tpu.memory_space<vmem_shared>>
        tpu.enqueue_indirect_dma source(%arg13 : memref<128xf32, #tpu.memory_space<vmem>>) target(%dma_start3A_461 : memref<10240xf32, #tpu.memory_space<vmem_shared>>) offsets(%dma_start3A_459 : memref<128xi32, #tpu.memory_space<vmem>>) semaphore(%run_scoped3A_456 : memref<!tpu.dma_semaphore, #tpu.memory_space<semaphore_mem>>) {add = true}
        %dma_wait3A_462 = arith.constant 0 : i32
        %dma_wait3A_463 = tpu.memref_slice %arg10[%run_scoped3A_373, %dma_wait3A_462] : memref<2x128xi32, #tpu.memory_space<vmem>> -> memref<1x128xi32, #tpu.memory_space<vmem>>
        %dma_wait3A_464 = tpu.memref_squeeze %dma_wait3A_463 : memref<1x128xi32, #tpu.memory_space<vmem>> -> memref<128xi32, #tpu.memory_space<vmem>>
        %dma_wait3A_465 = arith.constant 0 : i32
        %dma_wait3A_466 = tpu.memref_slice %arg8[%dma_wait3A_465] : memref<10240xf32, #tpu.memory_space<vmem_shared>> -> memref<10240xf32, #tpu.memory_space<vmem_shared>>
        tpu.wait_indirect_dma semaphore(%run_scoped3A_456 : memref<!tpu.dma_semaphore, #tpu.memory_space<semaphore_mem>>) src(%arg13 : memref<128xf32, #tpu.memory_space<vmem>>) dst(%dma_wait3A_466 : memref<10240xf32, #tpu.memory_space<vmem_shared>>)
        tpu.yield
      }) : () -> ()
      %add3A_374 = arith.constant 2 : i32
      %add3A_375 = arith.addi %mul3A_339, %add3A_374 : i32
      %mul3A_376 = arith.constant 128 : i32
      %mul3A_377 = arith.muli %add3A_375, %mul3A_376 : i32
      %add3A_378 = arith.addi %select_n3A, %mul3A_377 : i32
      %dma_start3A_379 = arith.constant 0 : i32
      %dma_start3A_380 = arith.constant 0 : i32
      %dma_start3A_381 = tpu.memref_slice %arg9[%dma_start3A_379, %dma_start3A_380] : memref<2x128xi32, #tpu.memory_space<vmem>> -> memref<1x128xi32, #tpu.memory_space<vmem>>
      %dma_start3A_382 = tpu.memref_squeeze %dma_start3A_381 : memref<1x128xi32, #tpu.memory_space<vmem>> -> memref<128xi32, #tpu.memory_space<vmem>>
      %dma_start3A_383 = tpu.memref_slice %arg2[%add3A_378] : memref<323584xi32, #tpu.memory_space<hbm>> -> memref<128xi32, #tpu.memory_space<hbm>>
      %dma_start3A_384 = arith.constant 0 : i32
      %dma_start3A_385 = tpu.memref_slice %arg9[%dma_start3A_379, %dma_start3A_384] : memref<2x128xi32, #tpu.memory_space<vmem>> -> memref<1x128xi32, #tpu.memory_space<vmem>>
      %dma_start3A_386 = tpu.memref_squeeze %dma_start3A_385 : memref<1x128xi32, #tpu.memory_space<vmem>> -> memref<128xi32, #tpu.memory_space<vmem>>
      %dma_start3A_387 = tpu.memref_slice %arg2[%add3A_378] : memref<323584xi32, #tpu.memory_space<hbm>> -> memref<128xi32, #tpu.memory_space<hbm>>
      tpu.enqueue_dma source(%dma_start3A_387 : memref<128xi32, #tpu.memory_space<hbm>>) target(%dma_start3A_386 : memref<128xi32, #tpu.memory_space<vmem>>) target_semaphore(%arg17 : memref<!tpu.dma_semaphore, #tpu.memory_space<semaphore_mem>>)
      %dma_start3A_388 = arith.constant 0 : i32
      %dma_start3A_389 = arith.constant 0 : i32
      %dma_start3A_390 = tpu.memref_slice %arg10[%dma_start3A_388, %dma_start3A_389] : memref<2x128xi32, #tpu.memory_space<vmem>> -> memref<1x128xi32, #tpu.memory_space<vmem>>
      %dma_start3A_391 = tpu.memref_squeeze %dma_start3A_390 : memref<1x128xi32, #tpu.memory_space<vmem>> -> memref<128xi32, #tpu.memory_space<vmem>>
      %dma_start3A_392 = tpu.memref_slice %arg3[%add3A_378] : memref<323584xi32, #tpu.memory_space<hbm>> -> memref<128xi32, #tpu.memory_space<hbm>>
      %dma_start3A_393 = arith.constant 0 : i32
      %dma_start3A_394 = tpu.memref_slice %arg10[%dma_start3A_388, %dma_start3A_393] : memref<2x128xi32, #tpu.memory_space<vmem>> -> memref<1x128xi32, #tpu.memory_space<vmem>>
      %dma_start3A_395 = tpu.memref_squeeze %dma_start3A_394 : memref<1x128xi32, #tpu.memory_space<vmem>> -> memref<128xi32, #tpu.memory_space<vmem>>
      %dma_start3A_396 = tpu.memref_slice %arg3[%add3A_378] : memref<323584xi32, #tpu.memory_space<hbm>> -> memref<128xi32, #tpu.memory_space<hbm>>
      tpu.enqueue_dma source(%dma_start3A_396 : memref<128xi32, #tpu.memory_space<hbm>>) target(%dma_start3A_395 : memref<128xi32, #tpu.memory_space<vmem>>) target_semaphore(%arg19 : memref<!tpu.dma_semaphore, #tpu.memory_space<semaphore_mem>>)
      %add3A_397 = arith.constant 1 : i32
      %add3A_398 = arith.addi %mul3A_339, %add3A_397 : i32
      %dma_wait3A_399 = arith.constant 0 : i32
      %dma_wait3A_400 = arith.constant 0 : i32
      %dma_wait3A_401 = tpu.memref_slice %arg9[%dma_wait3A_399, %dma_wait3A_400] : memref<2x128xi32, #tpu.memory_space<vmem>> -> memref<1x128xi32, #tpu.memory_space<vmem>>
      %dma_wait3A_402 = tpu.memref_squeeze %dma_wait3A_401 : memref<1x128xi32, #tpu.memory_space<vmem>> -> memref<128xi32, #tpu.memory_space<vmem>>
      %dma_wait3A_403 = tpu.memref_slice %arg2[%select_n3A] : memref<323584xi32, #tpu.memory_space<hbm>> -> memref<128xi32, #tpu.memory_space<hbm>>
      %dma_wait3A_404 = arith.constant 0 : i32
      %dma_wait3A_405 = tpu.memref_slice %arg9[%dma_wait3A_399, %dma_wait3A_404] : memref<2x128xi32, #tpu.memory_space<vmem>> -> memref<1x128xi32, #tpu.memory_space<vmem>>
      %dma_wait3A_406 = tpu.memref_squeeze %dma_wait3A_405 : memref<1x128xi32, #tpu.memory_space<vmem>> -> memref<128xi32, #tpu.memory_space<vmem>>
      %dma_wait3A_407 = tpu.memref_slice %arg2[%select_n3A] : memref<323584xi32, #tpu.memory_space<hbm>> -> memref<128xi32, #tpu.memory_space<hbm>>
      tpu.wait_dma2 semaphore(%arg17 : memref<!tpu.dma_semaphore, #tpu.memory_space<semaphore_mem>>) src(%dma_wait3A_407 : memref<128xi32, #tpu.memory_space<hbm>>) dst(%dma_wait3A_406 : memref<128xi32, #tpu.memory_space<vmem>>)
      %dma_start3A_408 = arith.constant 0 : i32
      %dma_start3A_409 = arith.constant 0 : i32
      %dma_start3A_410 = tpu.memref_slice %arg9[%dma_start3A_408, %dma_start3A_409] : memref<2x128xi32, #tpu.memory_space<vmem>> -> memref<1x128xi32, #tpu.memory_space<vmem>>
      %dma_start3A_411 = tpu.memref_squeeze %dma_start3A_410 : memref<1x128xi32, #tpu.memory_space<vmem>> -> memref<128xi32, #tpu.memory_space<vmem>>
      %dma_start3A_412 = arith.constant 0 : i32
      %dma_start3A_413 = arith.constant 0 : i32
      %dma_start3A_414 = tpu.memref_slice %arg4[%dma_start3A_412, %dma_start3A_413] : memref<10000x128xf32, #tpu.memory_space<hbm>> -> memref<10000x128xf32, #tpu.memory_space<hbm>>
      tpu.enqueue_indirect_dma source(%dma_start3A_414 : memref<10000x128xf32, #tpu.memory_space<hbm>>) target(%arg11 : memref<128x128xf32, #tpu.memory_space<vmem>>) offsets(%dma_start3A_411 : memref<128xi32, #tpu.memory_space<vmem>>) semaphore(%arg15 : memref<!tpu.dma_semaphore, #tpu.memory_space<semaphore_mem>>)
      %dma_wait3A_415 = arith.constant 1 : i32
      %dma_wait3A_416 = arith.constant 0 : i32
      %dma_wait3A_417 = tpu.memref_slice %arg9[%dma_wait3A_415, %dma_wait3A_416] : memref<2x128xi32, #tpu.memory_space<vmem>> -> memref<1x128xi32, #tpu.memory_space<vmem>>
      %dma_wait3A_418 = tpu.memref_squeeze %dma_wait3A_417 : memref<1x128xi32, #tpu.memory_space<vmem>> -> memref<128xi32, #tpu.memory_space<vmem>>
      %dma_wait3A_419 = arith.constant 0 : i32
      %dma_wait3A_420 = arith.constant 0 : i32
      %dma_wait3A_421 = tpu.memref_slice %arg4[%dma_wait3A_419, %dma_wait3A_420] : memref<10000x128xf32, #tpu.memory_space<hbm>> -> memref<10000x128xf32, #tpu.memory_space<hbm>>
      tpu.wait_indirect_dma semaphore(%arg16 : memref<!tpu.dma_semaphore, #tpu.memory_space<semaphore_mem>>) src(%dma_wait3A_421 : memref<10000x128xf32, #tpu.memory_space<hbm>>) dst(%arg12 : memref<128x128xf32, #tpu.memory_space<vmem>>)
      %dma_wait3A_422 = arith.constant 1 : i32
      %dma_wait3A_423 = arith.constant 0 : i32
      %dma_wait3A_424 = tpu.memref_slice %arg10[%dma_wait3A_422, %dma_wait3A_423] : memref<2x128xi32, #tpu.memory_space<vmem>> -> memref<1x128xi32, #tpu.memory_space<vmem>>
      %dma_wait3A_425 = tpu.memref_squeeze %dma_wait3A_424 : memref<1x128xi32, #tpu.memory_space<vmem>> -> memref<128xi32, #tpu.memory_space<vmem>>
      %dma_wait3A_426 = tpu.memref_slice %arg3[%select_n3A] : memref<323584xi32, #tpu.memory_space<hbm>> -> memref<128xi32, #tpu.memory_space<hbm>>
      %dma_wait3A_427 = arith.constant 0 : i32
      %dma_wait3A_428 = tpu.memref_slice %arg10[%dma_wait3A_422, %dma_wait3A_427] : memref<2x128xi32, #tpu.memory_space<vmem>> -> memref<1x128xi32, #tpu.memory_space<vmem>>
      %dma_wait3A_429 = tpu.memref_squeeze %dma_wait3A_428 : memref<1x128xi32, #tpu.memory_space<vmem>> -> memref<128xi32, #tpu.memory_space<vmem>>
      %dma_wait3A_430 = tpu.memref_slice %arg3[%select_n3A] : memref<323584xi32, #tpu.memory_space<hbm>> -> memref<128xi32, #tpu.memory_space<hbm>>
      tpu.wait_dma2 semaphore(%arg20 : memref<!tpu.dma_semaphore, #tpu.memory_space<semaphore_mem>>) src(%dma_wait3A_430 : memref<128xi32, #tpu.memory_space<hbm>>) dst(%dma_wait3A_429 : memref<128xi32, #tpu.memory_space<vmem>>)
      %run_scoped3A_431 = arith.constant 1 : i32
      "tpu.region"() ({
        %run_scoped3A_456 = tpu.sem_alloc : memref<!tpu.dma_semaphore, #tpu.memory_space<semaphore_mem>>
        %dma_start3A_457 = arith.constant 0 : i32
        %dma_start3A_458 = tpu.memref_slice %arg10[%run_scoped3A_431, %dma_start3A_457] : memref<2x128xi32, #tpu.memory_space<vmem>> -> memref<1x128xi32, #tpu.memory_space<vmem>>
        %dma_start3A_459 = tpu.memref_squeeze %dma_start3A_458 : memref<1x128xi32, #tpu.memory_space<vmem>> -> memref<128xi32, #tpu.memory_space<vmem>>
        %dma_start3A_460 = arith.constant 0 : i32
        %dma_start3A_461 = arith.constant 0 : i32
        %dma_start3A_462 = tpu.memref_slice %arg7[%dma_start3A_460, %dma_start3A_461] : memref<10240x128xf32, #tpu.memory_space<vmem_shared>> -> memref<10240x128xf32, #tpu.memory_space<vmem_shared>>
        tpu.enqueue_indirect_dma source(%arg12 : memref<128x128xf32, #tpu.memory_space<vmem>>) target(%dma_start3A_462 : memref<10240x128xf32, #tpu.memory_space<vmem_shared>>) offsets(%dma_start3A_459 : memref<128xi32, #tpu.memory_space<vmem>>) semaphore(%run_scoped3A_456 : memref<!tpu.dma_semaphore, #tpu.memory_space<semaphore_mem>>) {add = true}
        %dma_wait3A_463 = arith.constant 0 : i32
        %dma_wait3A_464 = tpu.memref_slice %arg10[%run_scoped3A_431, %dma_wait3A_463] : memref<2x128xi32, #tpu.memory_space<vmem>> -> memref<1x128xi32, #tpu.memory_space<vmem>>
        %dma_wait3A_465 = tpu.memref_squeeze %dma_wait3A_464 : memref<1x128xi32, #tpu.memory_space<vmem>> -> memref<128xi32, #tpu.memory_space<vmem>>
        %dma_wait3A_466 = arith.constant 0 : i32
        %dma_wait3A_467 = arith.constant 0 : i32
        %dma_wait3A_468 = tpu.memref_slice %arg7[%dma_wait3A_466, %dma_wait3A_467] : memref<10240x128xf32, #tpu.memory_space<vmem_shared>> -> memref<10240x128xf32, #tpu.memory_space<vmem_shared>>
        tpu.wait_indirect_dma semaphore(%run_scoped3A_456 : memref<!tpu.dma_semaphore, #tpu.memory_space<semaphore_mem>>) src(%arg12 : memref<128x128xf32, #tpu.memory_space<vmem>>) dst(%dma_wait3A_468 : memref<10240x128xf32, #tpu.memory_space<vmem_shared>>)
        tpu.yield
      }) : () -> ()
      %run_scoped3A_432 = arith.constant 1 : i32
      "tpu.region"() ({
        %run_scoped3A_456 = tpu.sem_alloc : memref<!tpu.dma_semaphore, #tpu.memory_space<semaphore_mem>>
        %dma_start3A_457 = arith.constant 0 : i32
        %dma_start3A_458 = tpu.memref_slice %arg10[%run_scoped3A_432, %dma_start3A_457] : memref<2x128xi32, #tpu.memory_space<vmem>> -> memref<1x128xi32, #tpu.memory_space<vmem>>
        %dma_start3A_459 = tpu.memref_squeeze %dma_start3A_458 : memref<1x128xi32, #tpu.memory_space<vmem>> -> memref<128xi32, #tpu.memory_space<vmem>>
        %dma_start3A_460 = arith.constant 0 : i32
        %dma_start3A_461 = tpu.memref_slice %arg8[%dma_start3A_460] : memref<10240xf32, #tpu.memory_space<vmem_shared>> -> memref<10240xf32, #tpu.memory_space<vmem_shared>>
        tpu.enqueue_indirect_dma source(%arg13 : memref<128xf32, #tpu.memory_space<vmem>>) target(%dma_start3A_461 : memref<10240xf32, #tpu.memory_space<vmem_shared>>) offsets(%dma_start3A_459 : memref<128xi32, #tpu.memory_space<vmem>>) semaphore(%run_scoped3A_456 : memref<!tpu.dma_semaphore, #tpu.memory_space<semaphore_mem>>) {add = true}
        %dma_wait3A_462 = arith.constant 0 : i32
        %dma_wait3A_463 = tpu.memref_slice %arg10[%run_scoped3A_432, %dma_wait3A_462] : memref<2x128xi32, #tpu.memory_space<vmem>> -> memref<1x128xi32, #tpu.memory_space<vmem>>
        %dma_wait3A_464 = tpu.memref_squeeze %dma_wait3A_463 : memref<1x128xi32, #tpu.memory_space<vmem>> -> memref<128xi32, #tpu.memory_space<vmem>>
        %dma_wait3A_465 = arith.constant 0 : i32
        %dma_wait3A_466 = tpu.memref_slice %arg8[%dma_wait3A_465] : memref<10240xf32, #tpu.memory_space<vmem_shared>> -> memref<10240xf32, #tpu.memory_space<vmem_shared>>
        tpu.wait_indirect_dma semaphore(%run_scoped3A_456 : memref<!tpu.dma_semaphore, #tpu.memory_space<semaphore_mem>>) src(%arg13 : memref<128xf32, #tpu.memory_space<vmem>>) dst(%dma_wait3A_466 : memref<10240xf32, #tpu.memory_space<vmem_shared>>)
        tpu.yield
      }) : () -> ()
      %add3A_433 = arith.constant 2 : i32
      %add3A_434 = arith.addi %add3A_398, %add3A_433 : i32
      %mul3A_435 = arith.constant 128 : i32
      %mul3A_436 = arith.muli %add3A_434, %mul3A_435 : i32
      %add3A_437 = arith.addi %select_n3A, %mul3A_436 : i32
      %dma_start3A_438 = arith.constant 1 : i32
      %dma_start3A_439 = arith.constant 0 : i32
      %dma_start3A_440 = tpu.memref_slice %arg9[%dma_start3A_438, %dma_start3A_439] : memref<2x128xi32, #tpu.memory_space<vmem>> -> memref<1x128xi32, #tpu.memory_space<vmem>>
      %dma_start3A_441 = tpu.memref_squeeze %dma_start3A_440 : memref<1x128xi32, #tpu.memory_space<vmem>> -> memref<128xi32, #tpu.memory_space<vmem>>
      %dma_start3A_442 = tpu.memref_slice %arg2[%add3A_437] : memref<323584xi32, #tpu.memory_space<hbm>> -> memref<128xi32, #tpu.memory_space<hbm>>
      %dma_start3A_443 = arith.constant 0 : i32
      %dma_start3A_444 = tpu.memref_slice %arg9[%dma_start3A_438, %dma_start3A_443] : memref<2x128xi32, #tpu.memory_space<vmem>> -> memref<1x128xi32, #tpu.memory_space<vmem>>
      %dma_start3A_445 = tpu.memref_squeeze %dma_start3A_444 : memref<1x128xi32, #tpu.memory_space<vmem>> -> memref<128xi32, #tpu.memory_space<vmem>>
      %dma_start3A_446 = tpu.memref_slice %arg2[%add3A_437] : memref<323584xi32, #tpu.memory_space<hbm>> -> memref<128xi32, #tpu.memory_space<hbm>>
      tpu.enqueue_dma source(%dma_start3A_446 : memref<128xi32, #tpu.memory_space<hbm>>) target(%dma_start3A_445 : memref<128xi32, #tpu.memory_space<vmem>>) target_semaphore(%arg18 : memref<!tpu.dma_semaphore, #tpu.memory_space<semaphore_mem>>)
      %dma_start3A_447 = arith.constant 1 : i32
      %dma_start3A_448 = arith.constant 0 : i32
      %dma_start3A_449 = tpu.memref_slice %arg10[%dma_start3A_447, %dma_start3A_448] : memref<2x128xi32, #tpu.memory_space<vmem>> -> memref<1x128xi32, #tpu.memory_space<vmem>>
      %dma_start3A_450 = tpu.memref_squeeze %dma_start3A_449 : memref<1x128xi32, #tpu.memory_space<vmem>> -> memref<128xi32, #tpu.memory_space<vmem>>
      %dma_start3A_451 = tpu.memref_slice %arg3[%add3A_437] : memref<323584xi32, #tpu.memory_space<hbm>> -> memref<128xi32, #tpu.memory_space<hbm>>
      %dma_start3A_452 = arith.constant 0 : i32
      %dma_start3A_453 = tpu.memref_slice %arg10[%dma_start3A_447, %dma_start3A_452] : memref<2x128xi32, #tpu.memory_space<vmem>> -> memref<1x128xi32, #tpu.memory_space<vmem>>
      %dma_start3A_454 = tpu.memref_squeeze %dma_start3A_453 : memref<1x128xi32, #tpu.memory_space<vmem>> -> memref<128xi32, #tpu.memory_space<vmem>>
      %dma_start3A_455 = tpu.memref_slice %arg3[%add3A_437] : memref<323584xi32, #tpu.memory_space<hbm>> -> memref<128xi32, #tpu.memory_space<hbm>>
      tpu.enqueue_dma source(%dma_start3A_455 : memref<128xi32, #tpu.memory_space<hbm>>) target(%dma_start3A_454 : memref<128xi32, #tpu.memory_space<vmem>>) target_semaphore(%arg20 : memref<!tpu.dma_semaphore, #tpu.memory_space<semaphore_mem>>)
    }
    %while3A_138 = arith.constant 1 : i32
    scf.for %while3A_337 = %while3A_136 to %while3A_132 step %while3A_138  : i32 {
      %mul3A_338 = arith.constant 2 : i32
      %mul3A_339 = arith.muli %mul3A_338, %while3A_337 : i32
      %dma_wait3A_340 = arith.constant 1 : i32
      %dma_wait3A_341 = arith.constant 0 : i32
      %dma_wait3A_342 = tpu.memref_slice %arg9[%dma_wait3A_340, %dma_wait3A_341] : memref<2x128xi32, #tpu.memory_space<vmem>> -> memref<1x128xi32, #tpu.memory_space<vmem>>
      %dma_wait3A_343 = tpu.memref_squeeze %dma_wait3A_342 : memref<1x128xi32, #tpu.memory_space<vmem>> -> memref<128xi32, #tpu.memory_space<vmem>>
      %dma_wait3A_344 = tpu.memref_slice %arg2[%select_n3A] : memref<323584xi32, #tpu.memory_space<hbm>> -> memref<128xi32, #tpu.memory_space<hbm>>
      %dma_wait3A_345 = arith.constant 0 : i32
      %dma_wait3A_346 = tpu.memref_slice %arg9[%dma_wait3A_340, %dma_wait3A_345] : memref<2x128xi32, #tpu.memory_space<vmem>> -> memref<1x128xi32, #tpu.memory_space<vmem>>
      %dma_wait3A_347 = tpu.memref_squeeze %dma_wait3A_346 : memref<1x128xi32, #tpu.memory_space<vmem>> -> memref<128xi32, #tpu.memory_space<vmem>>
      %dma_wait3A_348 = tpu.memref_slice %arg2[%select_n3A] : memref<323584xi32, #tpu.memory_space<hbm>> -> memref<128xi32, #tpu.memory_space<hbm>>
      tpu.wait_dma2 semaphore(%arg18 : memref<!tpu.dma_semaphore, #tpu.memory_space<semaphore_mem>>) src(%dma_wait3A_348 : memref<128xi32, #tpu.memory_space<hbm>>) dst(%dma_wait3A_347 : memref<128xi32, #tpu.memory_space<vmem>>)
      %dma_start3A_349 = arith.constant 1 : i32
      %dma_start3A_350 = arith.constant 0 : i32
      %dma_start3A_351 = tpu.memref_slice %arg9[%dma_start3A_349, %dma_start3A_350] : memref<2x128xi32, #tpu.memory_space<vmem>> -> memref<1x128xi32, #tpu.memory_space<vmem>>
      %dma_start3A_352 = tpu.memref_squeeze %dma_start3A_351 : memref<1x128xi32, #tpu.memory_space<vmem>> -> memref<128xi32, #tpu.memory_space<vmem>>
      %dma_start3A_353 = arith.constant 0 : i32
      %dma_start3A_354 = arith.constant 0 : i32
      %dma_start3A_355 = tpu.memref_slice %arg4[%dma_start3A_353, %dma_start3A_354] : memref<10000x128xf32, #tpu.memory_space<hbm>> -> memref<10000x128xf32, #tpu.memory_space<hbm>>
      tpu.enqueue_indirect_dma source(%dma_start3A_355 : memref<10000x128xf32, #tpu.memory_space<hbm>>) target(%arg12 : memref<128x128xf32, #tpu.memory_space<vmem>>) offsets(%dma_start3A_352 : memref<128xi32, #tpu.memory_space<vmem>>) semaphore(%arg16 : memref<!tpu.dma_semaphore, #tpu.memory_space<semaphore_mem>>)
      %dma_wait3A_356 = arith.constant 0 : i32
      %dma_wait3A_357 = arith.constant 0 : i32
      %dma_wait3A_358 = tpu.memref_slice %arg9[%dma_wait3A_356, %dma_wait3A_357] : memref<2x128xi32, #tpu.memory_space<vmem>> -> memref<1x128xi32, #tpu.memory_space<vmem>>
      %dma_wait3A_359 = tpu.memref_squeeze %dma_wait3A_358 : memref<1x128xi32, #tpu.memory_space<vmem>> -> memref<128xi32, #tpu.memory_space<vmem>>
      %dma_wait3A_360 = arith.constant 0 : i32
      %dma_wait3A_361 = arith.constant 0 : i32
      %dma_wait3A_362 = tpu.memref_slice %arg4[%dma_wait3A_360, %dma_wait3A_361] : memref<10000x128xf32, #tpu.memory_space<hbm>> -> memref<10000x128xf32, #tpu.memory_space<hbm>>
      tpu.wait_indirect_dma semaphore(%arg15 : memref<!tpu.dma_semaphore, #tpu.memory_space<semaphore_mem>>) src(%dma_wait3A_362 : memref<10000x128xf32, #tpu.memory_space<hbm>>) dst(%arg11 : memref<128x128xf32, #tpu.memory_space<vmem>>)
      %dma_wait3A_363 = arith.constant 0 : i32
      %dma_wait3A_364 = arith.constant 0 : i32
      %dma_wait3A_365 = tpu.memref_slice %arg10[%dma_wait3A_363, %dma_wait3A_364] : memref<2x128xi32, #tpu.memory_space<vmem>> -> memref<1x128xi32, #tpu.memory_space<vmem>>
      %dma_wait3A_366 = tpu.memref_squeeze %dma_wait3A_365 : memref<1x128xi32, #tpu.memory_space<vmem>> -> memref<128xi32, #tpu.memory_space<vmem>>
      %dma_wait3A_367 = tpu.memref_slice %arg3[%select_n3A] : memref<323584xi32, #tpu.memory_space<hbm>> -> memref<128xi32, #tpu.memory_space<hbm>>
      %dma_wait3A_368 = arith.constant 0 : i32
      %dma_wait3A_369 = tpu.memref_slice %arg10[%dma_wait3A_363, %dma_wait3A_368] : memref<2x128xi32, #tpu.memory_space<vmem>> -> memref<1x128xi32, #tpu.memory_space<vmem>>
      %dma_wait3A_370 = tpu.memref_squeeze %dma_wait3A_369 : memref<1x128xi32, #tpu.memory_space<vmem>> -> memref<128xi32, #tpu.memory_space<vmem>>
      %dma_wait3A_371 = tpu.memref_slice %arg3[%select_n3A] : memref<323584xi32, #tpu.memory_space<hbm>> -> memref<128xi32, #tpu.memory_space<hbm>>
      tpu.wait_dma2 semaphore(%arg19 : memref<!tpu.dma_semaphore, #tpu.memory_space<semaphore_mem>>) src(%dma_wait3A_371 : memref<128xi32, #tpu.memory_space<hbm>>) dst(%dma_wait3A_370 : memref<128xi32, #tpu.memory_space<vmem>>)
      %run_scoped3A_372 = arith.constant 0 : i32
      "tpu.region"() ({
        %run_scoped3A_456 = tpu.sem_alloc : memref<!tpu.dma_semaphore, #tpu.memory_space<semaphore_mem>>
        %dma_start3A_457 = arith.constant 0 : i32
        %dma_start3A_458 = tpu.memref_slice %arg10[%run_scoped3A_372, %dma_start3A_457] : memref<2x128xi32, #tpu.memory_space<vmem>> -> memref<1x128xi32, #tpu.memory_space<vmem>>
        %dma_start3A_459 = tpu.memref_squeeze %dma_start3A_458 : memref<1x128xi32, #tpu.memory_space<vmem>> -> memref<128xi32, #tpu.memory_space<vmem>>
        %dma_start3A_460 = arith.constant 0 : i32
        %dma_start3A_461 = arith.constant 0 : i32
        %dma_start3A_462 = tpu.memref_slice %arg7[%dma_start3A_460, %dma_start3A_461] : memref<10240x128xf32, #tpu.memory_space<vmem_shared>> -> memref<10240x128xf32, #tpu.memory_space<vmem_shared>>
        tpu.enqueue_indirect_dma source(%arg11 : memref<128x128xf32, #tpu.memory_space<vmem>>) target(%dma_start3A_462 : memref<10240x128xf32, #tpu.memory_space<vmem_shared>>) offsets(%dma_start3A_459 : memref<128xi32, #tpu.memory_space<vmem>>) semaphore(%run_scoped3A_456 : memref<!tpu.dma_semaphore, #tpu.memory_space<semaphore_mem>>) {add = true}
        %dma_wait3A_463 = arith.constant 0 : i32
        %dma_wait3A_464 = tpu.memref_slice %arg10[%run_scoped3A_372, %dma_wait3A_463] : memref<2x128xi32, #tpu.memory_space<vmem>> -> memref<1x128xi32, #tpu.memory_space<vmem>>
        %dma_wait3A_465 = tpu.memref_squeeze %dma_wait3A_464 : memref<1x128xi32, #tpu.memory_space<vmem>> -> memref<128xi32, #tpu.memory_space<vmem>>
        %dma_wait3A_466 = arith.constant 0 : i32
        %dma_wait3A_467 = arith.constant 0 : i32
        %dma_wait3A_468 = tpu.memref_slice %arg7[%dma_wait3A_466, %dma_wait3A_467] : memref<10240x128xf32, #tpu.memory_space<vmem_shared>> -> memref<10240x128xf32, #tpu.memory_space<vmem_shared>>
        tpu.wait_indirect_dma semaphore(%run_scoped3A_456 : memref<!tpu.dma_semaphore, #tpu.memory_space<semaphore_mem>>) src(%arg11 : memref<128x128xf32, #tpu.memory_space<vmem>>) dst(%dma_wait3A_468 : memref<10240x128xf32, #tpu.memory_space<vmem_shared>>)
        tpu.yield
      }) : () -> ()
      %run_scoped3A_373 = arith.constant 0 : i32
      "tpu.region"() ({
        %run_scoped3A_456 = tpu.sem_alloc : memref<!tpu.dma_semaphore, #tpu.memory_space<semaphore_mem>>
        %dma_start3A_457 = arith.constant 0 : i32
        %dma_start3A_458 = tpu.memref_slice %arg10[%run_scoped3A_373, %dma_start3A_457] : memref<2x128xi32, #tpu.memory_space<vmem>> -> memref<1x128xi32, #tpu.memory_space<vmem>>
        %dma_start3A_459 = tpu.memref_squeeze %dma_start3A_458 : memref<1x128xi32, #tpu.memory_space<vmem>> -> memref<128xi32, #tpu.memory_space<vmem>>
        %dma_start3A_460 = arith.constant 0 : i32
        %dma_start3A_461 = tpu.memref_slice %arg8[%dma_start3A_460] : memref<10240xf32, #tpu.memory_space<vmem_shared>> -> memref<10240xf32, #tpu.memory_space<vmem_shared>>
        tpu.enqueue_indirect_dma source(%arg13 : memref<128xf32, #tpu.memory_space<vmem>>) target(%dma_start3A_461 : memref<10240xf32, #tpu.memory_space<vmem_shared>>) offsets(%dma_start3A_459 : memref<128xi32, #tpu.memory_space<vmem>>) semaphore(%run_scoped3A_456 : memref<!tpu.dma_semaphore, #tpu.memory_space<semaphore_mem>>) {add = true}
        %dma_wait3A_462 = arith.constant 0 : i32
        %dma_wait3A_463 = tpu.memref_slice %arg10[%run_scoped3A_373, %dma_wait3A_462] : memref<2x128xi32, #tpu.memory_space<vmem>> -> memref<1x128xi32, #tpu.memory_space<vmem>>
        %dma_wait3A_464 = tpu.memref_squeeze %dma_wait3A_463 : memref<1x128xi32, #tpu.memory_space<vmem>> -> memref<128xi32, #tpu.memory_space<vmem>>
        %dma_wait3A_465 = arith.constant 0 : i32
        %dma_wait3A_466 = tpu.memref_slice %arg8[%dma_wait3A_465] : memref<10240xf32, #tpu.memory_space<vmem_shared>> -> memref<10240xf32, #tpu.memory_space<vmem_shared>>
        tpu.wait_indirect_dma semaphore(%run_scoped3A_456 : memref<!tpu.dma_semaphore, #tpu.memory_space<semaphore_mem>>) src(%arg13 : memref<128xf32, #tpu.memory_space<vmem>>) dst(%dma_wait3A_466 : memref<10240xf32, #tpu.memory_space<vmem_shared>>)
        tpu.yield
      }) : () -> ()
      %add3A_374 = arith.constant 2 : i32
      %add3A_375 = arith.addi %mul3A_339, %add3A_374 : i32
      %mul3A_376 = arith.constant 128 : i32
      %mul3A_377 = arith.muli %add3A_375, %mul3A_376 : i32
      %add3A_378 = arith.addi %select_n3A, %mul3A_377 : i32
      %dma_start3A_379 = arith.constant 0 : i32
      %dma_start3A_380 = arith.constant 0 : i32
      %dma_start3A_381 = tpu.memref_slice %arg9[%dma_start3A_379, %dma_start3A_380] : memref<2x128xi32, #tpu.memory_space<vmem>> -> memref<1x128xi32, #tpu.memory_space<vmem>>
      %dma_start3A_382 = tpu.memref_squeeze %dma_start3A_381 : memref<1x128xi32, #tpu.memory_space<vmem>> -> memref<128xi32, #tpu.memory_space<vmem>>
      %dma_start3A_383 = tpu.memref_slice %arg2[%add3A_378] : memref<323584xi32, #tpu.memory_space<hbm>> -> memref<128xi32, #tpu.memory_space<hbm>>
      %dma_start3A_384 = arith.constant 0 : i32
      %dma_start3A_385 = tpu.memref_slice %arg9[%dma_start3A_379, %dma_start3A_384] : memref<2x128xi32, #tpu.memory_space<vmem>> -> memref<1x128xi32, #tpu.memory_space<vmem>>
      %dma_start3A_386 = tpu.memref_squeeze %dma_start3A_385 : memref<1x128xi32, #tpu.memory_space<vmem>> -> memref<128xi32, #tpu.memory_space<vmem>>
      %dma_start3A_387 = tpu.memref_slice %arg2[%add3A_378] : memref<323584xi32, #tpu.memory_space<hbm>> -> memref<128xi32, #tpu.memory_space<hbm>>
      tpu.enqueue_dma source(%dma_start3A_387 : memref<128xi32, #tpu.memory_space<hbm>>) target(%dma_start3A_386 : memref<128xi32, #tpu.memory_space<vmem>>) target_semaphore(%arg17 : memref<!tpu.dma_semaphore, #tpu.memory_space<semaphore_mem>>)
      %dma_start3A_388 = arith.constant 0 : i32
      %dma_start3A_389 = arith.constant 0 : i32
      %dma_start3A_390 = tpu.memref_slice %arg10[%dma_start3A_388, %dma_start3A_389] : memref<2x128xi32, #tpu.memory_space<vmem>> -> memref<1x128xi32, #tpu.memory_space<vmem>>
      %dma_start3A_391 = tpu.memref_squeeze %dma_start3A_390 : memref<1x128xi32, #tpu.memory_space<vmem>> -> memref<128xi32, #tpu.memory_space<vmem>>
      %dma_start3A_392 = tpu.memref_slice %arg3[%add3A_378] : memref<323584xi32, #tpu.memory_space<hbm>> -> memref<128xi32, #tpu.memory_space<hbm>>
      %dma_start3A_393 = arith.constant 0 : i32
      %dma_start3A_394 = tpu.memref_slice %arg10[%dma_start3A_388, %dma_start3A_393] : memref<2x128xi32, #tpu.memory_space<vmem>> -> memref<1x128xi32, #tpu.memory_space<vmem>>
      %dma_start3A_395 = tpu.memref_squeeze %dma_start3A_394 : memref<1x128xi32, #tpu.memory_space<vmem>> -> memref<128xi32, #tpu.memory_space<vmem>>
      %dma_start3A_396 = tpu.memref_slice %arg3[%add3A_378] : memref<323584xi32, #tpu.memory_space<hbm>> -> memref<128xi32, #tpu.memory_space<hbm>>
      tpu.enqueue_dma source(%dma_start3A_396 : memref<128xi32, #tpu.memory_space<hbm>>) target(%dma_start3A_395 : memref<128xi32, #tpu.memory_space<vmem>>) target_semaphore(%arg19 : memref<!tpu.dma_semaphore, #tpu.memory_space<semaphore_mem>>)
      %add3A_397 = arith.constant 1 : i32
      %add3A_398 = arith.addi %mul3A_339, %add3A_397 : i32
      %dma_wait3A_399 = arith.constant 0 : i32
      %dma_wait3A_400 = arith.constant 0 : i32
      %dma_wait3A_401 = tpu.memref_slice %arg9[%dma_wait3A_399, %dma_wait3A_400] : memref<2x128xi32, #tpu.memory_space<vmem>> -> memref<1x128xi32, #tpu.memory_space<vmem>>
      %dma_wait3A_402 = tpu.memref_squeeze %dma_wait3A_401 : memref<1x128xi32, #tpu.memory_space<vmem>> -> memref<128xi32, #tpu.memory_space<vmem>>
      %dma_wait3A_403 = tpu.memref_slice %arg2[%select_n3A] : memref<323584xi32, #tpu.memory_space<hbm>> -> memref<128xi32, #tpu.memory_space<hbm>>
      %dma_wait3A_404 = arith.constant 0 : i32
      %dma_wait3A_405 = tpu.memref_slice %arg9[%dma_wait3A_399, %dma_wait3A_404] : memref<2x128xi32, #tpu.memory_space<vmem>> -> memref<1x128xi32, #tpu.memory_space<vmem>>
      %dma_wait3A_406 = tpu.memref_squeeze %dma_wait3A_405 : memref<1x128xi32, #tpu.memory_space<vmem>> -> memref<128xi32, #tpu.memory_space<vmem>>
      %dma_wait3A_407 = tpu.memref_slice %arg2[%select_n3A] : memref<323584xi32, #tpu.memory_space<hbm>> -> memref<128xi32, #tpu.memory_space<hbm>>
      tpu.wait_dma2 semaphore(%arg17 : memref<!tpu.dma_semaphore, #tpu.memory_space<semaphore_mem>>) src(%dma_wait3A_407 : memref<128xi32, #tpu.memory_space<hbm>>) dst(%dma_wait3A_406 : memref<128xi32, #tpu.memory_space<vmem>>)
      %dma_start3A_408 = arith.constant 0 : i32
      %dma_start3A_409 = arith.constant 0 : i32
      %dma_start3A_410 = tpu.memref_slice %arg9[%dma_start3A_408, %dma_start3A_409] : memref<2x128xi32, #tpu.memory_space<vmem>> -> memref<1x128xi32, #tpu.memory_space<vmem>>
      %dma_start3A_411 = tpu.memref_squeeze %dma_start3A_410 : memref<1x128xi32, #tpu.memory_space<vmem>> -> memref<128xi32, #tpu.memory_space<vmem>>
      %dma_start3A_412 = arith.constant 0 : i32
      %dma_start3A_413 = arith.constant 0 : i32
      %dma_start3A_414 = tpu.memref_slice %arg4[%dma_start3A_412, %dma_start3A_413] : memref<10000x128xf32, #tpu.memory_space<hbm>> -> memref<10000x128xf32, #tpu.memory_space<hbm>>
      tpu.enqueue_indirect_dma source(%dma_start3A_414 : memref<10000x128xf32, #tpu.memory_space<hbm>>) target(%arg11 : memref<128x128xf32, #tpu.memory_space<vmem>>) offsets(%dma_start3A_411 : memref<128xi32, #tpu.memory_space<vmem>>) semaphore(%arg15 : memref<!tpu.dma_semaphore, #tpu.memory_space<semaphore_mem>>)
      %dma_wait3A_415 = arith.constant 1 : i32
      %dma_wait3A_416 = arith.constant 0 : i32
      %dma_wait3A_417 = tpu.memref_slice %arg9[%dma_wait3A_415, %dma_wait3A_416] : memref<2x128xi32, #tpu.memory_space<vmem>> -> memref<1x128xi32, #tpu.memory_space<vmem>>
      %dma_wait3A_418 = tpu.memref_squeeze %dma_wait3A_417 : memref<1x128xi32, #tpu.memory_space<vmem>> -> memref<128xi32, #tpu.memory_space<vmem>>
      %dma_wait3A_419 = arith.constant 0 : i32
      %dma_wait3A_420 = arith.constant 0 : i32
      %dma_wait3A_421 = tpu.memref_slice %arg4[%dma_wait3A_419, %dma_wait3A_420] : memref<10000x128xf32, #tpu.memory_space<hbm>> -> memref<10000x128xf32, #tpu.memory_space<hbm>>
      tpu.wait_indirect_dma semaphore(%arg16 : memref<!tpu.dma_semaphore, #tpu.memory_space<semaphore_mem>>) src(%dma_wait3A_421 : memref<10000x128xf32, #tpu.memory_space<hbm>>) dst(%arg12 : memref<128x128xf32, #tpu.memory_space<vmem>>)
      %dma_wait3A_422 = arith.constant 1 : i32
      %dma_wait3A_423 = arith.constant 0 : i32
      %dma_wait3A_424 = tpu.memref_slice %arg10[%dma_wait3A_422, %dma_wait3A_423] : memref<2x128xi32, #tpu.memory_space<vmem>> -> memref<1x128xi32, #tpu.memory_space<vmem>>
      %dma_wait3A_425 = tpu.memref_squeeze %dma_wait3A_424 : memref<1x128xi32, #tpu.memory_space<vmem>> -> memref<128xi32, #tpu.memory_space<vmem>>
      %dma_wait3A_426 = tpu.memref_slice %arg3[%select_n3A] : memref<323584xi32, #tpu.memory_space<hbm>> -> memref<128xi32, #tpu.memory_space<hbm>>
      %dma_wait3A_427 = arith.constant 0 : i32
      %dma_wait3A_428 = tpu.memref_slice %arg10[%dma_wait3A_422, %dma_wait3A_427] : memref<2x128xi32, #tpu.memory_space<vmem>> -> memref<1x128xi32, #tpu.memory_space<vmem>>
      %dma_wait3A_429 = tpu.memref_squeeze %dma_wait3A_428 : memref<1x128xi32, #tpu.memory_space<vmem>> -> memref<128xi32, #tpu.memory_space<vmem>>
      %dma_wait3A_430 = tpu.memref_slice %arg3[%select_n3A] : memref<323584xi32, #tpu.memory_space<hbm>> -> memref<128xi32, #tpu.memory_space<hbm>>
      tpu.wait_dma2 semaphore(%arg20 : memref<!tpu.dma_semaphore, #tpu.memory_space<semaphore_mem>>) src(%dma_wait3A_430 : memref<128xi32, #tpu.memory_space<hbm>>) dst(%dma_wait3A_429 : memref<128xi32, #tpu.memory_space<vmem>>)
      %run_scoped3A_431 = arith.constant 1 : i32
      "tpu.region"() ({
        %run_scoped3A_456 = tpu.sem_alloc : memref<!tpu.dma_semaphore, #tpu.memory_space<semaphore_mem>>
        %dma_start3A_457 = arith.constant 0 : i32
        %dma_start3A_458 = tpu.memref_slice %arg10[%run_scoped3A_431, %dma_start3A_457] : memref<2x128xi32, #tpu.memory_space<vmem>> -> memref<1x128xi32, #tpu.memory_space<vmem>>
        %dma_start3A_459 = tpu.memref_squeeze %dma_start3A_458 : memref<1x128xi32, #tpu.memory_space<vmem>> -> memref<128xi32, #tpu.memory_space<vmem>>
        %dma_start3A_460 = arith.constant 0 : i32
        %dma_start3A_461 = arith.constant 0 : i32
        %dma_start3A_462 = tpu.memref_slice %arg7[%dma_start3A_460, %dma_start3A_461] : memref<10240x128xf32, #tpu.memory_space<vmem_shared>> -> memref<10240x128xf32, #tpu.memory_space<vmem_shared>>
        tpu.enqueue_indirect_dma source(%arg12 : memref<128x128xf32, #tpu.memory_space<vmem>>) target(%dma_start3A_462 : memref<10240x128xf32, #tpu.memory_space<vmem_shared>>) offsets(%dma_start3A_459 : memref<128xi32, #tpu.memory_space<vmem>>) semaphore(%run_scoped3A_456 : memref<!tpu.dma_semaphore, #tpu.memory_space<semaphore_mem>>) {add = true}
        %dma_wait3A_463 = arith.constant 0 : i32
        %dma_wait3A_464 = tpu.memref_slice %arg10[%run_scoped3A_431, %dma_wait3A_463] : memref<2x128xi32, #tpu.memory_space<vmem>> -> memref<1x128xi32, #tpu.memory_space<vmem>>
        %dma_wait3A_465 = tpu.memref_squeeze %dma_wait3A_464 : memref<1x128xi32, #tpu.memory_space<vmem>> -> memref<128xi32, #tpu.memory_space<vmem>>
        %dma_wait3A_466 = arith.constant 0 : i32
        %dma_wait3A_467 = arith.constant 0 : i32
        %dma_wait3A_468 = tpu.memref_slice %arg7[%dma_wait3A_466, %dma_wait3A_467] : memref<10240x128xf32, #tpu.memory_space<vmem_shared>> -> memref<10240x128xf32, #tpu.memory_space<vmem_shared>>
        tpu.wait_indirect_dma semaphore(%run_scoped3A_456 : memref<!tpu.dma_semaphore, #tpu.memory_space<semaphore_mem>>) src(%arg12 : memref<128x128xf32, #tpu.memory_space<vmem>>) dst(%dma_wait3A_468 : memref<10240x128xf32, #tpu.memory_space<vmem_shared>>)
        tpu.yield
      }) : () -> ()
      %run_scoped3A_432 = arith.constant 1 : i32
      "tpu.region"() ({
        %run_scoped3A_456 = tpu.sem_alloc : memref<!tpu.dma_semaphore, #tpu.memory_space<semaphore_mem>>
        %dma_start3A_457 = arith.constant 0 : i32
        %dma_start3A_458 = tpu.memref_slice %arg10[%run_scoped3A_432, %dma_start3A_457] : memref<2x128xi32, #tpu.memory_space<vmem>> -> memref<1x128xi32, #tpu.memory_space<vmem>>
        %dma_start3A_459 = tpu.memref_squeeze %dma_start3A_458 : memref<1x128xi32, #tpu.memory_space<vmem>> -> memref<128xi32, #tpu.memory_space<vmem>>
        %dma_start3A_460 = arith.constant 0 : i32
        %dma_start3A_461 = tpu.memref_slice %arg8[%dma_start3A_460] : memref<10240xf32, #tpu.memory_space<vmem_shared>> -> memref<10240xf32, #tpu.memory_space<vmem_shared>>
        tpu.enqueue_indirect_dma source(%arg13 : memref<128xf32, #tpu.memory_space<vmem>>) target(%dma_start3A_461 : memref<10240xf32, #tpu.memory_space<vmem_shared>>) offsets(%dma_start3A_459 : memref<128xi32, #tpu.memory_space<vmem>>) semaphore(%run_scoped3A_456 : memref<!tpu.dma_semaphore, #tpu.memory_space<semaphore_mem>>) {add = true}
        %dma_wait3A_462 = arith.constant 0 : i32
        %dma_wait3A_463 = tpu.memref_slice %arg10[%run_scoped3A_432, %dma_wait3A_462] : memref<2x128xi32, #tpu.memory_space<vmem>> -> memref<1x128xi32, #tpu.memory_space<vmem>>
        %dma_wait3A_464 = tpu.memref_squeeze %dma_wait3A_463 : memref<1x128xi32, #tpu.memory_space<vmem>> -> memref<128xi32, #tpu.memory_space<vmem>>
        %dma_wait3A_465 = arith.constant 0 : i32
        %dma_wait3A_466 = tpu.memref_slice %arg8[%dma_wait3A_465] : memref<10240xf32, #tpu.memory_space<vmem_shared>> -> memref<10240xf32, #tpu.memory_space<vmem_shared>>
        tpu.wait_indirect_dma semaphore(%run_scoped3A_456 : memref<!tpu.dma_semaphore, #tpu.memory_space<semaphore_mem>>) src(%arg13 : memref<128xf32, #tpu.memory_space<vmem>>) dst(%dma_wait3A_466 : memref<10240xf32, #tpu.memory_space<vmem_shared>>)
        tpu.yield
      }) : () -> ()
      %add3A_433 = arith.constant 2 : i32
      %add3A_434 = arith.addi %add3A_398, %add3A_433 : i32
      %mul3A_435 = arith.constant 128 : i32
      %mul3A_436 = arith.muli %add3A_434, %mul3A_435 : i32
      %add3A_437 = arith.addi %select_n3A, %mul3A_436 : i32
      %dma_start3A_438 = arith.constant 1 : i32
      %dma_start3A_439 = arith.constant 0 : i32
      %dma_start3A_440 = tpu.memref_slice %arg9[%dma_start3A_438, %dma_start3A_439] : memref<2x128xi32, #tpu.memory_space<vmem>> -> memref<1x128xi32, #tpu.memory_space<vmem>>
      %dma_start3A_441 = tpu.memref_squeeze %dma_start3A_440 : memref<1x128xi32, #tpu.memory_space<vmem>> -> memref<128xi32, #tpu.memory_space<vmem>>
      %dma_start3A_442 = tpu.memref_slice %arg2[%add3A_437] : memref<323584xi32, #tpu.memory_space<hbm>> -> memref<128xi32, #tpu.memory_space<hbm>>
      %dma_start3A_443 = arith.constant 0 : i32
      %dma_start3A_444 = tpu.memref_slice %arg9[%dma_start3A_438, %dma_start3A_443] : memref<2x128xi32, #tpu.memory_space<vmem>> -> memref<1x128xi32, #tpu.memory_space<vmem>>
      %dma_start3A_445 = tpu.memref_squeeze %dma_start3A_444 : memref<1x128xi32, #tpu.memory_space<vmem>> -> memref<128xi32, #tpu.memory_space<vmem>>
      %dma_start3A_446 = tpu.memref_slice %arg2[%add3A_437] : memref<323584xi32, #tpu.memory_space<hbm>> -> memref<128xi32, #tpu.memory_space<hbm>>
      tpu.enqueue_dma source(%dma_start3A_446 : memref<128xi32, #tpu.memory_space<hbm>>) target(%dma_start3A_445 : memref<128xi32, #tpu.memory_space<vmem>>) target_semaphore(%arg18 : memref<!tpu.dma_semaphore, #tpu.memory_space<semaphore_mem>>)
      %dma_start3A_447 = arith.constant 1 : i32
      %dma_start3A_448 = arith.constant 0 : i32
      %dma_start3A_449 = tpu.memref_slice %arg10[%dma_start3A_447, %dma_start3A_448] : memref<2x128xi32, #tpu.memory_space<vmem>> -> memref<1x128xi32, #tpu.memory_space<vmem>>
      %dma_start3A_450 = tpu.memref_squeeze %dma_start3A_449 : memref<1x128xi32, #tpu.memory_space<vmem>> -> memref<128xi32, #tpu.memory_space<vmem>>
      %dma_start3A_451 = tpu.memref_slice %arg3[%add3A_437] : memref<323584xi32, #tpu.memory_space<hbm>> -> memref<128xi32, #tpu.memory_space<hbm>>
      %dma_start3A_452 = arith.constant 0 : i32
      %dma_start3A_453 = tpu.memref_slice %arg10[%dma_start3A_447, %dma_start3A_452] : memref<2x128xi32, #tpu.memory_space<vmem>> -> memref<1x128xi32, #tpu.memory_space<vmem>>
      %dma_start3A_454 = tpu.memref_squeeze %dma_start3A_453 : memref<1x128xi32, #tpu.memory_space<vmem>> -> memref<128xi32, #tpu.memory_space<vmem>>
      %dma_start3A_455 = tpu.memref_slice %arg3[%add3A_437] : memref<323584xi32, #tpu.memory_space<hbm>> -> memref<128xi32, #tpu.memory_space<hbm>>
      tpu.enqueue_dma source(%dma_start3A_455 : memref<128xi32, #tpu.memory_space<hbm>>) target(%dma_start3A_454 : memref<128xi32, #tpu.memory_space<vmem>>) target_semaphore(%arg20 : memref<!tpu.dma_semaphore, #tpu.memory_space<semaphore_mem>>)
    }
    %mul3A_139 = arith.constant 2 : i32
    %mul3A_140 = arith.muli %mul3A_139, %select_n3A_8 : i32
    %dma_wait3A_141 = arith.constant 1 : i32
    %dma_wait3A_142 = arith.constant 0 : i32
    %dma_wait3A_143 = tpu.memref_slice %arg9[%dma_wait3A_141, %dma_wait3A_142] : memref<2x128xi32, #tpu.memory_space<vmem>> -> memref<1x128xi32, #tpu.memory_space<vmem>>
    %dma_wait3A_144 = tpu.memref_squeeze %dma_wait3A_143 : memref<1x128xi32, #tpu.memory_space<vmem>> -> memref<128xi32, #tpu.memory_space<vmem>>
    %dma_wait3A_145 = tpu.memref_slice %arg2[%select_n3A] : memref<323584xi32, #tpu.memory_space<hbm>> -> memref<128xi32, #tpu.memory_space<hbm>>
    %dma_wait3A_146 = arith.constant 0 : i32
    %dma_wait3A_147 = tpu.memref_slice %arg9[%dma_wait3A_141, %dma_wait3A_146] : memref<2x128xi32, #tpu.memory_space<vmem>> -> memref<1x128xi32, #tpu.memory_space<vmem>>
    %dma_wait3A_148 = tpu.memref_squeeze %dma_wait3A_147 : memref<1x128xi32, #tpu.memory_space<vmem>> -> memref<128xi32, #tpu.memory_space<vmem>>
    %dma_wait3A_149 = tpu.memref_slice %arg2[%select_n3A] : memref<323584xi32, #tpu.memory_space<hbm>> -> memref<128xi32, #tpu.memory_space<hbm>>
    tpu.wait_dma2 semaphore(%arg18 : memref<!tpu.dma_semaphore, #tpu.memory_space<semaphore_mem>>) src(%dma_wait3A_149 : memref<128xi32, #tpu.memory_space<hbm>>) dst(%dma_wait3A_148 : memref<128xi32, #tpu.memory_space<vmem>>)
    %dma_start3A_150 = arith.constant 1 : i32
    %dma_start3A_151 = arith.constant 0 : i32
    %dma_start3A_152 = tpu.memref_slice %arg9[%dma_start3A_150, %dma_start3A_151] : memref<2x128xi32, #tpu.memory_space<vmem>> -> memref<1x128xi32, #tpu.memory_space<vmem>>
    %dma_start3A_153 = tpu.memref_squeeze %dma_start3A_152 : memref<1x128xi32, #tpu.memory_space<vmem>> -> memref<128xi32, #tpu.memory_space<vmem>>
    %dma_start3A_154 = arith.constant 0 : i32
    %dma_start3A_155 = arith.constant 0 : i32
    %dma_start3A_156 = tpu.memref_slice %arg4[%dma_start3A_154, %dma_start3A_155] : memref<10000x128xf32, #tpu.memory_space<hbm>> -> memref<10000x128xf32, #tpu.memory_space<hbm>>
    tpu.enqueue_indirect_dma source(%dma_start3A_156 : memref<10000x128xf32, #tpu.memory_space<hbm>>) target(%arg12 : memref<128x128xf32, #tpu.memory_space<vmem>>) offsets(%dma_start3A_153 : memref<128xi32, #tpu.memory_space<vmem>>) semaphore(%arg16 : memref<!tpu.dma_semaphore, #tpu.memory_space<semaphore_mem>>)
    %dma_wait3A_157 = arith.constant 0 : i32
    %dma_wait3A_158 = arith.constant 0 : i32
    %dma_wait3A_159 = tpu.memref_slice %arg9[%dma_wait3A_157, %dma_wait3A_158] : memref<2x128xi32, #tpu.memory_space<vmem>> -> memref<1x128xi32, #tpu.memory_space<vmem>>
    %dma_wait3A_160 = tpu.memref_squeeze %dma_wait3A_159 : memref<1x128xi32, #tpu.memory_space<vmem>> -> memref<128xi32, #tpu.memory_space<vmem>>
    %dma_wait3A_161 = arith.constant 0 : i32
    %dma_wait3A_162 = arith.constant 0 : i32
    %dma_wait3A_163 = tpu.memref_slice %arg4[%dma_wait3A_161, %dma_wait3A_162] : memref<10000x128xf32, #tpu.memory_space<hbm>> -> memref<10000x128xf32, #tpu.memory_space<hbm>>
    tpu.wait_indirect_dma semaphore(%arg15 : memref<!tpu.dma_semaphore, #tpu.memory_space<semaphore_mem>>) src(%dma_wait3A_163 : memref<10000x128xf32, #tpu.memory_space<hbm>>) dst(%arg11 : memref<128x128xf32, #tpu.memory_space<vmem>>)
    %dma_wait3A_164 = arith.constant 0 : i32
    %dma_wait3A_165 = arith.constant 0 : i32
    %dma_wait3A_166 = tpu.memref_slice %arg10[%dma_wait3A_164, %dma_wait3A_165] : memref<2x128xi32, #tpu.memory_space<vmem>> -> memref<1x128xi32, #tpu.memory_space<vmem>>
    %dma_wait3A_167 = tpu.memref_squeeze %dma_wait3A_166 : memref<1x128xi32, #tpu.memory_space<vmem>> -> memref<128xi32, #tpu.memory_space<vmem>>
    %dma_wait3A_168 = tpu.memref_slice %arg3[%select_n3A] : memref<323584xi32, #tpu.memory_space<hbm>> -> memref<128xi32, #tpu.memory_space<hbm>>
    %dma_wait3A_169 = arith.constant 0 : i32
    %dma_wait3A_170 = tpu.memref_slice %arg10[%dma_wait3A_164, %dma_wait3A_169] : memref<2x128xi32, #tpu.memory_space<vmem>> -> memref<1x128xi32, #tpu.memory_space<vmem>>
    %dma_wait3A_171 = tpu.memref_squeeze %dma_wait3A_170 : memref<1x128xi32, #tpu.memory_space<vmem>> -> memref<128xi32, #tpu.memory_space<vmem>>
    %dma_wait3A_172 = tpu.memref_slice %arg3[%select_n3A] : memref<323584xi32, #tpu.memory_space<hbm>> -> memref<128xi32, #tpu.memory_space<hbm>>
    tpu.wait_dma2 semaphore(%arg19 : memref<!tpu.dma_semaphore, #tpu.memory_space<semaphore_mem>>) src(%dma_wait3A_172 : memref<128xi32, #tpu.memory_space<hbm>>) dst(%dma_wait3A_171 : memref<128xi32, #tpu.memory_space<vmem>>)
    %run_scoped3A = arith.constant 0 : i32
    "tpu.region"() ({
      %run_scoped3A_337 = tpu.sem_alloc : memref<!tpu.dma_semaphore, #tpu.memory_space<semaphore_mem>>
      %dma_start3A_338 = arith.constant 0 : i32
      %dma_start3A_339 = tpu.memref_slice %arg10[%run_scoped3A, %dma_start3A_338] : memref<2x128xi32, #tpu.memory_space<vmem>> -> memref<1x128xi32, #tpu.memory_space<vmem>>
      %dma_start3A_340 = tpu.memref_squeeze %dma_start3A_339 : memref<1x128xi32, #tpu.memory_space<vmem>> -> memref<128xi32, #tpu.memory_space<vmem>>
      %dma_start3A_341 = arith.constant 0 : i32
      %dma_start3A_342 = arith.constant 0 : i32
      %dma_start3A_343 = tpu.memref_slice %arg7[%dma_start3A_341, %dma_start3A_342] : memref<10240x128xf32, #tpu.memory_space<vmem_shared>> -> memref<10240x128xf32, #tpu.memory_space<vmem_shared>>
      tpu.enqueue_indirect_dma source(%arg11 : memref<128x128xf32, #tpu.memory_space<vmem>>) target(%dma_start3A_343 : memref<10240x128xf32, #tpu.memory_space<vmem_shared>>) offsets(%dma_start3A_340 : memref<128xi32, #tpu.memory_space<vmem>>) semaphore(%run_scoped3A_337 : memref<!tpu.dma_semaphore, #tpu.memory_space<semaphore_mem>>) {add = true}
      %dma_wait3A_344 = arith.constant 0 : i32
      %dma_wait3A_345 = tpu.memref_slice %arg10[%run_scoped3A, %dma_wait3A_344] : memref<2x128xi32, #tpu.memory_space<vmem>> -> memref<1x128xi32, #tpu.memory_space<vmem>>
      %dma_wait3A_346 = tpu.memref_squeeze %dma_wait3A_345 : memref<1x128xi32, #tpu.memory_space<vmem>> -> memref<128xi32, #tpu.memory_space<vmem>>
      %dma_wait3A_347 = arith.constant 0 : i32
      %dma_wait3A_348 = arith.constant 0 : i32
      %dma_wait3A_349 = tpu.memref_slice %arg7[%dma_wait3A_347, %dma_wait3A_348] : memref<10240x128xf32, #tpu.memory_space<vmem_shared>> -> memref<10240x128xf32, #tpu.memory_space<vmem_shared>>
      tpu.wait_indirect_dma semaphore(%run_scoped3A_337 : memref<!tpu.dma_semaphore, #tpu.memory_space<semaphore_mem>>) src(%arg11 : memref<128x128xf32, #tpu.memory_space<vmem>>) dst(%dma_wait3A_349 : memref<10240x128xf32, #tpu.memory_space<vmem_shared>>)
      tpu.yield
    }) : () -> ()
    %run_scoped3A_173 = arith.constant 0 : i32
    "tpu.region"() ({
      %run_scoped3A_337 = tpu.sem_alloc : memref<!tpu.dma_semaphore, #tpu.memory_space<semaphore_mem>>
      %dma_start3A_338 = arith.constant 0 : i32
      %dma_start3A_339 = tpu.memref_slice %arg10[%run_scoped3A_173, %dma_start3A_338] : memref<2x128xi32, #tpu.memory_space<vmem>> -> memref<1x128xi32, #tpu.memory_space<vmem>>
      %dma_start3A_340 = tpu.memref_squeeze %dma_start3A_339 : memref<1x128xi32, #tpu.memory_space<vmem>> -> memref<128xi32, #tpu.memory_space<vmem>>
      %dma_start3A_341 = arith.constant 0 : i32
      %dma_start3A_342 = tpu.memref_slice %arg8[%dma_start3A_341] : memref<10240xf32, #tpu.memory_space<vmem_shared>> -> memref<10240xf32, #tpu.memory_space<vmem_shared>>
      tpu.enqueue_indirect_dma source(%arg13 : memref<128xf32, #tpu.memory_space<vmem>>) target(%dma_start3A_342 : memref<10240xf32, #tpu.memory_space<vmem_shared>>) offsets(%dma_start3A_340 : memref<128xi32, #tpu.memory_space<vmem>>) semaphore(%run_scoped3A_337 : memref<!tpu.dma_semaphore, #tpu.memory_space<semaphore_mem>>) {add = true}
      %dma_wait3A_343 = arith.constant 0 : i32
      %dma_wait3A_344 = tpu.memref_slice %arg10[%run_scoped3A_173, %dma_wait3A_343] : memref<2x128xi32, #tpu.memory_space<vmem>> -> memref<1x128xi32, #tpu.memory_space<vmem>>
      %dma_wait3A_345 = tpu.memref_squeeze %dma_wait3A_344 : memref<1x128xi32, #tpu.memory_space<vmem>> -> memref<128xi32, #tpu.memory_space<vmem>>
      %dma_wait3A_346 = arith.constant 0 : i32
      %dma_wait3A_347 = tpu.memref_slice %arg8[%dma_wait3A_346] : memref<10240xf32, #tpu.memory_space<vmem_shared>> -> memref<10240xf32, #tpu.memory_space<vmem_shared>>
      tpu.wait_indirect_dma semaphore(%run_scoped3A_337 : memref<!tpu.dma_semaphore, #tpu.memory_space<semaphore_mem>>) src(%arg13 : memref<128xf32, #tpu.memory_space<vmem>>) dst(%dma_wait3A_347 : memref<10240xf32, #tpu.memory_space<vmem_shared>>)
      tpu.yield
    }) : () -> ()
    %add3A_174 = arith.constant 2 : i32
    %add3A_175 = arith.addi %mul3A_140, %add3A_174 : i32
    %mul3A_176 = arith.constant 128 : i32
    %mul3A_177 = arith.muli %add3A_175, %mul3A_176 : i32
    %add3A_178 = arith.addi %select_n3A, %mul3A_177 : i32
    %dma_start3A_179 = arith.constant 0 : i32
    %dma_start3A_180 = arith.constant 0 : i32
    %dma_start3A_181 = tpu.memref_slice %arg9[%dma_start3A_179, %dma_start3A_180] : memref<2x128xi32, #tpu.memory_space<vmem>> -> memref<1x128xi32, #tpu.memory_space<vmem>>
    %dma_start3A_182 = tpu.memref_squeeze %dma_start3A_181 : memref<1x128xi32, #tpu.memory_space<vmem>> -> memref<128xi32, #tpu.memory_space<vmem>>
    %dma_start3A_183 = tpu.memref_slice %arg2[%add3A_178] : memref<323584xi32, #tpu.memory_space<hbm>> -> memref<128xi32, #tpu.memory_space<hbm>>
    %dma_start3A_184 = arith.constant 0 : i32
    %dma_start3A_185 = tpu.memref_slice %arg9[%dma_start3A_179, %dma_start3A_184] : memref<2x128xi32, #tpu.memory_space<vmem>> -> memref<1x128xi32, #tpu.memory_space<vmem>>
    %dma_start3A_186 = tpu.memref_squeeze %dma_start3A_185 : memref<1x128xi32, #tpu.memory_space<vmem>> -> memref<128xi32, #tpu.memory_space<vmem>>
    %dma_start3A_187 = tpu.memref_slice %arg2[%add3A_178] : memref<323584xi32, #tpu.memory_space<hbm>> -> memref<128xi32, #tpu.memory_space<hbm>>
    tpu.enqueue_dma source(%dma_start3A_187 : memref<128xi32, #tpu.memory_space<hbm>>) target(%dma_start3A_186 : memref<128xi32, #tpu.memory_space<vmem>>) target_semaphore(%arg17 : memref<!tpu.dma_semaphore, #tpu.memory_space<semaphore_mem>>)
    %dma_start3A_188 = arith.constant 0 : i32
    %dma_start3A_189 = arith.constant 0 : i32
    %dma_start3A_190 = tpu.memref_slice %arg10[%dma_start3A_188, %dma_start3A_189] : memref<2x128xi32, #tpu.memory_space<vmem>> -> memref<1x128xi32, #tpu.memory_space<vmem>>
    %dma_start3A_191 = tpu.memref_squeeze %dma_start3A_190 : memref<1x128xi32, #tpu.memory_space<vmem>> -> memref<128xi32, #tpu.memory_space<vmem>>
    %dma_start3A_192 = tpu.memref_slice %arg3[%add3A_178] : memref<323584xi32, #tpu.memory_space<hbm>> -> memref<128xi32, #tpu.memory_space<hbm>>
    %dma_start3A_193 = arith.constant 0 : i32
    %dma_start3A_194 = tpu.memref_slice %arg10[%dma_start3A_188, %dma_start3A_193] : memref<2x128xi32, #tpu.memory_space<vmem>> -> memref<1x128xi32, #tpu.memory_space<vmem>>
    %dma_start3A_195 = tpu.memref_squeeze %dma_start3A_194 : memref<1x128xi32, #tpu.memory_space<vmem>> -> memref<128xi32, #tpu.memory_space<vmem>>
    %dma_start3A_196 = tpu.memref_slice %arg3[%add3A_178] : memref<323584xi32, #tpu.memory_space<hbm>> -> memref<128xi32, #tpu.memory_space<hbm>>
    tpu.enqueue_dma source(%dma_start3A_196 : memref<128xi32, #tpu.memory_space<hbm>>) target(%dma_start3A_195 : memref<128xi32, #tpu.memory_space<vmem>>) target_semaphore(%arg19 : memref<!tpu.dma_semaphore, #tpu.memory_space<semaphore_mem>>)
    %mul3A_197 = arith.constant 2 : i32
    %mul3A_198 = arith.muli %mul3A_197, %select_n3A_8 : i32
    %add3A_199 = arith.constant 1 : i32
    %add3A_200 = arith.addi %mul3A_198, %add3A_199 : i32
    %dma_wait3A_201 = arith.constant 0 : i32
    %dma_wait3A_202 = arith.constant 0 : i32
    %dma_wait3A_203 = tpu.memref_slice %arg9[%dma_wait3A_201, %dma_wait3A_202] : memref<2x128xi32, #tpu.memory_space<vmem>> -> memref<1x128xi32, #tpu.memory_space<vmem>>
    %dma_wait3A_204 = tpu.memref_squeeze %dma_wait3A_203 : memref<1x128xi32, #tpu.memory_space<vmem>> -> memref<128xi32, #tpu.memory_space<vmem>>
    %dma_wait3A_205 = tpu.memref_slice %arg2[%select_n3A] : memref<323584xi32, #tpu.memory_space<hbm>> -> memref<128xi32, #tpu.memory_space<hbm>>
    %dma_wait3A_206 = arith.constant 0 : i32
    %dma_wait3A_207 = tpu.memref_slice %arg9[%dma_wait3A_201, %dma_wait3A_206] : memref<2x128xi32, #tpu.memory_space<vmem>> -> memref<1x128xi32, #tpu.memory_space<vmem>>
    %dma_wait3A_208 = tpu.memref_squeeze %dma_wait3A_207 : memref<1x128xi32, #tpu.memory_space<vmem>> -> memref<128xi32, #tpu.memory_space<vmem>>
    %dma_wait3A_209 = tpu.memref_slice %arg2[%select_n3A] : memref<323584xi32, #tpu.memory_space<hbm>> -> memref<128xi32, #tpu.memory_space<hbm>>
    tpu.wait_dma2 semaphore(%arg17 : memref<!tpu.dma_semaphore, #tpu.memory_space<semaphore_mem>>) src(%dma_wait3A_209 : memref<128xi32, #tpu.memory_space<hbm>>) dst(%dma_wait3A_208 : memref<128xi32, #tpu.memory_space<vmem>>)
    %dma_start3A_210 = arith.constant 0 : i32
    %dma_start3A_211 = arith.constant 0 : i32
    %dma_start3A_212 = tpu.memref_slice %arg9[%dma_start3A_210, %dma_start3A_211] : memref<2x128xi32, #tpu.memory_space<vmem>> -> memref<1x128xi32, #tpu.memory_space<vmem>>
    %dma_start3A_213 = tpu.memref_squeeze %dma_start3A_212 : memref<1x128xi32, #tpu.memory_space<vmem>> -> memref<128xi32, #tpu.memory_space<vmem>>
    %dma_start3A_214 = arith.constant 0 : i32
    %dma_start3A_215 = arith.constant 0 : i32
    %dma_start3A_216 = tpu.memref_slice %arg4[%dma_start3A_214, %dma_start3A_215] : memref<10000x128xf32, #tpu.memory_space<hbm>> -> memref<10000x128xf32, #tpu.memory_space<hbm>>
    tpu.enqueue_indirect_dma source(%dma_start3A_216 : memref<10000x128xf32, #tpu.memory_space<hbm>>) target(%arg11 : memref<128x128xf32, #tpu.memory_space<vmem>>) offsets(%dma_start3A_213 : memref<128xi32, #tpu.memory_space<vmem>>) semaphore(%arg15 : memref<!tpu.dma_semaphore, #tpu.memory_space<semaphore_mem>>)
    %dma_wait3A_217 = arith.constant 1 : i32
    %dma_wait3A_218 = arith.constant 0 : i32
    %dma_wait3A_219 = tpu.memref_slice %arg9[%dma_wait3A_217, %dma_wait3A_218] : memref<2x128xi32, #tpu.memory_space<vmem>> -> memref<1x128xi32, #tpu.memory_space<vmem>>
    %dma_wait3A_220 = tpu.memref_squeeze %dma_wait3A_219 : memref<1x128xi32, #tpu.memory_space<vmem>> -> memref<128xi32, #tpu.memory_space<vmem>>
    %dma_wait3A_221 = arith.constant 0 : i32
    %dma_wait3A_222 = arith.constant 0 : i32
    %dma_wait3A_223 = tpu.memref_slice %arg4[%dma_wait3A_221, %dma_wait3A_222] : memref<10000x128xf32, #tpu.memory_space<hbm>> -> memref<10000x128xf32, #tpu.memory_space<hbm>>
    tpu.wait_indirect_dma semaphore(%arg16 : memref<!tpu.dma_semaphore, #tpu.memory_space<semaphore_mem>>) src(%dma_wait3A_223 : memref<10000x128xf32, #tpu.memory_space<hbm>>) dst(%arg12 : memref<128x128xf32, #tpu.memory_space<vmem>>)
    %dma_wait3A_224 = arith.constant 1 : i32
    %dma_wait3A_225 = arith.constant 0 : i32
    %dma_wait3A_226 = tpu.memref_slice %arg10[%dma_wait3A_224, %dma_wait3A_225] : memref<2x128xi32, #tpu.memory_space<vmem>> -> memref<1x128xi32, #tpu.memory_space<vmem>>
    %dma_wait3A_227 = tpu.memref_squeeze %dma_wait3A_226 : memref<1x128xi32, #tpu.memory_space<vmem>> -> memref<128xi32, #tpu.memory_space<vmem>>
    %dma_wait3A_228 = tpu.memref_slice %arg3[%select_n3A] : memref<323584xi32, #tpu.memory_space<hbm>> -> memref<128xi32, #tpu.memory_space<hbm>>
    %dma_wait3A_229 = arith.constant 0 : i32
    %dma_wait3A_230 = tpu.memref_slice %arg10[%dma_wait3A_224, %dma_wait3A_229] : memref<2x128xi32, #tpu.memory_space<vmem>> -> memref<1x128xi32, #tpu.memory_space<vmem>>
    %dma_wait3A_231 = tpu.memref_squeeze %dma_wait3A_230 : memref<1x128xi32, #tpu.memory_space<vmem>> -> memref<128xi32, #tpu.memory_space<vmem>>
    %dma_wait3A_232 = tpu.memref_slice %arg3[%select_n3A] : memref<323584xi32, #tpu.memory_space<hbm>> -> memref<128xi32, #tpu.memory_space<hbm>>
    tpu.wait_dma2 semaphore(%arg20 : memref<!tpu.dma_semaphore, #tpu.memory_space<semaphore_mem>>) src(%dma_wait3A_232 : memref<128xi32, #tpu.memory_space<hbm>>) dst(%dma_wait3A_231 : memref<128xi32, #tpu.memory_space<vmem>>)
    %run_scoped3A_233 = arith.constant 1 : i32
    "tpu.region"() ({
      %run_scoped3A_337 = tpu.sem_alloc : memref<!tpu.dma_semaphore, #tpu.memory_space<semaphore_mem>>
      %dma_start3A_338 = arith.constant 0 : i32
      %dma_start3A_339 = tpu.memref_slice %arg10[%run_scoped3A_233, %dma_start3A_338] : memref<2x128xi32, #tpu.memory_space<vmem>> -> memref<1x128xi32, #tpu.memory_space<vmem>>
      %dma_start3A_340 = tpu.memref_squeeze %dma_start3A_339 : memref<1x128xi32, #tpu.memory_space<vmem>> -> memref<128xi32, #tpu.memory_space<vmem>>
      %dma_start3A_341 = arith.constant 0 : i32
      %dma_start3A_342 = arith.constant 0 : i32
      %dma_start3A_343 = tpu.memref_slice %arg7[%dma_start3A_341, %dma_start3A_342] : memref<10240x128xf32, #tpu.memory_space<vmem_shared>> -> memref<10240x128xf32, #tpu.memory_space<vmem_shared>>
      tpu.enqueue_indirect_dma source(%arg12 : memref<128x128xf32, #tpu.memory_space<vmem>>) target(%dma_start3A_343 : memref<10240x128xf32, #tpu.memory_space<vmem_shared>>) offsets(%dma_start3A_340 : memref<128xi32, #tpu.memory_space<vmem>>) semaphore(%run_scoped3A_337 : memref<!tpu.dma_semaphore, #tpu.memory_space<semaphore_mem>>) {add = true}
      %dma_wait3A_344 = arith.constant 0 : i32
      %dma_wait3A_345 = tpu.memref_slice %arg10[%run_scoped3A_233, %dma_wait3A_344] : memref<2x128xi32, #tpu.memory_space<vmem>> -> memref<1x128xi32, #tpu.memory_space<vmem>>
      %dma_wait3A_346 = tpu.memref_squeeze %dma_wait3A_345 : memref<1x128xi32, #tpu.memory_space<vmem>> -> memref<128xi32, #tpu.memory_space<vmem>>
      %dma_wait3A_347 = arith.constant 0 : i32
      %dma_wait3A_348 = arith.constant 0 : i32
      %dma_wait3A_349 = tpu.memref_slice %arg7[%dma_wait3A_347, %dma_wait3A_348] : memref<10240x128xf32, #tpu.memory_space<vmem_shared>> -> memref<10240x128xf32, #tpu.memory_space<vmem_shared>>
      tpu.wait_indirect_dma semaphore(%run_scoped3A_337 : memref<!tpu.dma_semaphore, #tpu.memory_space<semaphore_mem>>) src(%arg12 : memref<128x128xf32, #tpu.memory_space<vmem>>) dst(%dma_wait3A_349 : memref<10240x128xf32, #tpu.memory_space<vmem_shared>>)
      tpu.yield
    }) : () -> ()
    %run_scoped3A_234 = arith.constant 1 : i32
    "tpu.region"() ({
      %run_scoped3A_337 = tpu.sem_alloc : memref<!tpu.dma_semaphore, #tpu.memory_space<semaphore_mem>>
      %dma_start3A_338 = arith.constant 0 : i32
      %dma_start3A_339 = tpu.memref_slice %arg10[%run_scoped3A_234, %dma_start3A_338] : memref<2x128xi32, #tpu.memory_space<vmem>> -> memref<1x128xi32, #tpu.memory_space<vmem>>
      %dma_start3A_340 = tpu.memref_squeeze %dma_start3A_339 : memref<1x128xi32, #tpu.memory_space<vmem>> -> memref<128xi32, #tpu.memory_space<vmem>>
      %dma_start3A_341 = arith.constant 0 : i32
      %dma_start3A_342 = tpu.memref_slice %arg8[%dma_start3A_341] : memref<10240xf32, #tpu.memory_space<vmem_shared>> -> memref<10240xf32, #tpu.memory_space<vmem_shared>>
      tpu.enqueue_indirect_dma source(%arg13 : memref<128xf32, #tpu.memory_space<vmem>>) target(%dma_start3A_342 : memref<10240xf32, #tpu.memory_space<vmem_shared>>) offsets(%dma_start3A_340 : memref<128xi32, #tpu.memory_space<vmem>>) semaphore(%run_scoped3A_337 : memref<!tpu.dma_semaphore, #tpu.memory_space<semaphore_mem>>) {add = true}
      %dma_wait3A_343 = arith.constant 0 : i32
      %dma_wait3A_344 = tpu.memref_slice %arg10[%run_scoped3A_234, %dma_wait3A_343] : memref<2x128xi32, #tpu.memory_space<vmem>> -> memref<1x128xi32, #tpu.memory_space<vmem>>
      %dma_wait3A_345 = tpu.memref_squeeze %dma_wait3A_344 : memref<1x128xi32, #tpu.memory_space<vmem>> -> memref<128xi32, #tpu.memory_space<vmem>>
      %dma_wait3A_346 = arith.constant 0 : i32
      %dma_wait3A_347 = tpu.memref_slice %arg8[%dma_wait3A_346] : memref<10240xf32, #tpu.memory_space<vmem_shared>> -> memref<10240xf32, #tpu.memory_space<vmem_shared>>
      tpu.wait_indirect_dma semaphore(%run_scoped3A_337 : memref<!tpu.dma_semaphore, #tpu.memory_space<semaphore_mem>>) src(%arg13 : memref<128xf32, #tpu.memory_space<vmem>>) dst(%dma_wait3A_347 : memref<10240xf32, #tpu.memory_space<vmem_shared>>)
      tpu.yield
    }) : () -> ()
    %mul3A_235 = arith.constant 2 : i32
    %mul3A_236 = arith.muli %mul3A_235, %select_n3A_8 : i32
    %add3A_237 = arith.constant 2 : i32
    %add3A_238 = arith.addi %mul3A_236, %add3A_237 : i32
    %dma_wait3A_239 = arith.constant 0 : i32
    %dma_wait3A_240 = arith.constant 0 : i32
    %dma_wait3A_241 = tpu.memref_slice %arg9[%dma_wait3A_239, %dma_wait3A_240] : memref<2x128xi32, #tpu.memory_space<vmem>> -> memref<1x128xi32, #tpu.memory_space<vmem>>
    %dma_wait3A_242 = tpu.memref_squeeze %dma_wait3A_241 : memref<1x128xi32, #tpu.memory_space<vmem>> -> memref<128xi32, #tpu.memory_space<vmem>>
    %dma_wait3A_243 = arith.constant 0 : i32
    %dma_wait3A_244 = arith.constant 0 : i32
    %dma_wait3A_245 = tpu.memref_slice %arg4[%dma_wait3A_243, %dma_wait3A_244] : memref<10000x128xf32, #tpu.memory_space<hbm>> -> memref<10000x128xf32, #tpu.memory_space<hbm>>
    tpu.wait_indirect_dma semaphore(%arg15 : memref<!tpu.dma_semaphore, #tpu.memory_space<semaphore_mem>>) src(%dma_wait3A_245 : memref<10000x128xf32, #tpu.memory_space<hbm>>) dst(%arg11 : memref<128x128xf32, #tpu.memory_space<vmem>>)
    %dma_wait3A_246 = arith.constant 0 : i32
    %dma_wait3A_247 = arith.constant 0 : i32
    %dma_wait3A_248 = tpu.memref_slice %arg10[%dma_wait3A_246, %dma_wait3A_247] : memref<2x128xi32, #tpu.memory_space<vmem>> -> memref<1x128xi32, #tpu.memory_space<vmem>>
    %dma_wait3A_249 = tpu.memref_squeeze %dma_wait3A_248 : memref<1x128xi32, #tpu.memory_space<vmem>> -> memref<128xi32, #tpu.memory_space<vmem>>
    %dma_wait3A_250 = tpu.memref_slice %arg3[%select_n3A] : memref<323584xi32, #tpu.memory_space<hbm>> -> memref<128xi32, #tpu.memory_space<hbm>>
    %dma_wait3A_251 = arith.constant 0 : i32
    %dma_wait3A_252 = tpu.memref_slice %arg10[%dma_wait3A_246, %dma_wait3A_251] : memref<2x128xi32, #tpu.memory_space<vmem>> -> memref<1x128xi32, #tpu.memory_space<vmem>>
    %dma_wait3A_253 = tpu.memref_squeeze %dma_wait3A_252 : memref<1x128xi32, #tpu.memory_space<vmem>> -> memref<128xi32, #tpu.memory_space<vmem>>
    %dma_wait3A_254 = tpu.memref_slice %arg3[%select_n3A] : memref<323584xi32, #tpu.memory_space<hbm>> -> memref<128xi32, #tpu.memory_space<hbm>>
    tpu.wait_dma2 semaphore(%arg19 : memref<!tpu.dma_semaphore, #tpu.memory_space<semaphore_mem>>) src(%dma_wait3A_254 : memref<128xi32, #tpu.memory_space<hbm>>) dst(%dma_wait3A_253 : memref<128xi32, #tpu.memory_space<vmem>>)
    %run_scoped3A_255 = arith.constant 0 : i32
    "tpu.region"() ({
      %run_scoped3A_337 = tpu.sem_alloc : memref<!tpu.dma_semaphore, #tpu.memory_space<semaphore_mem>>
      %dma_start3A_338 = arith.constant 0 : i32
      %dma_start3A_339 = tpu.memref_slice %arg10[%run_scoped3A_255, %dma_start3A_338] : memref<2x128xi32, #tpu.memory_space<vmem>> -> memref<1x128xi32, #tpu.memory_space<vmem>>
      %dma_start3A_340 = tpu.memref_squeeze %dma_start3A_339 : memref<1x128xi32, #tpu.memory_space<vmem>> -> memref<128xi32, #tpu.memory_space<vmem>>
      %dma_start3A_341 = arith.constant 0 : i32
      %dma_start3A_342 = arith.constant 0 : i32
      %dma_start3A_343 = tpu.memref_slice %arg7[%dma_start3A_341, %dma_start3A_342] : memref<10240x128xf32, #tpu.memory_space<vmem_shared>> -> memref<10240x128xf32, #tpu.memory_space<vmem_shared>>
      tpu.enqueue_indirect_dma source(%arg11 : memref<128x128xf32, #tpu.memory_space<vmem>>) target(%dma_start3A_343 : memref<10240x128xf32, #tpu.memory_space<vmem_shared>>) offsets(%dma_start3A_340 : memref<128xi32, #tpu.memory_space<vmem>>) semaphore(%run_scoped3A_337 : memref<!tpu.dma_semaphore, #tpu.memory_space<semaphore_mem>>) {add = true}
      %dma_wait3A_344 = arith.constant 0 : i32
      %dma_wait3A_345 = tpu.memref_slice %arg10[%run_scoped3A_255, %dma_wait3A_344] : memref<2x128xi32, #tpu.memory_space<vmem>> -> memref<1x128xi32, #tpu.memory_space<vmem>>
      %dma_wait3A_346 = tpu.memref_squeeze %dma_wait3A_345 : memref<1x128xi32, #tpu.memory_space<vmem>> -> memref<128xi32, #tpu.memory_space<vmem>>
      %dma_wait3A_347 = arith.constant 0 : i32
      %dma_wait3A_348 = arith.constant 0 : i32
      %dma_wait3A_349 = tpu.memref_slice %arg7[%dma_wait3A_347, %dma_wait3A_348] : memref<10240x128xf32, #tpu.memory_space<vmem_shared>> -> memref<10240x128xf32, #tpu.memory_space<vmem_shared>>
      tpu.wait_indirect_dma semaphore(%run_scoped3A_337 : memref<!tpu.dma_semaphore, #tpu.memory_space<semaphore_mem>>) src(%arg11 : memref<128x128xf32, #tpu.memory_space<vmem>>) dst(%dma_wait3A_349 : memref<10240x128xf32, #tpu.memory_space<vmem_shared>>)
      tpu.yield
    }) : () -> ()
    %run_scoped3A_256 = arith.constant 0 : i32
    "tpu.region"() ({
      %run_scoped3A_337 = tpu.sem_alloc : memref<!tpu.dma_semaphore, #tpu.memory_space<semaphore_mem>>
      %dma_start3A_338 = arith.constant 0 : i32
      %dma_start3A_339 = tpu.memref_slice %arg10[%run_scoped3A_256, %dma_start3A_338] : memref<2x128xi32, #tpu.memory_space<vmem>> -> memref<1x128xi32, #tpu.memory_space<vmem>>
      %dma_start3A_340 = tpu.memref_squeeze %dma_start3A_339 : memref<1x128xi32, #tpu.memory_space<vmem>> -> memref<128xi32, #tpu.memory_space<vmem>>
      %dma_start3A_341 = arith.constant 0 : i32
      %dma_start3A_342 = tpu.memref_slice %arg8[%dma_start3A_341] : memref<10240xf32, #tpu.memory_space<vmem_shared>> -> memref<10240xf32, #tpu.memory_space<vmem_shared>>
      tpu.enqueue_indirect_dma source(%arg13 : memref<128xf32, #tpu.memory_space<vmem>>) target(%dma_start3A_342 : memref<10240xf32, #tpu.memory_space<vmem_shared>>) offsets(%dma_start3A_340 : memref<128xi32, #tpu.memory_space<vmem>>) semaphore(%run_scoped3A_337 : memref<!tpu.dma_semaphore, #tpu.memory_space<semaphore_mem>>) {add = true}
      %dma_wait3A_343 = arith.constant 0 : i32
      %dma_wait3A_344 = tpu.memref_slice %arg10[%run_scoped3A_256, %dma_wait3A_343] : memref<2x128xi32, #tpu.memory_space<vmem>> -> memref<1x128xi32, #tpu.memory_space<vmem>>
      %dma_wait3A_345 = tpu.memref_squeeze %dma_wait3A_344 : memref<1x128xi32, #tpu.memory_space<vmem>> -> memref<128xi32, #tpu.memory_space<vmem>>
      %dma_wait3A_346 = arith.constant 0 : i32
      %dma_wait3A_347 = tpu.memref_slice %arg8[%dma_wait3A_346] : memref<10240xf32, #tpu.memory_space<vmem_shared>> -> memref<10240xf32, #tpu.memory_space<vmem_shared>>
      tpu.wait_indirect_dma semaphore(%run_scoped3A_337 : memref<!tpu.dma_semaphore, #tpu.memory_space<semaphore_mem>>) src(%arg13 : memref<128xf32, #tpu.memory_space<vmem>>) dst(%dma_wait3A_347 : memref<10240xf32, #tpu.memory_space<vmem_shared>>)
      tpu.yield
    }) : () -> ()
    %barrier3A_257 = arith.constant 0 : index
    tpu.barrier barrier_id(%barrier3A_257)
    "tpu.region"() ({
      %run_scoped3A_337 = tpu.sem_alloc : memref<!tpu.dma_semaphore, #tpu.memory_space<semaphore_mem>>
      %dma_start3A_338 = arith.constant 0 : i32
      %dma_start3A_339 = tpu.memref_slice %arg7[%mul3A_0, %dma_start3A_338] : memref<10240x128xf32, #tpu.memory_space<vmem_shared>> -> memref<128x128xf32, #tpu.memory_space<vmem_shared>>
      %dma_start3A_340 = arith.constant 0 : i32
      %dma_start3A_341 = tpu.memref_slice %arg7[%mul3A_0, %dma_start3A_340] : memref<10240x128xf32, #tpu.memory_space<vmem_shared>> -> memref<128x128xf32, #tpu.memory_space<vmem_shared>>
      tpu.enqueue_dma source(%dma_start3A_341 : memref<128x128xf32, #tpu.memory_space<vmem_shared>>) target(%arg11 : memref<128x128xf32, #tpu.memory_space<vmem>>) target_semaphore(%run_scoped3A_337 : memref<!tpu.dma_semaphore, #tpu.memory_space<semaphore_mem>>)
      %dma_wait3A_342 = arith.constant 0 : i32
      %dma_wait3A_343 = tpu.memref_slice %arg7[%mul3A_0, %dma_wait3A_342] : memref<10240x128xf32, #tpu.memory_space<vmem_shared>> -> memref<128x128xf32, #tpu.memory_space<vmem_shared>>
      %dma_wait3A_344 = arith.constant 0 : i32
      %dma_wait3A_345 = tpu.memref_slice %arg7[%mul3A_0, %dma_wait3A_344] : memref<10240x128xf32, #tpu.memory_space<vmem_shared>> -> memref<128x128xf32, #tpu.memory_space<vmem_shared>>
      tpu.wait_dma2 semaphore(%run_scoped3A_337 : memref<!tpu.dma_semaphore, #tpu.memory_space<semaphore_mem>>) src(%dma_wait3A_345 : memref<128x128xf32, #tpu.memory_space<vmem_shared>>) dst(%arg11 : memref<128x128xf32, #tpu.memory_space<vmem>>)
      tpu.yield
    }) : () -> ()
    %dma_start3A_258 = arith.constant 0 : i32
    %dma_start3A_259 = tpu.memref_slice %arg5[%arg0, %mul3A_0, %dma_start3A_258] : memref<2x10240x128xf32, #tpu.memory_space<hbm>> -> memref<1x128x128xf32, #tpu.memory_space<hbm>>
    %dma_start3A_260 = tpu.memref_squeeze %dma_start3A_259 : memref<1x128x128xf32, #tpu.memory_space<hbm>> -> memref<128x128xf32, #tpu.memory_space<hbm>>
    %dma_start3A_261 = arith.constant 0 : i32
    %dma_start3A_262 = tpu.memref_slice %arg5[%arg0, %mul3A_0, %dma_start3A_261] : memref<2x10240x128xf32, #tpu.memory_space<hbm>> -> memref<1x128x128xf32, #tpu.memory_space<hbm>>
    %dma_start3A_263 = tpu.memref_squeeze %dma_start3A_262 : memref<1x128x128xf32, #tpu.memory_space<hbm>> -> memref<128x128xf32, #tpu.memory_space<hbm>>
    tpu.enqueue_dma source(%arg11 : memref<128x128xf32, #tpu.memory_space<vmem>>) target(%dma_start3A_263 : memref<128x128xf32, #tpu.memory_space<hbm>>) target_semaphore(%arg15 : memref<!tpu.dma_semaphore, #tpu.memory_space<semaphore_mem>>)
    %add3A_264 = arith.constant 128 : i32
    %add3A_265 = arith.addi %mul3A_0, %add3A_264 : i32
    "tpu.region"() ({
      %run_scoped3A_337 = tpu.sem_alloc : memref<!tpu.dma_semaphore, #tpu.memory_space<semaphore_mem>>
      %dma_start3A_338 = arith.constant 0 : i32
      %dma_start3A_339 = tpu.memref_slice %arg7[%add3A_265, %dma_start3A_338] : memref<10240x128xf32, #tpu.memory_space<vmem_shared>> -> memref<128x128xf32, #tpu.memory_space<vmem_shared>>
      %dma_start3A_340 = arith.constant 0 : i32
      %dma_start3A_341 = tpu.memref_slice %arg7[%add3A_265, %dma_start3A_340] : memref<10240x128xf32, #tpu.memory_space<vmem_shared>> -> memref<128x128xf32, #tpu.memory_space<vmem_shared>>
      tpu.enqueue_dma source(%dma_start3A_341 : memref<128x128xf32, #tpu.memory_space<vmem_shared>>) target(%arg12 : memref<128x128xf32, #tpu.memory_space<vmem>>) target_semaphore(%run_scoped3A_337 : memref<!tpu.dma_semaphore, #tpu.memory_space<semaphore_mem>>)
      %dma_wait3A_342 = arith.constant 0 : i32
      %dma_wait3A_343 = tpu.memref_slice %arg7[%add3A_265, %dma_wait3A_342] : memref<10240x128xf32, #tpu.memory_space<vmem_shared>> -> memref<128x128xf32, #tpu.memory_space<vmem_shared>>
      %dma_wait3A_344 = arith.constant 0 : i32
      %dma_wait3A_345 = tpu.memref_slice %arg7[%add3A_265, %dma_wait3A_344] : memref<10240x128xf32, #tpu.memory_space<vmem_shared>> -> memref<128x128xf32, #tpu.memory_space<vmem_shared>>
      tpu.wait_dma2 semaphore(%run_scoped3A_337 : memref<!tpu.dma_semaphore, #tpu.memory_space<semaphore_mem>>) src(%dma_wait3A_345 : memref<128x128xf32, #tpu.memory_space<vmem_shared>>) dst(%arg12 : memref<128x128xf32, #tpu.memory_space<vmem>>)
      tpu.yield
    }) : () -> ()
    %add3A_266 = arith.constant 128 : i32
    %add3A_267 = arith.addi %mul3A_0, %add3A_266 : i32
    %dma_start3A_268 = arith.constant 0 : i32
    %dma_start3A_269 = tpu.memref_slice %arg5[%arg0, %add3A_267, %dma_start3A_268] : memref<2x10240x128xf32, #tpu.memory_space<hbm>> -> memref<1x128x128xf32, #tpu.memory_space<hbm>>
    %dma_start3A_270 = tpu.memref_squeeze %dma_start3A_269 : memref<1x128x128xf32, #tpu.memory_space<hbm>> -> memref<128x128xf32, #tpu.memory_space<hbm>>
    %dma_start3A_271 = arith.constant 0 : i32
    %dma_start3A_272 = tpu.memref_slice %arg5[%arg0, %add3A_267, %dma_start3A_271] : memref<2x10240x128xf32, #tpu.memory_space<hbm>> -> memref<1x128x128xf32, #tpu.memory_space<hbm>>
    %dma_start3A_273 = tpu.memref_squeeze %dma_start3A_272 : memref<1x128x128xf32, #tpu.memory_space<hbm>> -> memref<128x128xf32, #tpu.memory_space<hbm>>
    tpu.enqueue_dma source(%arg12 : memref<128x128xf32, #tpu.memory_space<vmem>>) target(%dma_start3A_273 : memref<128x128xf32, #tpu.memory_space<hbm>>) target_semaphore(%arg16 : memref<!tpu.dma_semaphore, #tpu.memory_space<semaphore_mem>>)
    %dma_wait3A_274 = arith.constant 0 : i32
    %dma_wait3A_275 = tpu.memref_slice %arg5[%arg0, %mul3A_0, %dma_wait3A_274] : memref<2x10240x128xf32, #tpu.memory_space<hbm>> -> memref<1x128x128xf32, #tpu.memory_space<hbm>>
    %dma_wait3A_276 = tpu.memref_squeeze %dma_wait3A_275 : memref<1x128x128xf32, #tpu.memory_space<hbm>> -> memref<128x128xf32, #tpu.memory_space<hbm>>
    %dma_wait3A_277 = arith.constant 0 : i32
    %dma_wait3A_278 = tpu.memref_slice %arg5[%arg0, %mul3A_0, %dma_wait3A_277] : memref<2x10240x128xf32, #tpu.memory_space<hbm>> -> memref<1x128x128xf32, #tpu.memory_space<hbm>>
    %dma_wait3A_279 = tpu.memref_squeeze %dma_wait3A_278 : memref<1x128x128xf32, #tpu.memory_space<hbm>> -> memref<128x128xf32, #tpu.memory_space<hbm>>
    tpu.wait_dma2 semaphore(%arg15 : memref<!tpu.dma_semaphore, #tpu.memory_space<semaphore_mem>>) src(%arg11 : memref<128x128xf32, #tpu.memory_space<vmem>>) dst(%dma_wait3A_279 : memref<128x128xf32, #tpu.memory_space<hbm>>)
    %add3A_280 = arith.constant 256 : i32
    %add3A_281 = arith.addi %mul3A_0, %add3A_280 : i32
    "tpu.region"() ({
      %run_scoped3A_337 = tpu.sem_alloc : memref<!tpu.dma_semaphore, #tpu.memory_space<semaphore_mem>>
      %dma_start3A_338 = arith.constant 0 : i32
      %dma_start3A_339 = tpu.memref_slice %arg7[%add3A_281, %dma_start3A_338] : memref<10240x128xf32, #tpu.memory_space<vmem_shared>> -> memref<128x128xf32, #tpu.memory_space<vmem_shared>>
      %dma_start3A_340 = arith.constant 0 : i32
      %dma_start3A_341 = tpu.memref_slice %arg7[%add3A_281, %dma_start3A_340] : memref<10240x128xf32, #tpu.memory_space<vmem_shared>> -> memref<128x128xf32, #tpu.memory_space<vmem_shared>>
      tpu.enqueue_dma source(%dma_start3A_341 : memref<128x128xf32, #tpu.memory_space<vmem_shared>>) target(%arg11 : memref<128x128xf32, #tpu.memory_space<vmem>>) target_semaphore(%run_scoped3A_337 : memref<!tpu.dma_semaphore, #tpu.memory_space<semaphore_mem>>)
      %dma_wait3A_342 = arith.constant 0 : i32
      %dma_wait3A_343 = tpu.memref_slice %arg7[%add3A_281, %dma_wait3A_342] : memref<10240x128xf32, #tpu.memory_space<vmem_shared>> -> memref<128x128xf32, #tpu.memory_space<vmem_shared>>
      %dma_wait3A_344 = arith.constant 0 : i32
      %dma_wait3A_345 = tpu.memref_slice %arg7[%add3A_281, %dma_wait3A_344] : memref<10240x128xf32, #tpu.memory_space<vmem_shared>> -> memref<128x128xf32, #tpu.memory_space<vmem_shared>>
      tpu.wait_dma2 semaphore(%run_scoped3A_337 : memref<!tpu.dma_semaphore, #tpu.memory_space<semaphore_mem>>) src(%dma_wait3A_345 : memref<128x128xf32, #tpu.memory_space<vmem_shared>>) dst(%arg11 : memref<128x128xf32, #tpu.memory_space<vmem>>)
      tpu.yield
    }) : () -> ()
    %add3A_282 = arith.constant 256 : i32
    %add3A_283 = arith.addi %mul3A_0, %add3A_282 : i32
    %dma_start3A_284 = arith.constant 0 : i32
    %dma_start3A_285 = tpu.memref_slice %arg5[%arg0, %add3A_283, %dma_start3A_284] : memref<2x10240x128xf32, #tpu.memory_space<hbm>> -> memref<1x128x128xf32, #tpu.memory_space<hbm>>
    %dma_start3A_286 = tpu.memref_squeeze %dma_start3A_285 : memref<1x128x128xf32, #tpu.memory_space<hbm>> -> memref<128x128xf32, #tpu.memory_space<hbm>>
    %dma_start3A_287 = arith.constant 0 : i32
    %dma_start3A_288 = tpu.memref_slice %arg5[%arg0, %add3A_283, %dma_start3A_287] : memref<2x10240x128xf32, #tpu.memory_space<hbm>> -> memref<1x128x128xf32, #tpu.memory_space<hbm>>
    %dma_start3A_289 = tpu.memref_squeeze %dma_start3A_288 : memref<1x128x128xf32, #tpu.memory_space<hbm>> -> memref<128x128xf32, #tpu.memory_space<hbm>>
    tpu.enqueue_dma source(%arg11 : memref<128x128xf32, #tpu.memory_space<vmem>>) target(%dma_start3A_289 : memref<128x128xf32, #tpu.memory_space<hbm>>) target_semaphore(%arg15 : memref<!tpu.dma_semaphore, #tpu.memory_space<semaphore_mem>>)
    %dma_wait3A_290 = arith.constant 0 : i32
    %dma_wait3A_291 = tpu.memref_slice %arg5[%arg0, %mul3A_0, %dma_wait3A_290] : memref<2x10240x128xf32, #tpu.memory_space<hbm>> -> memref<1x128x128xf32, #tpu.memory_space<hbm>>
    %dma_wait3A_292 = tpu.memref_squeeze %dma_wait3A_291 : memref<1x128x128xf32, #tpu.memory_space<hbm>> -> memref<128x128xf32, #tpu.memory_space<hbm>>
    %dma_wait3A_293 = arith.constant 0 : i32
    %dma_wait3A_294 = tpu.memref_slice %arg5[%arg0, %mul3A_0, %dma_wait3A_293] : memref<2x10240x128xf32, #tpu.memory_space<hbm>> -> memref<1x128x128xf32, #tpu.memory_space<hbm>>
    %dma_wait3A_295 = tpu.memref_squeeze %dma_wait3A_294 : memref<1x128x128xf32, #tpu.memory_space<hbm>> -> memref<128x128xf32, #tpu.memory_space<hbm>>
    tpu.wait_dma2 semaphore(%arg16 : memref<!tpu.dma_semaphore, #tpu.memory_space<semaphore_mem>>) src(%arg12 : memref<128x128xf32, #tpu.memory_space<vmem>>) dst(%dma_wait3A_295 : memref<128x128xf32, #tpu.memory_space<hbm>>)
    %add3A_296 = arith.constant 384 : i32
    %add3A_297 = arith.addi %mul3A_0, %add3A_296 : i32
    "tpu.region"() ({
      %run_scoped3A_337 = tpu.sem_alloc : memref<!tpu.dma_semaphore, #tpu.memory_space<semaphore_mem>>
      %dma_start3A_338 = arith.constant 0 : i32
      %dma_start3A_339 = tpu.memref_slice %arg7[%add3A_297, %dma_start3A_338] : memref<10240x128xf32, #tpu.memory_space<vmem_shared>> -> memref<128x128xf32, #tpu.memory_space<vmem_shared>>
      %dma_start3A_340 = arith.constant 0 : i32
      %dma_start3A_341 = tpu.memref_slice %arg7[%add3A_297, %dma_start3A_340] : memref<10240x128xf32, #tpu.memory_space<vmem_shared>> -> memref<128x128xf32, #tpu.memory_space<vmem_shared>>
      tpu.enqueue_dma source(%dma_start3A_341 : memref<128x128xf32, #tpu.memory_space<vmem_shared>>) target(%arg12 : memref<128x128xf32, #tpu.memory_space<vmem>>) target_semaphore(%run_scoped3A_337 : memref<!tpu.dma_semaphore, #tpu.memory_space<semaphore_mem>>)
      %dma_wait3A_342 = arith.constant 0 : i32
      %dma_wait3A_343 = tpu.memref_slice %arg7[%add3A_297, %dma_wait3A_342] : memref<10240x128xf32, #tpu.memory_space<vmem_shared>> -> memref<128x128xf32, #tpu.memory_space<vmem_shared>>
      %dma_wait3A_344 = arith.constant 0 : i32
      %dma_wait3A_345 = tpu.memref_slice %arg7[%add3A_297, %dma_wait3A_344] : memref<10240x128xf32, #tpu.memory_space<vmem_shared>> -> memref<128x128xf32, #tpu.memory_space<vmem_shared>>
      tpu.wait_dma2 semaphore(%run_scoped3A_337 : memref<!tpu.dma_semaphore, #tpu.memory_space<semaphore_mem>>) src(%dma_wait3A_345 : memref<128x128xf32, #tpu.memory_space<vmem_shared>>) dst(%arg12 : memref<128x128xf32, #tpu.memory_space<vmem>>)
      tpu.yield
    }) : () -> ()
    %add3A_298 = arith.constant 384 : i32
    %add3A_299 = arith.addi %mul3A_0, %add3A_298 : i32
    %dma_start3A_300 = arith.constant 0 : i32
    %dma_start3A_301 = tpu.memref_slice %arg5[%arg0, %add3A_299, %dma_start3A_300] : memref<2x10240x128xf32, #tpu.memory_space<hbm>> -> memref<1x128x128xf32, #tpu.memory_space<hbm>>
    %dma_start3A_302 = tpu.memref_squeeze %dma_start3A_301 : memref<1x128x128xf32, #tpu.memory_space<hbm>> -> memref<128x128xf32, #tpu.memory_space<hbm>>
    %dma_start3A_303 = arith.constant 0 : i32
    %dma_start3A_304 = tpu.memref_slice %arg5[%arg0, %add3A_299, %dma_start3A_303] : memref<2x10240x128xf32, #tpu.memory_space<hbm>> -> memref<1x128x128xf32, #tpu.memory_space<hbm>>
    %dma_start3A_305 = tpu.memref_squeeze %dma_start3A_304 : memref<1x128x128xf32, #tpu.memory_space<hbm>> -> memref<128x128xf32, #tpu.memory_space<hbm>>
    tpu.enqueue_dma source(%arg12 : memref<128x128xf32, #tpu.memory_space<vmem>>) target(%dma_start3A_305 : memref<128x128xf32, #tpu.memory_space<hbm>>) target_semaphore(%arg16 : memref<!tpu.dma_semaphore, #tpu.memory_space<semaphore_mem>>)
    %dma_wait3A_306 = arith.constant 0 : i32
    %dma_wait3A_307 = tpu.memref_slice %arg5[%arg0, %mul3A_0, %dma_wait3A_306] : memref<2x10240x128xf32, #tpu.memory_space<hbm>> -> memref<1x128x128xf32, #tpu.memory_space<hbm>>
    %dma_wait3A_308 = tpu.memref_squeeze %dma_wait3A_307 : memref<1x128x128xf32, #tpu.memory_space<hbm>> -> memref<128x128xf32, #tpu.memory_space<hbm>>
    %dma_wait3A_309 = arith.constant 0 : i32
    %dma_wait3A_310 = tpu.memref_slice %arg5[%arg0, %mul3A_0, %dma_wait3A_309] : memref<2x10240x128xf32, #tpu.memory_space<hbm>> -> memref<1x128x128xf32, #tpu.memory_space<hbm>>
    %dma_wait3A_311 = tpu.memref_squeeze %dma_wait3A_310 : memref<1x128x128xf32, #tpu.memory_space<hbm>> -> memref<128x128xf32, #tpu.memory_space<hbm>>
    tpu.wait_dma2 semaphore(%arg15 : memref<!tpu.dma_semaphore, #tpu.memory_space<semaphore_mem>>) src(%arg11 : memref<128x128xf32, #tpu.memory_space<vmem>>) dst(%dma_wait3A_311 : memref<128x128xf32, #tpu.memory_space<hbm>>)
    %add3A_312 = arith.constant 512 : i32
    %add3A_313 = arith.addi %mul3A_0, %add3A_312 : i32
    "tpu.region"() ({
      %run_scoped3A_337 = tpu.sem_alloc : memref<!tpu.dma_semaphore, #tpu.memory_space<semaphore_mem>>
      %dma_start3A_338 = arith.constant 0 : i32
      %dma_start3A_339 = tpu.memref_slice %arg7[%add3A_313, %dma_start3A_338] : memref<10240x128xf32, #tpu.memory_space<vmem_shared>> -> memref<128x128xf32, #tpu.memory_space<vmem_shared>>
      %dma_start3A_340 = arith.constant 0 : i32
      %dma_start3A_341 = tpu.memref_slice %arg7[%add3A_313, %dma_start3A_340] : memref<10240x128xf32, #tpu.memory_space<vmem_shared>> -> memref<128x128xf32, #tpu.memory_space<vmem_shared>>
      tpu.enqueue_dma source(%dma_start3A_341 : memref<128x128xf32, #tpu.memory_space<vmem_shared>>) target(%arg11 : memref<128x128xf32, #tpu.memory_space<vmem>>) target_semaphore(%run_scoped3A_337 : memref<!tpu.dma_semaphore, #tpu.memory_space<semaphore_mem>>)
      %dma_wait3A_342 = arith.constant 0 : i32
      %dma_wait3A_343 = tpu.memref_slice %arg7[%add3A_313, %dma_wait3A_342] : memref<10240x128xf32, #tpu.memory_space<vmem_shared>> -> memref<128x128xf32, #tpu.memory_space<vmem_shared>>
      %dma_wait3A_344 = arith.constant 0 : i32
      %dma_wait3A_345 = tpu.memref_slice %arg7[%add3A_313, %dma_wait3A_344] : memref<10240x128xf32, #tpu.memory_space<vmem_shared>> -> memref<128x128xf32, #tpu.memory_space<vmem_shared>>
      tpu.wait_dma2 semaphore(%run_scoped3A_337 : memref<!tpu.dma_semaphore, #tpu.memory_space<semaphore_mem>>) src(%dma_wait3A_345 : memref<128x128xf32, #tpu.memory_space<vmem_shared>>) dst(%arg11 : memref<128x128xf32, #tpu.memory_space<vmem>>)
      tpu.yield
    }) : () -> ()
    %add3A_314 = arith.constant 512 : i32
    %add3A_315 = arith.addi %mul3A_0, %add3A_314 : i32
    %dma_start3A_316 = arith.constant 0 : i32
    %dma_start3A_317 = tpu.memref_slice %arg5[%arg0, %add3A_315, %dma_start3A_316] : memref<2x10240x128xf32, #tpu.memory_space<hbm>> -> memref<1x128x128xf32, #tpu.memory_space<hbm>>
    %dma_start3A_318 = tpu.memref_squeeze %dma_start3A_317 : memref<1x128x128xf32, #tpu.memory_space<hbm>> -> memref<128x128xf32, #tpu.memory_space<hbm>>
    %dma_start3A_319 = arith.constant 0 : i32
    %dma_start3A_320 = tpu.memref_slice %arg5[%arg0, %add3A_315, %dma_start3A_319] : memref<2x10240x128xf32, #tpu.memory_space<hbm>> -> memref<1x128x128xf32, #tpu.memory_space<hbm>>
    %dma_start3A_321 = tpu.memref_squeeze %dma_start3A_320 : memref<1x128x128xf32, #tpu.memory_space<hbm>> -> memref<128x128xf32, #tpu.memory_space<hbm>>
    tpu.enqueue_dma source(%arg11 : memref<128x128xf32, #tpu.memory_space<vmem>>) target(%dma_start3A_321 : memref<128x128xf32, #tpu.memory_space<hbm>>) target_semaphore(%arg15 : memref<!tpu.dma_semaphore, #tpu.memory_space<semaphore_mem>>)
    %dma_wait3A_322 = arith.constant 0 : i32
    %dma_wait3A_323 = tpu.memref_slice %arg5[%arg0, %mul3A_0, %dma_wait3A_322] : memref<2x10240x128xf32, #tpu.memory_space<hbm>> -> memref<1x128x128xf32, #tpu.memory_space<hbm>>
    %dma_wait3A_324 = tpu.memref_squeeze %dma_wait3A_323 : memref<1x128x128xf32, #tpu.memory_space<hbm>> -> memref<128x128xf32, #tpu.memory_space<hbm>>
    %dma_wait3A_325 = arith.constant 0 : i32
    %dma_wait3A_326 = tpu.memref_slice %arg5[%arg0, %mul3A_0, %dma_wait3A_325] : memref<2x10240x128xf32, #tpu.memory_space<hbm>> -> memref<1x128x128xf32, #tpu.memory_space<hbm>>
    %dma_wait3A_327 = tpu.memref_squeeze %dma_wait3A_326 : memref<1x128x128xf32, #tpu.memory_space<hbm>> -> memref<128x128xf32, #tpu.memory_space<hbm>>
    tpu.wait_dma2 semaphore(%arg16 : memref<!tpu.dma_semaphore, #tpu.memory_space<semaphore_mem>>) src(%arg12 : memref<128x128xf32, #tpu.memory_space<vmem>>) dst(%dma_wait3A_327 : memref<128x128xf32, #tpu.memory_space<hbm>>)
    %dma_wait3A_328 = arith.constant 0 : i32
    %dma_wait3A_329 = tpu.memref_slice %arg5[%arg0, %mul3A_0, %dma_wait3A_328] : memref<2x10240x128xf32, #tpu.memory_space<hbm>> -> memref<1x128x128xf32, #tpu.memory_space<hbm>>
    %dma_wait3A_330 = tpu.memref_squeeze %dma_wait3A_329 : memref<1x128x128xf32, #tpu.memory_space<hbm>> -> memref<128x128xf32, #tpu.memory_space<hbm>>
    %dma_wait3A_331 = arith.constant 0 : i32
    %dma_wait3A_332 = tpu.memref_slice %arg5[%arg0, %mul3A_0, %dma_wait3A_331] : memref<2x10240x128xf32, #tpu.memory_space<hbm>> -> memref<1x128x128xf32, #tpu.memory_space<hbm>>
    %dma_wait3A_333 = tpu.memref_squeeze %dma_wait3A_332 : memref<1x128x128xf32, #tpu.memory_space<hbm>> -> memref<128x128xf32, #tpu.memory_space<hbm>>
    tpu.wait_dma2 semaphore(%arg15 : memref<!tpu.dma_semaphore, #tpu.memory_space<semaphore_mem>>) src(%arg11 : memref<128x128xf32, #tpu.memory_space<vmem>>) dst(%dma_wait3A_333 : memref<128x128xf32, #tpu.memory_space<hbm>>)
    "tpu.region"() ({
      %run_scoped3A_337 = tpu.sem_alloc : memref<!tpu.dma_semaphore, #tpu.memory_space<semaphore_mem>>
      %dma_start3A_338 = tpu.memref_slice %arg8[%mul3A_0] : memref<10240xf32, #tpu.memory_space<vmem_shared>> -> memref<640xf32, #tpu.memory_space<vmem_shared>>
      %dma_start3A_339 = tpu.memref_slice %arg8[%mul3A_0] : memref<10240xf32, #tpu.memory_space<vmem_shared>> -> memref<640xf32, #tpu.memory_space<vmem_shared>>
      tpu.enqueue_dma source(%dma_start3A_339 : memref<640xf32, #tpu.memory_space<vmem_shared>>) target(%arg14 : memref<640xf32, #tpu.memory_space<vmem>>) target_semaphore(%run_scoped3A_337 : memref<!tpu.dma_semaphore, #tpu.memory_space<semaphore_mem>>)
      %dma_wait3A_340 = tpu.memref_slice %arg8[%mul3A_0] : memref<10240xf32, #tpu.memory_space<vmem_shared>> -> memref<640xf32, #tpu.memory_space<vmem_shared>>
      %dma_wait3A_341 = tpu.memref_slice %arg8[%mul3A_0] : memref<10240xf32, #tpu.memory_space<vmem_shared>> -> memref<640xf32, #tpu.memory_space<vmem_shared>>
      tpu.wait_dma2 semaphore(%run_scoped3A_337 : memref<!tpu.dma_semaphore, #tpu.memory_space<semaphore_mem>>) src(%dma_wait3A_341 : memref<640xf32, #tpu.memory_space<vmem_shared>>) dst(%arg14 : memref<640xf32, #tpu.memory_space<vmem>>)
      tpu.yield
    }) : () -> ()
    %mul3A_334 = arith.constant 10240 : i32
    %mul3A_335 = arith.muli %arg0, %mul3A_334 : i32
    %add3A_336 = arith.addi %mul3A_335, %mul3A_0 : i32
    "tpu.region"() ({
      %run_scoped3A_337 = tpu.sem_alloc : memref<!tpu.dma_semaphore, #tpu.memory_space<semaphore_mem>>
      %dma_start3A_338 = tpu.memref_slice %arg6[%add3A_336] : memref<20480xf32, #tpu.memory_space<hbm>> -> memref<640xf32, #tpu.memory_space<hbm>>
      %dma_start3A_339 = tpu.memref_slice %arg6[%add3A_336] : memref<20480xf32, #tpu.memory_space<hbm>> -> memref<640xf32, #tpu.memory_space<hbm>>
      tpu.enqueue_dma source(%arg14 : memref<640xf32, #tpu.memory_space<vmem>>) target(%dma_start3A_339 : memref<640xf32, #tpu.memory_space<hbm>>) target_semaphore(%run_scoped3A_337 : memref<!tpu.dma_semaphore, #tpu.memory_space<semaphore_mem>>)
      %dma_wait3A_340 = tpu.memref_slice %arg6[%add3A_336] : memref<20480xf32, #tpu.memory_space<hbm>> -> memref<640xf32, #tpu.memory_space<hbm>>
      %dma_wait3A_341 = tpu.memref_slice %arg6[%add3A_336] : memref<20480xf32, #tpu.memory_space<hbm>> -> memref<640xf32, #tpu.memory_space<hbm>>
      tpu.wait_dma2 semaphore(%run_scoped3A_337 : memref<!tpu.dma_semaphore, #tpu.memory_space<semaphore_mem>>) src(%arg14 : memref<640xf32, #tpu.memory_space<vmem>>) dst(%dma_wait3A_341 : memref<640xf32, #tpu.memory_space<hbm>>)
      tpu.yield
    }) : () -> ()
    return
  }
}

#map = affine_map<(d0, d1) -> (0)>
#map1 = affine_map<(d0, d1) -> (0, 0)>
#map2 = affine_map<(d0, d1) -> (0, 0, 0)>
module attributes {stable_mosaic.version = 14 : i64} {
  func.func @body(%arg0: i32, %arg1: i32, %arg2: memref<323584xi32, #tpu.memory_space<hbm>>, %arg3: memref<323584xi32, #tpu.memory_space<hbm>>, %arg4: memref<10000x128xf32, #tpu.memory_space<hbm>>, %arg5: memref<2x10240x128xf32, #tpu.memory_space<hbm>>, %arg6: memref<10240x128xf32, #tpu.memory_space<vmem_shared>>, %arg7: memref<10240xf32, #tpu.memory_space<vmem_shared>>, %arg8: memref<2x128xi32, #tpu.memory_space<vmem>>, %arg9: memref<2x128xi32, #tpu.memory_space<vmem>>, %arg10: memref<128x128xf32, #tpu.memory_space<vmem>>, %arg11: memref<128x128xf32, #tpu.memory_space<vmem>>, %arg12: memref<128xf32, #tpu.memory_space<vmem>>, %arg13: memref<640xf32, #tpu.memory_space<vmem>>, %arg14: memref<!tpu.dma_semaphore, #tpu.memory_space<semaphore_mem>>, %arg15: memref<!tpu.dma_semaphore, #tpu.memory_space<semaphore_mem>>, %arg16: memref<!tpu.dma_semaphore, #tpu.memory_space<semaphore_mem>>, %arg17: memref<!tpu.dma_semaphore, #tpu.memory_space<semaphore_mem>>, %arg18: memref<!tpu.dma_semaphore, #tpu.memory_space<semaphore_mem>>, %arg19: memref<!tpu.dma_semaphore, #tpu.memory_space<semaphore_mem>>) attributes {dimension_semantics = [#tpu.dimension_semantics<core_parallel>, #tpu.dimension_semantics<subcore_parallel>], iteration_bounds = array<i64: 2, 16>, scalar_prefetch = 0 : i64, scratch_operands = 14 : i64, tpu.core_type = #tpu.core_type<sc_vector_subcore>, window_params = [{transform_indices = #map}, {transform_indices = #map}, {transform_indices = #map1}, {transform_indices = #map2}]} {
    %mul3A = arith.constant 640 : i32
    %mul3A_0 = arith.muli %arg1, %mul3A : i32
    %eq3A = arith.constant 0 : i32
    %eq3A_1 = arith.cmpi eq, %arg0, %eq3A : i32
    %mul3A_2 = arith.constant 18304 : i32
    %mul3A_3 = arith.muli %arg1, %mul3A_2 : i32
    %mul3A_4 = arith.constant 1920 : i32
    %mul3A_5 = arith.muli %arg1, %mul3A_4 : i32
    %add3A = arith.constant 292864 : i32
    %add3A_6 = arith.addi %add3A, %mul3A_5 : i32
    %select_n3A = arith.select %eq3A_1, %mul3A_3, %add3A_6 : i32
    %jit3A = arith.constant 70 : i32
    %jit3A_7 = arith.constant 6 : i32
    %select_n3A_8 = arith.select %eq3A_1, %jit3A, %jit3A_7 : i32
    %scan3A = arith.constant 0 : i32
    %scan3A_9 = arith.constant 0 : i32
    %scan3A_10 = arith.constant 128 : i32
    %scan3A_11 = arith.addi %scan3A_9, %scan3A_10 : i32
    %scan3A_12 = arith.constant 1 : i32
    scf.for %scan3A_279 = %scan3A_9 to %scan3A_11 step %scan3A_12  : i32 {
      %broadcast_in_dim3A = arith.constant 0.000000e+00 : f32
      %broadcast_in_dim3A_280 = vector.broadcast %broadcast_in_dim3A : f32 to vector<16xf32>
      %swap3A = arith.index_cast %scan3A_279 : i32 to index
      %swap3A_281 = arith.constant 0 : index
      %swap3A_282 = tpu.vector_load %arg10[%swap3A, %swap3A_281] {strides = array<i32>} : memref<128x128xf32, #tpu.memory_space<vmem>>, vector<1x16xf32>,
      %swap3A_283 = vector.shape_cast %swap3A_282 : vector<1x16xf32> to vector<16xf32>
      %swap3A_284 = vector.shape_cast %broadcast_in_dim3A_280 : vector<16xf32> to vector<1x16xf32>
      tpu.vector_store %arg10[%swap3A, %swap3A_281], %swap3A_284 {strides = array<i32>} : memref<128x128xf32, #tpu.memory_space<vmem>>, vector<1x16xf32>,
      %broadcast_in_dim3A_285 = arith.constant 0.000000e+00 : f32
      %broadcast_in_dim3A_286 = vector.broadcast %broadcast_in_dim3A_285 : f32 to vector<16xf32>
      %swap3A_287 = arith.index_cast %scan3A_279 : i32 to index
      %swap3A_288 = arith.constant 16 : index
      %swap3A_289 = tpu.vector_load %arg10[%swap3A_287, %swap3A_288] {strides = array<i32>} : memref<128x128xf32, #tpu.memory_space<vmem>>, vector<1x16xf32>,
      %swap3A_290 = vector.shape_cast %swap3A_289 : vector<1x16xf32> to vector<16xf32>
      %swap3A_291 = vector.shape_cast %broadcast_in_dim3A_286 : vector<16xf32> to vector<1x16xf32>
      tpu.vector_store %arg10[%swap3A_287, %swap3A_288], %swap3A_291 {strides = array<i32>} : memref<128x128xf32, #tpu.memory_space<vmem>>, vector<1x16xf32>,
      %broadcast_in_dim3A_292 = arith.constant 0.000000e+00 : f32
      %broadcast_in_dim3A_293 = vector.broadcast %broadcast_in_dim3A_292 : f32 to vector<16xf32>
      %swap3A_294 = arith.index_cast %scan3A_279 : i32 to index
      %swap3A_295 = arith.constant 32 : index
      %swap3A_296 = tpu.vector_load %arg10[%swap3A_294, %swap3A_295] {strides = array<i32>} : memref<128x128xf32, #tpu.memory_space<vmem>>, vector<1x16xf32>,
      %swap3A_297 = vector.shape_cast %swap3A_296 : vector<1x16xf32> to vector<16xf32>
      %swap3A_298 = vector.shape_cast %broadcast_in_dim3A_293 : vector<16xf32> to vector<1x16xf32>
      tpu.vector_store %arg10[%swap3A_294, %swap3A_295], %swap3A_298 {strides = array<i32>} : memref<128x128xf32, #tpu.memory_space<vmem>>, vector<1x16xf32>,
      %broadcast_in_dim3A_299 = arith.constant 0.000000e+00 : f32
      %broadcast_in_dim3A_300 = vector.broadcast %broadcast_in_dim3A_299 : f32 to vector<16xf32>
      %swap3A_301 = arith.index_cast %scan3A_279 : i32 to index
      %swap3A_302 = arith.constant 48 : index
      %swap3A_303 = tpu.vector_load %arg10[%swap3A_301, %swap3A_302] {strides = array<i32>} : memref<128x128xf32, #tpu.memory_space<vmem>>, vector<1x16xf32>,
      %swap3A_304 = vector.shape_cast %swap3A_303 : vector<1x16xf32> to vector<16xf32>
      %swap3A_305 = vector.shape_cast %broadcast_in_dim3A_300 : vector<16xf32> to vector<1x16xf32>
      tpu.vector_store %arg10[%swap3A_301, %swap3A_302], %swap3A_305 {strides = array<i32>} : memref<128x128xf32, #tpu.memory_space<vmem>>, vector<1x16xf32>,
      %broadcast_in_dim3A_306 = arith.constant 0.000000e+00 : f32
      %broadcast_in_dim3A_307 = vector.broadcast %broadcast_in_dim3A_306 : f32 to vector<16xf32>
      %swap3A_308 = arith.index_cast %scan3A_279 : i32 to index
      %swap3A_309 = arith.constant 64 : index
      %swap3A_310 = tpu.vector_load %arg10[%swap3A_308, %swap3A_309] {strides = array<i32>} : memref<128x128xf32, #tpu.memory_space<vmem>>, vector<1x16xf32>,
      %swap3A_311 = vector.shape_cast %swap3A_310 : vector<1x16xf32> to vector<16xf32>
      %swap3A_312 = vector.shape_cast %broadcast_in_dim3A_307 : vector<16xf32> to vector<1x16xf32>
      tpu.vector_store %arg10[%swap3A_308, %swap3A_309], %swap3A_312 {strides = array<i32>} : memref<128x128xf32, #tpu.memory_space<vmem>>, vector<1x16xf32>,
      %broadcast_in_dim3A_313 = arith.constant 0.000000e+00 : f32
      %broadcast_in_dim3A_314 = vector.broadcast %broadcast_in_dim3A_313 : f32 to vector<16xf32>
      %swap3A_315 = arith.index_cast %scan3A_279 : i32 to index
      %swap3A_316 = arith.constant 80 : index
      %swap3A_317 = tpu.vector_load %arg10[%swap3A_315, %swap3A_316] {strides = array<i32>} : memref<128x128xf32, #tpu.memory_space<vmem>>, vector<1x16xf32>,
      %swap3A_318 = vector.shape_cast %swap3A_317 : vector<1x16xf32> to vector<16xf32>
      %swap3A_319 = vector.shape_cast %broadcast_in_dim3A_314 : vector<16xf32> to vector<1x16xf32>
      tpu.vector_store %arg10[%swap3A_315, %swap3A_316], %swap3A_319 {strides = array<i32>} : memref<128x128xf32, #tpu.memory_space<vmem>>, vector<1x16xf32>,
      %broadcast_in_dim3A_320 = arith.constant 0.000000e+00 : f32
      %broadcast_in_dim3A_321 = vector.broadcast %broadcast_in_dim3A_320 : f32 to vector<16xf32>
      %swap3A_322 = arith.index_cast %scan3A_279 : i32 to index
      %swap3A_323 = arith.constant 96 : index
      %swap3A_324 = tpu.vector_load %arg10[%swap3A_322, %swap3A_323] {strides = array<i32>} : memref<128x128xf32, #tpu.memory_space<vmem>>, vector<1x16xf32>,
      %swap3A_325 = vector.shape_cast %swap3A_324 : vector<1x16xf32> to vector<16xf32>
      %swap3A_326 = vector.shape_cast %broadcast_in_dim3A_321 : vector<16xf32> to vector<1x16xf32>
      tpu.vector_store %arg10[%swap3A_322, %swap3A_323], %swap3A_326 {strides = array<i32>} : memref<128x128xf32, #tpu.memory_space<vmem>>, vector<1x16xf32>,
      %broadcast_in_dim3A_327 = arith.constant 0.000000e+00 : f32
      %broadcast_in_dim3A_328 = vector.broadcast %broadcast_in_dim3A_327 : f32 to vector<16xf32>
      %swap3A_329 = arith.index_cast %scan3A_279 : i32 to index
      %swap3A_330 = arith.constant 112 : index
      %swap3A_331 = tpu.vector_load %arg10[%swap3A_329, %swap3A_330] {strides = array<i32>} : memref<128x128xf32, #tpu.memory_space<vmem>>, vector<1x16xf32>,
      %swap3A_332 = vector.shape_cast %swap3A_331 : vector<1x16xf32> to vector<16xf32>
      %swap3A_333 = vector.shape_cast %broadcast_in_dim3A_328 : vector<16xf32> to vector<1x16xf32>
      tpu.vector_store %arg10[%swap3A_329, %swap3A_330], %swap3A_333 {strides = array<i32>} : memref<128x128xf32, #tpu.memory_space<vmem>>, vector<1x16xf32>,
    }
    %scan3A_13 = arith.constant 128 : i32
    %add3A_14 = arith.constant 0 : i32
    %add3A_15 = arith.addi %mul3A_0, %add3A_14 : i32
    "tpu.region"() ({
      %run_scoped3A_279 = tpu.sem_alloc : memref<!tpu.dma_semaphore, #tpu.memory_space<semaphore_mem>>
      %dma_start3A_280 = arith.constant 0 : i32
      %dma_start3A_281 = tpu.memref_slice %arg6[%add3A_15, %dma_start3A_280] : memref<10240x128xf32, #tpu.memory_space<vmem_shared>> -> memref<128x128xf32, #tpu.memory_space<vmem_shared>>
      %dma_start3A_282 = arith.constant 0 : i32
      %dma_start3A_283 = tpu.memref_slice %arg6[%add3A_15, %dma_start3A_282] : memref<10240x128xf32, #tpu.memory_space<vmem_shared>> -> memref<128x128xf32, #tpu.memory_space<vmem_shared>>
      tpu.enqueue_dma source(%arg10 : memref<128x128xf32, #tpu.memory_space<vmem>>) target(%dma_start3A_283 : memref<128x128xf32, #tpu.memory_space<vmem_shared>>) target_semaphore(%run_scoped3A_279 : memref<!tpu.dma_semaphore, #tpu.memory_space<semaphore_mem>>)
      %dma_wait3A_284 = arith.constant 0 : i32
      %dma_wait3A_285 = tpu.memref_slice %arg6[%add3A_15, %dma_wait3A_284] : memref<10240x128xf32, #tpu.memory_space<vmem_shared>> -> memref<128x128xf32, #tpu.memory_space<vmem_shared>>
      %dma_wait3A_286 = arith.constant 0 : i32
      %dma_wait3A_287 = tpu.memref_slice %arg6[%add3A_15, %dma_wait3A_286] : memref<10240x128xf32, #tpu.memory_space<vmem_shared>> -> memref<128x128xf32, #tpu.memory_space<vmem_shared>>
      tpu.wait_dma2 semaphore(%run_scoped3A_279 : memref<!tpu.dma_semaphore, #tpu.memory_space<semaphore_mem>>) src(%arg10 : memref<128x128xf32, #tpu.memory_space<vmem>>) dst(%dma_wait3A_287 : memref<128x128xf32, #tpu.memory_space<vmem_shared>>)
      tpu.yield
    }) : () -> ()
    %add3A_16 = arith.constant 128 : i32
    %add3A_17 = arith.addi %mul3A_0, %add3A_16 : i32
    "tpu.region"() ({
      %run_scoped3A_279 = tpu.sem_alloc : memref<!tpu.dma_semaphore, #tpu.memory_space<semaphore_mem>>
      %dma_start3A_280 = arith.constant 0 : i32
      %dma_start3A_281 = tpu.memref_slice %arg6[%add3A_17, %dma_start3A_280] : memref<10240x128xf32, #tpu.memory_space<vmem_shared>> -> memref<128x128xf32, #tpu.memory_space<vmem_shared>>
      %dma_start3A_282 = arith.constant 0 : i32
      %dma_start3A_283 = tpu.memref_slice %arg6[%add3A_17, %dma_start3A_282] : memref<10240x128xf32, #tpu.memory_space<vmem_shared>> -> memref<128x128xf32, #tpu.memory_space<vmem_shared>>
      tpu.enqueue_dma source(%arg10 : memref<128x128xf32, #tpu.memory_space<vmem>>) target(%dma_start3A_283 : memref<128x128xf32, #tpu.memory_space<vmem_shared>>) target_semaphore(%run_scoped3A_279 : memref<!tpu.dma_semaphore, #tpu.memory_space<semaphore_mem>>)
      %dma_wait3A_284 = arith.constant 0 : i32
      %dma_wait3A_285 = tpu.memref_slice %arg6[%add3A_17, %dma_wait3A_284] : memref<10240x128xf32, #tpu.memory_space<vmem_shared>> -> memref<128x128xf32, #tpu.memory_space<vmem_shared>>
      %dma_wait3A_286 = arith.constant 0 : i32
      %dma_wait3A_287 = tpu.memref_slice %arg6[%add3A_17, %dma_wait3A_286] : memref<10240x128xf32, #tpu.memory_space<vmem_shared>> -> memref<128x128xf32, #tpu.memory_space<vmem_shared>>
      tpu.wait_dma2 semaphore(%run_scoped3A_279 : memref<!tpu.dma_semaphore, #tpu.memory_space<semaphore_mem>>) src(%arg10 : memref<128x128xf32, #tpu.memory_space<vmem>>) dst(%dma_wait3A_287 : memref<128x128xf32, #tpu.memory_space<vmem_shared>>)
      tpu.yield
    }) : () -> ()
    %add3A_18 = arith.constant 256 : i32
    %add3A_19 = arith.addi %mul3A_0, %add3A_18 : i32
    "tpu.region"() ({
      %run_scoped3A_279 = tpu.sem_alloc : memref<!tpu.dma_semaphore, #tpu.memory_space<semaphore_mem>>
      %dma_start3A_280 = arith.constant 0 : i32
      %dma_start3A_281 = tpu.memref_slice %arg6[%add3A_19, %dma_start3A_280] : memref<10240x128xf32, #tpu.memory_space<vmem_shared>> -> memref<128x128xf32, #tpu.memory_space<vmem_shared>>
      %dma_start3A_282 = arith.constant 0 : i32
      %dma_start3A_283 = tpu.memref_slice %arg6[%add3A_19, %dma_start3A_282] : memref<10240x128xf32, #tpu.memory_space<vmem_shared>> -> memref<128x128xf32, #tpu.memory_space<vmem_shared>>
      tpu.enqueue_dma source(%arg10 : memref<128x128xf32, #tpu.memory_space<vmem>>) target(%dma_start3A_283 : memref<128x128xf32, #tpu.memory_space<vmem_shared>>) target_semaphore(%run_scoped3A_279 : memref<!tpu.dma_semaphore, #tpu.memory_space<semaphore_mem>>)
      %dma_wait3A_284 = arith.constant 0 : i32
      %dma_wait3A_285 = tpu.memref_slice %arg6[%add3A_19, %dma_wait3A_284] : memref<10240x128xf32, #tpu.memory_space<vmem_shared>> -> memref<128x128xf32, #tpu.memory_space<vmem_shared>>
      %dma_wait3A_286 = arith.constant 0 : i32
      %dma_wait3A_287 = tpu.memref_slice %arg6[%add3A_19, %dma_wait3A_286] : memref<10240x128xf32, #tpu.memory_space<vmem_shared>> -> memref<128x128xf32, #tpu.memory_space<vmem_shared>>
      tpu.wait_dma2 semaphore(%run_scoped3A_279 : memref<!tpu.dma_semaphore, #tpu.memory_space<semaphore_mem>>) src(%arg10 : memref<128x128xf32, #tpu.memory_space<vmem>>) dst(%dma_wait3A_287 : memref<128x128xf32, #tpu.memory_space<vmem_shared>>)
      tpu.yield
    }) : () -> ()
    %add3A_20 = arith.constant 384 : i32
    %add3A_21 = arith.addi %mul3A_0, %add3A_20 : i32
    "tpu.region"() ({
      %run_scoped3A_279 = tpu.sem_alloc : memref<!tpu.dma_semaphore, #tpu.memory_space<semaphore_mem>>
      %dma_start3A_280 = arith.constant 0 : i32
      %dma_start3A_281 = tpu.memref_slice %arg6[%add3A_21, %dma_start3A_280] : memref<10240x128xf32, #tpu.memory_space<vmem_shared>> -> memref<128x128xf32, #tpu.memory_space<vmem_shared>>
      %dma_start3A_282 = arith.constant 0 : i32
      %dma_start3A_283 = tpu.memref_slice %arg6[%add3A_21, %dma_start3A_282] : memref<10240x128xf32, #tpu.memory_space<vmem_shared>> -> memref<128x128xf32, #tpu.memory_space<vmem_shared>>
      tpu.enqueue_dma source(%arg10 : memref<128x128xf32, #tpu.memory_space<vmem>>) target(%dma_start3A_283 : memref<128x128xf32, #tpu.memory_space<vmem_shared>>) target_semaphore(%run_scoped3A_279 : memref<!tpu.dma_semaphore, #tpu.memory_space<semaphore_mem>>)
      %dma_wait3A_284 = arith.constant 0 : i32
      %dma_wait3A_285 = tpu.memref_slice %arg6[%add3A_21, %dma_wait3A_284] : memref<10240x128xf32, #tpu.memory_space<vmem_shared>> -> memref<128x128xf32, #tpu.memory_space<vmem_shared>>
      %dma_wait3A_286 = arith.constant 0 : i32
      %dma_wait3A_287 = tpu.memref_slice %arg6[%add3A_21, %dma_wait3A_286] : memref<10240x128xf32, #tpu.memory_space<vmem_shared>> -> memref<128x128xf32, #tpu.memory_space<vmem_shared>>
      tpu.wait_dma2 semaphore(%run_scoped3A_279 : memref<!tpu.dma_semaphore, #tpu.memory_space<semaphore_mem>>) src(%arg10 : memref<128x128xf32, #tpu.memory_space<vmem>>) dst(%dma_wait3A_287 : memref<128x128xf32, #tpu.memory_space<vmem_shared>>)
      tpu.yield
    }) : () -> ()
    %add3A_22 = arith.constant 512 : i32
    %add3A_23 = arith.addi %mul3A_0, %add3A_22 : i32
    "tpu.region"() ({
      %run_scoped3A_279 = tpu.sem_alloc : memref<!tpu.dma_semaphore, #tpu.memory_space<semaphore_mem>>
      %dma_start3A_280 = arith.constant 0 : i32
      %dma_start3A_281 = tpu.memref_slice %arg6[%add3A_23, %dma_start3A_280] : memref<10240x128xf32, #tpu.memory_space<vmem_shared>> -> memref<128x128xf32, #tpu.memory_space<vmem_shared>>
      %dma_start3A_282 = arith.constant 0 : i32
      %dma_start3A_283 = tpu.memref_slice %arg6[%add3A_23, %dma_start3A_282] : memref<10240x128xf32, #tpu.memory_space<vmem_shared>> -> memref<128x128xf32, #tpu.memory_space<vmem_shared>>
      tpu.enqueue_dma source(%arg10 : memref<128x128xf32, #tpu.memory_space<vmem>>) target(%dma_start3A_283 : memref<128x128xf32, #tpu.memory_space<vmem_shared>>) target_semaphore(%run_scoped3A_279 : memref<!tpu.dma_semaphore, #tpu.memory_space<semaphore_mem>>)
      %dma_wait3A_284 = arith.constant 0 : i32
      %dma_wait3A_285 = tpu.memref_slice %arg6[%add3A_23, %dma_wait3A_284] : memref<10240x128xf32, #tpu.memory_space<vmem_shared>> -> memref<128x128xf32, #tpu.memory_space<vmem_shared>>
      %dma_wait3A_286 = arith.constant 0 : i32
      %dma_wait3A_287 = tpu.memref_slice %arg6[%add3A_23, %dma_wait3A_286] : memref<10240x128xf32, #tpu.memory_space<vmem_shared>> -> memref<128x128xf32, #tpu.memory_space<vmem_shared>>
      tpu.wait_dma2 semaphore(%run_scoped3A_279 : memref<!tpu.dma_semaphore, #tpu.memory_space<semaphore_mem>>) src(%arg10 : memref<128x128xf32, #tpu.memory_space<vmem>>) dst(%dma_wait3A_287 : memref<128x128xf32, #tpu.memory_space<vmem_shared>>)
      tpu.yield
    }) : () -> ()
    %barrier3A = arith.constant 0 : index
    tpu.barrier barrier_id(%barrier3A)
    %add3A_24 = arith.constant 0 : i32
    %add3A_25 = arith.addi %select_n3A, %add3A_24 : i32
    %dma_start3A = arith.constant 0 : i32
    %dma_start3A_26 = arith.constant 0 : i32
    %dma_start3A_27 = tpu.memref_slice %arg8[%dma_start3A, %dma_start3A_26] : memref<2x128xi32, #tpu.memory_space<vmem>> -> memref<1x128xi32, #tpu.memory_space<vmem>>
    %dma_start3A_28 = tpu.memref_squeeze %dma_start3A_27 : memref<1x128xi32, #tpu.memory_space<vmem>> -> memref<128xi32, #tpu.memory_space<vmem>>
    %dma_start3A_29 = tpu.memref_slice %arg2[%add3A_25] : memref<323584xi32, #tpu.memory_space<hbm>> -> memref<128xi32, #tpu.memory_space<hbm>>
    %dma_start3A_30 = arith.constant 0 : i32
    %dma_start3A_31 = tpu.memref_slice %arg8[%dma_start3A, %dma_start3A_30] : memref<2x128xi32, #tpu.memory_space<vmem>> -> memref<1x128xi32, #tpu.memory_space<vmem>>
    %dma_start3A_32 = tpu.memref_squeeze %dma_start3A_31 : memref<1x128xi32, #tpu.memory_space<vmem>> -> memref<128xi32, #tpu.memory_space<vmem>>
    %dma_start3A_33 = tpu.memref_slice %arg2[%add3A_25] : memref<323584xi32, #tpu.memory_space<hbm>> -> memref<128xi32, #tpu.memory_space<hbm>>
    tpu.enqueue_dma source(%dma_start3A_33 : memref<128xi32, #tpu.memory_space<hbm>>) target(%dma_start3A_32 : memref<128xi32, #tpu.memory_space<vmem>>) target_semaphore(%arg16 : memref<!tpu.dma_semaphore, #tpu.memory_space<semaphore_mem>>)
    %dma_start3A_34 = arith.constant 0 : i32
    %dma_start3A_35 = arith.constant 0 : i32
    %dma_start3A_36 = tpu.memref_slice %arg9[%dma_start3A_34, %dma_start3A_35] : memref<2x128xi32, #tpu.memory_space<vmem>> -> memref<1x128xi32, #tpu.memory_space<vmem>>
    %dma_start3A_37 = tpu.memref_squeeze %dma_start3A_36 : memref<1x128xi32, #tpu.memory_space<vmem>> -> memref<128xi32, #tpu.memory_space<vmem>>
    %dma_start3A_38 = tpu.memref_slice %arg3[%add3A_25] : memref<323584xi32, #tpu.memory_space<hbm>> -> memref<128xi32, #tpu.memory_space<hbm>>
    %dma_start3A_39 = arith.constant 0 : i32
    %dma_start3A_40 = tpu.memref_slice %arg9[%dma_start3A_34, %dma_start3A_39] : memref<2x128xi32, #tpu.memory_space<vmem>> -> memref<1x128xi32, #tpu.memory_space<vmem>>
    %dma_start3A_41 = tpu.memref_squeeze %dma_start3A_40 : memref<1x128xi32, #tpu.memory_space<vmem>> -> memref<128xi32, #tpu.memory_space<vmem>>
    %dma_start3A_42 = tpu.memref_slice %arg3[%add3A_25] : memref<323584xi32, #tpu.memory_space<hbm>> -> memref<128xi32, #tpu.memory_space<hbm>>
    tpu.enqueue_dma source(%dma_start3A_42 : memref<128xi32, #tpu.memory_space<hbm>>) target(%dma_start3A_41 : memref<128xi32, #tpu.memory_space<vmem>>) target_semaphore(%arg18 : memref<!tpu.dma_semaphore, #tpu.memory_space<semaphore_mem>>)
    %add3A_43 = arith.constant 128 : i32
    %add3A_44 = arith.addi %select_n3A, %add3A_43 : i32
    %dma_start3A_45 = arith.constant 1 : i32
    %dma_start3A_46 = arith.constant 0 : i32
    %dma_start3A_47 = tpu.memref_slice %arg8[%dma_start3A_45, %dma_start3A_46] : memref<2x128xi32, #tpu.memory_space<vmem>> -> memref<1x128xi32, #tpu.memory_space<vmem>>
    %dma_start3A_48 = tpu.memref_squeeze %dma_start3A_47 : memref<1x128xi32, #tpu.memory_space<vmem>> -> memref<128xi32, #tpu.memory_space<vmem>>
    %dma_start3A_49 = tpu.memref_slice %arg2[%add3A_44] : memref<323584xi32, #tpu.memory_space<hbm>> -> memref<128xi32, #tpu.memory_space<hbm>>
    %dma_start3A_50 = arith.constant 0 : i32
    %dma_start3A_51 = tpu.memref_slice %arg8[%dma_start3A_45, %dma_start3A_50] : memref<2x128xi32, #tpu.memory_space<vmem>> -> memref<1x128xi32, #tpu.memory_space<vmem>>
    %dma_start3A_52 = tpu.memref_squeeze %dma_start3A_51 : memref<1x128xi32, #tpu.memory_space<vmem>> -> memref<128xi32, #tpu.memory_space<vmem>>
    %dma_start3A_53 = tpu.memref_slice %arg2[%add3A_44] : memref<323584xi32, #tpu.memory_space<hbm>> -> memref<128xi32, #tpu.memory_space<hbm>>
    tpu.enqueue_dma source(%dma_start3A_53 : memref<128xi32, #tpu.memory_space<hbm>>) target(%dma_start3A_52 : memref<128xi32, #tpu.memory_space<vmem>>) target_semaphore(%arg17 : memref<!tpu.dma_semaphore, #tpu.memory_space<semaphore_mem>>)
    %dma_start3A_54 = arith.constant 1 : i32
    %dma_start3A_55 = arith.constant 0 : i32
    %dma_start3A_56 = tpu.memref_slice %arg9[%dma_start3A_54, %dma_start3A_55] : memref<2x128xi32, #tpu.memory_space<vmem>> -> memref<1x128xi32, #tpu.memory_space<vmem>>
    %dma_start3A_57 = tpu.memref_squeeze %dma_start3A_56 : memref<1x128xi32, #tpu.memory_space<vmem>> -> memref<128xi32, #tpu.memory_space<vmem>>
    %dma_start3A_58 = tpu.memref_slice %arg3[%add3A_44] : memref<323584xi32, #tpu.memory_space<hbm>> -> memref<128xi32, #tpu.memory_space<hbm>>
    %dma_start3A_59 = arith.constant 0 : i32
    %dma_start3A_60 = tpu.memref_slice %arg9[%dma_start3A_54, %dma_start3A_59] : memref<2x128xi32, #tpu.memory_space<vmem>> -> memref<1x128xi32, #tpu.memory_space<vmem>>
    %dma_start3A_61 = tpu.memref_squeeze %dma_start3A_60 : memref<1x128xi32, #tpu.memory_space<vmem>> -> memref<128xi32, #tpu.memory_space<vmem>>
    %dma_start3A_62 = tpu.memref_slice %arg3[%add3A_44] : memref<323584xi32, #tpu.memory_space<hbm>> -> memref<128xi32, #tpu.memory_space<hbm>>
    tpu.enqueue_dma source(%dma_start3A_62 : memref<128xi32, #tpu.memory_space<hbm>>) target(%dma_start3A_61 : memref<128xi32, #tpu.memory_space<vmem>>) target_semaphore(%arg19 : memref<!tpu.dma_semaphore, #tpu.memory_space<semaphore_mem>>)
    %dma_wait3A = arith.constant 0 : i32
    %dma_wait3A_63 = arith.constant 0 : i32
    %dma_wait3A_64 = tpu.memref_slice %arg8[%dma_wait3A, %dma_wait3A_63] : memref<2x128xi32, #tpu.memory_space<vmem>> -> memref<1x128xi32, #tpu.memory_space<vmem>>
    %dma_wait3A_65 = tpu.memref_squeeze %dma_wait3A_64 : memref<1x128xi32, #tpu.memory_space<vmem>> -> memref<128xi32, #tpu.memory_space<vmem>>
    %dma_wait3A_66 = tpu.memref_slice %arg2[%select_n3A] : memref<323584xi32, #tpu.memory_space<hbm>> -> memref<128xi32, #tpu.memory_space<hbm>>
    %dma_wait3A_67 = arith.constant 0 : i32
    %dma_wait3A_68 = tpu.memref_slice %arg8[%dma_wait3A, %dma_wait3A_67] : memref<2x128xi32, #tpu.memory_space<vmem>> -> memref<1x128xi32, #tpu.memory_space<vmem>>
    %dma_wait3A_69 = tpu.memref_squeeze %dma_wait3A_68 : memref<1x128xi32, #tpu.memory_space<vmem>> -> memref<128xi32, #tpu.memory_space<vmem>>
    %dma_wait3A_70 = tpu.memref_slice %arg2[%select_n3A] : memref<323584xi32, #tpu.memory_space<hbm>> -> memref<128xi32, #tpu.memory_space<hbm>>
    tpu.wait_dma2 semaphore(%arg16 : memref<!tpu.dma_semaphore, #tpu.memory_space<semaphore_mem>>) src(%dma_wait3A_70 : memref<128xi32, #tpu.memory_space<hbm>>) dst(%dma_wait3A_69 : memref<128xi32, #tpu.memory_space<vmem>>)
    %dma_start3A_71 = arith.constant 0 : i32
    %dma_start3A_72 = arith.constant 0 : i32
    %dma_start3A_73 = tpu.memref_slice %arg8[%dma_start3A_71, %dma_start3A_72] : memref<2x128xi32, #tpu.memory_space<vmem>> -> memref<1x128xi32, #tpu.memory_space<vmem>>
    %dma_start3A_74 = tpu.memref_squeeze %dma_start3A_73 : memref<1x128xi32, #tpu.memory_space<vmem>> -> memref<128xi32, #tpu.memory_space<vmem>>
    %dma_start3A_75 = arith.constant 0 : i32
    %dma_start3A_76 = arith.constant 0 : i32
    %dma_start3A_77 = tpu.memref_slice %arg4[%dma_start3A_75, %dma_start3A_76] : memref<10000x128xf32, #tpu.memory_space<hbm>> -> memref<10000x128xf32, #tpu.memory_space<hbm>>
    tpu.enqueue_indirect_dma source(%dma_start3A_77 : memref<10000x128xf32, #tpu.memory_space<hbm>>) target(%arg10 : memref<128x128xf32, #tpu.memory_space<vmem>>) offsets(%dma_start3A_74 : memref<128xi32, #tpu.memory_space<vmem>>) semaphore(%arg14 : memref<!tpu.dma_semaphore, #tpu.memory_space<semaphore_mem>>)
    %while3A = arith.constant 0 : i32
    %while3A_78 = arith.constant 0 : i32
    %while3A_79 = arith.subi %select_n3A_8, %while3A_78 : i32
    %while3A_80 = arith.addi %while3A_78, %while3A_79 : i32
    %while3A_81 = arith.constant 1 : i32
    %while3A_82 = arith.divsi %while3A_79, %while3A_81 : i32
    %while3A_83 = arith.muli %while3A_82, %while3A_81 : i32
    %while3A_84 = arith.addi %while3A_78, %while3A_83 : i32
    %while3A_85 = arith.constant 1 : i32
    scf.for %while3A_279 = %while3A_78 to %while3A_84 step %while3A_85  : i32 {
      %mul3A_280 = arith.constant 2 : i32
      %mul3A_281 = arith.muli %mul3A_280, %while3A_279 : i32
      %dma_wait3A_282 = arith.constant 1 : i32
      %dma_wait3A_283 = arith.constant 0 : i32
      %dma_wait3A_284 = tpu.memref_slice %arg8[%dma_wait3A_282, %dma_wait3A_283] : memref<2x128xi32, #tpu.memory_space<vmem>> -> memref<1x128xi32, #tpu.memory_space<vmem>>
      %dma_wait3A_285 = tpu.memref_squeeze %dma_wait3A_284 : memref<1x128xi32, #tpu.memory_space<vmem>> -> memref<128xi32, #tpu.memory_space<vmem>>
      %dma_wait3A_286 = tpu.memref_slice %arg2[%select_n3A] : memref<323584xi32, #tpu.memory_space<hbm>> -> memref<128xi32, #tpu.memory_space<hbm>>
      %dma_wait3A_287 = arith.constant 0 : i32
      %dma_wait3A_288 = tpu.memref_slice %arg8[%dma_wait3A_282, %dma_wait3A_287] : memref<2x128xi32, #tpu.memory_space<vmem>> -> memref<1x128xi32, #tpu.memory_space<vmem>>
      %dma_wait3A_289 = tpu.memref_squeeze %dma_wait3A_288 : memref<1x128xi32, #tpu.memory_space<vmem>> -> memref<128xi32, #tpu.memory_space<vmem>>
      %dma_wait3A_290 = tpu.memref_slice %arg2[%select_n3A] : memref<323584xi32, #tpu.memory_space<hbm>> -> memref<128xi32, #tpu.memory_space<hbm>>
      tpu.wait_dma2 semaphore(%arg17 : memref<!tpu.dma_semaphore, #tpu.memory_space<semaphore_mem>>) src(%dma_wait3A_290 : memref<128xi32, #tpu.memory_space<hbm>>) dst(%dma_wait3A_289 : memref<128xi32, #tpu.memory_space<vmem>>)
      %dma_start3A_291 = arith.constant 1 : i32
      %dma_start3A_292 = arith.constant 0 : i32
      %dma_start3A_293 = tpu.memref_slice %arg8[%dma_start3A_291, %dma_start3A_292] : memref<2x128xi32, #tpu.memory_space<vmem>> -> memref<1x128xi32, #tpu.memory_space<vmem>>
      %dma_start3A_294 = tpu.memref_squeeze %dma_start3A_293 : memref<1x128xi32, #tpu.memory_space<vmem>> -> memref<128xi32, #tpu.memory_space<vmem>>
      %dma_start3A_295 = arith.constant 0 : i32
      %dma_start3A_296 = arith.constant 0 : i32
      %dma_start3A_297 = tpu.memref_slice %arg4[%dma_start3A_295, %dma_start3A_296] : memref<10000x128xf32, #tpu.memory_space<hbm>> -> memref<10000x128xf32, #tpu.memory_space<hbm>>
      tpu.enqueue_indirect_dma source(%dma_start3A_297 : memref<10000x128xf32, #tpu.memory_space<hbm>>) target(%arg11 : memref<128x128xf32, #tpu.memory_space<vmem>>) offsets(%dma_start3A_294 : memref<128xi32, #tpu.memory_space<vmem>>) semaphore(%arg15 : memref<!tpu.dma_semaphore, #tpu.memory_space<semaphore_mem>>)
      %dma_wait3A_298 = arith.constant 0 : i32
      %dma_wait3A_299 = arith.constant 0 : i32
      %dma_wait3A_300 = tpu.memref_slice %arg8[%dma_wait3A_298, %dma_wait3A_299] : memref<2x128xi32, #tpu.memory_space<vmem>> -> memref<1x128xi32, #tpu.memory_space<vmem>>
      %dma_wait3A_301 = tpu.memref_squeeze %dma_wait3A_300 : memref<1x128xi32, #tpu.memory_space<vmem>> -> memref<128xi32, #tpu.memory_space<vmem>>
      %dma_wait3A_302 = arith.constant 0 : i32
      %dma_wait3A_303 = arith.constant 0 : i32
      %dma_wait3A_304 = tpu.memref_slice %arg4[%dma_wait3A_302, %dma_wait3A_303] : memref<10000x128xf32, #tpu.memory_space<hbm>> -> memref<10000x128xf32, #tpu.memory_space<hbm>>
      tpu.wait_indirect_dma semaphore(%arg14 : memref<!tpu.dma_semaphore, #tpu.memory_space<semaphore_mem>>) src(%dma_wait3A_304 : memref<10000x128xf32, #tpu.memory_space<hbm>>) dst(%arg10 : memref<128x128xf32, #tpu.memory_space<vmem>>)
      %dma_wait3A_305 = arith.constant 0 : i32
      %dma_wait3A_306 = arith.constant 0 : i32
      %dma_wait3A_307 = tpu.memref_slice %arg9[%dma_wait3A_305, %dma_wait3A_306] : memref<2x128xi32, #tpu.memory_space<vmem>> -> memref<1x128xi32, #tpu.memory_space<vmem>>
      %dma_wait3A_308 = tpu.memref_squeeze %dma_wait3A_307 : memref<1x128xi32, #tpu.memory_space<vmem>> -> memref<128xi32, #tpu.memory_space<vmem>>
      %dma_wait3A_309 = tpu.memref_slice %arg3[%select_n3A] : memref<323584xi32, #tpu.memory_space<hbm>> -> memref<128xi32, #tpu.memory_space<hbm>>
      %dma_wait3A_310 = arith.constant 0 : i32
      %dma_wait3A_311 = tpu.memref_slice %arg9[%dma_wait3A_305, %dma_wait3A_310] : memref<2x128xi32, #tpu.memory_space<vmem>> -> memref<1x128xi32, #tpu.memory_space<vmem>>
      %dma_wait3A_312 = tpu.memref_squeeze %dma_wait3A_311 : memref<1x128xi32, #tpu.memory_space<vmem>> -> memref<128xi32, #tpu.memory_space<vmem>>
      %dma_wait3A_313 = tpu.memref_slice %arg3[%select_n3A] : memref<323584xi32, #tpu.memory_space<hbm>> -> memref<128xi32, #tpu.memory_space<hbm>>
      tpu.wait_dma2 semaphore(%arg18 : memref<!tpu.dma_semaphore, #tpu.memory_space<semaphore_mem>>) src(%dma_wait3A_313 : memref<128xi32, #tpu.memory_space<hbm>>) dst(%dma_wait3A_312 : memref<128xi32, #tpu.memory_space<vmem>>)
      %run_scoped3A_314 = arith.constant 0 : i32
      "tpu.region"() ({
        %run_scoped3A_396 = tpu.sem_alloc : memref<!tpu.dma_semaphore, #tpu.memory_space<semaphore_mem>>
        %dma_start3A_397 = arith.constant 0 : i32
        %dma_start3A_398 = tpu.memref_slice %arg9[%run_scoped3A_314, %dma_start3A_397] : memref<2x128xi32, #tpu.memory_space<vmem>> -> memref<1x128xi32, #tpu.memory_space<vmem>>
        %dma_start3A_399 = tpu.memref_squeeze %dma_start3A_398 : memref<1x128xi32, #tpu.memory_space<vmem>> -> memref<128xi32, #tpu.memory_space<vmem>>
        %dma_start3A_400 = arith.constant 0 : i32
        %dma_start3A_401 = arith.constant 0 : i32
        %dma_start3A_402 = tpu.memref_slice %arg6[%dma_start3A_400, %dma_start3A_401] : memref<10240x128xf32, #tpu.memory_space<vmem_shared>> -> memref<10240x128xf32, #tpu.memory_space<vmem_shared>>
        tpu.enqueue_indirect_dma source(%arg10 : memref<128x128xf32, #tpu.memory_space<vmem>>) target(%dma_start3A_402 : memref<10240x128xf32, #tpu.memory_space<vmem_shared>>) offsets(%dma_start3A_399 : memref<128xi32, #tpu.memory_space<vmem>>) semaphore(%run_scoped3A_396 : memref<!tpu.dma_semaphore, #tpu.memory_space<semaphore_mem>>) {add = true}
        %dma_wait3A_403 = arith.constant 0 : i32
        %dma_wait3A_404 = tpu.memref_slice %arg9[%run_scoped3A_314, %dma_wait3A_403] : memref<2x128xi32, #tpu.memory_space<vmem>> -> memref<1x128xi32, #tpu.memory_space<vmem>>
        %dma_wait3A_405 = tpu.memref_squeeze %dma_wait3A_404 : memref<1x128xi32, #tpu.memory_space<vmem>> -> memref<128xi32, #tpu.memory_space<vmem>>
        %dma_wait3A_406 = arith.constant 0 : i32
        %dma_wait3A_407 = arith.constant 0 : i32
        %dma_wait3A_408 = tpu.memref_slice %arg6[%dma_wait3A_406, %dma_wait3A_407] : memref<10240x128xf32, #tpu.memory_space<vmem_shared>> -> memref<10240x128xf32, #tpu.memory_space<vmem_shared>>
        tpu.wait_indirect_dma semaphore(%run_scoped3A_396 : memref<!tpu.dma_semaphore, #tpu.memory_space<semaphore_mem>>) src(%arg10 : memref<128x128xf32, #tpu.memory_space<vmem>>) dst(%dma_wait3A_408 : memref<10240x128xf32, #tpu.memory_space<vmem_shared>>)
        tpu.yield
      }) : () -> ()
      %add3A_315 = arith.constant 2 : i32
      %add3A_316 = arith.addi %mul3A_281, %add3A_315 : i32
      %mul3A_317 = arith.constant 128 : i32
      %mul3A_318 = arith.muli %add3A_316, %mul3A_317 : i32
      %add3A_319 = arith.addi %select_n3A, %mul3A_318 : i32
      %dma_start3A_320 = arith.constant 0 : i32
      %dma_start3A_321 = arith.constant 0 : i32
      %dma_start3A_322 = tpu.memref_slice %arg8[%dma_start3A_320, %dma_start3A_321] : memref<2x128xi32, #tpu.memory_space<vmem>> -> memref<1x128xi32, #tpu.memory_space<vmem>>
      %dma_start3A_323 = tpu.memref_squeeze %dma_start3A_322 : memref<1x128xi32, #tpu.memory_space<vmem>> -> memref<128xi32, #tpu.memory_space<vmem>>
      %dma_start3A_324 = tpu.memref_slice %arg2[%add3A_319] : memref<323584xi32, #tpu.memory_space<hbm>> -> memref<128xi32, #tpu.memory_space<hbm>>
      %dma_start3A_325 = arith.constant 0 : i32
      %dma_start3A_326 = tpu.memref_slice %arg8[%dma_start3A_320, %dma_start3A_325] : memref<2x128xi32, #tpu.memory_space<vmem>> -> memref<1x128xi32, #tpu.memory_space<vmem>>
      %dma_start3A_327 = tpu.memref_squeeze %dma_start3A_326 : memref<1x128xi32, #tpu.memory_space<vmem>> -> memref<128xi32, #tpu.memory_space<vmem>>
      %dma_start3A_328 = tpu.memref_slice %arg2[%add3A_319] : memref<323584xi32, #tpu.memory_space<hbm>> -> memref<128xi32, #tpu.memory_space<hbm>>
      tpu.enqueue_dma source(%dma_start3A_328 : memref<128xi32, #tpu.memory_space<hbm>>) target(%dma_start3A_327 : memref<128xi32, #tpu.memory_space<vmem>>) target_semaphore(%arg16 : memref<!tpu.dma_semaphore, #tpu.memory_space<semaphore_mem>>)
      %dma_start3A_329 = arith.constant 0 : i32
      %dma_start3A_330 = arith.constant 0 : i32
      %dma_start3A_331 = tpu.memref_slice %arg9[%dma_start3A_329, %dma_start3A_330] : memref<2x128xi32, #tpu.memory_space<vmem>> -> memref<1x128xi32, #tpu.memory_space<vmem>>
      %dma_start3A_332 = tpu.memref_squeeze %dma_start3A_331 : memref<1x128xi32, #tpu.memory_space<vmem>> -> memref<128xi32, #tpu.memory_space<vmem>>
      %dma_start3A_333 = tpu.memref_slice %arg3[%add3A_319] : memref<323584xi32, #tpu.memory_space<hbm>> -> memref<128xi32, #tpu.memory_space<hbm>>
      %dma_start3A_334 = arith.constant 0 : i32
      %dma_start3A_335 = tpu.memref_slice %arg9[%dma_start3A_329, %dma_start3A_334] : memref<2x128xi32, #tpu.memory_space<vmem>> -> memref<1x128xi32, #tpu.memory_space<vmem>>
      %dma_start3A_336 = tpu.memref_squeeze %dma_start3A_335 : memref<1x128xi32, #tpu.memory_space<vmem>> -> memref<128xi32, #tpu.memory_space<vmem>>
      %dma_start3A_337 = tpu.memref_slice %arg3[%add3A_319] : memref<323584xi32, #tpu.memory_space<hbm>> -> memref<128xi32, #tpu.memory_space<hbm>>
      tpu.enqueue_dma source(%dma_start3A_337 : memref<128xi32, #tpu.memory_space<hbm>>) target(%dma_start3A_336 : memref<128xi32, #tpu.memory_space<vmem>>) target_semaphore(%arg18 : memref<!tpu.dma_semaphore, #tpu.memory_space<semaphore_mem>>)
      %add3A_338 = arith.constant 1 : i32
      %add3A_339 = arith.addi %mul3A_281, %add3A_338 : i32
      %dma_wait3A_340 = arith.constant 0 : i32
      %dma_wait3A_341 = arith.constant 0 : i32
      %dma_wait3A_342 = tpu.memref_slice %arg8[%dma_wait3A_340, %dma_wait3A_341] : memref<2x128xi32, #tpu.memory_space<vmem>> -> memref<1x128xi32, #tpu.memory_space<vmem>>
      %dma_wait3A_343 = tpu.memref_squeeze %dma_wait3A_342 : memref<1x128xi32, #tpu.memory_space<vmem>> -> memref<128xi32, #tpu.memory_space<vmem>>
      %dma_wait3A_344 = tpu.memref_slice %arg2[%select_n3A] : memref<323584xi32, #tpu.memory_space<hbm>> -> memref<128xi32, #tpu.memory_space<hbm>>
      %dma_wait3A_345 = arith.constant 0 : i32
      %dma_wait3A_346 = tpu.memref_slice %arg8[%dma_wait3A_340, %dma_wait3A_345] : memref<2x128xi32, #tpu.memory_space<vmem>> -> memref<1x128xi32, #tpu.memory_space<vmem>>
      %dma_wait3A_347 = tpu.memref_squeeze %dma_wait3A_346 : memref<1x128xi32, #tpu.memory_space<vmem>> -> memref<128xi32, #tpu.memory_space<vmem>>
      %dma_wait3A_348 = tpu.memref_slice %arg2[%select_n3A] : memref<323584xi32, #tpu.memory_space<hbm>> -> memref<128xi32, #tpu.memory_space<hbm>>
      tpu.wait_dma2 semaphore(%arg16 : memref<!tpu.dma_semaphore, #tpu.memory_space<semaphore_mem>>) src(%dma_wait3A_348 : memref<128xi32, #tpu.memory_space<hbm>>) dst(%dma_wait3A_347 : memref<128xi32, #tpu.memory_space<vmem>>)
      %dma_start3A_349 = arith.constant 0 : i32
      %dma_start3A_350 = arith.constant 0 : i32
      %dma_start3A_351 = tpu.memref_slice %arg8[%dma_start3A_349, %dma_start3A_350] : memref<2x128xi32, #tpu.memory_space<vmem>> -> memref<1x128xi32, #tpu.memory_space<vmem>>
      %dma_start3A_352 = tpu.memref_squeeze %dma_start3A_351 : memref<1x128xi32, #tpu.memory_space<vmem>> -> memref<128xi32, #tpu.memory_space<vmem>>
      %dma_start3A_353 = arith.constant 0 : i32
      %dma_start3A_354 = arith.constant 0 : i32
      %dma_start3A_355 = tpu.memref_slice %arg4[%dma_start3A_353, %dma_start3A_354] : memref<10000x128xf32, #tpu.memory_space<hbm>> -> memref<10000x128xf32, #tpu.memory_space<hbm>>
      tpu.enqueue_indirect_dma source(%dma_start3A_355 : memref<10000x128xf32, #tpu.memory_space<hbm>>) target(%arg10 : memref<128x128xf32, #tpu.memory_space<vmem>>) offsets(%dma_start3A_352 : memref<128xi32, #tpu.memory_space<vmem>>) semaphore(%arg14 : memref<!tpu.dma_semaphore, #tpu.memory_space<semaphore_mem>>)
      %dma_wait3A_356 = arith.constant 1 : i32
      %dma_wait3A_357 = arith.constant 0 : i32
      %dma_wait3A_358 = tpu.memref_slice %arg8[%dma_wait3A_356, %dma_wait3A_357] : memref<2x128xi32, #tpu.memory_space<vmem>> -> memref<1x128xi32, #tpu.memory_space<vmem>>
      %dma_wait3A_359 = tpu.memref_squeeze %dma_wait3A_358 : memref<1x128xi32, #tpu.memory_space<vmem>> -> memref<128xi32, #tpu.memory_space<vmem>>
      %dma_wait3A_360 = arith.constant 0 : i32
      %dma_wait3A_361 = arith.constant 0 : i32
      %dma_wait3A_362 = tpu.memref_slice %arg4[%dma_wait3A_360, %dma_wait3A_361] : memref<10000x128xf32, #tpu.memory_space<hbm>> -> memref<10000x128xf32, #tpu.memory_space<hbm>>
      tpu.wait_indirect_dma semaphore(%arg15 : memref<!tpu.dma_semaphore, #tpu.memory_space<semaphore_mem>>) src(%dma_wait3A_362 : memref<10000x128xf32, #tpu.memory_space<hbm>>) dst(%arg11 : memref<128x128xf32, #tpu.memory_space<vmem>>)
      %dma_wait3A_363 = arith.constant 1 : i32
      %dma_wait3A_364 = arith.constant 0 : i32
      %dma_wait3A_365 = tpu.memref_slice %arg9[%dma_wait3A_363, %dma_wait3A_364] : memref<2x128xi32, #tpu.memory_space<vmem>> -> memref<1x128xi32, #tpu.memory_space<vmem>>
      %dma_wait3A_366 = tpu.memref_squeeze %dma_wait3A_365 : memref<1x128xi32, #tpu.memory_space<vmem>> -> memref<128xi32, #tpu.memory_space<vmem>>
      %dma_wait3A_367 = tpu.memref_slice %arg3[%select_n3A] : memref<323584xi32, #tpu.memory_space<hbm>> -> memref<128xi32, #tpu.memory_space<hbm>>
      %dma_wait3A_368 = arith.constant 0 : i32
      %dma_wait3A_369 = tpu.memref_slice %arg9[%dma_wait3A_363, %dma_wait3A_368] : memref<2x128xi32, #tpu.memory_space<vmem>> -> memref<1x128xi32, #tpu.memory_space<vmem>>
      %dma_wait3A_370 = tpu.memref_squeeze %dma_wait3A_369 : memref<1x128xi32, #tpu.memory_space<vmem>> -> memref<128xi32, #tpu.memory_space<vmem>>
      %dma_wait3A_371 = tpu.memref_slice %arg3[%select_n3A] : memref<323584xi32, #tpu.memory_space<hbm>> -> memref<128xi32, #tpu.memory_space<hbm>>
      tpu.wait_dma2 semaphore(%arg19 : memref<!tpu.dma_semaphore, #tpu.memory_space<semaphore_mem>>) src(%dma_wait3A_371 : memref<128xi32, #tpu.memory_space<hbm>>) dst(%dma_wait3A_370 : memref<128xi32, #tpu.memory_space<vmem>>)
      %run_scoped3A_372 = arith.constant 1 : i32
      "tpu.region"() ({
        %run_scoped3A_396 = tpu.sem_alloc : memref<!tpu.dma_semaphore, #tpu.memory_space<semaphore_mem>>
        %dma_start3A_397 = arith.constant 0 : i32
        %dma_start3A_398 = tpu.memref_slice %arg9[%run_scoped3A_372, %dma_start3A_397] : memref<2x128xi32, #tpu.memory_space<vmem>> -> memref<1x128xi32, #tpu.memory_space<vmem>>
        %dma_start3A_399 = tpu.memref_squeeze %dma_start3A_398 : memref<1x128xi32, #tpu.memory_space<vmem>> -> memref<128xi32, #tpu.memory_space<vmem>>
        %dma_start3A_400 = arith.constant 0 : i32
        %dma_start3A_401 = arith.constant 0 : i32
        %dma_start3A_402 = tpu.memref_slice %arg6[%dma_start3A_400, %dma_start3A_401] : memref<10240x128xf32, #tpu.memory_space<vmem_shared>> -> memref<10240x128xf32, #tpu.memory_space<vmem_shared>>
        tpu.enqueue_indirect_dma source(%arg11 : memref<128x128xf32, #tpu.memory_space<vmem>>) target(%dma_start3A_402 : memref<10240x128xf32, #tpu.memory_space<vmem_shared>>) offsets(%dma_start3A_399 : memref<128xi32, #tpu.memory_space<vmem>>) semaphore(%run_scoped3A_396 : memref<!tpu.dma_semaphore, #tpu.memory_space<semaphore_mem>>) {add = true}
        %dma_wait3A_403 = arith.constant 0 : i32
        %dma_wait3A_404 = tpu.memref_slice %arg9[%run_scoped3A_372, %dma_wait3A_403] : memref<2x128xi32, #tpu.memory_space<vmem>> -> memref<1x128xi32, #tpu.memory_space<vmem>>
        %dma_wait3A_405 = tpu.memref_squeeze %dma_wait3A_404 : memref<1x128xi32, #tpu.memory_space<vmem>> -> memref<128xi32, #tpu.memory_space<vmem>>
        %dma_wait3A_406 = arith.constant 0 : i32
        %dma_wait3A_407 = arith.constant 0 : i32
        %dma_wait3A_408 = tpu.memref_slice %arg6[%dma_wait3A_406, %dma_wait3A_407] : memref<10240x128xf32, #tpu.memory_space<vmem_shared>> -> memref<10240x128xf32, #tpu.memory_space<vmem_shared>>
        tpu.wait_indirect_dma semaphore(%run_scoped3A_396 : memref<!tpu.dma_semaphore, #tpu.memory_space<semaphore_mem>>) src(%arg11 : memref<128x128xf32, #tpu.memory_space<vmem>>) dst(%dma_wait3A_408 : memref<10240x128xf32, #tpu.memory_space<vmem_shared>>)
        tpu.yield
      }) : () -> ()
      %add3A_373 = arith.constant 2 : i32
      %add3A_374 = arith.addi %add3A_339, %add3A_373 : i32
      %mul3A_375 = arith.constant 128 : i32
      %mul3A_376 = arith.muli %add3A_374, %mul3A_375 : i32
      %add3A_377 = arith.addi %select_n3A, %mul3A_376 : i32
      %dma_start3A_378 = arith.constant 1 : i32
      %dma_start3A_379 = arith.constant 0 : i32
      %dma_start3A_380 = tpu.memref_slice %arg8[%dma_start3A_378, %dma_start3A_379] : memref<2x128xi32, #tpu.memory_space<vmem>> -> memref<1x128xi32, #tpu.memory_space<vmem>>
      %dma_start3A_381 = tpu.memref_squeeze %dma_start3A_380 : memref<1x128xi32, #tpu.memory_space<vmem>> -> memref<128xi32, #tpu.memory_space<vmem>>
      %dma_start3A_382 = tpu.memref_slice %arg2[%add3A_377] : memref<323584xi32, #tpu.memory_space<hbm>> -> memref<128xi32, #tpu.memory_space<hbm>>
      %dma_start3A_383 = arith.constant 0 : i32
      %dma_start3A_384 = tpu.memref_slice %arg8[%dma_start3A_378, %dma_start3A_383] : memref<2x128xi32, #tpu.memory_space<vmem>> -> memref<1x128xi32, #tpu.memory_space<vmem>>
      %dma_start3A_385 = tpu.memref_squeeze %dma_start3A_384 : memref<1x128xi32, #tpu.memory_space<vmem>> -> memref<128xi32, #tpu.memory_space<vmem>>
      %dma_start3A_386 = tpu.memref_slice %arg2[%add3A_377] : memref<323584xi32, #tpu.memory_space<hbm>> -> memref<128xi32, #tpu.memory_space<hbm>>
      tpu.enqueue_dma source(%dma_start3A_386 : memref<128xi32, #tpu.memory_space<hbm>>) target(%dma_start3A_385 : memref<128xi32, #tpu.memory_space<vmem>>) target_semaphore(%arg17 : memref<!tpu.dma_semaphore, #tpu.memory_space<semaphore_mem>>)
      %dma_start3A_387 = arith.constant 1 : i32
      %dma_start3A_388 = arith.constant 0 : i32
      %dma_start3A_389 = tpu.memref_slice %arg9[%dma_start3A_387, %dma_start3A_388] : memref<2x128xi32, #tpu.memory_space<vmem>> -> memref<1x128xi32, #tpu.memory_space<vmem>>
      %dma_start3A_390 = tpu.memref_squeeze %dma_start3A_389 : memref<1x128xi32, #tpu.memory_space<vmem>> -> memref<128xi32, #tpu.memory_space<vmem>>
      %dma_start3A_391 = tpu.memref_slice %arg3[%add3A_377] : memref<323584xi32, #tpu.memory_space<hbm>> -> memref<128xi32, #tpu.memory_space<hbm>>
      %dma_start3A_392 = arith.constant 0 : i32
      %dma_start3A_393 = tpu.memref_slice %arg9[%dma_start3A_387, %dma_start3A_392] : memref<2x128xi32, #tpu.memory_space<vmem>> -> memref<1x128xi32, #tpu.memory_space<vmem>>
      %dma_start3A_394 = tpu.memref_squeeze %dma_start3A_393 : memref<1x128xi32, #tpu.memory_space<vmem>> -> memref<128xi32, #tpu.memory_space<vmem>>
      %dma_start3A_395 = tpu.memref_slice %arg3[%add3A_377] : memref<323584xi32, #tpu.memory_space<hbm>> -> memref<128xi32, #tpu.memory_space<hbm>>
      tpu.enqueue_dma source(%dma_start3A_395 : memref<128xi32, #tpu.memory_space<hbm>>) target(%dma_start3A_394 : memref<128xi32, #tpu.memory_space<vmem>>) target_semaphore(%arg19 : memref<!tpu.dma_semaphore, #tpu.memory_space<semaphore_mem>>)
    }
    %while3A_86 = arith.constant 1 : i32
    scf.for %while3A_279 = %while3A_84 to %while3A_80 step %while3A_86  : i32 {
      %mul3A_280 = arith.constant 2 : i32
      %mul3A_281 = arith.muli %mul3A_280, %while3A_279 : i32
      %dma_wait3A_282 = arith.constant 1 : i32
      %dma_wait3A_283 = arith.constant 0 : i32
      %dma_wait3A_284 = tpu.memref_slice %arg8[%dma_wait3A_282, %dma_wait3A_283] : memref<2x128xi32, #tpu.memory_space<vmem>> -> memref<1x128xi32, #tpu.memory_space<vmem>>
      %dma_wait3A_285 = tpu.memref_squeeze %dma_wait3A_284 : memref<1x128xi32, #tpu.memory_space<vmem>> -> memref<128xi32, #tpu.memory_space<vmem>>
      %dma_wait3A_286 = tpu.memref_slice %arg2[%select_n3A] : memref<323584xi32, #tpu.memory_space<hbm>> -> memref<128xi32, #tpu.memory_space<hbm>>
      %dma_wait3A_287 = arith.constant 0 : i32
      %dma_wait3A_288 = tpu.memref_slice %arg8[%dma_wait3A_282, %dma_wait3A_287] : memref<2x128xi32, #tpu.memory_space<vmem>> -> memref<1x128xi32, #tpu.memory_space<vmem>>
      %dma_wait3A_289 = tpu.memref_squeeze %dma_wait3A_288 : memref<1x128xi32, #tpu.memory_space<vmem>> -> memref<128xi32, #tpu.memory_space<vmem>>
      %dma_wait3A_290 = tpu.memref_slice %arg2[%select_n3A] : memref<323584xi32, #tpu.memory_space<hbm>> -> memref<128xi32, #tpu.memory_space<hbm>>
      tpu.wait_dma2 semaphore(%arg17 : memref<!tpu.dma_semaphore, #tpu.memory_space<semaphore_mem>>) src(%dma_wait3A_290 : memref<128xi32, #tpu.memory_space<hbm>>) dst(%dma_wait3A_289 : memref<128xi32, #tpu.memory_space<vmem>>)
      %dma_start3A_291 = arith.constant 1 : i32
      %dma_start3A_292 = arith.constant 0 : i32
      %dma_start3A_293 = tpu.memref_slice %arg8[%dma_start3A_291, %dma_start3A_292] : memref<2x128xi32, #tpu.memory_space<vmem>> -> memref<1x128xi32, #tpu.memory_space<vmem>>
      %dma_start3A_294 = tpu.memref_squeeze %dma_start3A_293 : memref<1x128xi32, #tpu.memory_space<vmem>> -> memref<128xi32, #tpu.memory_space<vmem>>
      %dma_start3A_295 = arith.constant 0 : i32
      %dma_start3A_296 = arith.constant 0 : i32
      %dma_start3A_297 = tpu.memref_slice %arg4[%dma_start3A_295, %dma_start3A_296] : memref<10000x128xf32, #tpu.memory_space<hbm>> -> memref<10000x128xf32, #tpu.memory_space<hbm>>
      tpu.enqueue_indirect_dma source(%dma_start3A_297 : memref<10000x128xf32, #tpu.memory_space<hbm>>) target(%arg11 : memref<128x128xf32, #tpu.memory_space<vmem>>) offsets(%dma_start3A_294 : memref<128xi32, #tpu.memory_space<vmem>>) semaphore(%arg15 : memref<!tpu.dma_semaphore, #tpu.memory_space<semaphore_mem>>)
      %dma_wait3A_298 = arith.constant 0 : i32
      %dma_wait3A_299 = arith.constant 0 : i32
      %dma_wait3A_300 = tpu.memref_slice %arg8[%dma_wait3A_298, %dma_wait3A_299] : memref<2x128xi32, #tpu.memory_space<vmem>> -> memref<1x128xi32, #tpu.memory_space<vmem>>
      %dma_wait3A_301 = tpu.memref_squeeze %dma_wait3A_300 : memref<1x128xi32, #tpu.memory_space<vmem>> -> memref<128xi32, #tpu.memory_space<vmem>>
      %dma_wait3A_302 = arith.constant 0 : i32
      %dma_wait3A_303 = arith.constant 0 : i32
      %dma_wait3A_304 = tpu.memref_slice %arg4[%dma_wait3A_302, %dma_wait3A_303] : memref<10000x128xf32, #tpu.memory_space<hbm>> -> memref<10000x128xf32, #tpu.memory_space<hbm>>
      tpu.wait_indirect_dma semaphore(%arg14 : memref<!tpu.dma_semaphore, #tpu.memory_space<semaphore_mem>>) src(%dma_wait3A_304 : memref<10000x128xf32, #tpu.memory_space<hbm>>) dst(%arg10 : memref<128x128xf32, #tpu.memory_space<vmem>>)
      %dma_wait3A_305 = arith.constant 0 : i32
      %dma_wait3A_306 = arith.constant 0 : i32
      %dma_wait3A_307 = tpu.memref_slice %arg9[%dma_wait3A_305, %dma_wait3A_306] : memref<2x128xi32, #tpu.memory_space<vmem>> -> memref<1x128xi32, #tpu.memory_space<vmem>>
      %dma_wait3A_308 = tpu.memref_squeeze %dma_wait3A_307 : memref<1x128xi32, #tpu.memory_space<vmem>> -> memref<128xi32, #tpu.memory_space<vmem>>
      %dma_wait3A_309 = tpu.memref_slice %arg3[%select_n3A] : memref<323584xi32, #tpu.memory_space<hbm>> -> memref<128xi32, #tpu.memory_space<hbm>>
      %dma_wait3A_310 = arith.constant 0 : i32
      %dma_wait3A_311 = tpu.memref_slice %arg9[%dma_wait3A_305, %dma_wait3A_310] : memref<2x128xi32, #tpu.memory_space<vmem>> -> memref<1x128xi32, #tpu.memory_space<vmem>>
      %dma_wait3A_312 = tpu.memref_squeeze %dma_wait3A_311 : memref<1x128xi32, #tpu.memory_space<vmem>> -> memref<128xi32, #tpu.memory_space<vmem>>
      %dma_wait3A_313 = tpu.memref_slice %arg3[%select_n3A] : memref<323584xi32, #tpu.memory_space<hbm>> -> memref<128xi32, #tpu.memory_space<hbm>>
      tpu.wait_dma2 semaphore(%arg18 : memref<!tpu.dma_semaphore, #tpu.memory_space<semaphore_mem>>) src(%dma_wait3A_313 : memref<128xi32, #tpu.memory_space<hbm>>) dst(%dma_wait3A_312 : memref<128xi32, #tpu.memory_space<vmem>>)
      %run_scoped3A_314 = arith.constant 0 : i32
      "tpu.region"() ({
        %run_scoped3A_396 = tpu.sem_alloc : memref<!tpu.dma_semaphore, #tpu.memory_space<semaphore_mem>>
        %dma_start3A_397 = arith.constant 0 : i32
        %dma_start3A_398 = tpu.memref_slice %arg9[%run_scoped3A_314, %dma_start3A_397] : memref<2x128xi32, #tpu.memory_space<vmem>> -> memref<1x128xi32, #tpu.memory_space<vmem>>
        %dma_start3A_399 = tpu.memref_squeeze %dma_start3A_398 : memref<1x128xi32, #tpu.memory_space<vmem>> -> memref<128xi32, #tpu.memory_space<vmem>>
        %dma_start3A_400 = arith.constant 0 : i32
        %dma_start3A_401 = arith.constant 0 : i32
        %dma_start3A_402 = tpu.memref_slice %arg6[%dma_start3A_400, %dma_start3A_401] : memref<10240x128xf32, #tpu.memory_space<vmem_shared>> -> memref<10240x128xf32, #tpu.memory_space<vmem_shared>>
        tpu.enqueue_indirect_dma source(%arg10 : memref<128x128xf32, #tpu.memory_space<vmem>>) target(%dma_start3A_402 : memref<10240x128xf32, #tpu.memory_space<vmem_shared>>) offsets(%dma_start3A_399 : memref<128xi32, #tpu.memory_space<vmem>>) semaphore(%run_scoped3A_396 : memref<!tpu.dma_semaphore, #tpu.memory_space<semaphore_mem>>) {add = true}
        %dma_wait3A_403 = arith.constant 0 : i32
        %dma_wait3A_404 = tpu.memref_slice %arg9[%run_scoped3A_314, %dma_wait3A_403] : memref<2x128xi32, #tpu.memory_space<vmem>> -> memref<1x128xi32, #tpu.memory_space<vmem>>
        %dma_wait3A_405 = tpu.memref_squeeze %dma_wait3A_404 : memref<1x128xi32, #tpu.memory_space<vmem>> -> memref<128xi32, #tpu.memory_space<vmem>>
        %dma_wait3A_406 = arith.constant 0 : i32
        %dma_wait3A_407 = arith.constant 0 : i32
        %dma_wait3A_408 = tpu.memref_slice %arg6[%dma_wait3A_406, %dma_wait3A_407] : memref<10240x128xf32, #tpu.memory_space<vmem_shared>> -> memref<10240x128xf32, #tpu.memory_space<vmem_shared>>
        tpu.wait_indirect_dma semaphore(%run_scoped3A_396 : memref<!tpu.dma_semaphore, #tpu.memory_space<semaphore_mem>>) src(%arg10 : memref<128x128xf32, #tpu.memory_space<vmem>>) dst(%dma_wait3A_408 : memref<10240x128xf32, #tpu.memory_space<vmem_shared>>)
        tpu.yield
      }) : () -> ()
      %add3A_315 = arith.constant 2 : i32
      %add3A_316 = arith.addi %mul3A_281, %add3A_315 : i32
      %mul3A_317 = arith.constant 128 : i32
      %mul3A_318 = arith.muli %add3A_316, %mul3A_317 : i32
      %add3A_319 = arith.addi %select_n3A, %mul3A_318 : i32
      %dma_start3A_320 = arith.constant 0 : i32
      %dma_start3A_321 = arith.constant 0 : i32
      %dma_start3A_322 = tpu.memref_slice %arg8[%dma_start3A_320, %dma_start3A_321] : memref<2x128xi32, #tpu.memory_space<vmem>> -> memref<1x128xi32, #tpu.memory_space<vmem>>
      %dma_start3A_323 = tpu.memref_squeeze %dma_start3A_322 : memref<1x128xi32, #tpu.memory_space<vmem>> -> memref<128xi32, #tpu.memory_space<vmem>>
      %dma_start3A_324 = tpu.memref_slice %arg2[%add3A_319] : memref<323584xi32, #tpu.memory_space<hbm>> -> memref<128xi32, #tpu.memory_space<hbm>>
      %dma_start3A_325 = arith.constant 0 : i32
      %dma_start3A_326 = tpu.memref_slice %arg8[%dma_start3A_320, %dma_start3A_325] : memref<2x128xi32, #tpu.memory_space<vmem>> -> memref<1x128xi32, #tpu.memory_space<vmem>>
      %dma_start3A_327 = tpu.memref_squeeze %dma_start3A_326 : memref<1x128xi32, #tpu.memory_space<vmem>> -> memref<128xi32, #tpu.memory_space<vmem>>
      %dma_start3A_328 = tpu.memref_slice %arg2[%add3A_319] : memref<323584xi32, #tpu.memory_space<hbm>> -> memref<128xi32, #tpu.memory_space<hbm>>
      tpu.enqueue_dma source(%dma_start3A_328 : memref<128xi32, #tpu.memory_space<hbm>>) target(%dma_start3A_327 : memref<128xi32, #tpu.memory_space<vmem>>) target_semaphore(%arg16 : memref<!tpu.dma_semaphore, #tpu.memory_space<semaphore_mem>>)
      %dma_start3A_329 = arith.constant 0 : i32
      %dma_start3A_330 = arith.constant 0 : i32
      %dma_start3A_331 = tpu.memref_slice %arg9[%dma_start3A_329, %dma_start3A_330] : memref<2x128xi32, #tpu.memory_space<vmem>> -> memref<1x128xi32, #tpu.memory_space<vmem>>
      %dma_start3A_332 = tpu.memref_squeeze %dma_start3A_331 : memref<1x128xi32, #tpu.memory_space<vmem>> -> memref<128xi32, #tpu.memory_space<vmem>>
      %dma_start3A_333 = tpu.memref_slice %arg3[%add3A_319] : memref<323584xi32, #tpu.memory_space<hbm>> -> memref<128xi32, #tpu.memory_space<hbm>>
      %dma_start3A_334 = arith.constant 0 : i32
      %dma_start3A_335 = tpu.memref_slice %arg9[%dma_start3A_329, %dma_start3A_334] : memref<2x128xi32, #tpu.memory_space<vmem>> -> memref<1x128xi32, #tpu.memory_space<vmem>>
      %dma_start3A_336 = tpu.memref_squeeze %dma_start3A_335 : memref<1x128xi32, #tpu.memory_space<vmem>> -> memref<128xi32, #tpu.memory_space<vmem>>
      %dma_start3A_337 = tpu.memref_slice %arg3[%add3A_319] : memref<323584xi32, #tpu.memory_space<hbm>> -> memref<128xi32, #tpu.memory_space<hbm>>
      tpu.enqueue_dma source(%dma_start3A_337 : memref<128xi32, #tpu.memory_space<hbm>>) target(%dma_start3A_336 : memref<128xi32, #tpu.memory_space<vmem>>) target_semaphore(%arg18 : memref<!tpu.dma_semaphore, #tpu.memory_space<semaphore_mem>>)
      %add3A_338 = arith.constant 1 : i32
      %add3A_339 = arith.addi %mul3A_281, %add3A_338 : i32
      %dma_wait3A_340 = arith.constant 0 : i32
      %dma_wait3A_341 = arith.constant 0 : i32
      %dma_wait3A_342 = tpu.memref_slice %arg8[%dma_wait3A_340, %dma_wait3A_341] : memref<2x128xi32, #tpu.memory_space<vmem>> -> memref<1x128xi32, #tpu.memory_space<vmem>>
      %dma_wait3A_343 = tpu.memref_squeeze %dma_wait3A_342 : memref<1x128xi32, #tpu.memory_space<vmem>> -> memref<128xi32, #tpu.memory_space<vmem>>
      %dma_wait3A_344 = tpu.memref_slice %arg2[%select_n3A] : memref<323584xi32, #tpu.memory_space<hbm>> -> memref<128xi32, #tpu.memory_space<hbm>>
      %dma_wait3A_345 = arith.constant 0 : i32
      %dma_wait3A_346 = tpu.memref_slice %arg8[%dma_wait3A_340, %dma_wait3A_345] : memref<2x128xi32, #tpu.memory_space<vmem>> -> memref<1x128xi32, #tpu.memory_space<vmem>>
      %dma_wait3A_347 = tpu.memref_squeeze %dma_wait3A_346 : memref<1x128xi32, #tpu.memory_space<vmem>> -> memref<128xi32, #tpu.memory_space<vmem>>
      %dma_wait3A_348 = tpu.memref_slice %arg2[%select_n3A] : memref<323584xi32, #tpu.memory_space<hbm>> -> memref<128xi32, #tpu.memory_space<hbm>>
      tpu.wait_dma2 semaphore(%arg16 : memref<!tpu.dma_semaphore, #tpu.memory_space<semaphore_mem>>) src(%dma_wait3A_348 : memref<128xi32, #tpu.memory_space<hbm>>) dst(%dma_wait3A_347 : memref<128xi32, #tpu.memory_space<vmem>>)
      %dma_start3A_349 = arith.constant 0 : i32
      %dma_start3A_350 = arith.constant 0 : i32
      %dma_start3A_351 = tpu.memref_slice %arg8[%dma_start3A_349, %dma_start3A_350] : memref<2x128xi32, #tpu.memory_space<vmem>> -> memref<1x128xi32, #tpu.memory_space<vmem>>
      %dma_start3A_352 = tpu.memref_squeeze %dma_start3A_351 : memref<1x128xi32, #tpu.memory_space<vmem>> -> memref<128xi32, #tpu.memory_space<vmem>>
      %dma_start3A_353 = arith.constant 0 : i32
      %dma_start3A_354 = arith.constant 0 : i32
      %dma_start3A_355 = tpu.memref_slice %arg4[%dma_start3A_353, %dma_start3A_354] : memref<10000x128xf32, #tpu.memory_space<hbm>> -> memref<10000x128xf32, #tpu.memory_space<hbm>>
      tpu.enqueue_indirect_dma source(%dma_start3A_355 : memref<10000x128xf32, #tpu.memory_space<hbm>>) target(%arg10 : memref<128x128xf32, #tpu.memory_space<vmem>>) offsets(%dma_start3A_352 : memref<128xi32, #tpu.memory_space<vmem>>) semaphore(%arg14 : memref<!tpu.dma_semaphore, #tpu.memory_space<semaphore_mem>>)
      %dma_wait3A_356 = arith.constant 1 : i32
      %dma_wait3A_357 = arith.constant 0 : i32
      %dma_wait3A_358 = tpu.memref_slice %arg8[%dma_wait3A_356, %dma_wait3A_357] : memref<2x128xi32, #tpu.memory_space<vmem>> -> memref<1x128xi32, #tpu.memory_space<vmem>>
      %dma_wait3A_359 = tpu.memref_squeeze %dma_wait3A_358 : memref<1x128xi32, #tpu.memory_space<vmem>> -> memref<128xi32, #tpu.memory_space<vmem>>
      %dma_wait3A_360 = arith.constant 0 : i32
      %dma_wait3A_361 = arith.constant 0 : i32
      %dma_wait3A_362 = tpu.memref_slice %arg4[%dma_wait3A_360, %dma_wait3A_361] : memref<10000x128xf32, #tpu.memory_space<hbm>> -> memref<10000x128xf32, #tpu.memory_space<hbm>>
      tpu.wait_indirect_dma semaphore(%arg15 : memref<!tpu.dma_semaphore, #tpu.memory_space<semaphore_mem>>) src(%dma_wait3A_362 : memref<10000x128xf32, #tpu.memory_space<hbm>>) dst(%arg11 : memref<128x128xf32, #tpu.memory_space<vmem>>)
      %dma_wait3A_363 = arith.constant 1 : i32
      %dma_wait3A_364 = arith.constant 0 : i32
      %dma_wait3A_365 = tpu.memref_slice %arg9[%dma_wait3A_363, %dma_wait3A_364] : memref<2x128xi32, #tpu.memory_space<vmem>> -> memref<1x128xi32, #tpu.memory_space<vmem>>
      %dma_wait3A_366 = tpu.memref_squeeze %dma_wait3A_365 : memref<1x128xi32, #tpu.memory_space<vmem>> -> memref<128xi32, #tpu.memory_space<vmem>>
      %dma_wait3A_367 = tpu.memref_slice %arg3[%select_n3A] : memref<323584xi32, #tpu.memory_space<hbm>> -> memref<128xi32, #tpu.memory_space<hbm>>
      %dma_wait3A_368 = arith.constant 0 : i32
      %dma_wait3A_369 = tpu.memref_slice %arg9[%dma_wait3A_363, %dma_wait3A_368] : memref<2x128xi32, #tpu.memory_space<vmem>> -> memref<1x128xi32, #tpu.memory_space<vmem>>
      %dma_wait3A_370 = tpu.memref_squeeze %dma_wait3A_369 : memref<1x128xi32, #tpu.memory_space<vmem>> -> memref<128xi32, #tpu.memory_space<vmem>>
      %dma_wait3A_371 = tpu.memref_slice %arg3[%select_n3A] : memref<323584xi32, #tpu.memory_space<hbm>> -> memref<128xi32, #tpu.memory_space<hbm>>
      tpu.wait_dma2 semaphore(%arg19 : memref<!tpu.dma_semaphore, #tpu.memory_space<semaphore_mem>>) src(%dma_wait3A_371 : memref<128xi32, #tpu.memory_space<hbm>>) dst(%dma_wait3A_370 : memref<128xi32, #tpu.memory_space<vmem>>)
      %run_scoped3A_372 = arith.constant 1 : i32
      "tpu.region"() ({
        %run_scoped3A_396 = tpu.sem_alloc : memref<!tpu.dma_semaphore, #tpu.memory_space<semaphore_mem>>
        %dma_start3A_397 = arith.constant 0 : i32
        %dma_start3A_398 = tpu.memref_slice %arg9[%run_scoped3A_372, %dma_start3A_397] : memref<2x128xi32, #tpu.memory_space<vmem>> -> memref<1x128xi32, #tpu.memory_space<vmem>>
        %dma_start3A_399 = tpu.memref_squeeze %dma_start3A_398 : memref<1x128xi32, #tpu.memory_space<vmem>> -> memref<128xi32, #tpu.memory_space<vmem>>
        %dma_start3A_400 = arith.constant 0 : i32
        %dma_start3A_401 = arith.constant 0 : i32
        %dma_start3A_402 = tpu.memref_slice %arg6[%dma_start3A_400, %dma_start3A_401] : memref<10240x128xf32, #tpu.memory_space<vmem_shared>> -> memref<10240x128xf32, #tpu.memory_space<vmem_shared>>
        tpu.enqueue_indirect_dma source(%arg11 : memref<128x128xf32, #tpu.memory_space<vmem>>) target(%dma_start3A_402 : memref<10240x128xf32, #tpu.memory_space<vmem_shared>>) offsets(%dma_start3A_399 : memref<128xi32, #tpu.memory_space<vmem>>) semaphore(%run_scoped3A_396 : memref<!tpu.dma_semaphore, #tpu.memory_space<semaphore_mem>>) {add = true}
        %dma_wait3A_403 = arith.constant 0 : i32
        %dma_wait3A_404 = tpu.memref_slice %arg9[%run_scoped3A_372, %dma_wait3A_403] : memref<2x128xi32, #tpu.memory_space<vmem>> -> memref<1x128xi32, #tpu.memory_space<vmem>>
        %dma_wait3A_405 = tpu.memref_squeeze %dma_wait3A_404 : memref<1x128xi32, #tpu.memory_space<vmem>> -> memref<128xi32, #tpu.memory_space<vmem>>
        %dma_wait3A_406 = arith.constant 0 : i32
        %dma_wait3A_407 = arith.constant 0 : i32
        %dma_wait3A_408 = tpu.memref_slice %arg6[%dma_wait3A_406, %dma_wait3A_407] : memref<10240x128xf32, #tpu.memory_space<vmem_shared>> -> memref<10240x128xf32, #tpu.memory_space<vmem_shared>>
        tpu.wait_indirect_dma semaphore(%run_scoped3A_396 : memref<!tpu.dma_semaphore, #tpu.memory_space<semaphore_mem>>) src(%arg11 : memref<128x128xf32, #tpu.memory_space<vmem>>) dst(%dma_wait3A_408 : memref<10240x128xf32, #tpu.memory_space<vmem_shared>>)
        tpu.yield
      }) : () -> ()
      %add3A_373 = arith.constant 2 : i32
      %add3A_374 = arith.addi %add3A_339, %add3A_373 : i32
      %mul3A_375 = arith.constant 128 : i32
      %mul3A_376 = arith.muli %add3A_374, %mul3A_375 : i32
      %add3A_377 = arith.addi %select_n3A, %mul3A_376 : i32
      %dma_start3A_378 = arith.constant 1 : i32
      %dma_start3A_379 = arith.constant 0 : i32
      %dma_start3A_380 = tpu.memref_slice %arg8[%dma_start3A_378, %dma_start3A_379] : memref<2x128xi32, #tpu.memory_space<vmem>> -> memref<1x128xi32, #tpu.memory_space<vmem>>
      %dma_start3A_381 = tpu.memref_squeeze %dma_start3A_380 : memref<1x128xi32, #tpu.memory_space<vmem>> -> memref<128xi32, #tpu.memory_space<vmem>>
      %dma_start3A_382 = tpu.memref_slice %arg2[%add3A_377] : memref<323584xi32, #tpu.memory_space<hbm>> -> memref<128xi32, #tpu.memory_space<hbm>>
      %dma_start3A_383 = arith.constant 0 : i32
      %dma_start3A_384 = tpu.memref_slice %arg8[%dma_start3A_378, %dma_start3A_383] : memref<2x128xi32, #tpu.memory_space<vmem>> -> memref<1x128xi32, #tpu.memory_space<vmem>>
      %dma_start3A_385 = tpu.memref_squeeze %dma_start3A_384 : memref<1x128xi32, #tpu.memory_space<vmem>> -> memref<128xi32, #tpu.memory_space<vmem>>
      %dma_start3A_386 = tpu.memref_slice %arg2[%add3A_377] : memref<323584xi32, #tpu.memory_space<hbm>> -> memref<128xi32, #tpu.memory_space<hbm>>
      tpu.enqueue_dma source(%dma_start3A_386 : memref<128xi32, #tpu.memory_space<hbm>>) target(%dma_start3A_385 : memref<128xi32, #tpu.memory_space<vmem>>) target_semaphore(%arg17 : memref<!tpu.dma_semaphore, #tpu.memory_space<semaphore_mem>>)
      %dma_start3A_387 = arith.constant 1 : i32
      %dma_start3A_388 = arith.constant 0 : i32
      %dma_start3A_389 = tpu.memref_slice %arg9[%dma_start3A_387, %dma_start3A_388] : memref<2x128xi32, #tpu.memory_space<vmem>> -> memref<1x128xi32, #tpu.memory_space<vmem>>
      %dma_start3A_390 = tpu.memref_squeeze %dma_start3A_389 : memref<1x128xi32, #tpu.memory_space<vmem>> -> memref<128xi32, #tpu.memory_space<vmem>>
      %dma_start3A_391 = tpu.memref_slice %arg3[%add3A_377] : memref<323584xi32, #tpu.memory_space<hbm>> -> memref<128xi32, #tpu.memory_space<hbm>>
      %dma_start3A_392 = arith.constant 0 : i32
      %dma_start3A_393 = tpu.memref_slice %arg9[%dma_start3A_387, %dma_start3A_392] : memref<2x128xi32, #tpu.memory_space<vmem>> -> memref<1x128xi32, #tpu.memory_space<vmem>>
      %dma_start3A_394 = tpu.memref_squeeze %dma_start3A_393 : memref<1x128xi32, #tpu.memory_space<vmem>> -> memref<128xi32, #tpu.memory_space<vmem>>
      %dma_start3A_395 = tpu.memref_slice %arg3[%add3A_377] : memref<323584xi32, #tpu.memory_space<hbm>> -> memref<128xi32, #tpu.memory_space<hbm>>
      tpu.enqueue_dma source(%dma_start3A_395 : memref<128xi32, #tpu.memory_space<hbm>>) target(%dma_start3A_394 : memref<128xi32, #tpu.memory_space<vmem>>) target_semaphore(%arg19 : memref<!tpu.dma_semaphore, #tpu.memory_space<semaphore_mem>>)
    }
    %mul3A_87 = arith.constant 2 : i32
    %mul3A_88 = arith.muli %mul3A_87, %select_n3A_8 : i32
    %dma_wait3A_89 = arith.constant 1 : i32
    %dma_wait3A_90 = arith.constant 0 : i32
    %dma_wait3A_91 = tpu.memref_slice %arg8[%dma_wait3A_89, %dma_wait3A_90] : memref<2x128xi32, #tpu.memory_space<vmem>> -> memref<1x128xi32, #tpu.memory_space<vmem>>
    %dma_wait3A_92 = tpu.memref_squeeze %dma_wait3A_91 : memref<1x128xi32, #tpu.memory_space<vmem>> -> memref<128xi32, #tpu.memory_space<vmem>>
    %dma_wait3A_93 = tpu.memref_slice %arg2[%select_n3A] : memref<323584xi32, #tpu.memory_space<hbm>> -> memref<128xi32, #tpu.memory_space<hbm>>
    %dma_wait3A_94 = arith.constant 0 : i32
    %dma_wait3A_95 = tpu.memref_slice %arg8[%dma_wait3A_89, %dma_wait3A_94] : memref<2x128xi32, #tpu.memory_space<vmem>> -> memref<1x128xi32, #tpu.memory_space<vmem>>
    %dma_wait3A_96 = tpu.memref_squeeze %dma_wait3A_95 : memref<1x128xi32, #tpu.memory_space<vmem>> -> memref<128xi32, #tpu.memory_space<vmem>>
    %dma_wait3A_97 = tpu.memref_slice %arg2[%select_n3A] : memref<323584xi32, #tpu.memory_space<hbm>> -> memref<128xi32, #tpu.memory_space<hbm>>
    tpu.wait_dma2 semaphore(%arg17 : memref<!tpu.dma_semaphore, #tpu.memory_space<semaphore_mem>>) src(%dma_wait3A_97 : memref<128xi32, #tpu.memory_space<hbm>>) dst(%dma_wait3A_96 : memref<128xi32, #tpu.memory_space<vmem>>)
    %dma_start3A_98 = arith.constant 1 : i32
    %dma_start3A_99 = arith.constant 0 : i32
    %dma_start3A_100 = tpu.memref_slice %arg8[%dma_start3A_98, %dma_start3A_99] : memref<2x128xi32, #tpu.memory_space<vmem>> -> memref<1x128xi32, #tpu.memory_space<vmem>>
    %dma_start3A_101 = tpu.memref_squeeze %dma_start3A_100 : memref<1x128xi32, #tpu.memory_space<vmem>> -> memref<128xi32, #tpu.memory_space<vmem>>
    %dma_start3A_102 = arith.constant 0 : i32
    %dma_start3A_103 = arith.constant 0 : i32
    %dma_start3A_104 = tpu.memref_slice %arg4[%dma_start3A_102, %dma_start3A_103] : memref<10000x128xf32, #tpu.memory_space<hbm>> -> memref<10000x128xf32, #tpu.memory_space<hbm>>
    tpu.enqueue_indirect_dma source(%dma_start3A_104 : memref<10000x128xf32, #tpu.memory_space<hbm>>) target(%arg11 : memref<128x128xf32, #tpu.memory_space<vmem>>) offsets(%dma_start3A_101 : memref<128xi32, #tpu.memory_space<vmem>>) semaphore(%arg15 : memref<!tpu.dma_semaphore, #tpu.memory_space<semaphore_mem>>)
    %dma_wait3A_105 = arith.constant 0 : i32
    %dma_wait3A_106 = arith.constant 0 : i32
    %dma_wait3A_107 = tpu.memref_slice %arg8[%dma_wait3A_105, %dma_wait3A_106] : memref<2x128xi32, #tpu.memory_space<vmem>> -> memref<1x128xi32, #tpu.memory_space<vmem>>
    %dma_wait3A_108 = tpu.memref_squeeze %dma_wait3A_107 : memref<1x128xi32, #tpu.memory_space<vmem>> -> memref<128xi32, #tpu.memory_space<vmem>>
    %dma_wait3A_109 = arith.constant 0 : i32
    %dma_wait3A_110 = arith.constant 0 : i32
    %dma_wait3A_111 = tpu.memref_slice %arg4[%dma_wait3A_109, %dma_wait3A_110] : memref<10000x128xf32, #tpu.memory_space<hbm>> -> memref<10000x128xf32, #tpu.memory_space<hbm>>
    tpu.wait_indirect_dma semaphore(%arg14 : memref<!tpu.dma_semaphore, #tpu.memory_space<semaphore_mem>>) src(%dma_wait3A_111 : memref<10000x128xf32, #tpu.memory_space<hbm>>) dst(%arg10 : memref<128x128xf32, #tpu.memory_space<vmem>>)
    %dma_wait3A_112 = arith.constant 0 : i32
    %dma_wait3A_113 = arith.constant 0 : i32
    %dma_wait3A_114 = tpu.memref_slice %arg9[%dma_wait3A_112, %dma_wait3A_113] : memref<2x128xi32, #tpu.memory_space<vmem>> -> memref<1x128xi32, #tpu.memory_space<vmem>>
    %dma_wait3A_115 = tpu.memref_squeeze %dma_wait3A_114 : memref<1x128xi32, #tpu.memory_space<vmem>> -> memref<128xi32, #tpu.memory_space<vmem>>
    %dma_wait3A_116 = tpu.memref_slice %arg3[%select_n3A] : memref<323584xi32, #tpu.memory_space<hbm>> -> memref<128xi32, #tpu.memory_space<hbm>>
    %dma_wait3A_117 = arith.constant 0 : i32
    %dma_wait3A_118 = tpu.memref_slice %arg9[%dma_wait3A_112, %dma_wait3A_117] : memref<2x128xi32, #tpu.memory_space<vmem>> -> memref<1x128xi32, #tpu.memory_space<vmem>>
    %dma_wait3A_119 = tpu.memref_squeeze %dma_wait3A_118 : memref<1x128xi32, #tpu.memory_space<vmem>> -> memref<128xi32, #tpu.memory_space<vmem>>
    %dma_wait3A_120 = tpu.memref_slice %arg3[%select_n3A] : memref<323584xi32, #tpu.memory_space<hbm>> -> memref<128xi32, #tpu.memory_space<hbm>>
    tpu.wait_dma2 semaphore(%arg18 : memref<!tpu.dma_semaphore, #tpu.memory_space<semaphore_mem>>) src(%dma_wait3A_120 : memref<128xi32, #tpu.memory_space<hbm>>) dst(%dma_wait3A_119 : memref<128xi32, #tpu.memory_space<vmem>>)
    %run_scoped3A = arith.constant 0 : i32
    "tpu.region"() ({
      %run_scoped3A_279 = tpu.sem_alloc : memref<!tpu.dma_semaphore, #tpu.memory_space<semaphore_mem>>
      %dma_start3A_280 = arith.constant 0 : i32
      %dma_start3A_281 = tpu.memref_slice %arg9[%run_scoped3A, %dma_start3A_280] : memref<2x128xi32, #tpu.memory_space<vmem>> -> memref<1x128xi32, #tpu.memory_space<vmem>>
      %dma_start3A_282 = tpu.memref_squeeze %dma_start3A_281 : memref<1x128xi32, #tpu.memory_space<vmem>> -> memref<128xi32, #tpu.memory_space<vmem>>
      %dma_start3A_283 = arith.constant 0 : i32
      %dma_start3A_284 = arith.constant 0 : i32
      %dma_start3A_285 = tpu.memref_slice %arg6[%dma_start3A_283, %dma_start3A_284] : memref<10240x128xf32, #tpu.memory_space<vmem_shared>> -> memref<10240x128xf32, #tpu.memory_space<vmem_shared>>
      tpu.enqueue_indirect_dma source(%arg10 : memref<128x128xf32, #tpu.memory_space<vmem>>) target(%dma_start3A_285 : memref<10240x128xf32, #tpu.memory_space<vmem_shared>>) offsets(%dma_start3A_282 : memref<128xi32, #tpu.memory_space<vmem>>) semaphore(%run_scoped3A_279 : memref<!tpu.dma_semaphore, #tpu.memory_space<semaphore_mem>>) {add = true}
      %dma_wait3A_286 = arith.constant 0 : i32
      %dma_wait3A_287 = tpu.memref_slice %arg9[%run_scoped3A, %dma_wait3A_286] : memref<2x128xi32, #tpu.memory_space<vmem>> -> memref<1x128xi32, #tpu.memory_space<vmem>>
      %dma_wait3A_288 = tpu.memref_squeeze %dma_wait3A_287 : memref<1x128xi32, #tpu.memory_space<vmem>> -> memref<128xi32, #tpu.memory_space<vmem>>
      %dma_wait3A_289 = arith.constant 0 : i32
      %dma_wait3A_290 = arith.constant 0 : i32
      %dma_wait3A_291 = tpu.memref_slice %arg6[%dma_wait3A_289, %dma_wait3A_290] : memref<10240x128xf32, #tpu.memory_space<vmem_shared>> -> memref<10240x128xf32, #tpu.memory_space<vmem_shared>>
      tpu.wait_indirect_dma semaphore(%run_scoped3A_279 : memref<!tpu.dma_semaphore, #tpu.memory_space<semaphore_mem>>) src(%arg10 : memref<128x128xf32, #tpu.memory_space<vmem>>) dst(%dma_wait3A_291 : memref<10240x128xf32, #tpu.memory_space<vmem_shared>>)
      tpu.yield
    }) : () -> ()
    %add3A_121 = arith.constant 2 : i32
    %add3A_122 = arith.addi %mul3A_88, %add3A_121 : i32
    %mul3A_123 = arith.constant 128 : i32
    %mul3A_124 = arith.muli %add3A_122, %mul3A_123 : i32
    %add3A_125 = arith.addi %select_n3A, %mul3A_124 : i32
    %dma_start3A_126 = arith.constant 0 : i32
    %dma_start3A_127 = arith.constant 0 : i32
    %dma_start3A_128 = tpu.memref_slice %arg8[%dma_start3A_126, %dma_start3A_127] : memref<2x128xi32, #tpu.memory_space<vmem>> -> memref<1x128xi32, #tpu.memory_space<vmem>>
    %dma_start3A_129 = tpu.memref_squeeze %dma_start3A_128 : memref<1x128xi32, #tpu.memory_space<vmem>> -> memref<128xi32, #tpu.memory_space<vmem>>
    %dma_start3A_130 = tpu.memref_slice %arg2[%add3A_125] : memref<323584xi32, #tpu.memory_space<hbm>> -> memref<128xi32, #tpu.memory_space<hbm>>
    %dma_start3A_131 = arith.constant 0 : i32
    %dma_start3A_132 = tpu.memref_slice %arg8[%dma_start3A_126, %dma_start3A_131] : memref<2x128xi32, #tpu.memory_space<vmem>> -> memref<1x128xi32, #tpu.memory_space<vmem>>
    %dma_start3A_133 = tpu.memref_squeeze %dma_start3A_132 : memref<1x128xi32, #tpu.memory_space<vmem>> -> memref<128xi32, #tpu.memory_space<vmem>>
    %dma_start3A_134 = tpu.memref_slice %arg2[%add3A_125] : memref<323584xi32, #tpu.memory_space<hbm>> -> memref<128xi32, #tpu.memory_space<hbm>>
    tpu.enqueue_dma source(%dma_start3A_134 : memref<128xi32, #tpu.memory_space<hbm>>) target(%dma_start3A_133 : memref<128xi32, #tpu.memory_space<vmem>>) target_semaphore(%arg16 : memref<!tpu.dma_semaphore, #tpu.memory_space<semaphore_mem>>)
    %dma_start3A_135 = arith.constant 0 : i32
    %dma_start3A_136 = arith.constant 0 : i32
    %dma_start3A_137 = tpu.memref_slice %arg9[%dma_start3A_135, %dma_start3A_136] : memref<2x128xi32, #tpu.memory_space<vmem>> -> memref<1x128xi32, #tpu.memory_space<vmem>>
    %dma_start3A_138 = tpu.memref_squeeze %dma_start3A_137 : memref<1x128xi32, #tpu.memory_space<vmem>> -> memref<128xi32, #tpu.memory_space<vmem>>
    %dma_start3A_139 = tpu.memref_slice %arg3[%add3A_125] : memref<323584xi32, #tpu.memory_space<hbm>> -> memref<128xi32, #tpu.memory_space<hbm>>
    %dma_start3A_140 = arith.constant 0 : i32
    %dma_start3A_141 = tpu.memref_slice %arg9[%dma_start3A_135, %dma_start3A_140] : memref<2x128xi32, #tpu.memory_space<vmem>> -> memref<1x128xi32, #tpu.memory_space<vmem>>
    %dma_start3A_142 = tpu.memref_squeeze %dma_start3A_141 : memref<1x128xi32, #tpu.memory_space<vmem>> -> memref<128xi32, #tpu.memory_space<vmem>>
    %dma_start3A_143 = tpu.memref_slice %arg3[%add3A_125] : memref<323584xi32, #tpu.memory_space<hbm>> -> memref<128xi32, #tpu.memory_space<hbm>>
    tpu.enqueue_dma source(%dma_start3A_143 : memref<128xi32, #tpu.memory_space<hbm>>) target(%dma_start3A_142 : memref<128xi32, #tpu.memory_space<vmem>>) target_semaphore(%arg18 : memref<!tpu.dma_semaphore, #tpu.memory_space<semaphore_mem>>)
    %mul3A_144 = arith.constant 2 : i32
    %mul3A_145 = arith.muli %mul3A_144, %select_n3A_8 : i32
    %add3A_146 = arith.constant 1 : i32
    %add3A_147 = arith.addi %mul3A_145, %add3A_146 : i32
    %dma_wait3A_148 = arith.constant 0 : i32
    %dma_wait3A_149 = arith.constant 0 : i32
    %dma_wait3A_150 = tpu.memref_slice %arg8[%dma_wait3A_148, %dma_wait3A_149] : memref<2x128xi32, #tpu.memory_space<vmem>> -> memref<1x128xi32, #tpu.memory_space<vmem>>
    %dma_wait3A_151 = tpu.memref_squeeze %dma_wait3A_150 : memref<1x128xi32, #tpu.memory_space<vmem>> -> memref<128xi32, #tpu.memory_space<vmem>>
    %dma_wait3A_152 = tpu.memref_slice %arg2[%select_n3A] : memref<323584xi32, #tpu.memory_space<hbm>> -> memref<128xi32, #tpu.memory_space<hbm>>
    %dma_wait3A_153 = arith.constant 0 : i32
    %dma_wait3A_154 = tpu.memref_slice %arg8[%dma_wait3A_148, %dma_wait3A_153] : memref<2x128xi32, #tpu.memory_space<vmem>> -> memref<1x128xi32, #tpu.memory_space<vmem>>
    %dma_wait3A_155 = tpu.memref_squeeze %dma_wait3A_154 : memref<1x128xi32, #tpu.memory_space<vmem>> -> memref<128xi32, #tpu.memory_space<vmem>>
    %dma_wait3A_156 = tpu.memref_slice %arg2[%select_n3A] : memref<323584xi32, #tpu.memory_space<hbm>> -> memref<128xi32, #tpu.memory_space<hbm>>
    tpu.wait_dma2 semaphore(%arg16 : memref<!tpu.dma_semaphore, #tpu.memory_space<semaphore_mem>>) src(%dma_wait3A_156 : memref<128xi32, #tpu.memory_space<hbm>>) dst(%dma_wait3A_155 : memref<128xi32, #tpu.memory_space<vmem>>)
    %dma_start3A_157 = arith.constant 0 : i32
    %dma_start3A_158 = arith.constant 0 : i32
    %dma_start3A_159 = tpu.memref_slice %arg8[%dma_start3A_157, %dma_start3A_158] : memref<2x128xi32, #tpu.memory_space<vmem>> -> memref<1x128xi32, #tpu.memory_space<vmem>>
    %dma_start3A_160 = tpu.memref_squeeze %dma_start3A_159 : memref<1x128xi32, #tpu.memory_space<vmem>> -> memref<128xi32, #tpu.memory_space<vmem>>
    %dma_start3A_161 = arith.constant 0 : i32
    %dma_start3A_162 = arith.constant 0 : i32
    %dma_start3A_163 = tpu.memref_slice %arg4[%dma_start3A_161, %dma_start3A_162] : memref<10000x128xf32, #tpu.memory_space<hbm>> -> memref<10000x128xf32, #tpu.memory_space<hbm>>
    tpu.enqueue_indirect_dma source(%dma_start3A_163 : memref<10000x128xf32, #tpu.memory_space<hbm>>) target(%arg10 : memref<128x128xf32, #tpu.memory_space<vmem>>) offsets(%dma_start3A_160 : memref<128xi32, #tpu.memory_space<vmem>>) semaphore(%arg14 : memref<!tpu.dma_semaphore, #tpu.memory_space<semaphore_mem>>)
    %dma_wait3A_164 = arith.constant 1 : i32
    %dma_wait3A_165 = arith.constant 0 : i32
    %dma_wait3A_166 = tpu.memref_slice %arg8[%dma_wait3A_164, %dma_wait3A_165] : memref<2x128xi32, #tpu.memory_space<vmem>> -> memref<1x128xi32, #tpu.memory_space<vmem>>
    %dma_wait3A_167 = tpu.memref_squeeze %dma_wait3A_166 : memref<1x128xi32, #tpu.memory_space<vmem>> -> memref<128xi32, #tpu.memory_space<vmem>>
    %dma_wait3A_168 = arith.constant 0 : i32
    %dma_wait3A_169 = arith.constant 0 : i32
    %dma_wait3A_170 = tpu.memref_slice %arg4[%dma_wait3A_168, %dma_wait3A_169] : memref<10000x128xf32, #tpu.memory_space<hbm>> -> memref<10000x128xf32, #tpu.memory_space<hbm>>
    tpu.wait_indirect_dma semaphore(%arg15 : memref<!tpu.dma_semaphore, #tpu.memory_space<semaphore_mem>>) src(%dma_wait3A_170 : memref<10000x128xf32, #tpu.memory_space<hbm>>) dst(%arg11 : memref<128x128xf32, #tpu.memory_space<vmem>>)
    %dma_wait3A_171 = arith.constant 1 : i32
    %dma_wait3A_172 = arith.constant 0 : i32
    %dma_wait3A_173 = tpu.memref_slice %arg9[%dma_wait3A_171, %dma_wait3A_172] : memref<2x128xi32, #tpu.memory_space<vmem>> -> memref<1x128xi32, #tpu.memory_space<vmem>>
    %dma_wait3A_174 = tpu.memref_squeeze %dma_wait3A_173 : memref<1x128xi32, #tpu.memory_space<vmem>> -> memref<128xi32, #tpu.memory_space<vmem>>
    %dma_wait3A_175 = tpu.memref_slice %arg3[%select_n3A] : memref<323584xi32, #tpu.memory_space<hbm>> -> memref<128xi32, #tpu.memory_space<hbm>>
    %dma_wait3A_176 = arith.constant 0 : i32
    %dma_wait3A_177 = tpu.memref_slice %arg9[%dma_wait3A_171, %dma_wait3A_176] : memref<2x128xi32, #tpu.memory_space<vmem>> -> memref<1x128xi32, #tpu.memory_space<vmem>>
    %dma_wait3A_178 = tpu.memref_squeeze %dma_wait3A_177 : memref<1x128xi32, #tpu.memory_space<vmem>> -> memref<128xi32, #tpu.memory_space<vmem>>
    %dma_wait3A_179 = tpu.memref_slice %arg3[%select_n3A] : memref<323584xi32, #tpu.memory_space<hbm>> -> memref<128xi32, #tpu.memory_space<hbm>>
    tpu.wait_dma2 semaphore(%arg19 : memref<!tpu.dma_semaphore, #tpu.memory_space<semaphore_mem>>) src(%dma_wait3A_179 : memref<128xi32, #tpu.memory_space<hbm>>) dst(%dma_wait3A_178 : memref<128xi32, #tpu.memory_space<vmem>>)
    %run_scoped3A_180 = arith.constant 1 : i32
    "tpu.region"() ({
      %run_scoped3A_279 = tpu.sem_alloc : memref<!tpu.dma_semaphore, #tpu.memory_space<semaphore_mem>>
      %dma_start3A_280 = arith.constant 0 : i32
      %dma_start3A_281 = tpu.memref_slice %arg9[%run_scoped3A_180, %dma_start3A_280] : memref<2x128xi32, #tpu.memory_space<vmem>> -> memref<1x128xi32, #tpu.memory_space<vmem>>
      %dma_start3A_282 = tpu.memref_squeeze %dma_start3A_281 : memref<1x128xi32, #tpu.memory_space<vmem>> -> memref<128xi32, #tpu.memory_space<vmem>>
      %dma_start3A_283 = arith.constant 0 : i32
      %dma_start3A_284 = arith.constant 0 : i32
      %dma_start3A_285 = tpu.memref_slice %arg6[%dma_start3A_283, %dma_start3A_284] : memref<10240x128xf32, #tpu.memory_space<vmem_shared>> -> memref<10240x128xf32, #tpu.memory_space<vmem_shared>>
      tpu.enqueue_indirect_dma source(%arg11 : memref<128x128xf32, #tpu.memory_space<vmem>>) target(%dma_start3A_285 : memref<10240x128xf32, #tpu.memory_space<vmem_shared>>) offsets(%dma_start3A_282 : memref<128xi32, #tpu.memory_space<vmem>>) semaphore(%run_scoped3A_279 : memref<!tpu.dma_semaphore, #tpu.memory_space<semaphore_mem>>) {add = true}
      %dma_wait3A_286 = arith.constant 0 : i32
      %dma_wait3A_287 = tpu.memref_slice %arg9[%run_scoped3A_180, %dma_wait3A_286] : memref<2x128xi32, #tpu.memory_space<vmem>> -> memref<1x128xi32, #tpu.memory_space<vmem>>
      %dma_wait3A_288 = tpu.memref_squeeze %dma_wait3A_287 : memref<1x128xi32, #tpu.memory_space<vmem>> -> memref<128xi32, #tpu.memory_space<vmem>>
      %dma_wait3A_289 = arith.constant 0 : i32
      %dma_wait3A_290 = arith.constant 0 : i32
      %dma_wait3A_291 = tpu.memref_slice %arg6[%dma_wait3A_289, %dma_wait3A_290] : memref<10240x128xf32, #tpu.memory_space<vmem_shared>> -> memref<10240x128xf32, #tpu.memory_space<vmem_shared>>
      tpu.wait_indirect_dma semaphore(%run_scoped3A_279 : memref<!tpu.dma_semaphore, #tpu.memory_space<semaphore_mem>>) src(%arg11 : memref<128x128xf32, #tpu.memory_space<vmem>>) dst(%dma_wait3A_291 : memref<10240x128xf32, #tpu.memory_space<vmem_shared>>)
      tpu.yield
    }) : () -> ()
    %mul3A_181 = arith.constant 2 : i32
    %mul3A_182 = arith.muli %mul3A_181, %select_n3A_8 : i32
    %add3A_183 = arith.constant 2 : i32
    %add3A_184 = arith.addi %mul3A_182, %add3A_183 : i32
    %dma_wait3A_185 = arith.constant 0 : i32
    %dma_wait3A_186 = arith.constant 0 : i32
    %dma_wait3A_187 = tpu.memref_slice %arg8[%dma_wait3A_185, %dma_wait3A_186] : memref<2x128xi32, #tpu.memory_space<vmem>> -> memref<1x128xi32, #tpu.memory_space<vmem>>
    %dma_wait3A_188 = tpu.memref_squeeze %dma_wait3A_187 : memref<1x128xi32, #tpu.memory_space<vmem>> -> memref<128xi32, #tpu.memory_space<vmem>>
    %dma_wait3A_189 = arith.constant 0 : i32
    %dma_wait3A_190 = arith.constant 0 : i32
    %dma_wait3A_191 = tpu.memref_slice %arg4[%dma_wait3A_189, %dma_wait3A_190] : memref<10000x128xf32, #tpu.memory_space<hbm>> -> memref<10000x128xf32, #tpu.memory_space<hbm>>
    tpu.wait_indirect_dma semaphore(%arg14 : memref<!tpu.dma_semaphore, #tpu.memory_space<semaphore_mem>>) src(%dma_wait3A_191 : memref<10000x128xf32, #tpu.memory_space<hbm>>) dst(%arg10 : memref<128x128xf32, #tpu.memory_space<vmem>>)
    %dma_wait3A_192 = arith.constant 0 : i32
    %dma_wait3A_193 = arith.constant 0 : i32
    %dma_wait3A_194 = tpu.memref_slice %arg9[%dma_wait3A_192, %dma_wait3A_193] : memref<2x128xi32, #tpu.memory_space<vmem>> -> memref<1x128xi32, #tpu.memory_space<vmem>>
    %dma_wait3A_195 = tpu.memref_squeeze %dma_wait3A_194 : memref<1x128xi32, #tpu.memory_space<vmem>> -> memref<128xi32, #tpu.memory_space<vmem>>
    %dma_wait3A_196 = tpu.memref_slice %arg3[%select_n3A] : memref<323584xi32, #tpu.memory_space<hbm>> -> memref<128xi32, #tpu.memory_space<hbm>>
    %dma_wait3A_197 = arith.constant 0 : i32
    %dma_wait3A_198 = tpu.memref_slice %arg9[%dma_wait3A_192, %dma_wait3A_197] : memref<2x128xi32, #tpu.memory_space<vmem>> -> memref<1x128xi32, #tpu.memory_space<vmem>>
    %dma_wait3A_199 = tpu.memref_squeeze %dma_wait3A_198 : memref<1x128xi32, #tpu.memory_space<vmem>> -> memref<128xi32, #tpu.memory_space<vmem>>
    %dma_wait3A_200 = tpu.memref_slice %arg3[%select_n3A] : memref<323584xi32, #tpu.memory_space<hbm>> -> memref<128xi32, #tpu.memory_space<hbm>>
    tpu.wait_dma2 semaphore(%arg18 : memref<!tpu.dma_semaphore, #tpu.memory_space<semaphore_mem>>) src(%dma_wait3A_200 : memref<128xi32, #tpu.memory_space<hbm>>) dst(%dma_wait3A_199 : memref<128xi32, #tpu.memory_space<vmem>>)
    %run_scoped3A_201 = arith.constant 0 : i32
    "tpu.region"() ({
      %run_scoped3A_279 = tpu.sem_alloc : memref<!tpu.dma_semaphore, #tpu.memory_space<semaphore_mem>>
      %dma_start3A_280 = arith.constant 0 : i32
      %dma_start3A_281 = tpu.memref_slice %arg9[%run_scoped3A_201, %dma_start3A_280] : memref<2x128xi32, #tpu.memory_space<vmem>> -> memref<1x128xi32, #tpu.memory_space<vmem>>
      %dma_start3A_282 = tpu.memref_squeeze %dma_start3A_281 : memref<1x128xi32, #tpu.memory_space<vmem>> -> memref<128xi32, #tpu.memory_space<vmem>>
      %dma_start3A_283 = arith.constant 0 : i32
      %dma_start3A_284 = arith.constant 0 : i32
      %dma_start3A_285 = tpu.memref_slice %arg6[%dma_start3A_283, %dma_start3A_284] : memref<10240x128xf32, #tpu.memory_space<vmem_shared>> -> memref<10240x128xf32, #tpu.memory_space<vmem_shared>>
      tpu.enqueue_indirect_dma source(%arg10 : memref<128x128xf32, #tpu.memory_space<vmem>>) target(%dma_start3A_285 : memref<10240x128xf32, #tpu.memory_space<vmem_shared>>) offsets(%dma_start3A_282 : memref<128xi32, #tpu.memory_space<vmem>>) semaphore(%run_scoped3A_279 : memref<!tpu.dma_semaphore, #tpu.memory_space<semaphore_mem>>) {add = true}
      %dma_wait3A_286 = arith.constant 0 : i32
      %dma_wait3A_287 = tpu.memref_slice %arg9[%run_scoped3A_201, %dma_wait3A_286] : memref<2x128xi32, #tpu.memory_space<vmem>> -> memref<1x128xi32, #tpu.memory_space<vmem>>
      %dma_wait3A_288 = tpu.memref_squeeze %dma_wait3A_287 : memref<1x128xi32, #tpu.memory_space<vmem>> -> memref<128xi32, #tpu.memory_space<vmem>>
      %dma_wait3A_289 = arith.constant 0 : i32
      %dma_wait3A_290 = arith.constant 0 : i32
      %dma_wait3A_291 = tpu.memref_slice %arg6[%dma_wait3A_289, %dma_wait3A_290] : memref<10240x128xf32, #tpu.memory_space<vmem_shared>> -> memref<10240x128xf32, #tpu.memory_space<vmem_shared>>
      tpu.wait_indirect_dma semaphore(%run_scoped3A_279 : memref<!tpu.dma_semaphore, #tpu.memory_space<semaphore_mem>>) src(%arg10 : memref<128x128xf32, #tpu.memory_space<vmem>>) dst(%dma_wait3A_291 : memref<10240x128xf32, #tpu.memory_space<vmem_shared>>)
      tpu.yield
    }) : () -> ()
    %barrier3A_202 = arith.constant 0 : index
    tpu.barrier barrier_id(%barrier3A_202)
    "tpu.region"() ({
      %run_scoped3A_279 = tpu.sem_alloc : memref<!tpu.dma_semaphore, #tpu.memory_space<semaphore_mem>>
      %dma_start3A_280 = arith.constant 0 : i32
      %dma_start3A_281 = tpu.memref_slice %arg6[%mul3A_0, %dma_start3A_280] : memref<10240x128xf32, #tpu.memory_space<vmem_shared>> -> memref<128x128xf32, #tpu.memory_space<vmem_shared>>
      %dma_start3A_282 = arith.constant 0 : i32
      %dma_start3A_283 = tpu.memref_slice %arg6[%mul3A_0, %dma_start3A_282] : memref<10240x128xf32, #tpu.memory_space<vmem_shared>> -> memref<128x128xf32, #tpu.memory_space<vmem_shared>>
      tpu.enqueue_dma source(%dma_start3A_283 : memref<128x128xf32, #tpu.memory_space<vmem_shared>>) target(%arg10 : memref<128x128xf32, #tpu.memory_space<vmem>>) target_semaphore(%run_scoped3A_279 : memref<!tpu.dma_semaphore, #tpu.memory_space<semaphore_mem>>)
      %dma_wait3A_284 = arith.constant 0 : i32
      %dma_wait3A_285 = tpu.memref_slice %arg6[%mul3A_0, %dma_wait3A_284] : memref<10240x128xf32, #tpu.memory_space<vmem_shared>> -> memref<128x128xf32, #tpu.memory_space<vmem_shared>>
      %dma_wait3A_286 = arith.constant 0 : i32
      %dma_wait3A_287 = tpu.memref_slice %arg6[%mul3A_0, %dma_wait3A_286] : memref<10240x128xf32, #tpu.memory_space<vmem_shared>> -> memref<128x128xf32, #tpu.memory_space<vmem_shared>>
      tpu.wait_dma2 semaphore(%run_scoped3A_279 : memref<!tpu.dma_semaphore, #tpu.memory_space<semaphore_mem>>) src(%dma_wait3A_287 : memref<128x128xf32, #tpu.memory_space<vmem_shared>>) dst(%arg10 : memref<128x128xf32, #tpu.memory_space<vmem>>)
      tpu.yield
    }) : () -> ()
    %dma_start3A_203 = arith.constant 0 : i32
    %dma_start3A_204 = tpu.memref_slice %arg5[%arg0, %mul3A_0, %dma_start3A_203] : memref<2x10240x128xf32, #tpu.memory_space<hbm>> -> memref<1x128x128xf32, #tpu.memory_space<hbm>>
    %dma_start3A_205 = tpu.memref_squeeze %dma_start3A_204 : memref<1x128x128xf32, #tpu.memory_space<hbm>> -> memref<128x128xf32, #tpu.memory_space<hbm>>
    %dma_start3A_206 = arith.constant 0 : i32
    %dma_start3A_207 = tpu.memref_slice %arg5[%arg0, %mul3A_0, %dma_start3A_206] : memref<2x10240x128xf32, #tpu.memory_space<hbm>> -> memref<1x128x128xf32, #tpu.memory_space<hbm>>
    %dma_start3A_208 = tpu.memref_squeeze %dma_start3A_207 : memref<1x128x128xf32, #tpu.memory_space<hbm>> -> memref<128x128xf32, #tpu.memory_space<hbm>>
    tpu.enqueue_dma source(%arg10 : memref<128x128xf32, #tpu.memory_space<vmem>>) target(%dma_start3A_208 : memref<128x128xf32, #tpu.memory_space<hbm>>) target_semaphore(%arg14 : memref<!tpu.dma_semaphore, #tpu.memory_space<semaphore_mem>>)
    %add3A_209 = arith.constant 128 : i32
    %add3A_210 = arith.addi %mul3A_0, %add3A_209 : i32
    "tpu.region"() ({
      %run_scoped3A_279 = tpu.sem_alloc : memref<!tpu.dma_semaphore, #tpu.memory_space<semaphore_mem>>
      %dma_start3A_280 = arith.constant 0 : i32
      %dma_start3A_281 = tpu.memref_slice %arg6[%add3A_210, %dma_start3A_280] : memref<10240x128xf32, #tpu.memory_space<vmem_shared>> -> memref<128x128xf32, #tpu.memory_space<vmem_shared>>
      %dma_start3A_282 = arith.constant 0 : i32
      %dma_start3A_283 = tpu.memref_slice %arg6[%add3A_210, %dma_start3A_282] : memref<10240x128xf32, #tpu.memory_space<vmem_shared>> -> memref<128x128xf32, #tpu.memory_space<vmem_shared>>
      tpu.enqueue_dma source(%dma_start3A_283 : memref<128x128xf32, #tpu.memory_space<vmem_shared>>) target(%arg11 : memref<128x128xf32, #tpu.memory_space<vmem>>) target_semaphore(%run_scoped3A_279 : memref<!tpu.dma_semaphore, #tpu.memory_space<semaphore_mem>>)
      %dma_wait3A_284 = arith.constant 0 : i32
      %dma_wait3A_285 = tpu.memref_slice %arg6[%add3A_210, %dma_wait3A_284] : memref<10240x128xf32, #tpu.memory_space<vmem_shared>> -> memref<128x128xf32, #tpu.memory_space<vmem_shared>>
      %dma_wait3A_286 = arith.constant 0 : i32
      %dma_wait3A_287 = tpu.memref_slice %arg6[%add3A_210, %dma_wait3A_286] : memref<10240x128xf32, #tpu.memory_space<vmem_shared>> -> memref<128x128xf32, #tpu.memory_space<vmem_shared>>
      tpu.wait_dma2 semaphore(%run_scoped3A_279 : memref<!tpu.dma_semaphore, #tpu.memory_space<semaphore_mem>>) src(%dma_wait3A_287 : memref<128x128xf32, #tpu.memory_space<vmem_shared>>) dst(%arg11 : memref<128x128xf32, #tpu.memory_space<vmem>>)
      tpu.yield
    }) : () -> ()
    %add3A_211 = arith.constant 128 : i32
    %add3A_212 = arith.addi %mul3A_0, %add3A_211 : i32
    %dma_start3A_213 = arith.constant 0 : i32
    %dma_start3A_214 = tpu.memref_slice %arg5[%arg0, %add3A_212, %dma_start3A_213] : memref<2x10240x128xf32, #tpu.memory_space<hbm>> -> memref<1x128x128xf32, #tpu.memory_space<hbm>>
    %dma_start3A_215 = tpu.memref_squeeze %dma_start3A_214 : memref<1x128x128xf32, #tpu.memory_space<hbm>> -> memref<128x128xf32, #tpu.memory_space<hbm>>
    %dma_start3A_216 = arith.constant 0 : i32
    %dma_start3A_217 = tpu.memref_slice %arg5[%arg0, %add3A_212, %dma_start3A_216] : memref<2x10240x128xf32, #tpu.memory_space<hbm>> -> memref<1x128x128xf32, #tpu.memory_space<hbm>>
    %dma_start3A_218 = tpu.memref_squeeze %dma_start3A_217 : memref<1x128x128xf32, #tpu.memory_space<hbm>> -> memref<128x128xf32, #tpu.memory_space<hbm>>
    tpu.enqueue_dma source(%arg11 : memref<128x128xf32, #tpu.memory_space<vmem>>) target(%dma_start3A_218 : memref<128x128xf32, #tpu.memory_space<hbm>>) target_semaphore(%arg15 : memref<!tpu.dma_semaphore, #tpu.memory_space<semaphore_mem>>)
    %dma_wait3A_219 = arith.constant 0 : i32
    %dma_wait3A_220 = tpu.memref_slice %arg5[%arg0, %mul3A_0, %dma_wait3A_219] : memref<2x10240x128xf32, #tpu.memory_space<hbm>> -> memref<1x128x128xf32, #tpu.memory_space<hbm>>
    %dma_wait3A_221 = tpu.memref_squeeze %dma_wait3A_220 : memref<1x128x128xf32, #tpu.memory_space<hbm>> -> memref<128x128xf32, #tpu.memory_space<hbm>>
    %dma_wait3A_222 = arith.constant 0 : i32
    %dma_wait3A_223 = tpu.memref_slice %arg5[%arg0, %mul3A_0, %dma_wait3A_222] : memref<2x10240x128xf32, #tpu.memory_space<hbm>> -> memref<1x128x128xf32, #tpu.memory_space<hbm>>
    %dma_wait3A_224 = tpu.memref_squeeze %dma_wait3A_223 : memref<1x128x128xf32, #tpu.memory_space<hbm>> -> memref<128x128xf32, #tpu.memory_space<hbm>>
    tpu.wait_dma2 semaphore(%arg14 : memref<!tpu.dma_semaphore, #tpu.memory_space<semaphore_mem>>) src(%arg10 : memref<128x128xf32, #tpu.memory_space<vmem>>) dst(%dma_wait3A_224 : memref<128x128xf32, #tpu.memory_space<hbm>>)
    %add3A_225 = arith.constant 256 : i32
    %add3A_226 = arith.addi %mul3A_0, %add3A_225 : i32
    "tpu.region"() ({
      %run_scoped3A_279 = tpu.sem_alloc : memref<!tpu.dma_semaphore, #tpu.memory_space<semaphore_mem>>
      %dma_start3A_280 = arith.constant 0 : i32
      %dma_start3A_281 = tpu.memref_slice %arg6[%add3A_226, %dma_start3A_280] : memref<10240x128xf32, #tpu.memory_space<vmem_shared>> -> memref<128x128xf32, #tpu.memory_space<vmem_shared>>
      %dma_start3A_282 = arith.constant 0 : i32
      %dma_start3A_283 = tpu.memref_slice %arg6[%add3A_226, %dma_start3A_282] : memref<10240x128xf32, #tpu.memory_space<vmem_shared>> -> memref<128x128xf32, #tpu.memory_space<vmem_shared>>
      tpu.enqueue_dma source(%dma_start3A_283 : memref<128x128xf32, #tpu.memory_space<vmem_shared>>) target(%arg10 : memref<128x128xf32, #tpu.memory_space<vmem>>) target_semaphore(%run_scoped3A_279 : memref<!tpu.dma_semaphore, #tpu.memory_space<semaphore_mem>>)
      %dma_wait3A_284 = arith.constant 0 : i32
      %dma_wait3A_285 = tpu.memref_slice %arg6[%add3A_226, %dma_wait3A_284] : memref<10240x128xf32, #tpu.memory_space<vmem_shared>> -> memref<128x128xf32, #tpu.memory_space<vmem_shared>>
      %dma_wait3A_286 = arith.constant 0 : i32
      %dma_wait3A_287 = tpu.memref_slice %arg6[%add3A_226, %dma_wait3A_286] : memref<10240x128xf32, #tpu.memory_space<vmem_shared>> -> memref<128x128xf32, #tpu.memory_space<vmem_shared>>
      tpu.wait_dma2 semaphore(%run_scoped3A_279 : memref<!tpu.dma_semaphore, #tpu.memory_space<semaphore_mem>>) src(%dma_wait3A_287 : memref<128x128xf32, #tpu.memory_space<vmem_shared>>) dst(%arg10 : memref<128x128xf32, #tpu.memory_space<vmem>>)
      tpu.yield
    }) : () -> ()
    %add3A_227 = arith.constant 256 : i32
    %add3A_228 = arith.addi %mul3A_0, %add3A_227 : i32
    %dma_start3A_229 = arith.constant 0 : i32
    %dma_start3A_230 = tpu.memref_slice %arg5[%arg0, %add3A_228, %dma_start3A_229] : memref<2x10240x128xf32, #tpu.memory_space<hbm>> -> memref<1x128x128xf32, #tpu.memory_space<hbm>>
    %dma_start3A_231 = tpu.memref_squeeze %dma_start3A_230 : memref<1x128x128xf32, #tpu.memory_space<hbm>> -> memref<128x128xf32, #tpu.memory_space<hbm>>
    %dma_start3A_232 = arith.constant 0 : i32
    %dma_start3A_233 = tpu.memref_slice %arg5[%arg0, %add3A_228, %dma_start3A_232] : memref<2x10240x128xf32, #tpu.memory_space<hbm>> -> memref<1x128x128xf32, #tpu.memory_space<hbm>>
    %dma_start3A_234 = tpu.memref_squeeze %dma_start3A_233 : memref<1x128x128xf32, #tpu.memory_space<hbm>> -> memref<128x128xf32, #tpu.memory_space<hbm>>
    tpu.enqueue_dma source(%arg10 : memref<128x128xf32, #tpu.memory_space<vmem>>) target(%dma_start3A_234 : memref<128x128xf32, #tpu.memory_space<hbm>>) target_semaphore(%arg14 : memref<!tpu.dma_semaphore, #tpu.memory_space<semaphore_mem>>)
    %dma_wait3A_235 = arith.constant 0 : i32
    %dma_wait3A_236 = tpu.memref_slice %arg5[%arg0, %mul3A_0, %dma_wait3A_235] : memref<2x10240x128xf32, #tpu.memory_space<hbm>> -> memref<1x128x128xf32, #tpu.memory_space<hbm>>
    %dma_wait3A_237 = tpu.memref_squeeze %dma_wait3A_236 : memref<1x128x128xf32, #tpu.memory_space<hbm>> -> memref<128x128xf32, #tpu.memory_space<hbm>>
    %dma_wait3A_238 = arith.constant 0 : i32
    %dma_wait3A_239 = tpu.memref_slice %arg5[%arg0, %mul3A_0, %dma_wait3A_238] : memref<2x10240x128xf32, #tpu.memory_space<hbm>> -> memref<1x128x128xf32, #tpu.memory_space<hbm>>
    %dma_wait3A_240 = tpu.memref_squeeze %dma_wait3A_239 : memref<1x128x128xf32, #tpu.memory_space<hbm>> -> memref<128x128xf32, #tpu.memory_space<hbm>>
    tpu.wait_dma2 semaphore(%arg15 : memref<!tpu.dma_semaphore, #tpu.memory_space<semaphore_mem>>) src(%arg11 : memref<128x128xf32, #tpu.memory_space<vmem>>) dst(%dma_wait3A_240 : memref<128x128xf32, #tpu.memory_space<hbm>>)
    %add3A_241 = arith.constant 384 : i32
    %add3A_242 = arith.addi %mul3A_0, %add3A_241 : i32
    "tpu.region"() ({
      %run_scoped3A_279 = tpu.sem_alloc : memref<!tpu.dma_semaphore, #tpu.memory_space<semaphore_mem>>
      %dma_start3A_280 = arith.constant 0 : i32
      %dma_start3A_281 = tpu.memref_slice %arg6[%add3A_242, %dma_start3A_280] : memref<10240x128xf32, #tpu.memory_space<vmem_shared>> -> memref<128x128xf32, #tpu.memory_space<vmem_shared>>
      %dma_start3A_282 = arith.constant 0 : i32
      %dma_start3A_283 = tpu.memref_slice %arg6[%add3A_242, %dma_start3A_282] : memref<10240x128xf32, #tpu.memory_space<vmem_shared>> -> memref<128x128xf32, #tpu.memory_space<vmem_shared>>
      tpu.enqueue_dma source(%dma_start3A_283 : memref<128x128xf32, #tpu.memory_space<vmem_shared>>) target(%arg11 : memref<128x128xf32, #tpu.memory_space<vmem>>) target_semaphore(%run_scoped3A_279 : memref<!tpu.dma_semaphore, #tpu.memory_space<semaphore_mem>>)
      %dma_wait3A_284 = arith.constant 0 : i32
      %dma_wait3A_285 = tpu.memref_slice %arg6[%add3A_242, %dma_wait3A_284] : memref<10240x128xf32, #tpu.memory_space<vmem_shared>> -> memref<128x128xf32, #tpu.memory_space<vmem_shared>>
      %dma_wait3A_286 = arith.constant 0 : i32
      %dma_wait3A_287 = tpu.memref_slice %arg6[%add3A_242, %dma_wait3A_286] : memref<10240x128xf32, #tpu.memory_space<vmem_shared>> -> memref<128x128xf32, #tpu.memory_space<vmem_shared>>
      tpu.wait_dma2 semaphore(%run_scoped3A_279 : memref<!tpu.dma_semaphore, #tpu.memory_space<semaphore_mem>>) src(%dma_wait3A_287 : memref<128x128xf32, #tpu.memory_space<vmem_shared>>) dst(%arg11 : memref<128x128xf32, #tpu.memory_space<vmem>>)
      tpu.yield
    }) : () -> ()
    %add3A_243 = arith.constant 384 : i32
    %add3A_244 = arith.addi %mul3A_0, %add3A_243 : i32
    %dma_start3A_245 = arith.constant 0 : i32
    %dma_start3A_246 = tpu.memref_slice %arg5[%arg0, %add3A_244, %dma_start3A_245] : memref<2x10240x128xf32, #tpu.memory_space<hbm>> -> memref<1x128x128xf32, #tpu.memory_space<hbm>>
    %dma_start3A_247 = tpu.memref_squeeze %dma_start3A_246 : memref<1x128x128xf32, #tpu.memory_space<hbm>> -> memref<128x128xf32, #tpu.memory_space<hbm>>
    %dma_start3A_248 = arith.constant 0 : i32
    %dma_start3A_249 = tpu.memref_slice %arg5[%arg0, %add3A_244, %dma_start3A_248] : memref<2x10240x128xf32, #tpu.memory_space<hbm>> -> memref<1x128x128xf32, #tpu.memory_space<hbm>>
    %dma_start3A_250 = tpu.memref_squeeze %dma_start3A_249 : memref<1x128x128xf32, #tpu.memory_space<hbm>> -> memref<128x128xf32, #tpu.memory_space<hbm>>
    tpu.enqueue_dma source(%arg11 : memref<128x128xf32, #tpu.memory_space<vmem>>) target(%dma_start3A_250 : memref<128x128xf32, #tpu.memory_space<hbm>>) target_semaphore(%arg15 : memref<!tpu.dma_semaphore, #tpu.memory_space<semaphore_mem>>)
    %dma_wait3A_251 = arith.constant 0 : i32
    %dma_wait3A_252 = tpu.memref_slice %arg5[%arg0, %mul3A_0, %dma_wait3A_251] : memref<2x10240x128xf32, #tpu.memory_space<hbm>> -> memref<1x128x128xf32, #tpu.memory_space<hbm>>
    %dma_wait3A_253 = tpu.memref_squeeze %dma_wait3A_252 : memref<1x128x128xf32, #tpu.memory_space<hbm>> -> memref<128x128xf32, #tpu.memory_space<hbm>>
    %dma_wait3A_254 = arith.constant 0 : i32
    %dma_wait3A_255 = tpu.memref_slice %arg5[%arg0, %mul3A_0, %dma_wait3A_254] : memref<2x10240x128xf32, #tpu.memory_space<hbm>> -> memref<1x128x128xf32, #tpu.memory_space<hbm>>
    %dma_wait3A_256 = tpu.memref_squeeze %dma_wait3A_255 : memref<1x128x128xf32, #tpu.memory_space<hbm>> -> memref<128x128xf32, #tpu.memory_space<hbm>>
    tpu.wait_dma2 semaphore(%arg14 : memref<!tpu.dma_semaphore, #tpu.memory_space<semaphore_mem>>) src(%arg10 : memref<128x128xf32, #tpu.memory_space<vmem>>) dst(%dma_wait3A_256 : memref<128x128xf32, #tpu.memory_space<hbm>>)
    %add3A_257 = arith.constant 512 : i32
    %add3A_258 = arith.addi %mul3A_0, %add3A_257 : i32
    "tpu.region"() ({
      %run_scoped3A_279 = tpu.sem_alloc : memref<!tpu.dma_semaphore, #tpu.memory_space<semaphore_mem>>
      %dma_start3A_280 = arith.constant 0 : i32
      %dma_start3A_281 = tpu.memref_slice %arg6[%add3A_258, %dma_start3A_280] : memref<10240x128xf32, #tpu.memory_space<vmem_shared>> -> memref<128x128xf32, #tpu.memory_space<vmem_shared>>
      %dma_start3A_282 = arith.constant 0 : i32
      %dma_start3A_283 = tpu.memref_slice %arg6[%add3A_258, %dma_start3A_282] : memref<10240x128xf32, #tpu.memory_space<vmem_shared>> -> memref<128x128xf32, #tpu.memory_space<vmem_shared>>
      tpu.enqueue_dma source(%dma_start3A_283 : memref<128x128xf32, #tpu.memory_space<vmem_shared>>) target(%arg10 : memref<128x128xf32, #tpu.memory_space<vmem>>) target_semaphore(%run_scoped3A_279 : memref<!tpu.dma_semaphore, #tpu.memory_space<semaphore_mem>>)
      %dma_wait3A_284 = arith.constant 0 : i32
      %dma_wait3A_285 = tpu.memref_slice %arg6[%add3A_258, %dma_wait3A_284] : memref<10240x128xf32, #tpu.memory_space<vmem_shared>> -> memref<128x128xf32, #tpu.memory_space<vmem_shared>>
      %dma_wait3A_286 = arith.constant 0 : i32
      %dma_wait3A_287 = tpu.memref_slice %arg6[%add3A_258, %dma_wait3A_286] : memref<10240x128xf32, #tpu.memory_space<vmem_shared>> -> memref<128x128xf32, #tpu.memory_space<vmem_shared>>
      tpu.wait_dma2 semaphore(%run_scoped3A_279 : memref<!tpu.dma_semaphore, #tpu.memory_space<semaphore_mem>>) src(%dma_wait3A_287 : memref<128x128xf32, #tpu.memory_space<vmem_shared>>) dst(%arg10 : memref<128x128xf32, #tpu.memory_space<vmem>>)
      tpu.yield
    }) : () -> ()
    %add3A_259 = arith.constant 512 : i32
    %add3A_260 = arith.addi %mul3A_0, %add3A_259 : i32
    %dma_start3A_261 = arith.constant 0 : i32
    %dma_start3A_262 = tpu.memref_slice %arg5[%arg0, %add3A_260, %dma_start3A_261] : memref<2x10240x128xf32, #tpu.memory_space<hbm>> -> memref<1x128x128xf32, #tpu.memory_space<hbm>>
    %dma_start3A_263 = tpu.memref_squeeze %dma_start3A_262 : memref<1x128x128xf32, #tpu.memory_space<hbm>> -> memref<128x128xf32, #tpu.memory_space<hbm>>
    %dma_start3A_264 = arith.constant 0 : i32
    %dma_start3A_265 = tpu.memref_slice %arg5[%arg0, %add3A_260, %dma_start3A_264] : memref<2x10240x128xf32, #tpu.memory_space<hbm>> -> memref<1x128x128xf32, #tpu.memory_space<hbm>>
    %dma_start3A_266 = tpu.memref_squeeze %dma_start3A_265 : memref<1x128x128xf32, #tpu.memory_space<hbm>> -> memref<128x128xf32, #tpu.memory_space<hbm>>
    tpu.enqueue_dma source(%arg10 : memref<128x128xf32, #tpu.memory_space<vmem>>) target(%dma_start3A_266 : memref<128x128xf32, #tpu.memory_space<hbm>>) target_semaphore(%arg14 : memref<!tpu.dma_semaphore, #tpu.memory_space<semaphore_mem>>)
    %dma_wait3A_267 = arith.constant 0 : i32
    %dma_wait3A_268 = tpu.memref_slice %arg5[%arg0, %mul3A_0, %dma_wait3A_267] : memref<2x10240x128xf32, #tpu.memory_space<hbm>> -> memref<1x128x128xf32, #tpu.memory_space<hbm>>
    %dma_wait3A_269 = tpu.memref_squeeze %dma_wait3A_268 : memref<1x128x128xf32, #tpu.memory_space<hbm>> -> memref<128x128xf32, #tpu.memory_space<hbm>>
    %dma_wait3A_270 = arith.constant 0 : i32
    %dma_wait3A_271 = tpu.memref_slice %arg5[%arg0, %mul3A_0, %dma_wait3A_270] : memref<2x10240x128xf32, #tpu.memory_space<hbm>> -> memref<1x128x128xf32, #tpu.memory_space<hbm>>
    %dma_wait3A_272 = tpu.memref_squeeze %dma_wait3A_271 : memref<1x128x128xf32, #tpu.memory_space<hbm>> -> memref<128x128xf32, #tpu.memory_space<hbm>>
    tpu.wait_dma2 semaphore(%arg15 : memref<!tpu.dma_semaphore, #tpu.memory_space<semaphore_mem>>) src(%arg11 : memref<128x128xf32, #tpu.memory_space<vmem>>) dst(%dma_wait3A_272 : memref<128x128xf32, #tpu.memory_space<hbm>>)
    %dma_wait3A_273 = arith.constant 0 : i32
    %dma_wait3A_274 = tpu.memref_slice %arg5[%arg0, %mul3A_0, %dma_wait3A_273] : memref<2x10240x128xf32, #tpu.memory_space<hbm>> -> memref<1x128x128xf32, #tpu.memory_space<hbm>>
    %dma_wait3A_275 = tpu.memref_squeeze %dma_wait3A_274 : memref<1x128x128xf32, #tpu.memory_space<hbm>> -> memref<128x128xf32, #tpu.memory_space<hbm>>
    %dma_wait3A_276 = arith.constant 0 : i32
    %dma_wait3A_277 = tpu.memref_slice %arg5[%arg0, %mul3A_0, %dma_wait3A_276] : memref<2x10240x128xf32, #tpu.memory_space<hbm>> -> memref<1x128x128xf32, #tpu.memory_space<hbm>>
    %dma_wait3A_278 = tpu.memref_squeeze %dma_wait3A_277 : memref<1x128x128xf32, #tpu.memory_space<hbm>> -> memref<128x128xf32, #tpu.memory_space<hbm>>
    tpu.wait_dma2 semaphore(%arg14 : memref<!tpu.dma_semaphore, #tpu.memory_space<semaphore_mem>>) src(%arg10 : memref<128x128xf32, #tpu.memory_space<vmem>>) dst(%dma_wait3A_278 : memref<128x128xf32, #tpu.memory_space<hbm>>)
    return
  }
}

module attributes {stable_mosaic.version = 14 : i64} {
  func.func @_tc1_body(%arg0: i32, %arg1: memref<1000x128xf32, #tpu.memory_space<vmem>>, %arg2: memref<128x256xf32, #tpu.memory_space<vmem>>, %arg3: memref<1x128xf32, #tpu.memory_space<vmem>>, %arg4: memref<1000x128xf32, #tpu.memory_space<vmem>>, %arg5: memref<1000x128xf32, #tpu.memory_space<vmem>>) attributes {dimension_semantics = [#tpu.dimension_semantics<arbitrary>], iteration_bounds = array<i64: 10>, scalar_prefetch = 0 : i64, scratch_operands = 0 : i64, tpu.core_type = #tpu.core_type<tc>, window_params = [{transform_indices = @transform_0, window_bounds = array<i64: 1000, 128>}, {pipeline_mode = #tpu.pipeline_mode<synchronous>, transform_indices = @transform_1, window_bounds = array<i64: 128, 256>}, {pipeline_mode = #tpu.pipeline_mode<synchronous>, transform_indices = @transform_2, window_bounds = array<i64: 1, 128>}, {transform_indices = @transform_3, window_bounds = array<i64: 1000, 128>}, {transform_indices = @transform_4, window_bounds = array<i64: 1000, 128>}]} {
    %get3A = arith.constant 0 : index
    %get3A_0 = arith.constant 0 : index
    %get3A_1 = vector.load %arg1[%get3A, %get3A_0] : memref<1000x128xf32, #tpu.memory_space<vmem>>, vector<1000x128xf32>
    %get3A_2 = arith.constant 0 : index
    %get3A_3 = arith.constant 0 : index
    %get3A_4 = vector.load %arg2[%get3A_2, %get3A_3] : memref<128x256xf32, #tpu.memory_space<vmem>>, vector<128x256xf32>
    %dot_general3A = arith.constant dense<0.000000e+00> : vector<1000x256xf32>
    %dot_general3A_5 = tpu.matmul %get3A_1, %get3A_4, %dot_general3A {dimension_numbers = #tpu.dot_dimension_numbers<[1], [0], [0], [1], [0, 0, 1, 1], [], []>, transpose_lhs_hint = false} : vector<1000x128xf32>, vector<128x256xf32>, vector<1000x256xf32> -> vector<1000x256xf32>
    %slice3A = vector.extract_strided_slice %dot_general3A_5 {offsets = [0, 0], sizes = [1000, 128], strides = [1, 1]} : vector<1000x256xf32> to vector<1000x128xf32>
    %get3A_6 = arith.constant 0 : index
    %get3A_7 = arith.constant 0 : index
    %get3A_8 = vector.load %arg3[%get3A_6, %get3A_7] : memref<1x128xf32, #tpu.memory_space<vmem>>, vector<1x128xf32>
    %add3A = vector.broadcast %get3A_8 : vector<1x128xf32> to vector<1000x128xf32>
    %add3A_9 = arith.addf %slice3A, %add3A : vector<1000x128xf32>
    %swap3A = arith.constant 0 : index
    %swap3A_10 = arith.constant 0 : index
    %swap3A_11 = vector.load %arg4[%swap3A, %swap3A_10] : memref<1000x128xf32, #tpu.memory_space<vmem>>, vector<1000x128xf32>
    tpu.vector_store %arg4[%swap3A, %swap3A_10], %add3A_9 {strides = array<i32>} : memref<1000x128xf32, #tpu.memory_space<vmem>>, vector<1000x128xf32>,
    %slice3A_12 = vector.extract_strided_slice %dot_general3A_5 {offsets = [0, 128], sizes = [1000, 128], strides = [1, 1]} : vector<1000x256xf32> to vector<1000x128xf32>
    %swap3A_13 = arith.constant 0 : index
    %swap3A_14 = arith.constant 0 : index
    %swap3A_15 = vector.load %arg5[%swap3A_13, %swap3A_14] : memref<1000x128xf32, #tpu.memory_space<vmem>>, vector<1000x128xf32>
    tpu.vector_store %arg5[%swap3A_13, %swap3A_14], %slice3A_12 {strides = array<i32>} : memref<1000x128xf32, #tpu.memory_space<vmem>>, vector<1000x128xf32>,
    return
  }
  func.func @transform_0(%arg0: i32) -> (i32, i32) {
    %c0_i32 = arith.constant 0 : i32
    %c0_i32_0 = arith.constant 0 : i32
    return %arg0, %c0_i32 : i32, i32
  }
  func.func @transform_1(%arg0: i32) -> (i32, i32) {
    %c0_i32 = arith.constant 0 : i32
    %c0_i32_0 = arith.constant 0 : i32
    %c0_i32_1 = arith.constant 0 : i32
    return %c0_i32, %c0_i32_0 : i32, i32
  }
  func.func @transform_2(%arg0: i32) -> (i32, i32) {
    %c0_i32 = arith.constant 0 : i32
    %c0_i32_0 = arith.constant 0 : i32
    %c0_i32_1 = arith.constant 0 : i32
    return %c0_i32, %c0_i32_0 : i32, i32
  }
  func.func @transform_3(%arg0: i32) -> (i32, i32) {
    %c0_i32 = arith.constant 0 : i32
    %c0_i32_0 = arith.constant 0 : i32
    return %arg0, %c0_i32 : i32, i32
  }
  func.func @transform_4(%arg0: i32) -> (i32, i32) {
    %c0_i32 = arith.constant 0 : i32
    %c0_i32_0 = arith.constant 0 : i32
    return %arg0, %c0_i32 : i32, i32
  }
}

module attributes {stable_mosaic.version = 14 : i64} {
  func.func @_tc2_body(%arg0: i32, %arg1: memref<1000x128xf32, #tpu.memory_space<vmem>>, %arg2: memref<1x1000x128xf32, #tpu.memory_space<vmem>>, %arg3: memref<1x1000x128xf32, #tpu.memory_space<vmem>>, %arg4: memref<1x1000x1xf32, #tpu.memory_space<vmem>>, %arg5: memref<1x1000x1xf32, #tpu.memory_space<vmem>>, %arg6: memref<128x256xf32, #tpu.memory_space<vmem>>, %arg7: memref<1x128xf32, #tpu.memory_space<vmem>>, %arg8: memref<1000x128xf32, #tpu.memory_space<vmem>>, %arg9: memref<1000x128xf32, #tpu.memory_space<vmem>>) attributes {dimension_semantics = [#tpu.dimension_semantics<arbitrary>], iteration_bounds = array<i64: 10>, scalar_prefetch = 0 : i64, scratch_operands = 0 : i64, tpu.core_type = #tpu.core_type<tc>, window_params = [{transform_indices = @transform_0, window_bounds = array<i64: 1000, 128>}, {transform_indices = @transform_1, window_bounds = array<i64: 1, 1000, 128>}, {transform_indices = @transform_2, window_bounds = array<i64: 1, 1000, 128>}, {transform_indices = @transform_3, window_bounds = array<i64: 1, 1000, 1>}, {transform_indices = @transform_4, window_bounds = array<i64: 1, 1000, 1>}, {pipeline_mode = #tpu.pipeline_mode<synchronous>, transform_indices = @transform_5, window_bounds = array<i64: 128, 256>}, {pipeline_mode = #tpu.pipeline_mode<synchronous>, transform_indices = @transform_6, window_bounds = array<i64: 1, 128>}, {transform_indices = @transform_7, window_bounds = array<i64: 1000, 128>}, {transform_indices = @transform_8, window_bounds = array<i64: 1000, 128>}]} {
    %get3A = arith.constant 0 : index
    %get3A_0 = arith.constant 0 : index
    %get3A_1 = arith.constant 0 : index
    %get3A_2 = vector.load %arg4[%get3A, %get3A_0, %get3A_1] : memref<1x1000x1xf32, #tpu.memory_space<vmem>>, vector<1x1000x1xf32>
    %get3A_3 = arith.constant 0 : index
    %get3A_4 = arith.constant 0 : index
    %get3A_5 = arith.constant 0 : index
    %get3A_6 = vector.load %arg5[%get3A_3, %get3A_4, %get3A_5] : memref<1x1000x1xf32, #tpu.memory_space<vmem>>, vector<1x1000x1xf32>
    %add3A = arith.addf %get3A_2, %get3A_6 : vector<1x1000x1xf32>
    %squeeze3A = vector.shape_cast %add3A : vector<1x1000x1xf32> to vector<1000x1xf32>
    %max3A = arith.constant 1.000000e+00 : f32
    %max3A_7 = vector.broadcast %max3A : f32 to vector<1000x1xf32>
    %max3A_8 = arith.maximumf %squeeze3A, %max3A_7 : vector<1000x1xf32>
    %div3A = arith.constant 1.000000e+00 : f32
    %div3A_9 = vector.broadcast %div3A : f32 to vector<1000x1xf32>
    %div3A_10 = arith.divf %div3A_9, %max3A_8 : vector<1000x1xf32>
    %get3A_11 = arith.constant 0 : index
    %get3A_12 = arith.constant 0 : index
    %get3A_13 = arith.constant 0 : index
    %get3A_14 = vector.load %arg2[%get3A_11, %get3A_12, %get3A_13] : memref<1x1000x128xf32, #tpu.memory_space<vmem>>, vector<1x1000x128xf32>
    %get3A_15 = arith.constant 0 : index
    %get3A_16 = arith.constant 0 : index
    %get3A_17 = arith.constant 0 : index
    %get3A_18 = vector.load %arg3[%get3A_15, %get3A_16, %get3A_17] : memref<1x1000x128xf32, #tpu.memory_space<vmem>>, vector<1x1000x128xf32>
    %add3A_19 = arith.addf %get3A_14, %get3A_18 : vector<1x1000x128xf32>
    %squeeze3A_20 = vector.shape_cast %add3A_19 : vector<1x1000x128xf32> to vector<1000x128xf32>
    %get3A_21 = arith.constant 0 : index
    %get3A_22 = arith.constant 0 : index
    %get3A_23 = vector.load %arg1[%get3A_21, %get3A_22] : memref<1000x128xf32, #tpu.memory_space<vmem>>, vector<1000x128xf32>
    %mul3A = vector.broadcast %div3A_10 : vector<1000x1xf32> to vector<1000x128xf32>
    %mul3A_24 = arith.mulf %squeeze3A_20, %mul3A : vector<1000x128xf32>
    %add3A_25 = arith.addf %get3A_23, %mul3A_24 : vector<1000x128xf32>
    %max3A_26 = arith.constant 0.000000e+00 : f32
    %max3A_27 = vector.broadcast %max3A_26 : f32 to vector<1000x128xf32>
    %max3A_28 = arith.maximumf %add3A_25, %max3A_27 : vector<1000x128xf32>
    %get3A_29 = arith.constant 0 : index
    %get3A_30 = arith.constant 0 : index
    %get3A_31 = vector.load %arg6[%get3A_29, %get3A_30] : memref<128x256xf32, #tpu.memory_space<vmem>>, vector<128x256xf32>
    %dot_general3A = arith.constant dense<0.000000e+00> : vector<1000x256xf32>
    %dot_general3A_32 = tpu.matmul %max3A_28, %get3A_31, %dot_general3A {dimension_numbers = #tpu.dot_dimension_numbers<[1], [0], [0], [1], [0, 0, 1, 1], [], []>, transpose_lhs_hint = false} : vector<1000x128xf32>, vector<128x256xf32>, vector<1000x256xf32> -> vector<1000x256xf32>
    %slice3A = vector.extract_strided_slice %dot_general3A_32 {offsets = [0, 0], sizes = [1000, 128], strides = [1, 1]} : vector<1000x256xf32> to vector<1000x128xf32>
    %get3A_33 = arith.constant 0 : index
    %get3A_34 = arith.constant 0 : index
    %get3A_35 = vector.load %arg7[%get3A_33, %get3A_34] : memref<1x128xf32, #tpu.memory_space<vmem>>, vector<1x128xf32>
    %add3A_36 = vector.broadcast %get3A_35 : vector<1x128xf32> to vector<1000x128xf32>
    %add3A_37 = arith.addf %slice3A, %add3A_36 : vector<1000x128xf32>
    %swap3A = arith.constant 0 : index
    %swap3A_38 = arith.constant 0 : index
    %swap3A_39 = vector.load %arg8[%swap3A, %swap3A_38] : memref<1000x128xf32, #tpu.memory_space<vmem>>, vector<1000x128xf32>
    tpu.vector_store %arg8[%swap3A, %swap3A_38], %add3A_37 {strides = array<i32>} : memref<1000x128xf32, #tpu.memory_space<vmem>>, vector<1000x128xf32>,
    %slice3A_40 = vector.extract_strided_slice %dot_general3A_32 {offsets = [0, 128], sizes = [1000, 128], strides = [1, 1]} : vector<1000x256xf32> to vector<1000x128xf32>
    %swap3A_41 = arith.constant 0 : index
    %swap3A_42 = arith.constant 0 : index
    %swap3A_43 = vector.load %arg9[%swap3A_41, %swap3A_42] : memref<1000x128xf32, #tpu.memory_space<vmem>>, vector<1000x128xf32>
    tpu.vector_store %arg9[%swap3A_41, %swap3A_42], %slice3A_40 {strides = array<i32>} : memref<1000x128xf32, #tpu.memory_space<vmem>>, vector<1000x128xf32>,
    return
  }
  func.func @transform_0(%arg0: i32) -> (i32, i32) {
    %c0_i32 = arith.constant 0 : i32
    %c0_i32_0 = arith.constant 0 : i32
    return %arg0, %c0_i32 : i32, i32
  }
  func.func @transform_1(%arg0: i32) -> (i32, i32, i32) {
    %c0_i32 = arith.constant 0 : i32
    %c0_i32_0 = arith.constant 0 : i32
    %c0_i32_1 = arith.constant 0 : i32
    return %c0_i32, %arg0, %c0_i32_0 : i32, i32, i32
  }
  func.func @transform_2(%arg0: i32) -> (i32, i32, i32) {
    %c1_i32 = arith.constant 1 : i32
    %c0_i32 = arith.constant 0 : i32
    %c0_i32_0 = arith.constant 0 : i32
    return %c1_i32, %arg0, %c0_i32 : i32, i32, i32
  }
  func.func @transform_3(%arg0: i32) -> (i32, i32, i32) {
    %c0_i32 = arith.constant 0 : i32
    %c0_i32_0 = arith.constant 0 : i32
    %c0_i32_1 = arith.constant 0 : i32
    return %c0_i32, %arg0, %c0_i32_0 : i32, i32, i32
  }
  func.func @transform_4(%arg0: i32) -> (i32, i32, i32) {
    %c1_i32 = arith.constant 1 : i32
    %c0_i32 = arith.constant 0 : i32
    %c0_i32_0 = arith.constant 0 : i32
    return %c1_i32, %arg0, %c0_i32 : i32, i32, i32
  }
  func.func @transform_5(%arg0: i32) -> (i32, i32) {
    %c0_i32 = arith.constant 0 : i32
    %c0_i32_0 = arith.constant 0 : i32
    %c0_i32_1 = arith.constant 0 : i32
    return %c0_i32, %c0_i32_0 : i32, i32
  }
  func.func @transform_6(%arg0: i32) -> (i32, i32) {
    %c0_i32 = arith.constant 0 : i32
    %c0_i32_0 = arith.constant 0 : i32
    %c0_i32_1 = arith.constant 0 : i32
    return %c0_i32, %c0_i32_0 : i32, i32
  }
  func.func @transform_7(%arg0: i32) -> (i32, i32) {
    %c0_i32 = arith.constant 0 : i32
    %c0_i32_0 = arith.constant 0 : i32
    return %arg0, %c0_i32 : i32, i32
  }
  func.func @transform_8(%arg0: i32) -> (i32, i32) {
    %c0_i32 = arith.constant 0 : i32
    %c0_i32_0 = arith.constant 0 : i32
    return %arg0, %c0_i32 : i32, i32
  }
}

module attributes {stable_mosaic.version = 14 : i64} {
  func.func @_tc3_body(%arg0: i32, %arg1: memref<1000x128xf32, #tpu.memory_space<vmem>>, %arg2: memref<1x1000x128xf32, #tpu.memory_space<vmem>>, %arg3: memref<1x1000x128xf32, #tpu.memory_space<vmem>>, %arg4: memref<1x1000x1xf32, #tpu.memory_space<vmem>>, %arg5: memref<1x1000x1xf32, #tpu.memory_space<vmem>>, %arg6: memref<1000x128xf32, #tpu.memory_space<vmem>>) attributes {dimension_semantics = [#tpu.dimension_semantics<arbitrary>], iteration_bounds = array<i64: 10>, scalar_prefetch = 0 : i64, scratch_operands = 0 : i64, tpu.core_type = #tpu.core_type<tc>, window_params = [{transform_indices = @transform_0, window_bounds = array<i64: 1000, 128>}, {transform_indices = @transform_1, window_bounds = array<i64: 1, 1000, 128>}, {transform_indices = @transform_2, window_bounds = array<i64: 1, 1000, 128>}, {transform_indices = @transform_3, window_bounds = array<i64: 1, 1000, 1>}, {transform_indices = @transform_4, window_bounds = array<i64: 1, 1000, 1>}, {transform_indices = @transform_5, window_bounds = array<i64: 1000, 128>}]} {
    %get3A = arith.constant 0 : index
    %get3A_0 = arith.constant 0 : index
    %get3A_1 = arith.constant 0 : index
    %get3A_2 = vector.load %arg4[%get3A, %get3A_0, %get3A_1] : memref<1x1000x1xf32, #tpu.memory_space<vmem>>, vector<1x1000x1xf32>
    %get3A_3 = arith.constant 0 : index
    %get3A_4 = arith.constant 0 : index
    %get3A_5 = arith.constant 0 : index
    %get3A_6 = vector.load %arg5[%get3A_3, %get3A_4, %get3A_5] : memref<1x1000x1xf32, #tpu.memory_space<vmem>>, vector<1x1000x1xf32>
    %add3A = arith.addf %get3A_2, %get3A_6 : vector<1x1000x1xf32>
    %squeeze3A = vector.shape_cast %add3A : vector<1x1000x1xf32> to vector<1000x1xf32>
    %max3A = arith.constant 1.000000e+00 : f32
    %max3A_7 = vector.broadcast %max3A : f32 to vector<1000x1xf32>
    %max3A_8 = arith.maximumf %squeeze3A, %max3A_7 : vector<1000x1xf32>
    %div3A = arith.constant 1.000000e+00 : f32
    %div3A_9 = vector.broadcast %div3A : f32 to vector<1000x1xf32>
    %div3A_10 = arith.divf %div3A_9, %max3A_8 : vector<1000x1xf32>
    %get3A_11 = arith.constant 0 : index
    %get3A_12 = arith.constant 0 : index
    %get3A_13 = arith.constant 0 : index
    %get3A_14 = vector.load %arg2[%get3A_11, %get3A_12, %get3A_13] : memref<1x1000x128xf32, #tpu.memory_space<vmem>>, vector<1x1000x128xf32>
    %get3A_15 = arith.constant 0 : index
    %get3A_16 = arith.constant 0 : index
    %get3A_17 = arith.constant 0 : index
    %get3A_18 = vector.load %arg3[%get3A_15, %get3A_16, %get3A_17] : memref<1x1000x128xf32, #tpu.memory_space<vmem>>, vector<1x1000x128xf32>
    %add3A_19 = arith.addf %get3A_14, %get3A_18 : vector<1x1000x128xf32>
    %squeeze3A_20 = vector.shape_cast %add3A_19 : vector<1x1000x128xf32> to vector<1000x128xf32>
    %get3A_21 = arith.constant 0 : index
    %get3A_22 = arith.constant 0 : index
    %get3A_23 = vector.load %arg1[%get3A_21, %get3A_22] : memref<1000x128xf32, #tpu.memory_space<vmem>>, vector<1000x128xf32>
    %mul3A = vector.broadcast %div3A_10 : vector<1000x1xf32> to vector<1000x128xf32>
    %mul3A_24 = arith.mulf %squeeze3A_20, %mul3A : vector<1000x128xf32>
    %add3A_25 = arith.addf %get3A_23, %mul3A_24 : vector<1000x128xf32>
    %swap3A = arith.constant 0 : index
    %swap3A_26 = arith.constant 0 : index
    %swap3A_27 = vector.load %arg6[%swap3A, %swap3A_26] : memref<1000x128xf32, #tpu.memory_space<vmem>>, vector<1000x128xf32>
    tpu.vector_store %arg6[%swap3A, %swap3A_26], %add3A_25 {strides = array<i32>} : memref<1000x128xf32, #tpu.memory_space<vmem>>, vector<1000x128xf32>,
    return
  }
  func.func @transform_0(%arg0: i32) -> (i32, i32) {
    %c0_i32 = arith.constant 0 : i32
    %c0_i32_0 = arith.constant 0 : i32
    return %arg0, %c0_i32 : i32, i32
  }
  func.func @transform_1(%arg0: i32) -> (i32, i32, i32) {
    %c0_i32 = arith.constant 0 : i32
    %c0_i32_0 = arith.constant 0 : i32
    %c0_i32_1 = arith.constant 0 : i32
    return %c0_i32, %arg0, %c0_i32_0 : i32, i32, i32
  }
  func.func @transform_2(%arg0: i32) -> (i32, i32, i32) {
    %c1_i32 = arith.constant 1 : i32
    %c0_i32 = arith.constant 0 : i32
    %c0_i32_0 = arith.constant 0 : i32
    return %c1_i32, %arg0, %c0_i32 : i32, i32, i32
  }
  func.func @transform_3(%arg0: i32) -> (i32, i32, i32) {
    %c0_i32 = arith.constant 0 : i32
    %c0_i32_0 = arith.constant 0 : i32
    %c0_i32_1 = arith.constant 0 : i32
    return %c0_i32, %arg0, %c0_i32_0 : i32, i32, i32
  }
  func.func @transform_4(%arg0: i32) -> (i32, i32, i32) {
    %c1_i32 = arith.constant 1 : i32
    %c0_i32 = arith.constant 0 : i32
    %c0_i32_0 = arith.constant 0 : i32
    return %c1_i32, %arg0, %c0_i32 : i32, i32, i32
  }
  func.func @transform_5(%arg0: i32) -> (i32, i32) {
    %c0_i32 = arith.constant 0 : i32
    %c0_i32_0 = arith.constant 0 : i32
    return %arg0, %c0_i32 : i32, i32
  }
}

</mosaic_0001>

<sc_bundles>
// kernel: kernel.10.cloned.1.call-start
scs
__scs_entry_jumppad:
0x0: {  	(pc) =	sbr.rel $0x88, $3  }
0x1: {  	(tag) =	ssettag $0x0;
	lr =	simm.s32 $0x1  }
0x2: {  	[smem:$0x3F99] =	sst lr;
	_ =	strace $0xD0000000  }
0x3: {  	_ = 	snop  }
0x4: {  	_ = 	snop  }
0x5: {  	_ = 	snop  }
0x6: {  	_ = 	snop  }
0x7: {  	_ = 	snop  }
__scs_overlays_trampoline_lowered:
0x8: {  	[smem:$0x3FA8] =	sst s0  }
0x9: {  	[smem:$0x3FA9] =	sst s1  }
0xa: {  	[smem:$0x3FAA] =	sst s2  }
0xb: {  	[smem:$0x3FAB] =	sst s3  }
0xc: {  	[smem:$0x3FAC] =	sst s4  }
0xd: {  	[smem:$0x3FAD] =	sst s5  }
0xe: {  	[smem:$0x3FAE] =	sst s6  }
0xf: {  	[smem:$0x3FAF] =	sst s7  }
0x10: {  	[smem:$0x3FB0] =	sst s8  }
0x11: {  	[smem:$0x3FB1] =	sst s9;
	s0 =	simm.s32 @!p0 $0x0  }
0x12: {  	s1 =	sld [smem:$0x3F97];
	s0 =	simm.s32 @p0 $0x1  }
0x13: {  	[smem:$0x3FB2] =	sst s0;
	s0 =	simm.s32 @!p1 $0x0  }
0x14: {  	s2 =	sld [smem:$0x3F96];
	s0 =	simm.s32 @p1 $0x1  }
0x15: {  	[smem:$0x3FB3] =	sst s0;
	s0 =	simm.s32 @!p2 $0x0  }
0x16: {  	s3 =	sld [smem:$0x3FDB];
	s0 =	simm.s32 @p2 $0x1  }
0x17: {  	s4 =	simm.s32 $0x1BF5;
	[smem:$0x3FB5] =	sst s0  }
0x18: {  	s0 =	sld [smem:$0x3F98];
	_ =	swait.ge [sflag:s4], $0x0  }
0x19: {  	s7 =	sld [smem:$0x3F99]  }
0x1a: {  	s8 =	sadd.s32 $0xFFFFE003, lr  }
0x1b: {  	s9 =	sadd.s32 $0xFFFFFEF7, lr;
	s5 =	simm.s32 $0xFFFFFFFF;
	p2 =	slt.u32 s8, $0xFFFFF086  }
0x1c: {  	p1 =	slt.u32 s9, $0xF7A;
	s5 =	simm.s32 @!p2 $0x0  }
0x1d: {  	s5 =	simm.s32 @p1 $0x1;
	p0 =	seq.s32 s7, s2  }
0x1e: {  	s7 =	smul.u32 @!p0 $0xF7A, s2;
	p2 =	seq.s32 @!p0 s5, $0x0  }
0x1f: {  	s9 =	smul.u32 $0xF7A, s1;
	s8 =	simm.s32 @!p0 $0x1BF5;
	p2 =	por !p2, p0  }
0x20: {  	[sflag:s8] =	ssyncset.s32 @!p0 $0xFFFFF086;
	s6 =	sadd.s32 @!p0 s3, s7;
	s7 =	simm.s32 @!p0 $0x108  }
0x21: {  	s3 =	sadd.s32 s3, s9;
	s6 =	sadd.s32 @!p0 $0x88, s6;
	s7 =	simm.s32 @p2 $0x1082  }
0x22: {  	[simem:s7], [sflag:s8] =	dma.local @!p0 [hbm:s6], $0xF7A  }
0x23: {  	s9 =	sor.u32 $0xD0000000, s2;
	s6 =	simm.s32 $0x108;
	_ =	swait.ge @!p0 [sflag:s8], $0x0  }
0x24: {  	s3 =	sadd.s32 $0x88, s3;
	s6 =	simm.s32 @!p1 $0x1082;
	[sflag:s4] =	ssyncset.s32 $0xFFFFF086  }
0x25: {  	[simem:s6], [sflag:s4] =	dma.local [hbm:s3], $0xF7A  }
0x26: {  	[smem:$0x3F99] =	sst s1;
	(tag) =	ssettag s2;
	_ =	strace s9  }
0x27: {  	s1 =	sld [smem:$0x3FA9]  }
0x28: {  	s2 =	sld [smem:$0x3FAA]  }
0x29: {  	s4 =	sld [smem:$0x3FAC]  }
0x2a: {  	p0 =	seq.s32 s5, $0x0;
	s5 =	sld [smem:$0x3FAD]  }
0x2b: {  	s6 =	sld [smem:$0x3FAE]  }
0x2c: {  	s7 =	sld [smem:$0x3FAF]  }
0x2d: {  	s3 =	simm.s32 $0x108;
	s8 =	sld [smem:$0x3FB0]  }
0x2e: {  	s3 =	simm.s32 @!p0 $0x1082;
	s9 =	sld [smem:$0x3FB1]  }
0x2f: {  	lr =	sadd.s32 s0, s3;
	s0 =	sld [smem:$0x3FA8]  }
0x30: {  	s3 =	sld [smem:$0x3FAB]  }
0x31: {  	[smem:$0x3FB4] =	sst s10  }
0x32: {  	s10 =	sld [smem:$0x3FB2];
	_ =	sdelay $0x3  }
0x33: {  	p0 =	seq.s32 s10, $0x1;
	s10 =	sld [smem:$0x3FB4];
	_ =	sdelay $0x3  }
0x34: {  	[smem:$0x3FB4] =	sst s10  }
0x35: {  	s10 =	sld [smem:$0x3FB3];
	_ =	sdelay $0x3  }
0x36: {  	p1 =	seq.s32 s10, $0x1;
	s10 =	sld [smem:$0x3FB4];
	_ =	sdelay $0x3  }
0x37: {  	[smem:$0x3FB4] =	sst s10  }
0x38: {  	s10 =	sld [smem:$0x3FB5]  }
0x39: {  	_ = 	snop;
	(pc) =	sbr.ind lr, $3  }
0x3a: {  	_ = 	snop  }
0x3b: {  	_ = 	snop  }
0x3c: {  	p2 =	seq.s32 s10, $0x1;
	s10 =	sld [smem:$0x3FB4]  }
0x3d: {  	_ =	shalt  }
0x3e: {  	_ =	shalt  }
0x3f: {  	_ =	shalt  }
0x40: {  	_ =	shalt  }
0x41: {  	_ =	shalt  }
0x42: {  	_ =	shalt  }
0x43: {  	_ =	shalt  }
0x44: {  	_ =	shalt  }
0x45: {  	_ =	shalt  }
0x46: {  	_ =	shalt  }
0x47: {  	_ =	shalt  }
0x48: {  	_ =	shalt  }
0x49: {  	_ =	shalt  }
0x4a: {  	_ =	shalt  }
0x4b: {  	_ =	shalt  }
0x4c: {  	_ =	shalt  }
0x4d: {  	_ =	shalt  }
0x4e: {  	_ =	shalt  }
0x4f: {  	_ =	shalt  }
0x50: {  	_ =	shalt  }
0x51: {  	_ =	shalt  }
0x52: {  	_ =	shalt  }
0x53: {  	_ =	shalt  }
0x54: {  	_ =	shalt  }
0x55: {  	_ =	shalt  }
0x56: {  	_ =	shalt  }
0x57: {  	_ =	shalt  }
0x58: {  	_ =	shalt  }
0x59: {  	_ =	shalt  }
0x5a: {  	_ =	shalt  }
0x5b: {  	_ =	shalt  }
0x5c: {  	_ =	shalt  }
0x5d: {  	_ =	shalt  }
0x5e: {  	_ =	shalt  }
0x5f: {  	_ =	shalt  }
0x60: {  	_ =	shalt  }
0x61: {  	_ =	shalt  }
0x62: {  	_ =	shalt  }
0x63: {  	_ =	shalt  }
0x64: {  	_ =	shalt  }
0x65: {  	_ =	shalt  }
0x66: {  	_ =	shalt  }
0x67: {  	_ =	shalt  }
0x68: {  	_ =	shalt  }
0x69: {  	_ =	shalt  }
0x6a: {  	_ =	shalt  }
0x6b: {  	_ =	shalt  }
0x6c: {  	_ =	shalt  }
0x6d: {  	_ =	shalt  }
0x6e: {  	_ =	shalt  }
0x6f: {  	_ =	shalt  }
0x70: {  	_ =	shalt  }
0x71: {  	_ =	shalt  }
0x72: {  	_ =	shalt  }
0x73: {  	_ =	shalt  }
0x74: {  	_ =	shalt  }
0x75: {  	_ =	shalt  }
0x76: {  	_ =	shalt  }
0x77: {  	_ =	shalt  }
0x78: {  	_ =	shalt  }
0x79: {  	_ =	shalt  }
0x7a: {  	_ =	shalt  }
0x7b: {  	_ =	shalt  }
0x7c: {  	_ =	shalt  }
0x7d: {  	_ =	shalt  }
0x7e: {  	_ =	shalt  }
0x7f: {  	_ =	shalt  }
0x80: {  	_ =	shalt  }
0x81: {  	_ =	shalt  }
0x82: {  	_ =	shalt  }
0x83: {  	_ =	shalt  }
0x84: {  	_ =	shalt  }
0x85: {  	_ =	shalt  }
0x86: {  	_ =	shalt  }
0x87: {  	_ =	shalt  }
.Lfunc_end0:
.L_simem_size_0:
called_computation.1_lowered:
.L_overlay_start_0:
0x88: {  	s2 =	sld [smem:$0x3FD9]  }
0x89: {  	s3 =	sld [smem:$0x3FFE];
	_ =	sdelay $0x1  }
0x8a: {  	s1 =	srdreg.scid  }
0x8b: {  	s0 =	sand.u32 $0x1, s1  }
0x8c: {  	s17 =	sshll.u32 s0, $0xA;
	s2 =	sadd.s32 s3, s2  }
0x8d: {  	s2 =	sadd.s32 s2, s17  }
0x8e: {  	[smem:$0x3FC0] =	sst s2  }
0x8f: {  	_ = 	snop  }
0x90: {  	s2 =	sld [smem:$0x3FD0];
	(tm) =	ssettm $0x1  }
0x91: {  	s18 =	sld [smem:$0x3FFB];
	_ =	sdelay $0x3  }
0x92: {  	_ =	strace s18  }
0x93: {  	s3 =	sld [smem:$0x3FFC];
	_ =	sdelay $0x3  }
0x94: {  	_ =	strace s3  }
0x95: {  	s3 =	sld [smem:$0x3FFD];
	_ =	sdelay $0x3  }
0x96: {  	_ =	strace s3  }
0x97: {  	_ =	strace $0x8FFFFFFF  }
0x98: {  	s19 =	sld [smem:$0x3FDB];
	_ =	sdelay $0x1  }
0x99: {  	s4 =	simm.s32 $_scs_section_size  }
0x9a: {  	s5 =	simm.s32 $_size__tile_overlayer_lowered;
	s6 =	simm.s32 $_tile_overlayer_lowered  }
0x9b: {  	s22 =	simm.s32 $0x1BFF;
	s21 =	sshll.u32 s6, $0x1;
	s3 =	sadd.s32 s4, s19  }
0x9c: {  	s7 =	simm.s32 $0x0;
	s20 =	sshll.u32 s5, $0x1;
	s5 =	sadd.s32 s21, s3  }
0x9d: {  	[timem:s7], [sflag:s22] =	dma.local [hbm:s5], s20  }
0x9e: {  	_ =	swait.ge [sflag:s22], s20  }
0x9f: {  	s4 =	ssub.s32 $0x0, s20;
	[sflag:s22] =	ssyncset.done $0x0  }
0xa0: {  	[sflag:s22] =	ssyncadd.s32 s4;
	_ =	sdelay $0x1  }
0xa1: {  	s23 =	simm.s32 $0x1B8B  }
0xa2: {  	_ =	swait.ge [sflag:s23], $0x1  }
0xa3: {  	[sflag:s23] =	ssyncset.done $0x0  }
0xa4: {  	s25 =	simm.s32 $0x1B8E;
	s24 =	sld [smem:$0x3FFE];
	[sflag:s23] =	ssyncadd.s32 $0xFFFFFFFF  }
0xa5: {  	s26 =	simm.s32 $execute0_lowered;
	[smem:$0x3FD2] =	sst s25  }
0xa6: {  	s5 =	sshll.u32 s26, $0x1;
	_ =	strace $0x80000049;
	[dreg:$0x1] =	wrdreg $0xFFFFFFFF  }
0xa7: {  	s28 =	simm.s32 $_size_execute0_lowered;
	s3 =	sadd.s32 s3, s5;
	[dreg:$0x0] =	wrdreg $0x0  }
0xa8: {  	s5 =	sshll.u32 s28, $0x1;
	[dreg:$0x2] =	wrdreg s3  }
0xa9: {  	[dreg:$0x3] =	wrdreg s5  }
0xaa: {  	[dreg:$0x4] =	wrdreg $0xC0  }
0xab: {  	_ =	task [dreg:s7], $0x5FFFF  }
0xac: {  	[dreg:$0x1] =	wrdreg $0xFFFFFFFF  }
0xad: {  	[dreg:$0x0] =	wrdreg $0x60  }
0xae: {  	[dreg:$0x2] =	wrdreg s24  }
0xaf: {  	[dreg:$0x3] =	wrdreg s2  }
0xb0: {  	[dreg:$0x4] =	wrdreg $0x0  }
0xb1: {  	[dreg:$0x5] =	wrdreg $0x9  }
0xb2: {  	_ =	task.clear_ibuf [dreg:s7], $0x6FFFF;
	_ =	strace $0x90000049  }
0xb3: {  	s29 =	simm.s32 $0x9;
	_ =	strace $0x8000004B  }
0xb4: {  	_ =	swait.ge [sflag:s29], $0x1  }
0xb5: {  	[sflag:s29] =	ssyncadd.s32 $0xFFFFFFFF  }
0xb6: {  	_ =	strace $0x9000004B  }
0xb7: {  	_ =	sfence  }
0xb8: {  	s30 =	sld [smem:$0x0];
	_ =	sdelay $0x2  }
0xb9: {  	s31 =	sshll.u32 s1, $0xD;
	s1 =	sshrl.u32 s1, $0x2  }
0xba: {  	s3 =	sand.u32 $0x4000, s31;
	s1 =	sadd.s32 s1, s30  }
0xbb: {  	s0 =	sor.u32 s3, s0;
	s1 =	sshll.u32 s1, $0x11  }
0xbc: {  	s0 =	sor.u32 s1, s0  }
0xbd: {  	s0 =	sadd.s32 $0x8F2B, s0  }
0xbe: {  	[sflag:s0] =	ssyncadd.remote.s32 $0x1  }
0xbf: {  	_ =	sfence.sel $0xFFFF  }
0xc0: {  	[dreg:$0x0] =	wrdreg $0xFFFFFFFF;
	(pc) =	sbr.abs _section_cstart, $3  }
0xc1: {  	[dreg:$0x1] =	wrdreg $0xFFFFFFFF  }
0xc2: {  	_ =	task.clear_ibuf [dreg:s7], $0x2FFFF;
	_ =	strace $0x9FFFFFFF  }
0xc3: {  	(tm) =	ssettm $0x7FFFFFFF  }
tec
execute0_lowered:
.L_overlay_start_1:
0x0: {  	(tag) =	ssettag $0x1  }
0x1: {  	s0 =	rddreg [dreg:$0x0]  }
0x2: {  	s1 =	rddreg [dreg:$0x1]  }
0x3: {  	s2 =	rddreg [dreg:$0x2]  }
0x4: {  	s4 =	simm.s32 $0x0;
	s3 =	srdreg.scid;
	s12 =	stileid.u32  }
0x5: {  	s28 =	simm.s32 $0x14200;
	s29 =	simm.s32 $0x7;
	s30 =	simm.s32 $0x14000  }
0x6: {  	s31 =	simm.s32 $0x14100;
	[smem:$0x7FF] =	sst s4;
	s7 =	smul.u32 $0x4780, s12  }
0x7: {  	s5 =	sadd.s32 $0xBA00, s0;
	s3 =	sand.u32 $0x1, s3;
	s9 =	smul.u32 $0x780, s12  }
0x8: {  	s6 =	sadd.s32 $0x1C00, s0;
	s0 =	sadd.s32 $0x15800, s0;
	s11 =	smul.u32 $0x50000, s12  }
0x9: {  	s14 =	smul.u32 $0x14000, s12;
	_ =	strace $0x8000004A;
	s8 =	ssub.s32 $0x2, s3  }
0xa: {  	p0 =	seq.s32 s3, $0x0;
	s3 =	smul.u32 $0x140000, s3;
	s10 =	sshrl.u32 s8, $0x1  }
0xb: {  	s13 =	sadd.s32 $0x47800, s9;
	s18 =	sshrl.u32 s11, $0x2;
	s15 =	sadd.s32 $0x4000, s14  }
0xc: {  	s16 =	sadd.s32 $0x8000, s14;
	s17 =	sadd.s32 $0xC000, s14;
	s8 =	ssub.s32 s8, s10  }
0xd: {  	s13 =	smov.u32 @p0 s7;
	s7 =	simm.s32 $0x46;
	s24 =	sadd.s32 s18, s2  }
0xe: {  	s19 =	sadd.s32 s15, s2;
	s10 =	sadd.s32 s16, s2;
	s18 =	sadd.s32 $0x10000, s14  }
0xf: {  	s11 =	sadd.s32 s17, s2;
	s14 =	sadd.s32 s14, s3;
	s15 =	sadd.s32 s3, s15  }
0x10: {  	s16 =	sadd.s32 s3, s16;
	s17 =	sadd.s32 s3, s17;
	s7 =	simm.s32 @!p0 $0x6  }
0x11: {  	[dreg:$0x4] =	wrdreg s19;
	s12 =	sadd.s32 s18, s2;
	s19 =	sshrl.u32 s13, $0x3  }
0x12: {  	s3 =	sadd.s32 s3, s18;
	s14 =	sshrl.u32 s14, $0x3;
	s9 =	sshrl.u32 s15, $0x3  }
0x13: {  	s18 =	sshrl.u32 s16, $0x3;
	s16 =	simm.s32 $0x18200;
	s20 =	sadd.s32 s5, s19  }
0x14: {  	s21 =	sadd.s32 s6, s19;
	s22 =	sadd.s32 $0x10, s19;
	[dreg:$0x5] =	wrdreg s20  }
0x15: {  	s26 =	sadd.s32 s0, s14;
	s15 =	sadd.s32 s0, s9;
	[dreg:$0x6] =	wrdreg s21  }
0x16: {  	s3 =	sshrl.u32 s3, $0x3;
	s14 =	simm.s32 $0x80;
	[dreg:$0x9] =	wrdreg s26  }
0x17: {  	s20 =	sshll.u32 s7, $0x8;
	s23 =	sadd.s32 s5, s22;
	[dreg:$0xa] =	wrdreg s15  }
0x18: {  	s25 =	sadd.s32 s6, s22;
	s21 =	sadd.s32 s0, s18;
	[dreg:$0x7] =	wrdreg s23  }
0x19: {  	s26 =	smax.u32 s8, $0x1;
	s15 =	simm.s32 $0x4;
	[dreg:$0x8] =	wrdreg s25  }
0x1a: {  	s18 =	simm.s32 $0x5;
	s13 =	sadd.s32 s20, s13;
	[dreg:$0xb] =	wrdreg s21  }
0x1b: {  	s20 =	sshrl.u32 s17, $0x3;
	[dreg:$0x10] =	wrdreg s26;
	s26 =	sadd.s32 $0x20, s19  }
0x1c: {  	s17 =	simm.s32 $0x1;
	s21 =	simm.s32 $0x0;
	s13 =	sadd.s32 $0x100, s13  }
0x1d: {  	s22 =	sadd.s32 s0, s20;
	s0 =	sadd.s32 s0, s3;
	s3 =	simm.s32 $0x14180  }
0x1e: {  	s20 =	simm.s32 $0x6;
	s13 =	sshrl.u32 s13, $0x3;
	[dreg:$0xc] =	wrdreg s22  }
0x1f: {  	[dreg:$0xd] =	wrdreg s0;
	s0 =	simm.s32 $0x14080;
	s23 =	sadd.s32 s5, s13  }
0x20: {  	s25 =	sadd.s32 s6, s13;
	s13 =	simm.s32 $0x3;
	[dreg:$0xe] =	wrdreg s23  }
0x21: {  	v0 =	vimm.f32 $0.0e+00;
	[dreg:$0xf] =	wrdreg s25;
	s25 =	sadd.s32 $0x30, s19;
	s19 =	simm.s32 $0x2  }
.LBB2_1:
0x22: {  	s22 =	simm.s32 $0x0;
	s23 =	simm.s32 $0x200  }
.LBB2_2:
0x23: {  	p0 =	sne.s32 s23, $0xFE00;
	[tilespmem:s22+$0x14270] =	vst v0  }
0x24: {  	[tilespmem:s22+$0x14200] =	vst v0  }
0x25: {  	[tilespmem:s22+$0x14210] =	vst v0  }
.Ltmp0:
0x26: {  	[tilespmem:s22+$0x14220] =	vst v0;
	(pc) =	sbr.rel @p0 .LBB2_2-.Ltmp0, $4  }
0x27: {  	[tilespmem:s22+$0x14230] =	vst v0  }
0x28: {  	[tilespmem:s22+$0x14240] =	vst v0  }
0x29: {  	[tilespmem:s22+$0x14250] =	vst v0  }
0x2a: {  	[tilespmem:s22+$0x14260] =	vst v0;
	s22 =	sshra.s32 s23, $0x2;
	s23 =	sadd.s32 $0x200, s23  }
0x2b: {  	[tilespmem:s22+$0x14270] =	vst v0  }
0x2c: {  	[tilespmem:s22+$0x14200] =	vst v0  }
0x2d: {  	[tilespmem:s22+$0x14210] =	vst v0  }
0x2e: {  	[tilespmem:s22+$0x14220] =	vst v0  }
0x2f: {  	[tilespmem:s22+$0x14230] =	vst v0  }
0x30: {  	[tilespmem:s22+$0x14240] =	vst v0  }
0x31: {  	[tilespmem:s22+$0x14250] =	vst v0  }
0x32: {  	[tilespmem:s22+$0x14260] =	vst v0  }
0x33: {  	[spmem:s24] =	stream.linear.scatter [tilespmem:s28], [sflag:$0x7], $0x4000, $0x38;
	[tilespmem:$0x1C200] =	vst v63  }
0x34: {  	_ =	swait.ge [sflag:s29], $0x4000  }
0x35: {  	[sflag:s29] =	ssyncset.done $0x0  }
0x36: {  	s8 =	rddreg [dreg:$0x4];
	[sflag:s29] =	ssyncadd.s32 $0xFFFFC000  }
0x37: {  	[spmem:s8] =	stream.linear.scatter [tilespmem:s28], [sflag:$0x7], $0x4000, $0x38;
	[tilespmem:$0x1C200] =	vst v63  }
0x38: {  	_ =	swait.ge [sflag:s29], $0x4000  }
0x39: {  	[sflag:s29] =	ssyncset.done $0x0  }
0x3a: {  	[sflag:s29] =	ssyncadd.s32 $0xFFFFC000  }
0x3b: {  	[spmem:s10] =	stream.linear.scatter [tilespmem:s28], [sflag:$0x7], $0x4000, $0x38;
	[tilespmem:$0x1C200] =	vst v63  }
0x3c: {  	_ =	swait.ge [sflag:s29], $0x4000  }
0x3d: {  	[sflag:s29] =	ssyncset.done $0x0  }
0x3e: {  	[sflag:s29] =	ssyncadd.s32 $0xFFFFC000  }
0x3f: {  	[spmem:s11] =	stream.linear.scatter [tilespmem:s28], [sflag:$0x7], $0x4000, $0x38;
	[tilespmem:$0x1C200] =	vst v63  }
0x40: {  	_ =	swait.ge [sflag:s29], $0x4000  }
0x41: {  	[sflag:s29] =	ssyncset.done $0x0  }
0x42: {  	[sflag:s29] =	ssyncadd.s32 $0xFFFFC000  }
0x43: {  	[spmem:s12] =	stream.linear.scatter [tilespmem:s28], [sflag:$0x7], $0x4000, $0x38;
	[tilespmem:$0x1C200] =	vst v63  }
0x44: {  	_ =	swait.ge [sflag:s29], $0x4000  }
0x45: {  	[sflag:s29] =	ssyncset.done $0x0  }
0x46: {  	[sflag:s29] =	ssyncadd.s32 $0xFFFFC000  }
0x47: {  	[bflag:$0x0] =	sbarrier.arrive $0xFFFF  }
0x48: {  	s9 =	smov.u32 s24;
	s24 =	rddreg [dreg:$0x5]  }
0x49: {  	[tilespmem:s30], [sflag:$0x3] =	stream.linear.gather [hbm4b:s24+s4], $0x80, $0x38;
	[tilespmem:$0x1C200] =	vst v63  }
0x4a: {  	s22 =	rddreg [dreg:$0x6]  }
0x4b: {  	[tilespmem:s31], [sflag:$0x5] =	stream.linear.gather [hbm4b:s22+s4], $0x80, $0x38;
	[tilespmem:$0x1C200] =	vst v63  }
0x4c: {  	s23 =	rddreg [dreg:$0x7]  }
0x4d: {  	[tilespmem:s0], [sflag:$0x4] =	stream.linear.gather [hbm4b:s23+s4], $0x80, $0x38;
	[tilespmem:$0x1C200] =	vst v63  }
0x4e: {  	s24 =	rddreg [dreg:$0x8]  }
0x4f: {  	[tilespmem:s3], [sflag:$0x6] =	stream.linear.gather [hbm4b:s24+s4], $0x80, $0x38;
	[tilespmem:$0x1C200] =	vst v63  }
0x50: {  	_ =	swait.ge [sflag:s13], $0x80  }
0x51: {  	[sflag:s13] =	ssyncset.done $0x0  }
0x52: {  	[sflag:s13] =	ssyncadd.s32 $0xFFFFFF80  }
0x53: {  	[tilespmem:s28], [sflag:$0x1] =	stream.indirect.gather [hbm4b:s1+s14], $0x80, s30, s14, $0xb8;
	[tilespmem:$0x1C200] =	vst v63  }
0x54: {  	_ =	swait.ge [sflag:s15], $0x80  }
0x55: {  	[sflag:s15] =	ssyncset.done $0x0  }
0x56: {  	[sflag:s15] =	ssyncadd.s32 $0xFFFFFF80  }
0x57: {  	[tilespmem:s16], [sflag:$0x2] =	stream.indirect.gather [hbm4b:s1+s14], $0x80, s0, s14, $0xb8;
	[tilespmem:$0x1C200] =	vst v63  }
0x58: {  	_ =	swait.ge [sflag:s17], $0x4000  }
0x59: {  	[sflag:s17] =	ssyncset.done $0x0  }
0x5a: {  	[sflag:s17] =	ssyncadd.s32 $0xFFFFC000  }
0x5b: {  	_ =	swait.ge [sflag:s18], $0x80  }
0x5c: {  	[sflag:s18] =	ssyncset.done $0x0  }
0x5d: {  	[sflag:s18] =	ssyncadd.s32 $0xFFFFFF80  }
0x5e: {  	[spmem:s2] =	stream.indirect.scatter.add.f32 [tilespmem:s28], [sflag:$0x7], $0x80, s31, s14, $0xb8;
	[tilespmem:$0x1C200] =	vst v63  }
0x5f: {  	_ =	swait.ge [sflag:s29], $0x4000  }
0x60: {  	[sflag:s29] =	ssyncset.done $0x0  }
0x61: {  	s22 =	sadd.s32 s5, s26;
	[sflag:s29] =	ssyncadd.s32 $0xFFFFC000  }
0x62: {  	[tilespmem:s30], [sflag:$0x3] =	stream.linear.gather [hbm4b:s22+s4], $0x80, $0x38;
	[tilespmem:$0x1C200] =	vst v63  }
0x63: {  	s23 =	sadd.s32 s6, s26  }
0x64: {  	[tilespmem:s31], [sflag:$0x5] =	stream.linear.gather [hbm4b:s23+s4], $0x80, $0x38;
	[tilespmem:$0x1C200] =	vst v63  }
0x65: {  	_ =	swait.ge [sflag:s13], $0x80  }
0x66: {  	[sflag:s13] =	ssyncset.done $0x0  }
0x67: {  	[sflag:s13] =	ssyncadd.s32 $0xFFFFFF80  }
0x68: {  	[tilespmem:s28], [sflag:$0x1] =	stream.indirect.gather [hbm4b:s1+s14], $0x80, s30, s14, $0xb8;
	[tilespmem:$0x1C200] =	vst v63  }
0x69: {  	_ =	swait.ge [sflag:s19], $0x4000  }
0x6a: {  	[sflag:s19] =	ssyncset.done $0x0  }
0x6b: {  	[sflag:s19] =	ssyncadd.s32 $0xFFFFC000  }
0x6c: {  	_ =	swait.ge [sflag:s20], $0x80  }
0x6d: {  	[sflag:s20] =	ssyncset.done $0x0  }
0x6e: {  	p0 =	sne.s32 s7, $0x1;
	[sflag:s20] =	ssyncadd.s32 $0xFFFFFF80  }
0x6f: {  	[spmem:s2] =	stream.indirect.scatter.add.f32 [tilespmem:s16], [sflag:$0x7], $0x80, s3, s14, $0xb8;
	[tilespmem:$0x1C200] =	vst v63  }
.Ltmp1:
0x70: {  	_ =	swait.ge [sflag:s29], $0x4000;
	(pc) =	sbr.rel @!p0 .LBB2_5-.Ltmp1, $4  }
0x71: {  	[sflag:s29] =	ssyncset.done $0x0  }
0x72: {  	s8 =	sadd.s32 s6, s25;
	s24 =	sadd.s32 s5, s25;
	[sflag:s29] =	ssyncadd.s32 $0xFFFFC000  }
0x73: {  	[tilespmem:s0], [sflag:$0x4] =	stream.linear.gather [hbm4b:s24+s4], $0x80, $0x38;
	[tilespmem:$0x1C200] =	vst v63  }
0x74: {  	s22 =	sadd.s32 $0xFFFFFFFF, s7;
	s23 =	sadd.s32 $0x20, s6;
	s24 =	sadd.s32 $0x20, s5  }
.LBB2_4:
0x75: {  	[tilespmem:s3], [sflag:$0x6] =	stream.linear.gather [hbm4b:s8+s4], $0x80, $0x38;
	[tilespmem:$0x1C200] =	vst v63  }
0x76: {  	p0 =	sne.s32 s22, $0x1;
	s22 =	sadd.s32 $0xFFFFFFFF, s22;
	_ =	swait.ge [sflag:s15], $0x80  }
0x77: {  	[sflag:s15] =	ssyncset.done $0x0  }
0x78: {  	[sflag:s15] =	ssyncadd.s32 $0xFFFFFF80  }
0x79: {  	[tilespmem:s16], [sflag:$0x2] =	stream.indirect.gather [hbm4b:s1+s14], $0x80, s0, s14, $0xb8;
	[tilespmem:$0x1C200] =	vst v63  }
0x7a: {  	_ =	swait.ge [sflag:s17], $0x4000  }
0x7b: {  	[sflag:s17] =	ssyncset.done $0x0  }
0x7c: {  	[sflag:s17] =	ssyncadd.s32 $0xFFFFC000  }
0x7d: {  	_ =	swait.ge [sflag:s18], $0x80  }
0x7e: {  	[sflag:s18] =	ssyncset.done $0x0  }
0x7f: {  	[sflag:s18] =	ssyncadd.s32 $0xFFFFFF80  }
0x80: {  	[spmem:s2] =	stream.indirect.scatter.add.f32 [tilespmem:s28], [sflag:$0x7], $0x80, s31, s14, $0xb8;
	[tilespmem:$0x1C200] =	vst v63  }
0x81: {  	_ =	swait.ge [sflag:s29], $0x4000  }
0x82: {  	[sflag:s29] =	ssyncset.done $0x0  }
0x83: {  	s8 =	sadd.s32 s24, s26;
	[sflag:s29] =	ssyncadd.s32 $0xFFFFC000  }
0x84: {  	[tilespmem:s30], [sflag:$0x3] =	stream.linear.gather [hbm4b:s8+s4], $0x80, $0x38;
	[tilespmem:$0x1C200] =	vst v63  }
0x85: {  	s8 =	sadd.s32 s23, s26  }
0x86: {  	[tilespmem:s31], [sflag:$0x5] =	stream.linear.gather [hbm4b:s8+s4], $0x80, $0x38;
	[tilespmem:$0x1C200] =	vst v63  }
0x87: {  	_ =	swait.ge [sflag:s13], $0x80  }
0x88: {  	[sflag:s13] =	ssyncset.done $0x0  }
0x89: {  	[sflag:s13] =	ssyncadd.s32 $0xFFFFFF80  }
0x8a: {  	[tilespmem:s28], [sflag:$0x1] =	stream.indirect.gather [hbm4b:s1+s14], $0x80, s30, s14, $0xb8;
	[tilespmem:$0x1C200] =	vst v63  }
0x8b: {  	_ =	swait.ge [sflag:s19], $0x4000  }
0x8c: {  	[sflag:s19] =	ssyncset.done $0x0  }
0x8d: {  	[sflag:s19] =	ssyncadd.s32 $0xFFFFC000  }
0x8e: {  	_ =	swait.ge [sflag:s20], $0x80  }
0x8f: {  	[sflag:s20] =	ssyncset.done $0x0  }
0x90: {  	[sflag:s20] =	ssyncadd.s32 $0xFFFFFF80  }
0x91: {  	[spmem:s2] =	stream.indirect.scatter.add.f32 [tilespmem:s16], [sflag:$0x7], $0x80, s3, s14, $0xb8;
	[tilespmem:$0x1C200] =	vst v63  }
.Ltmp2:
0x92: {  	_ =	swait.ge [sflag:s29], $0x4000;
	(pc) =	sbr.rel @p0 .LBB2_4-.Ltmp2, $4  }
0x93: {  	[sflag:s29] =	ssyncset.done $0x0  }
0x94: {  	s8 =	sadd.s32 s24, s25;
	[sflag:s29] =	ssyncadd.s32 $0xFFFFC000  }
0x95: {  	[tilespmem:s0], [sflag:$0x4] =	stream.linear.gather [hbm4b:s8+s4], $0x80, $0x38;
	[tilespmem:$0x1C200] =	vst v63  }
0x96: {  	s24 =	sadd.s32 $0x20, s24;
	s8 =	sadd.s32 s23, s25;
	s23 =	sadd.s32 $0x20, s23  }
.LBB2_5:
0x97: {  	[tilespmem:s3], [sflag:$0x6] =	stream.linear.gather [hbm4b:s8+s4], $0x80, $0x38;
	[tilespmem:$0x1C200] =	vst v63  }
0x98: {  	_ =	swait.ge [sflag:s15], $0x80  }
0x99: {  	[sflag:s15] =	ssyncset.done $0x0  }
0x9a: {  	[sflag:s15] =	ssyncadd.s32 $0xFFFFFF80  }
0x9b: {  	[tilespmem:s16], [sflag:$0x2] =	stream.indirect.gather [hbm4b:s1+s14], $0x80, s0, s14, $0xb8;
	[tilespmem:$0x1C200] =	vst v63  }
0x9c: {  	_ =	swait.ge [sflag:s17], $0x4000  }
0x9d: {  	[sflag:s17] =	ssyncset.done $0x0  }
0x9e: {  	[sflag:s17] =	ssyncadd.s32 $0xFFFFC000  }
0x9f: {  	_ =	swait.ge [sflag:s18], $0x80  }
0xa0: {  	[sflag:s18] =	ssyncset.done $0x0  }
0xa1: {  	[sflag:s18] =	ssyncadd.s32 $0xFFFFFF80  }
0xa2: {  	[spmem:s2] =	stream.indirect.scatter.add.f32 [tilespmem:s28], [sflag:$0x7], $0x80, s31, s14, $0xb8;
	[tilespmem:$0x1C200] =	vst v63  }
0xa3: {  	_ =	swait.ge [sflag:s29], $0x4000  }
0xa4: {  	[sflag:s29] =	ssyncset.done $0x0  }
0xa5: {  	s24 =	rddreg [dreg:$0xe];
	[sflag:s29] =	ssyncadd.s32 $0xFFFFC000  }
0xa6: {  	[tilespmem:s30], [sflag:$0x3] =	stream.linear.gather [hbm4b:s24+s4], $0x80, $0x38;
	[tilespmem:$0x1C200] =	vst v63  }
0xa7: {  	s22 =	rddreg [dreg:$0xf]  }
0xa8: {  	[tilespmem:s31], [sflag:$0x5] =	stream.linear.gather [hbm4b:s22+s4], $0x80, $0x38;
	[tilespmem:$0x1C200] =	vst v63  }
0xa9: {  	_ =	swait.ge [sflag:s13], $0x80  }
0xaa: {  	[sflag:s13] =	ssyncset.done $0x0  }
0xab: {  	[sflag:s13] =	ssyncadd.s32 $0xFFFFFF80  }
0xac: {  	[tilespmem:s28], [sflag:$0x1] =	stream.indirect.gather [hbm4b:s1+s14], $0x80, s30, s14, $0xb8;
	[tilespmem:$0x1C200] =	vst v63  }
0xad: {  	_ =	swait.ge [sflag:s19], $0x4000  }
0xae: {  	[sflag:s19] =	ssyncset.done $0x0  }
0xaf: {  	[sflag:s19] =	ssyncadd.s32 $0xFFFFC000  }
0xb0: {  	_ =	swait.ge [sflag:s20], $0x80  }
0xb1: {  	[sflag:s20] =	ssyncset.done $0x0  }
0xb2: {  	[sflag:s20] =	ssyncadd.s32 $0xFFFFFF80  }
0xb3: {  	[spmem:s2] =	stream.indirect.scatter.add.f32 [tilespmem:s16], [sflag:$0x7], $0x80, s3, s14, $0xb8;
	[tilespmem:$0x1C200] =	vst v63  }
0xb4: {  	_ =	swait.ge [sflag:s29], $0x4000  }
0xb5: {  	[sflag:s29] =	ssyncset.done $0x0  }
0xb6: {  	[sflag:s29] =	ssyncadd.s32 $0xFFFFC000  }
0xb7: {  	_ =	swait.ge [sflag:s17], $0x4000  }
0xb8: {  	[sflag:s17] =	ssyncset.done $0x0  }
0xb9: {  	[sflag:s17] =	ssyncadd.s32 $0xFFFFC000  }
0xba: {  	_ =	swait.ge [sflag:s18], $0x80  }
0xbb: {  	[sflag:s18] =	ssyncset.done $0x0  }
0xbc: {  	[sflag:s18] =	ssyncadd.s32 $0xFFFFFF80  }
0xbd: {  	[spmem:s2] =	stream.indirect.scatter.add.f32 [tilespmem:s28], [sflag:$0x7], $0x80, s31, s14, $0xb8;
	[tilespmem:$0x1C200] =	vst v63  }
0xbe: {  	_ =	swait.ge [sflag:s29], $0x4000  }
0xbf: {  	[sflag:s29] =	ssyncset.done $0x0  }
0xc0: {  	[sflag:s29] =	ssyncadd.s32 $0xFFFFC000  }
0xc1: {  	[bflag:$0x0] =	sbarrier.arrive $0xFFFF  }
0xc2: {  	[tilespmem:s28], [sflag:$0x7] =	stream.linear.gather [spmem:s9], $0x4000, $0x38;
	[tilespmem:$0x1C200] =	vst v63  }
0xc3: {  	_ =	swait.ge [sflag:s29], $0x4000  }
0xc4: {  	[sflag:s29] =	ssyncset.done $0x0  }
0xc5: {  	s23 =	rddreg [dreg:$0x9];
	[sflag:s29] =	ssyncadd.s32 $0xFFFFC000  }
0xc6: {  	[hbm4b:s23+s4] =	stream.linear.scatter [tilespmem:s28], [sflag:$0x1], $0x4000, $0x38;
	[tilespmem:$0x1C200] =	vst v63  }
0xc7: {  	s24 =	smov.u32 s9;
	s9 =	rddreg [dreg:$0x4]  }
0xc8: {  	[tilespmem:s16], [sflag:$0x7] =	stream.linear.gather [spmem:s9], $0x4000, $0x38;
	[tilespmem:$0x1C200] =	vst v63  }
0xc9: {  	_ =	swait.ge [sflag:s29], $0x4000  }
0xca: {  	[sflag:s29] =	ssyncset.done $0x0  }
0xcb: {  	s22 =	rddreg [dreg:$0xa];
	[sflag:s29] =	ssyncadd.s32 $0xFFFFC000  }
0xcc: {  	[hbm4b:s22+s4] =	stream.linear.scatter [tilespmem:s16], [sflag:$0x2], $0x4000, $0x38;
	[tilespmem:$0x1C200] =	vst v63  }
0xcd: {  	_ =	swait.ge [sflag:s17], $0x4000  }
0xce: {  	[sflag:s17] =	ssyncset.done $0x0  }
0xcf: {  	[sflag:s17] =	ssyncadd.s32 $0xFFFFC000  }
0xd0: {  	[tilespmem:s28], [sflag:$0x7] =	stream.linear.gather [spmem:s10], $0x4000, $0x38;
	[tilespmem:$0x1C200] =	vst v63  }
0xd1: {  	_ =	swait.ge [sflag:s29], $0x4000  }
0xd2: {  	[sflag:s29] =	ssyncset.done $0x0  }
0xd3: {  	s23 =	rddreg [dreg:$0xb];
	[sflag:s29] =	ssyncadd.s32 $0xFFFFC000  }
0xd4: {  	[hbm4b:s23+s4] =	stream.linear.scatter [tilespmem:s28], [sflag:$0x1], $0x4000, $0x38;
	[tilespmem:$0x1C200] =	vst v63  }
0xd5: {  	_ =	swait.ge [sflag:s19], $0x4000  }
0xd6: {  	[sflag:s19] =	ssyncset.done $0x0  }
0xd7: {  	[sflag:s19] =	ssyncadd.s32 $0xFFFFC000  }
0xd8: {  	[tilespmem:s16], [sflag:$0x7] =	stream.linear.gather [spmem:s11], $0x4000, $0x38;
	[tilespmem:$0x1C200] =	vst v63  }
0xd9: {  	_ =	swait.ge [sflag:s29], $0x4000  }
0xda: {  	[sflag:s29] =	ssyncset.done $0x0  }
0xdb: {  	s9 =	rddreg [dreg:$0xc];
	[sflag:s29] =	ssyncadd.s32 $0xFFFFC000  }
0xdc: {  	[hbm4b:s9+s4] =	stream.linear.scatter [tilespmem:s16], [sflag:$0x2], $0x4000, $0x38;
	[tilespmem:$0x1C200] =	vst v63  }
0xdd: {  	_ =	swait.ge [sflag:s17], $0x4000  }
0xde: {  	[sflag:s17] =	ssyncset.done $0x0  }
0xdf: {  	[sflag:s17] =	ssyncadd.s32 $0xFFFFC000  }
0xe0: {  	[tilespmem:s28], [sflag:$0x7] =	stream.linear.gather [spmem:s12], $0x4000, $0x38;
	[tilespmem:$0x1C200] =	vst v63  }
0xe1: {  	_ =	swait.ge [sflag:s29], $0x4000  }
0xe2: {  	[sflag:s29] =	ssyncset.done $0x0  }
0xe3: {  	s22 =	rddreg [dreg:$0xd];
	[sflag:s29] =	ssyncadd.s32 $0xFFFFC000  }
0xe4: {  	[hbm4b:s22+s4] =	stream.linear.scatter [tilespmem:s28], [sflag:$0x1], $0x4000, $0x38;
	[tilespmem:$0x1C200] =	vst v63  }
0xe5: {  	_ =	swait.ge [sflag:s19], $0x4000  }
0xe6: {  	[sflag:s19] =	ssyncset.done $0x0  }
0xe7: {  	[sflag:s19] =	ssyncadd.s32 $0xFFFFC000  }
0xe8: {  	_ =	swait.ge [sflag:s17], $0x4000  }
0xe9: {  	s21 =	sadd.s32 $0x1, s21;
	s23 =	rddreg [dreg:$0x10]  }
0xea: {  	p0 =	sne.s32 s21, s23  }
.Ltmp3:
0xeb: {  	_ = 	snop;
	(pc) =	sbr.rel @p0 .LBB2_1-.Ltmp3, $3  }
0xec: {  	_ =	sdelay $0x1  }
0xed: {  	[sflag:s17] =	ssyncset.done $0x0  }
0xee: {  	[sflag:s17] =	ssyncadd.s32 $0xFFFFC000  }
0xef: {  	_ =	sfence.sel $0x180000  }
0xf0: {  	[bflag:$0x0] =	sbarrier.arrive $0xFFFF  }
0xf1: {  	_ =	strace $0x9000004A  }
0xf2: {  	s0 =	stileid.u32;
	[bflag:$0x2] =	sbarrier.arrive $0xFFFF  }
0xf3: {  	p0 =	sne.s32 s0, $0x0;
	s0 =	rddreg [dreg:$0x3]  }
0xf4: {  	s0 =	sadd.s32 @!p0 $0x100000, s0  }
0xf5: {  	[sflag:s0] =	ssyncadd.tile.s32 @!p0 $0x1;
	_ =	shalt  }
.Lfunc_end2:
_tile_overlayer_lowered:
.L_overlay_start_2:
0xf6: {  	(tag) =	ssettag $0x2  }
0xf7: {  	s0 =	rddreg [dreg:$0x0];
	s2 =	stileid.u32  }
0xf8: {  	s1 =	rddreg [dreg:$0x1];
	p0 =	sne.s32 s2, $0x0  }
0xf9: {  	s3 =	rddreg [dreg:$0x2];
	[bflag:$0x3] =	sbarrier.arrive $0xFFFF;
	s2 =	simm.s32 @!p0 $0x1C07  }
0xfa: {  	[timem:s3], [sflag:s2] =	dma.local @!p0 [hbm:s0], s1  }
0xfb: {  	s0 =	simm.s32 @!p0 $0x7  }
0xfc: {  	_ =	swait.ge @!p0 [sflag:s0], s1  }
0xfd: {  	s1 =	ssub.s32 @!p0 $0x0, s1;
	[sflag:s0] =	ssyncset.done @!p0 $0x0  }
0xfe: {  	[sflag:s0] =	ssyncadd.s32 @!p0 s1  }
0xff: {  	[bflag:$0x3] =	sbarrier.arrive $0xFFFF  }
0x100: {  	_ =	shalt  }

// kernel: kernel.7.cloned.1.call-start
scs
__scs_entry_jumppad:
0x0: {  	(pc) =	sbr.rel $0x88, $3  }
0x1: {  	(tag) =	ssettag $0x0;
	lr =	simm.s32 $0x1  }
0x2: {  	[smem:$0x3F99] =	sst lr;
	_ =	strace $0xD0000000  }
0x3: {  	_ = 	snop  }
0x4: {  	_ = 	snop  }
0x5: {  	_ = 	snop  }
0x6: {  	_ = 	snop  }
0x7: {  	_ = 	snop  }
__scs_overlays_trampoline_lowered:
0x8: {  	[smem:$0x3FA8] =	sst s0  }
0x9: {  	[smem:$0x3FA9] =	sst s1  }
0xa: {  	[smem:$0x3FAA] =	sst s2  }
0xb: {  	[smem:$0x3FAB] =	sst s3  }
0xc: {  	[smem:$0x3FAC] =	sst s4  }
0xd: {  	[smem:$0x3FAD] =	sst s5  }
0xe: {  	[smem:$0x3FAE] =	sst s6  }
0xf: {  	[smem:$0x3FAF] =	sst s7  }
0x10: {  	[smem:$0x3FB0] =	sst s8  }
0x11: {  	[smem:$0x3FB1] =	sst s9;
	s0 =	simm.s32 @!p0 $0x0  }
0x12: {  	s1 =	sld [smem:$0x3F97];
	s0 =	simm.s32 @p0 $0x1  }
0x13: {  	[smem:$0x3FB2] =	sst s0;
	s0 =	simm.s32 @!p1 $0x0  }
0x14: {  	s2 =	sld [smem:$0x3F96];
	s0 =	simm.s32 @p1 $0x1  }
0x15: {  	[smem:$0x3FB3] =	sst s0;
	s0 =	simm.s32 @!p2 $0x0  }
0x16: {  	s3 =	sld [smem:$0x3FDB];
	s0 =	simm.s32 @p2 $0x1  }
0x17: {  	s4 =	simm.s32 $0x1BF5;
	[smem:$0x3FB5] =	sst s0  }
0x18: {  	s0 =	sld [smem:$0x3F98];
	_ =	swait.ge [sflag:s4], $0x0  }
0x19: {  	s7 =	sld [smem:$0x3F99]  }
0x1a: {  	s8 =	sadd.s32 $0xFFFFE003, lr  }
0x1b: {  	s9 =	sadd.s32 $0xFFFFFEF7, lr;
	s5 =	simm.s32 $0xFFFFFFFF;
	p2 =	slt.u32 s8, $0xFFFFF086  }
0x1c: {  	p1 =	slt.u32 s9, $0xF7A;
	s5 =	simm.s32 @!p2 $0x0  }
0x1d: {  	s5 =	simm.s32 @p1 $0x1;
	p0 =	seq.s32 s7, s2  }
0x1e: {  	s7 =	smul.u32 @!p0 $0xF7A, s2;
	p2 =	seq.s32 @!p0 s5, $0x0  }
0x1f: {  	s9 =	smul.u32 $0xF7A, s1;
	s8 =	simm.s32 @!p0 $0x1BF5;
	p2 =	por !p2, p0  }
0x20: {  	[sflag:s8] =	ssyncset.s32 @!p0 $0xFFFFF086;
	s6 =	sadd.s32 @!p0 s3, s7;
	s7 =	simm.s32 @!p0 $0x108  }
0x21: {  	s3 =	sadd.s32 s3, s9;
	s6 =	sadd.s32 @!p0 $0x88, s6;
	s7 =	simm.s32 @p2 $0x1082  }
0x22: {  	[simem:s7], [sflag:s8] =	dma.local @!p0 [hbm:s6], $0xF7A  }
0x23: {  	s9 =	sor.u32 $0xD0000000, s2;
	s6 =	simm.s32 $0x108;
	_ =	swait.ge @!p0 [sflag:s8], $0x0  }
0x24: {  	s3 =	sadd.s32 $0x88, s3;
	s6 =	simm.s32 @!p1 $0x1082;
	[sflag:s4] =	ssyncset.s32 $0xFFFFF086  }
0x25: {  	[simem:s6], [sflag:s4] =	dma.local [hbm:s3], $0xF7A  }
0x26: {  	[smem:$0x3F99] =	sst s1;
	(tag) =	ssettag s2;
	_ =	strace s9  }
0x27: {  	s1 =	sld [smem:$0x3FA9]  }
0x28: {  	s2 =	sld [smem:$0x3FAA]  }
0x29: {  	s4 =	sld [smem:$0x3FAC]  }
0x2a: {  	p0 =	seq.s32 s5, $0x0;
	s5 =	sld [smem:$0x3FAD]  }
0x2b: {  	s6 =	sld [smem:$0x3FAE]  }
0x2c: {  	s7 =	sld [smem:$0x3FAF]  }
0x2d: {  	s3 =	simm.s32 $0x108;
	s8 =	sld [smem:$0x3FB0]  }
0x2e: {  	s3 =	simm.s32 @!p0 $0x1082;
	s9 =	sld [smem:$0x3FB1]  }
0x2f: {  	lr =	sadd.s32 s0, s3;
	s0 =	sld [smem:$0x3FA8]  }
0x30: {  	s3 =	sld [smem:$0x3FAB]  }
0x31: {  	[smem:$0x3FB4] =	sst s10  }
0x32: {  	s10 =	sld [smem:$0x3FB2];
	_ =	sdelay $0x3  }
0x33: {  	p0 =	seq.s32 s10, $0x1;
	s10 =	sld [smem:$0x3FB4];
	_ =	sdelay $0x3  }
0x34: {  	[smem:$0x3FB4] =	sst s10  }
0x35: {  	s10 =	sld [smem:$0x3FB3];
	_ =	sdelay $0x3  }
0x36: {  	p1 =	seq.s32 s10, $0x1;
	s10 =	sld [smem:$0x3FB4];
	_ =	sdelay $0x3  }
0x37: {  	[smem:$0x3FB4] =	sst s10  }
0x38: {  	s10 =	sld [smem:$0x3FB5]  }
0x39: {  	_ = 	snop;
	(pc) =	sbr.ind lr, $3  }
0x3a: {  	_ = 	snop  }
0x3b: {  	_ = 	snop  }
0x3c: {  	p2 =	seq.s32 s10, $0x1;
	s10 =	sld [smem:$0x3FB4]  }
0x3d: {  	_ =	shalt  }
0x3e: {  	_ =	shalt  }
0x3f: {  	_ =	shalt  }
0x40: {  	_ =	shalt  }
0x41: {  	_ =	shalt  }
0x42: {  	_ =	shalt  }
0x43: {  	_ =	shalt  }
0x44: {  	_ =	shalt  }
0x45: {  	_ =	shalt  }
0x46: {  	_ =	shalt  }
0x47: {  	_ =	shalt  }
0x48: {  	_ =	shalt  }
0x49: {  	_ =	shalt  }
0x4a: {  	_ =	shalt  }
0x4b: {  	_ =	shalt  }
0x4c: {  	_ =	shalt  }
0x4d: {  	_ =	shalt  }
0x4e: {  	_ =	shalt  }
0x4f: {  	_ =	shalt  }
0x50: {  	_ =	shalt  }
0x51: {  	_ =	shalt  }
0x52: {  	_ =	shalt  }
0x53: {  	_ =	shalt  }
0x54: {  	_ =	shalt  }
0x55: {  	_ =	shalt  }
0x56: {  	_ =	shalt  }
0x57: {  	_ =	shalt  }
0x58: {  	_ =	shalt  }
0x59: {  	_ =	shalt  }
0x5a: {  	_ =	shalt  }
0x5b: {  	_ =	shalt  }
0x5c: {  	_ =	shalt  }
0x5d: {  	_ =	shalt  }
0x5e: {  	_ =	shalt  }
0x5f: {  	_ =	shalt  }
0x60: {  	_ =	shalt  }
0x61: {  	_ =	shalt  }
0x62: {  	_ =	shalt  }
0x63: {  	_ =	shalt  }
0x64: {  	_ =	shalt  }
0x65: {  	_ =	shalt  }
0x66: {  	_ =	shalt  }
0x67: {  	_ =	shalt  }
0x68: {  	_ =	shalt  }
0x69: {  	_ =	shalt  }
0x6a: {  	_ =	shalt  }
0x6b: {  	_ =	shalt  }
0x6c: {  	_ =	shalt  }
0x6d: {  	_ =	shalt  }
0x6e: {  	_ =	shalt  }
0x6f: {  	_ =	shalt  }
0x70: {  	_ =	shalt  }
0x71: {  	_ =	shalt  }
0x72: {  	_ =	shalt  }
0x73: {  	_ =	shalt  }
0x74: {  	_ =	shalt  }
0x75: {  	_ =	shalt  }
0x76: {  	_ =	shalt  }
0x77: {  	_ =	shalt  }
0x78: {  	_ =	shalt  }
0x79: {  	_ =	shalt  }
0x7a: {  	_ =	shalt  }
0x7b: {  	_ =	shalt  }
0x7c: {  	_ =	shalt  }
0x7d: {  	_ =	shalt  }
0x7e: {  	_ =	shalt  }
0x7f: {  	_ =	shalt  }
0x80: {  	_ =	shalt  }
0x81: {  	_ =	shalt  }
0x82: {  	_ =	shalt  }
0x83: {  	_ =	shalt  }
0x84: {  	_ =	shalt  }
0x85: {  	_ =	shalt  }
0x86: {  	_ =	shalt  }
0x87: {  	_ =	shalt  }
.Lfunc_end0:
.L_simem_size_0:
called_computation_lowered:
.L_overlay_start_0:
0x88: {  	s2 =	sld [smem:$0x3FD9]  }
0x89: {  	s3 =	sld [smem:$0x3FFE];
	_ =	sdelay $0x1  }
0x8a: {  	s1 =	srdreg.scid  }
0x8b: {  	s0 =	sand.u32 $0x1, s1  }
0x8c: {  	s17 =	sshll.u32 s0, $0xA;
	s2 =	sadd.s32 s3, s2  }
0x8d: {  	s2 =	sadd.s32 s2, s17  }
0x8e: {  	[smem:$0x3FC0] =	sst s2  }
0x8f: {  	_ = 	snop  }
0x90: {  	s2 =	sld [smem:$0x3FD0];
	(tm) =	ssettm $0x1  }
0x91: {  	s18 =	sld [smem:$0x3FFB];
	_ =	sdelay $0x3  }
0x92: {  	_ =	strace s18  }
0x93: {  	s3 =	sld [smem:$0x3FFC];
	_ =	sdelay $0x3  }
0x94: {  	_ =	strace s3  }
0x95: {  	s3 =	sld [smem:$0x3FFD];
	_ =	sdelay $0x3  }
0x96: {  	_ =	strace s3  }
0x97: {  	_ =	strace $0x8FFFFFFF  }
0x98: {  	s19 =	sld [smem:$0x3FDB];
	_ =	sdelay $0x1  }
0x99: {  	s4 =	simm.s32 $_scs_section_size  }
0x9a: {  	s5 =	simm.s32 $_size__tile_overlayer_lowered;
	s6 =	simm.s32 $_tile_overlayer_lowered  }
0x9b: {  	s22 =	simm.s32 $0x1BFF;
	s21 =	sshll.u32 s6, $0x1;
	s3 =	sadd.s32 s4, s19  }
0x9c: {  	s7 =	simm.s32 $0x0;
	s20 =	sshll.u32 s5, $0x1;
	s5 =	sadd.s32 s21, s3  }
0x9d: {  	[timem:s7], [sflag:s22] =	dma.local [hbm:s5], s20  }
0x9e: {  	_ =	swait.ge [sflag:s22], s20  }
0x9f: {  	s4 =	ssub.s32 $0x0, s20;
	[sflag:s22] =	ssyncset.done $0x0  }
0xa0: {  	[sflag:s22] =	ssyncadd.s32 s4;
	_ =	sdelay $0x1  }
0xa1: {  	s23 =	simm.s32 $0x1B8B  }
0xa2: {  	_ =	swait.ge [sflag:s23], $0x1  }
0xa3: {  	[sflag:s23] =	ssyncset.done $0x0  }
0xa4: {  	s25 =	simm.s32 $0x1B8E;
	s24 =	sld [smem:$0x3FFE];
	[sflag:s23] =	ssyncadd.s32 $0xFFFFFFFF  }
0xa5: {  	s26 =	simm.s32 $execute0_lowered;
	[smem:$0x3FD2] =	sst s25  }
0xa6: {  	s5 =	sshll.u32 s26, $0x1;
	_ =	strace $0x80000046;
	[dreg:$0x1] =	wrdreg $0xFFFFFFFF  }
0xa7: {  	s28 =	simm.s32 $_size_execute0_lowered;
	s3 =	sadd.s32 s3, s5;
	[dreg:$0x0] =	wrdreg $0x0  }
0xa8: {  	s5 =	sshll.u32 s28, $0x1;
	[dreg:$0x2] =	wrdreg s3  }
0xa9: {  	[dreg:$0x3] =	wrdreg s5  }
0xaa: {  	[dreg:$0x4] =	wrdreg $0xC0  }
0xab: {  	_ =	task [dreg:s7], $0x5FFFF  }
0xac: {  	[dreg:$0x1] =	wrdreg $0xFFFFFFFF  }
0xad: {  	[dreg:$0x0] =	wrdreg $0x60  }
0xae: {  	[dreg:$0x2] =	wrdreg s24  }
0xaf: {  	[dreg:$0x3] =	wrdreg s2  }
0xb0: {  	[dreg:$0x4] =	wrdreg $0x0  }
0xb1: {  	[dreg:$0x5] =	wrdreg $0x140000  }
0xb2: {  	[dreg:$0x6] =	wrdreg $0x9  }
0xb3: {  	_ =	task.clear_ibuf [dreg:s7], $0x7FFFF;
	_ =	strace $0x90000046  }
0xb4: {  	s29 =	simm.s32 $0x9;
	_ =	strace $0x80000048  }
0xb5: {  	_ =	swait.ge [sflag:s29], $0x1  }
0xb6: {  	[sflag:s29] =	ssyncadd.s32 $0xFFFFFFFF  }
0xb7: {  	_ =	strace $0x90000048  }
0xb8: {  	_ =	sfence  }
0xb9: {  	s30 =	sld [smem:$0x0];
	_ =	sdelay $0x2  }
0xba: {  	s31 =	sshll.u32 s1, $0xD;
	s1 =	sshrl.u32 s1, $0x2  }
0xbb: {  	s3 =	sand.u32 $0x4000, s31;
	s1 =	sadd.s32 s1, s30  }
0xbc: {  	s0 =	sor.u32 s3, s0;
	s1 =	sshll.u32 s1, $0x11  }
0xbd: {  	s0 =	sor.u32 s1, s0  }
0xbe: {  	s0 =	sadd.s32 $0x8F2B, s0  }
0xbf: {  	[sflag:s0] =	ssyncadd.remote.s32 $0x1  }
0xc0: {  	_ =	sfence.sel $0xFFFF  }
0xc1: {  	[dreg:$0x0] =	wrdreg $0xFFFFFFFF;
	(pc) =	sbr.abs _section_cstart, $3  }
0xc2: {  	[dreg:$0x1] =	wrdreg $0xFFFFFFFF  }
0xc3: {  	_ =	task.clear_ibuf [dreg:s7], $0x2FFFF;
	_ =	strace $0x9FFFFFFF  }
0xc4: {  	(tm) =	ssettm $0x7FFFFFFF  }
0xc5: {  	_ =	shalt  }
tec
execute0_lowered:
.L_overlay_start_1:
0x0: {  	(tag) =	ssettag $0x1  }
0x1: {  	s0 =	rddreg [dreg:$0x0]  }
0x2: {  	s1 =	rddreg [dreg:$0x1]  }
0x3: {  	s3 =	rddreg [dreg:$0x2];
	s20 =	stileid.u32  }
0x4: {  	s4 =	rddreg [dreg:$0x3];
	s9 =	smul.u32 $0x280, s20  }
0x5: {  	s2 =	srdreg.scid;
	s5 =	simm.s32 $0x0;
	s12 =	smul.u32 $0x780, s20  }
0x6: {  	s31 =	simm.s32 $0x14480;
	s28 =	simm.s32 $0x6;
	s13 =	smul.u32 $0x4780, s20  }
0x7: {  	s2 =	sand.u32 $0x1, s2;
	[smem:$0x7FF] =	sst s5;
	s14 =	smul.u32 $0x50000, s20  }
0x8: {  	s6 =	sadd.s32 $0xBA00, s0;
	s7 =	sadd.s32 $0x1C00, s0;
	s20 =	smul.u32 $0x14000, s20  }
0x9: {  	s10 =	sadd.s32 $0x16200, s0;
	s8 =	smul.u32 $0x2800, s2;
	_ =	strace $0x80000047  }
0xa: {  	s11 =	ssub.s32 $0x2, s2;
	p0 =	seq.s32 s2, $0x0;
	s2 =	smul.u32 $0x140000, s2  }
0xb: {  	s17 =	sshrl.u32 s11, $0x1;
	s12 =	sadd.s32 $0x47800, s12;
	s18 =	sshrl.u32 s14, $0x2  }
0xc: {  	s19 =	sshll.u32 s9, $0x7;
	s14 =	sadd.s32 s9, s4;
	s8 =	sadd.s32 s9, s8  }
0xd: {  	s11 =	ssub.s32 s11, s17;
	s12 =	smov.u32 @p0 s13;
	s13 =	sadd.s32 s18, s3  }
0xe: {  	s15 =	sadd.s32 $0x4000, s19;
	s16 =	sadd.s32 $0x8000, s19;
	s17 =	sadd.s32 $0xC000, s19  }
0xf: {  	s18 =	sadd.s32 $0x10000, s19;
	s25 =	sadd.s32 s20, s2;
	s8 =	sshrl.u32 s8, $0x3  }
0x10: {  	[dreg:$0x5] =	wrdreg s13;
	s21 =	sadd.s32 s15, s3;
	s22 =	sadd.s32 s16, s3  }
0x11: {  	s23 =	sadd.s32 s17, s3;
	s13 =	sadd.s32 s18, s3;
	s15 =	sadd.s32 s2, s15  }
0x12: {  	s16 =	sadd.s32 s2, s16;
	s17 =	sadd.s32 s2, s17;
	[dreg:$0x6] =	wrdreg s21  }
0x13: {  	s2 =	sadd.s32 s2, s18;
	s18 =	simm.s32 $0x14400;
	[dreg:$0x7] =	wrdreg s22  }
0x14: {  	s0 =	sadd.s32 s8, s0;
	s8 =	simm.s32 $0x46;
	[dreg:$0x8] =	wrdreg s23  }
0x15: {  	s15 =	sshrl.u32 s15, $0x3;
	s16 =	sshrl.u32 s16, $0x3;
	s17 =	sshrl.u32 s17, $0x3  }
0x16: {  	s2 =	sshrl.u32 s2, $0x3;
	s8 =	simm.s32 @!p0 $0x6;
	s15 =	sadd.s32 s10, s15  }
0x17: {  	s2 =	sadd.s32 s10, s2;
	s0 =	sadd.s32 $0x15800, s0;
	[dreg:$0xa] =	wrdreg s15  }
0x18: {  	s19 =	sshll.u32 s8, $0x8;
	s15 =	sadd.s32 s10, s16;
	[dreg:$0xd] =	wrdreg s2  }
0x19: {  	[dreg:$0x12] =	wrdreg s0;
	s0 =	simm.s32 $0x7;
	s16 =	simm.s32 $0x14380  }
0x1a: {  	s2 =	simm.s32 $0x0;
	s24 =	sadd.s32 s19, s12;
	s12 =	sshrl.u32 s12, $0x3  }
0x1b: {  	s19 =	sshrl.u32 s25, $0x3;
	[dreg:$0xb] =	wrdreg s15;
	s15 =	simm.s32 $0x14280  }
0x1c: {  	s26 =	sadd.s32 $0x10, s12;
	s9 =	sadd.s32 $0x100, s24;
	s19 =	sadd.s32 s10, s19  }
0x1d: {  	s24 =	smax.u32 s11, $0x1;
	s25 =	sadd.s32 s6, s12;
	s29 =	sadd.s32 $0x30, s12  }
0x1e: {  	s30 =	sadd.s32 $0x20, s12;
	s11 =	simm.s32 $0x1C500;
	[dreg:$0x9] =	wrdreg s19  }
0x1f: {  	s9 =	sshrl.u32 s9, $0x3;
	s19 =	sadd.s32 s10, s17;
	[dreg:$0x13] =	wrdreg s24  }
0x20: {  	s20 =	sadd.s32 s6, s26;
	s21 =	sadd.s32 s7, s26;
	[dreg:$0x14] =	wrdreg s25  }
0x21: {  	s26 =	sadd.s32 s7, s12;
	s17 =	simm.s32 $0x14300;
	[dreg:$0xc] =	wrdreg s19  }
0x22: {  	s24 =	simm.s32 $0x5;
	s25 =	simm.s32 $0x1C480;
	[dreg:$0xe] =	wrdreg s20  }
0x23: {  	[dreg:$0xf] =	wrdreg s21;
	s22 =	sadd.s32 s6, s9;
	s23 =	sadd.s32 s7, s9  }
0x24: {  	[dreg:$0x15] =	wrdreg s26;
	s19 =	simm.s32 $0x3;
	s20 =	simm.s32 $0x80  }
0x25: {  	s21 =	simm.s32 $0x4;
	s26 =	simm.s32 $0x2;
	[dreg:$0x10] =	wrdreg s22  }
0x26: {  	v0 =	vimm.f32 $0.0e+00;
	v1 =	vimm.f32 $1.000000000e+00;
	[dreg:$0x11] =	wrdreg s23;
	s22 =	simm.s32 $0x18480;
	s23 =	simm.s32 $0x1  }
.LBB2_1:
0x27: {  	s9 =	simm.s32 $0x0;
	s10 =	simm.s32 $0x200  }
.LBB2_2:
0x28: {  	p0 =	sne.s32 s10, $0xFE00;
	[tilespmem:s9+$0x144F0] =	vst v0  }
0x29: {  	[tilespmem:s9+$0x14480] =	vst v0  }
0x2a: {  	[tilespmem:s9+$0x14490] =	vst v0  }
.Ltmp0:
0x2b: {  	[tilespmem:s9+$0x144A0] =	vst v0;
	(pc) =	sbr.rel @p0 .LBB2_2-.Ltmp0, $4  }
0x2c: {  	[tilespmem:s9+$0x144B0] =	vst v0  }
0x2d: {  	[tilespmem:s9+$0x144C0] =	vst v0  }
0x2e: {  	[tilespmem:s9+$0x144D0] =	vst v0  }
0x2f: {  	[tilespmem:s9+$0x144E0] =	vst v0;
	s9 =	sshra.s32 s10, $0x2;
	s10 =	sadd.s32 $0x200, s10  }
0x30: {  	[tilespmem:s9+$0x144F0] =	vst v0  }
0x31: {  	[tilespmem:s9+$0x14480] =	vst v0  }
0x32: {  	[tilespmem:s9+$0x14490] =	vst v0  }
0x33: {  	[tilespmem:s9+$0x144A0] =	vst v0  }
0x34: {  	[tilespmem:s9+$0x144B0] =	vst v0  }
0x35: {  	[tilespmem:s9+$0x144C0] =	vst v0  }
0x36: {  	[tilespmem:s9+$0x144D0] =	vst v0  }
0x37: {  	[tilespmem:s9+$0x144E0] =	vst v0;
	s12 =	rddreg [dreg:$0x5]  }
0x38: {  	[spmem:s12] =	stream.linear.scatter [tilespmem:s31], [sflag:$0x7], $0x4000, $0x38;
	[tilespmem:$0x1C780] =	vst v63  }
0x39: {  	_ =	swait.ge [sflag:s0], $0x4000  }
0x3a: {  	[sflag:s0] =	ssyncset.done $0x0  }
0x3b: {  	s10 =	rddreg [dreg:$0x6];
	[sflag:s0] =	ssyncadd.s32 $0xFFFFC000  }
0x3c: {  	[spmem:s10] =	stream.linear.scatter [tilespmem:s31], [sflag:$0x7], $0x4000, $0x38;
	[tilespmem:$0x1C780] =	vst v63  }
0x3d: {  	_ =	swait.ge [sflag:s0], $0x4000  }
0x3e: {  	[sflag:s0] =	ssyncset.done $0x0  }
0x3f: {  	s12 =	rddreg [dreg:$0x7];
	[sflag:s0] =	ssyncadd.s32 $0xFFFFC000  }
0x40: {  	[spmem:s12] =	stream.linear.scatter [tilespmem:s31], [sflag:$0x7], $0x4000, $0x38;
	[tilespmem:$0x1C780] =	vst v63  }
0x41: {  	_ =	swait.ge [sflag:s0], $0x4000  }
0x42: {  	[sflag:s0] =	ssyncset.done $0x0  }
0x43: {  	s10 =	rddreg [dreg:$0x8];
	[sflag:s0] =	ssyncadd.s32 $0xFFFFC000  }
0x44: {  	[spmem:s10] =	stream.linear.scatter [tilespmem:s31], [sflag:$0x7], $0x4000, $0x38;
	[tilespmem:$0x1C780] =	vst v63  }
0x45: {  	_ =	swait.ge [sflag:s0], $0x4000  }
0x46: {  	[sflag:s0] =	ssyncset.done $0x0  }
0x47: {  	[sflag:s0] =	ssyncadd.s32 $0xFFFFC000  }
0x48: {  	[spmem:s13] =	stream.linear.scatter [tilespmem:s31], [sflag:$0x7], $0x4000, $0x38;
	[tilespmem:$0x1C780] =	vst v63  }
0x49: {  	_ =	swait.ge [sflag:s0], $0x4000  }
0x4a: {  	[sflag:s0] =	ssyncset.done $0x0  }
0x4b: {  	[sflag:s0] =	ssyncadd.s32 $0xFFFFC000  }
0x4c: {  	[tilespmem:$0x1C500] =	vst v0  }
0x4d: {  	[tilespmem:$0x1C510] =	vst v0  }
0x4e: {  	[tilespmem:$0x1C520] =	vst v0  }
0x4f: {  	[tilespmem:$0x1C530] =	vst v0  }
0x50: {  	[tilespmem:$0x1C540] =	vst v0  }
0x51: {  	[tilespmem:$0x1C550] =	vst v0  }
0x52: {  	[tilespmem:$0x1C560] =	vst v0  }
0x53: {  	[tilespmem:$0x1C570] =	vst v0  }
0x54: {  	[tilespmem:$0x1C580] =	vst v0  }
0x55: {  	[tilespmem:$0x1C590] =	vst v0  }
0x56: {  	[tilespmem:$0x1C5A0] =	vst v0  }
0x57: {  	[tilespmem:$0x1C5B0] =	vst v0  }
0x58: {  	[tilespmem:$0x1C5C0] =	vst v0  }
0x59: {  	[tilespmem:$0x1C5D0] =	vst v0  }
0x5a: {  	[tilespmem:$0x1C5E0] =	vst v0  }
0x5b: {  	[tilespmem:$0x1C5F0] =	vst v0  }
0x5c: {  	[tilespmem:$0x1C600] =	vst v0  }
0x5d: {  	[tilespmem:$0x1C610] =	vst v0  }
0x5e: {  	[tilespmem:$0x1C620] =	vst v0  }
0x5f: {  	[tilespmem:$0x1C630] =	vst v0  }
0x60: {  	[tilespmem:$0x1C640] =	vst v0  }
0x61: {  	[tilespmem:$0x1C650] =	vst v0  }
0x62: {  	[tilespmem:$0x1C660] =	vst v0  }
0x63: {  	[tilespmem:$0x1C670] =	vst v0  }
0x64: {  	[tilespmem:$0x1C680] =	vst v0  }
0x65: {  	[tilespmem:$0x1C690] =	vst v0  }
0x66: {  	[tilespmem:$0x1C6A0] =	vst v0  }
0x67: {  	[tilespmem:$0x1C6B0] =	vst v0  }
0x68: {  	[tilespmem:$0x1C6C0] =	vst v0  }
0x69: {  	[tilespmem:$0x1C6D0] =	vst v0  }
0x6a: {  	[tilespmem:$0x1C6E0] =	vst v0  }
0x6b: {  	[tilespmem:$0x1C6F0] =	vst v0  }
0x6c: {  	[tilespmem:$0x1C700] =	vst v0  }
0x6d: {  	[tilespmem:$0x1C710] =	vst v0  }
0x6e: {  	[tilespmem:$0x1C720] =	vst v0  }
0x6f: {  	[tilespmem:$0x1C730] =	vst v0  }
0x70: {  	[tilespmem:$0x1C740] =	vst v0  }
0x71: {  	[tilespmem:$0x1C750] =	vst v0  }
0x72: {  	[tilespmem:$0x1C760] =	vst v0  }
0x73: {  	[tilespmem:$0x1C770] =	vst v0  }
0x74: {  	[spmem:s14] =	stream.linear.scatter [tilespmem:s11], [sflag:$0x7], $0x280, $0x38;
	[tilespmem:$0x1C780] =	vst v63  }
0x75: {  	_ =	swait.ge [sflag:s0], $0x280  }
0x76: {  	[sflag:s0] =	ssyncset.done $0x0  }
0x77: {  	[sflag:s0] =	ssyncadd.s32 $0xFFFFFD80  }
0x78: {  	[tilespmem:$0x1C480] =	vst v1  }
0x79: {  	[tilespmem:$0x1C490] =	vst v1  }
0x7a: {  	[tilespmem:$0x1C4A0] =	vst v1  }
0x7b: {  	[tilespmem:$0x1C4B0] =	vst v1  }
0x7c: {  	[tilespmem:$0x1C4C0] =	vst v1  }
0x7d: {  	[tilespmem:$0x1C4D0] =	vst v1  }
0x7e: {  	[tilespmem:$0x1C4E0] =	vst v1  }
0x7f: {  	[tilespmem:$0x1C4F0] =	vst v1  }
0x80: {  	[bflag:$0x0] =	sbarrier.arrive $0xFFFF  }
0x81: {  	s12 =	rddreg [dreg:$0x14]  }
0x82: {  	[tilespmem:s15], [sflag:$0x3] =	stream.linear.gather [hbm4b:s12+s5], $0x80, $0x38;
	[tilespmem:$0x1C780] =	vst v63  }
0x83: {  	s10 =	rddreg [dreg:$0x15]  }
0x84: {  	[tilespmem:s16], [sflag:$0x5] =	stream.linear.gather [hbm4b:s10+s5], $0x80, $0x38;
	[tilespmem:$0x1C780] =	vst v63  }
0x85: {  	s11 =	rddreg [dreg:$0xe]  }
0x86: {  	[tilespmem:s17], [sflag:$0x4] =	stream.linear.gather [hbm4b:s11+s5], $0x80, $0x38;
	[tilespmem:$0x1C780] =	vst v63  }
0x87: {  	s12 =	rddreg [dreg:$0xf]  }
0x88: {  	[tilespmem:s18], [sflag:$0x6] =	stream.linear.gather [hbm4b:s12+s5], $0x80, $0x38;
	[tilespmem:$0x1C780] =	vst v63  }
0x89: {  	_ =	swait.ge [sflag:s19], $0x80  }
0x8a: {  	[sflag:s19] =	ssyncset.done $0x0  }
0x8b: {  	[sflag:s19] =	ssyncadd.s32 $0xFFFFFF80  }
0x8c: {  	[tilespmem:s31], [sflag:$0x1] =	stream.indirect.gather [hbm4b:s1+s20], $0x80, s15, s20, $0xb8;
	[tilespmem:$0x1C780] =	vst v63  }
0x8d: {  	_ =	swait.ge [sflag:s21], $0x80  }
0x8e: {  	[sflag:s21] =	ssyncset.done $0x0  }
0x8f: {  	[sflag:s21] =	ssyncadd.s32 $0xFFFFFF80  }
0x90: {  	[tilespmem:s22], [sflag:$0x2] =	stream.indirect.gather [hbm4b:s1+s20], $0x80, s17, s20, $0xb8;
	[tilespmem:$0x1C780] =	vst v63  }
0x91: {  	_ =	swait.ge [sflag:s23], $0x4000  }
0x92: {  	[sflag:s23] =	ssyncset.done $0x0  }
0x93: {  	[sflag:s23] =	ssyncadd.s32 $0xFFFFC000  }
0x94: {  	_ =	swait.ge [sflag:s24], $0x80  }
0x95: {  	[sflag:s24] =	ssyncset.done $0x0  }
0x96: {  	[sflag:s24] =	ssyncadd.s32 $0xFFFFFF80  }
0x97: {  	[spmem:s3] =	stream.indirect.scatter.add.f32 [tilespmem:s31], [sflag:$0x7], $0x80, s16, s20, $0xb8;
	[tilespmem:$0x1C780] =	vst v63  }
0x98: {  	_ =	swait.ge [sflag:s0], $0x4000  }
0x99: {  	[sflag:s0] =	ssyncset.done $0x0  }
0x9a: {  	[sflag:s0] =	ssyncadd.s32 $0xFFFFC000  }
0x9b: {  	[spmem:s4] =	stream.indirect.scatter.add.f32 [tilespmem:s25], [sflag:$0x7], $0x1, s16, s20, $0xb8;
	[tilespmem:$0x1C780] =	vst v63  }
0x9c: {  	_ =	swait.ge [sflag:s0], $0x80  }
0x9d: {  	[sflag:s0] =	ssyncset.done $0x0  }
0x9e: {  	s10 =	sadd.s32 s6, s30;
	[sflag:s0] =	ssyncadd.s32 $0xFFFFFF80  }
0x9f: {  	[tilespmem:s15], [sflag:$0x3] =	stream.linear.gather [hbm4b:s10+s5], $0x80, $0x38;
	[tilespmem:$0x1C780] =	vst v63  }
0xa0: {  	s11 =	sadd.s32 s7, s30  }
0xa1: {  	[tilespmem:s16], [sflag:$0x5] =	stream.linear.gather [hbm4b:s11+s5], $0x80, $0x38;
	[tilespmem:$0x1C780] =	vst v63  }
0xa2: {  	_ =	swait.ge [sflag:s19], $0x80  }
0xa3: {  	[sflag:s19] =	ssyncset.done $0x0  }
0xa4: {  	[sflag:s19] =	ssyncadd.s32 $0xFFFFFF80  }
0xa5: {  	[tilespmem:s31], [sflag:$0x1] =	stream.indirect.gather [hbm4b:s1+s20], $0x80, s15, s20, $0xb8;
	[tilespmem:$0x1C780] =	vst v63  }
0xa6: {  	_ =	swait.ge [sflag:s26], $0x4000  }
0xa7: {  	[sflag:s26] =	ssyncset.done $0x0  }
0xa8: {  	[sflag:s26] =	ssyncadd.s32 $0xFFFFC000  }
0xa9: {  	_ =	swait.ge [sflag:s28], $0x80  }
0xaa: {  	[sflag:s28] =	ssyncset.done $0x0  }
0xab: {  	[sflag:s28] =	ssyncadd.s32 $0xFFFFFF80  }
0xac: {  	[spmem:s3] =	stream.indirect.scatter.add.f32 [tilespmem:s22], [sflag:$0x7], $0x80, s18, s20, $0xb8;
	[tilespmem:$0x1C780] =	vst v63  }
0xad: {  	_ =	swait.ge [sflag:s0], $0x4000  }
0xae: {  	[sflag:s0] =	ssyncset.done $0x0  }
0xaf: {  	p0 =	sne.s32 s8, $0x1;
	[sflag:s0] =	ssyncadd.s32 $0xFFFFC000  }
0xb0: {  	[spmem:s4] =	stream.indirect.scatter.add.f32 [tilespmem:s25], [sflag:$0x7], $0x1, s18, s20, $0xb8;
	[tilespmem:$0x1C780] =	vst v63  }
.Ltmp1:
0xb1: {  	_ =	swait.ge [sflag:s0], $0x80;
	(pc) =	sbr.rel @!p0 .LBB2_5-.Ltmp1, $4  }
0xb2: {  	[sflag:s0] =	ssyncset.done $0x0  }
0xb3: {  	s9 =	sadd.s32 $0xFFFFFFFF, s8;
	s12 =	sadd.s32 s6, s29;
	[sflag:s0] =	ssyncadd.s32 $0xFFFFFF80  }
0xb4: {  	[tilespmem:s17], [sflag:$0x4] =	stream.linear.gather [hbm4b:s12+s5], $0x80, $0x38;
	[tilespmem:$0x1C780] =	vst v63  }
0xb5: {  	s10 =	sadd.s32 $0x20, s7;
	s11 =	sadd.s32 $0x20, s6;
	s12 =	sadd.s32 s7, s29  }
.LBB2_4:
0xb6: {  	[tilespmem:s18], [sflag:$0x6] =	stream.linear.gather [hbm4b:s12+s5], $0x80, $0x38;
	[tilespmem:$0x1C780] =	vst v63  }
0xb7: {  	p0 =	sne.s32 s9, $0x1;
	s9 =	sadd.s32 $0xFFFFFFFF, s9;
	_ =	swait.ge [sflag:s21], $0x80  }
0xb8: {  	[sflag:s21] =	ssyncset.done $0x0  }
0xb9: {  	[sflag:s21] =	ssyncadd.s32 $0xFFFFFF80  }
0xba: {  	[tilespmem:s22], [sflag:$0x2] =	stream.indirect.gather [hbm4b:s1+s20], $0x80, s17, s20, $0xb8;
	[tilespmem:$0x1C780] =	vst v63  }
0xbb: {  	_ =	swait.ge [sflag:s23], $0x4000  }
0xbc: {  	[sflag:s23] =	ssyncset.done $0x0  }
0xbd: {  	[sflag:s23] =	ssyncadd.s32 $0xFFFFC000  }
0xbe: {  	_ =	swait.ge [sflag:s24], $0x80  }
0xbf: {  	[sflag:s24] =	ssyncset.done $0x0  }
0xc0: {  	[sflag:s24] =	ssyncadd.s32 $0xFFFFFF80  }
0xc1: {  	[spmem:s3] =	stream.indirect.scatter.add.f32 [tilespmem:s31], [sflag:$0x7], $0x80, s16, s20, $0xb8;
	[tilespmem:$0x1C780] =	vst v63  }
0xc2: {  	_ =	swait.ge [sflag:s0], $0x4000  }
0xc3: {  	[sflag:s0] =	ssyncset.done $0x0  }
0xc4: {  	[sflag:s0] =	ssyncadd.s32 $0xFFFFC000  }
0xc5: {  	[spmem:s4] =	stream.indirect.scatter.add.f32 [tilespmem:s25], [sflag:$0x7], $0x1, s16, s20, $0xb8;
	[tilespmem:$0x1C780] =	vst v63  }
0xc6: {  	_ =	swait.ge [sflag:s0], $0x80  }
0xc7: {  	[sflag:s0] =	ssyncset.done $0x0  }
0xc8: {  	s12 =	sadd.s32 s11, s30;
	[sflag:s0] =	ssyncadd.s32 $0xFFFFFF80  }
0xc9: {  	[tilespmem:s15], [sflag:$0x3] =	stream.linear.gather [hbm4b:s12+s5], $0x80, $0x38;
	[tilespmem:$0x1C780] =	vst v63  }
0xca: {  	s12 =	sadd.s32 s10, s30  }
0xcb: {  	[tilespmem:s16], [sflag:$0x5] =	stream.linear.gather [hbm4b:s12+s5], $0x80, $0x38;
	[tilespmem:$0x1C780] =	vst v63  }
0xcc: {  	_ =	swait.ge [sflag:s19], $0x80  }
0xcd: {  	[sflag:s19] =	ssyncset.done $0x0  }
0xce: {  	[sflag:s19] =	ssyncadd.s32 $0xFFFFFF80  }
0xcf: {  	[tilespmem:s31], [sflag:$0x1] =	stream.indirect.gather [hbm4b:s1+s20], $0x80, s15, s20, $0xb8;
	[tilespmem:$0x1C780] =	vst v63  }
0xd0: {  	_ =	swait.ge [sflag:s26], $0x4000  }
0xd1: {  	[sflag:s26] =	ssyncset.done $0x0  }
0xd2: {  	[sflag:s26] =	ssyncadd.s32 $0xFFFFC000  }
0xd3: {  	_ =	swait.ge [sflag:s28], $0x80  }
0xd4: {  	[sflag:s28] =	ssyncset.done $0x0  }
0xd5: {  	[sflag:s28] =	ssyncadd.s32 $0xFFFFFF80  }
0xd6: {  	[spmem:s3] =	stream.indirect.scatter.add.f32 [tilespmem:s22], [sflag:$0x7], $0x80, s18, s20, $0xb8;
	[tilespmem:$0x1C780] =	vst v63  }
0xd7: {  	_ =	swait.ge [sflag:s0], $0x4000  }
0xd8: {  	[sflag:s0] =	ssyncset.done $0x0  }
0xd9: {  	[sflag:s0] =	ssyncadd.s32 $0xFFFFC000  }
0xda: {  	[spmem:s4] =	stream.indirect.scatter.add.f32 [tilespmem:s25], [sflag:$0x7], $0x1, s18, s20, $0xb8;
	[tilespmem:$0x1C780] =	vst v63  }
.Ltmp2:
0xdb: {  	_ =	swait.ge [sflag:s0], $0x80;
	(pc) =	sbr.rel @p0 .LBB2_4-.Ltmp2, $4  }
0xdc: {  	[sflag:s0] =	ssyncset.done $0x0  }
0xdd: {  	s12 =	sadd.s32 s11, s29;
	[sflag:s0] =	ssyncadd.s32 $0xFFFFFF80  }
0xde: {  	[tilespmem:s17], [sflag:$0x4] =	stream.linear.gather [hbm4b:s12+s5], $0x80, $0x38;
	[tilespmem:$0x1C780] =	vst v63  }
0xdf: {  	s11 =	sadd.s32 $0x20, s11;
	s12 =	sadd.s32 s10, s29;
	s10 =	sadd.s32 $0x20, s10  }
.LBB2_5:
0xe0: {  	[tilespmem:s18], [sflag:$0x6] =	stream.linear.gather [hbm4b:s12+s5], $0x80, $0x38;
	[tilespmem:$0x1C780] =	vst v63  }
0xe1: {  	_ =	swait.ge [sflag:s21], $0x80  }
0xe2: {  	[sflag:s21] =	ssyncset.done $0x0  }
0xe3: {  	[sflag:s21] =	ssyncadd.s32 $0xFFFFFF80  }
0xe4: {  	[tilespmem:s22], [sflag:$0x2] =	stream.indirect.gather [hbm4b:s1+s20], $0x80, s17, s20, $0xb8;
	[tilespmem:$0x1C780] =	vst v63  }
0xe5: {  	_ =	swait.ge [sflag:s23], $0x4000  }
0xe6: {  	[sflag:s23] =	ssyncset.done $0x0  }
0xe7: {  	[sflag:s23] =	ssyncadd.s32 $0xFFFFC000  }
0xe8: {  	_ =	swait.ge [sflag:s24], $0x80  }
0xe9: {  	[sflag:s24] =	ssyncset.done $0x0  }
0xea: {  	[sflag:s24] =	ssyncadd.s32 $0xFFFFFF80  }
0xeb: {  	[spmem:s3] =	stream.indirect.scatter.add.f32 [tilespmem:s31], [sflag:$0x7], $0x80, s16, s20, $0xb8;
	[tilespmem:$0x1C780] =	vst v63  }
0xec: {  	_ =	swait.ge [sflag:s0], $0x4000  }
0xed: {  	[sflag:s0] =	ssyncset.done $0x0  }
0xee: {  	[sflag:s0] =	ssyncadd.s32 $0xFFFFC000  }
0xef: {  	[spmem:s4] =	stream.indirect.scatter.add.f32 [tilespmem:s25], [sflag:$0x7], $0x1, s16, s20, $0xb8;
	[tilespmem:$0x1C780] =	vst v63  }
0xf0: {  	_ =	swait.ge [sflag:s0], $0x80  }
0xf1: {  	[sflag:s0] =	ssyncset.done $0x0  }
0xf2: {  	s9 =	rddreg [dreg:$0x10];
	[sflag:s0] =	ssyncadd.s32 $0xFFFFFF80  }
0xf3: {  	[tilespmem:s15], [sflag:$0x3] =	stream.linear.gather [hbm4b:s9+s5], $0x80, $0x38;
	[tilespmem:$0x1C780] =	vst v63  }
0xf4: {  	s12 =	rddreg [dreg:$0x11]  }
0xf5: {  	[tilespmem:s16], [sflag:$0x5] =	stream.linear.gather [hbm4b:s12+s5], $0x80, $0x38;
	[tilespmem:$0x1C780] =	vst v63  }
0xf6: {  	_ =	swait.ge [sflag:s19], $0x80  }
0xf7: {  	[sflag:s19] =	ssyncset.done $0x0  }
0xf8: {  	[sflag:s19] =	ssyncadd.s32 $0xFFFFFF80  }
0xf9: {  	[tilespmem:s31], [sflag:$0x1] =	stream.indirect.gather [hbm4b:s1+s20], $0x80, s15, s20, $0xb8;
	[tilespmem:$0x1C780] =	vst v63  }
0xfa: {  	_ =	swait.ge [sflag:s26], $0x4000  }
0xfb: {  	[sflag:s26] =	ssyncset.done $0x0  }
0xfc: {  	[sflag:s26] =	ssyncadd.s32 $0xFFFFC000  }
0xfd: {  	_ =	swait.ge [sflag:s28], $0x80  }
0xfe: {  	[sflag:s28] =	ssyncset.done $0x0  }
0xff: {  	[sflag:s28] =	ssyncadd.s32 $0xFFFFFF80  }
0x100: {  	[spmem:s3] =	stream.indirect.scatter.add.f32 [tilespmem:s22], [sflag:$0x7], $0x80, s18, s20, $0xb8;
	[tilespmem:$0x1C780] =	vst v63  }
0x101: {  	_ =	swait.ge [sflag:s0], $0x4000  }
0x102: {  	[sflag:s0] =	ssyncset.done $0x0  }
0x103: {  	[sflag:s0] =	ssyncadd.s32 $0xFFFFC000  }
0x104: {  	[spmem:s4] =	stream.indirect.scatter.add.f32 [tilespmem:s25], [sflag:$0x7], $0x1, s18, s20, $0xb8;
	[tilespmem:$0x1C780] =	vst v63  }
0x105: {  	_ =	swait.ge [sflag:s0], $0x80  }
0x106: {  	[sflag:s0] =	ssyncset.done $0x0  }
0x107: {  	[sflag:s0] =	ssyncadd.s32 $0xFFFFFF80  }
0x108: {  	_ =	swait.ge [sflag:s23], $0x4000  }
0x109: {  	[sflag:s23] =	ssyncset.done $0x0  }
0x10a: {  	[sflag:s23] =	ssyncadd.s32 $0xFFFFC000  }
0x10b: {  	_ =	swait.ge [sflag:s24], $0x80  }
0x10c: {  	[sflag:s24] =	ssyncset.done $0x0  }
0x10d: {  	[sflag:s24] =	ssyncadd.s32 $0xFFFFFF80  }
0x10e: {  	[spmem:s3] =	stream.indirect.scatter.add.f32 [tilespmem:s31], [sflag:$0x7], $0x80, s16, s20, $0xb8;
	[tilespmem:$0x1C780] =	vst v63  }
0x10f: {  	_ =	swait.ge [sflag:s0], $0x4000  }
0x110: {  	[sflag:s0] =	ssyncset.done $0x0  }
0x111: {  	[sflag:s0] =	ssyncadd.s32 $0xFFFFC000  }
0x112: {  	[spmem:s4] =	stream.indirect.scatter.add.f32 [tilespmem:s25], [sflag:$0x7], $0x1, s16, s20, $0xb8;
	[tilespmem:$0x1C780] =	vst v63  }
0x113: {  	_ =	swait.ge [sflag:s0], $0x80  }
0x114: {  	[sflag:s0] =	ssyncset.done $0x0  }
0x115: {  	[sflag:s0] =	ssyncadd.s32 $0xFFFFFF80  }
0x116: {  	[bflag:$0x0] =	sbarrier.arrive $0xFFFF  }
0x117: {  	s10 =	rddreg [dreg:$0x5]  }
0x118: {  	[tilespmem:s31], [sflag:$0x7] =	stream.linear.gather [spmem:s10], $0x4000, $0x38;
	[tilespmem:$0x1C780] =	vst v63  }
0x119: {  	_ =	swait.ge [sflag:s0], $0x4000  }
0x11a: {  	[sflag:s0] =	ssyncset.done $0x0  }
0x11b: {  	s11 =	rddreg [dreg:$0x9];
	[sflag:s0] =	ssyncadd.s32 $0xFFFFC000  }
0x11c: {  	[hbm4b:s11+s5] =	stream.linear.scatter [tilespmem:s31], [sflag:$0x1], $0x4000, $0x38;
	[tilespmem:$0x1C780] =	vst v63  }
0x11d: {  	s12 =	rddreg [dreg:$0x6]  }
0x11e: {  	[tilespmem:s22], [sflag:$0x7] =	stream.linear.gather [spmem:s12], $0x4000, $0x38;
	[tilespmem:$0x1C780] =	vst v63  }
0x11f: {  	_ =	swait.ge [sflag:s0], $0x4000  }
0x120: {  	[sflag:s0] =	ssyncset.done $0x0  }
0x121: {  	s10 =	rddreg [dreg:$0xa];
	[sflag:s0] =	ssyncadd.s32 $0xFFFFC000  }
0x122: {  	[hbm4b:s10+s5] =	stream.linear.scatter [tilespmem:s22], [sflag:$0x2], $0x4000, $0x38;
	[tilespmem:$0x1C780] =	vst v63  }
0x123: {  	_ =	swait.ge [sflag:s23], $0x4000  }
0x124: {  	[sflag:s23] =	ssyncset.done $0x0  }
0x125: {  	s11 =	rddreg [dreg:$0x7];
	[sflag:s23] =	ssyncadd.s32 $0xFFFFC000  }
0x126: {  	[tilespmem:s31], [sflag:$0x7] =	stream.linear.gather [spmem:s11], $0x4000, $0x38;
	[tilespmem:$0x1C780] =	vst v63  }
0x127: {  	_ =	swait.ge [sflag:s0], $0x4000  }
0x128: {  	[sflag:s0] =	ssyncset.done $0x0  }
0x129: {  	s12 =	rddreg [dreg:$0xb];
	[sflag:s0] =	ssyncadd.s32 $0xFFFFC000  }
0x12a: {  	[hbm4b:s12+s5] =	stream.linear.scatter [tilespmem:s31], [sflag:$0x1], $0x4000, $0x38;
	[tilespmem:$0x1C780] =	vst v63  }
0x12b: {  	_ =	swait.ge [sflag:s26], $0x4000  }
0x12c: {  	[sflag:s26] =	ssyncset.done $0x0  }
0x12d: {  	s10 =	rddreg [dreg:$0x8];
	[sflag:s26] =	ssyncadd.s32 $0xFFFFC000  }
0x12e: {  	[tilespmem:s22], [sflag:$0x7] =	stream.linear.gather [spmem:s10], $0x4000, $0x38;
	[tilespmem:$0x1C780] =	vst v63  }
0x12f: {  	_ =	swait.ge [sflag:s0], $0x4000  }
0x130: {  	[sflag:s0] =	ssyncset.done $0x0  }
0x131: {  	s11 =	rddreg [dreg:$0xc];
	[sflag:s0] =	ssyncadd.s32 $0xFFFFC000  }
0x132: {  	[hbm4b:s11+s5] =	stream.linear.scatter [tilespmem:s22], [sflag:$0x2], $0x4000, $0x38;
	[tilespmem:$0x1C780] =	vst v63  }
0x133: {  	_ =	swait.ge [sflag:s23], $0x4000  }
0x134: {  	[sflag:s23] =	ssyncset.done $0x0  }
0x135: {  	[sflag:s23] =	ssyncadd.s32 $0xFFFFC000  }
0x136: {  	[tilespmem:s31], [sflag:$0x7] =	stream.linear.gather [spmem:s13], $0x4000, $0x38;
	[tilespmem:$0x1C780] =	vst v63  }
0x137: {  	_ =	swait.ge [sflag:s0], $0x4000  }
0x138: {  	[sflag:s0] =	ssyncset.done $0x0  }
0x139: {  	s12 =	rddreg [dreg:$0xd];
	[sflag:s0] =	ssyncadd.s32 $0xFFFFC000  }
0x13a: {  	[hbm4b:s12+s5] =	stream.linear.scatter [tilespmem:s31], [sflag:$0x1], $0x4000, $0x38;
	[tilespmem:$0x1C780] =	vst v63  }
0x13b: {  	_ =	swait.ge [sflag:s26], $0x4000  }
0x13c: {  	[sflag:s26] =	ssyncset.done $0x0  }
0x13d: {  	[sflag:s26] =	ssyncadd.s32 $0xFFFFC000  }
0x13e: {  	_ =	swait.ge [sflag:s23], $0x4000  }
0x13f: {  	[sflag:s23] =	ssyncset.done $0x0  }
0x140: {  	s11 =	simm.s32 $0x1C500;
	[sflag:s23] =	ssyncadd.s32 $0xFFFFC000  }
0x141: {  	[tilespmem:s11], [sflag:$0x7] =	stream.linear.gather [spmem:s14], $0x280, $0x38;
	[tilespmem:$0x1C780] =	vst v63  }
0x142: {  	_ =	swait.ge [sflag:s0], $0x280  }
0x143: {  	[sflag:s0] =	ssyncset.done $0x0  }
0x144: {  	s10 =	rddreg [dreg:$0x12];
	[sflag:s0] =	ssyncadd.s32 $0xFFFFFD80  }
0x145: {  	[hbm4b:s10+s5] =	stream.linear.scatter [tilespmem:s11], [sflag:$0x7], $0x280, $0x38;
	[tilespmem:$0x1C780] =	vst v63  }
0x146: {  	_ =	swait.ge [sflag:s0], $0x280  }
0x147: {  	s2 =	sadd.s32 $0x1, s2;
	s12 =	rddreg [dreg:$0x13]  }
0x148: {  	p0 =	sne.s32 s2, s12  }
.Ltmp3:
0x149: {  	_ = 	snop;
	(pc) =	sbr.rel @p0 .LBB2_1-.Ltmp3, $3  }
0x14a: {  	_ =	sdelay $0x1  }
0x14b: {  	[sflag:s0] =	ssyncset.done $0x0  }
0x14c: {  	[sflag:s0] =	ssyncadd.s32 $0xFFFFFD80  }
0x14d: {  	_ =	sfence.sel $0x180000  }
0x14e: {  	[bflag:$0x0] =	sbarrier.arrive $0xFFFF  }
0x14f: {  	_ =	strace $0x90000047  }
0x150: {  	s0 =	stileid.u32;
	[bflag:$0x2] =	sbarrier.arrive $0xFFFF  }
0x151: {  	p0 =	sne.s32 s0, $0x0;
	s0 =	rddreg [dreg:$0x4]  }
0x152: {  	s0 =	sadd.s32 @!p0 $0x100000, s0  }
0x153: {  	[sflag:s0] =	ssyncadd.tile.s32 @!p0 $0x1;
	_ =	shalt  }
.Lfunc_end2:
_tile_overlayer_lowered:
.L_overlay_start_2:
0x154: {  	(tag) =	ssettag $0x2  }
0x155: {  	s0 =	rddreg [dreg:$0x0];
	s2 =	stileid.u32  }
0x156: {  	s1 =	rddreg [dreg:$0x1];
	p0 =	sne.s32 s2, $0x0  }
0x157: {  	s3 =	rddreg [dreg:$0x2];
	[bflag:$0x3] =	sbarrier.arrive $0xFFFF;
	s2 =	simm.s32 @!p0 $0x1C07  }
0x158: {  	[timem:s3], [sflag:s2] =	dma.local @!p0 [hbm:s0], s1  }
0x159: {  	s0 =	simm.s32 @!p0 $0x7  }
0x15a: {  	_ =	swait.ge @!p0 [sflag:s0], s1  }
0x15b: {  	s1 =	ssub.s32 @!p0 $0x0, s1;
	[sflag:s0] =	ssyncset.done @!p0 $0x0  }
0x15c: {  	[sflag:s0] =	ssyncadd.s32 @!p0 s1  }
0x15d: {  	[bflag:$0x3] =	sbarrier.arrive $0xFFFF  }
0x15e: {  	_ =	shalt  }

</sc_bundles>
